<compile_context>
chip_gen: v7x
topology: tpu7x:2x2x1
jax: 0.10.2.dev20260603
libtpu: 0.0.44.dev20260713+nightly
codegen_flags: <defaults>
</compile_context>

<pallas_src>
import functools

import jax
import jax.numpy as jnp
from jax import lax
from jax.experimental import pallas as pl
from jax.experimental.pallas import tpu as pltpu
from jax.experimental.pallas import tpu_sc as plsc

K = 3
SUB = 80
CH = 3200
CH1 = 2000
L = 16
GU = 10
GU1 = 5
FPT = 4


def _rsqrt16(d):
    i = lax.bitcast_convert_type(d, jnp.int32)
    i = jnp.int32(0x5F3759DF) - lax.shift_right_logical(i, 1)
    y = lax.bitcast_convert_type(i, jnp.float32)
    for _ in range(4):
        y = y * (1.5 - 0.5 * d * y * y)
    return jnp.where(d > 0.0, y, jnp.float32(0.0))


def _sc_propagate(xT3, row1, col1, ew1):
    DD, _, N = xT3.shape
    E = row1.shape[0]
    NC, NS = 2, 16
    NW = NC * NS
    assert DD == NW * FPT

    shard = E // NS
    chunks_per_tile = shard // CH1
    nchunks = E // CH
    groups = CH // L
    groups1 = CH1 // L
    ng = N // L

    mesh = plsc.VectorSubcoreMesh(
        core_axis_name="c", subcore_axis_name="s",
        num_cores=NC, num_subcores=NS)
    out_type = tuple(
        jax.ShapeDtypeStruct((DD, 1, N), jnp.float32) for _ in range(K)
    ) + (jax.ShapeDtypeStruct((E,), jnp.int32),)

    scratch = (
        [pltpu.VMEM((1, N), jnp.float32) for _ in range(2 * FPT)]
        + [
            pltpu.VMEM((N,), jnp.float32),
            pltpu.VMEM((CH1,), jnp.int32),
            pltpu.VMEM((CH1,), jnp.int32),
            pltpu.VMEM((CH1,), jnp.float32),
            pltpu.VMEM((CH,), jnp.int32),
            pltpu.VMEM((CH,), jnp.int32),
            pltpu.VMEM((CH,), jnp.float32),
            pltpu.VMEM((CH,), jnp.float32),
            pltpu.VMEM((SUB,), jnp.int32),
            pltpu.VMEM((SUB,), jnp.int32),
            pltpu.VMEM_SHARED((N,), jnp.float32),
            pltpu.VMEM_SHARED((E,), jnp.float32),
        ]
        + [pltpu.SemaphoreType.DMA] * 8
    )

    def body(xT_h, row_h, col_h, ew_h, h1_h, h2_h, h3_h, rc_h,
             hA0, hA1, hA2, hA3, hB0, hB1, hB2, hB3,
             dis, ebr, ebc, ebw1p, erc0, erc1, ebw0, ebw1, idx0, idx1,
             deg_sh, nw_sh, sr0, sr1, sw0, sw1, si0, si1, ss0, ss1):
        c = lax.axis_index("c")
        s = lax.axis_index("s")
        wid = c * NS + s
        fb = wid * FPT
        zero16 = jnp.zeros((L,), jnp.float32)
        hAs = (hA0, hA1, hA2, hA3)
        hBs = (hB0, hB1, hB2, hB3)
        erc = (erc0, erc1)
        ebw = (ebw0, ebw1)
        rsem = ((sr0, sw0), (sr1, sw1))
        idxb = (idx0, idx1)
        sis = (si0, si1)
        sss = (ss0, ss1)

        @plsc.parallel_loop(0, ng, 1, unroll=8)
        def _zero_dis(i):
            dis[pl.ds(i * L, L)] = zero16

        @pl.when(s == 0)
        def _():
            pltpu.sync_copy(dis, deg_sh)
        plsc.subcore_barrier()

        tile_e0 = s * shard
        njobs = CH1 // SUB

        def _deg_chunk(ch, _):
            e0 = tile_e0 + ch * CH1
            pltpu.sync_copy(ew_h.at[pl.ds(e0, CH1)], ebw1p)
            pltpu.async_copy(row_h.at[pl.ds(e0, SUB)], idx0, si0)
            for j in range(njobs):
                b = j % 2
                pltpu.make_async_copy(
                    row_h.at[pl.ds(e0 + j * SUB, SUB)], idxb[b], sis[b]).wait()
                pltpu.async_copy(ebw1p.at[pl.ds(j * SUB, SUB)],
                                 deg_sh.at[idxb[b]], sss[b], add=True)
                if j + 1 < njobs:
                    nb = (j + 1) % 2
                    if j >= 1:
                        pltpu.make_async_copy(
                            ebw1p.at[pl.ds((j - 1) * SUB, SUB)],
                            deg_sh.at[idxb[nb]], sss[nb]).wait()
                    pltpu.async_copy(
                        row_h.at[pl.ds(e0 + (j + 1) * SUB, SUB)],
                        idxb[nb], sis[nb])
            pltpu.make_async_copy(
                ebw1p.at[pl.ds((njobs - 2) * SUB, SUB)],
                deg_sh.at[idxb[(njobs - 2) % 2]], sss[(njobs - 2) % 2]).wait()
            pltpu.make_async_copy(
                ebw1p.at[pl.ds((njobs - 1) * SUB, SUB)],
                deg_sh.at[idxb[(njobs - 1) % 2]], sss[(njobs - 1) % 2]).wait()
            return 0
        lax.fori_loop(0, chunks_per_tile, _deg_chunk, 0)
        plsc.subcore_barrier()

        pltpu.sync_copy(deg_sh, dis)

        def _dis_grp(i, _):
            d = dis[pl.ds(i * L, L)]
            dis[pl.ds(i * L, L)] = _rsqrt16(d)
            return 0
        lax.fori_loop(0, ng, _dis_grp, 0)

        def _nw_chunk(ch, _):
            e0 = tile_e0 + ch * CH1
            pltpu.sync_copy(row_h.at[pl.ds(e0, CH1)], ebr)
            pltpu.sync_copy(col_h.at[pl.ds(e0, CH1)], ebc)
            pltpu.sync_copy(ew_h.at[pl.ds(e0, CH1)], ebw1p)

            @plsc.parallel_loop(0, groups1, 1, unroll=GU1)
            def _nw_grp(g):
                o = g * L
                r16 = ebr[pl.ds(o, L)]
                c16 = ebc[pl.ds(o, L)]
                w16 = ebw1p[pl.ds(o, L)]
                a = plsc.load_gather(dis, [r16])
                b2 = plsc.load_gather(dis, [c16])
                ebw1p[pl.ds(o, L)] = a * w16 * b2
                ebr[pl.ds(o, L)] = r16 | lax.shift_left(c16, 16)

            pltpu.sync_copy(ebw1p, nw_sh.at[pl.ds(e0, CH1)])
            pltpu.sync_copy(ebr, rc_h.at[pl.ds(e0, CH1)])
            return 0
        lax.fori_loop(0, chunks_per_tile, _nw_chunk, 0)
        plsc.subcore_barrier()

        for f in range(FPT):
            pltpu.sync_copy(xT_h.at[fb + f], hAs[f])

        def _start(ch, b):
            pltpu.async_copy(rc_h.at[pl.ds(ch * CH, CH)], erc[b], rsem[b][0])
            pltpu.async_copy(nw_sh.at[pl.ds(ch * CH, CH)], ebw[b], rsem[b][1])

        def _wait(ch, b):
            pltpu.make_async_copy(
                rc_h.at[pl.ds(ch * CH, CH)], erc[b], rsem[b][0]).wait()
            pltpu.make_async_copy(
                nw_sh.at[pl.ds(ch * CH, CH)], ebw[b], rsem[b][1]).wait()

        houts = (h1_h, h2_h, h3_h)
        mask16 = jnp.full((L,), 0xFFFF, jnp.int32)
        for k in range(K):
            srcs, dsts = (hAs, hBs) if k % 2 == 0 else (hBs, hAs)

            @plsc.parallel_loop(0, ng, 1, unroll=GU)
            def _init_grp(i):
                for f in range(FPT):
                    dsts[f][0, pl.ds(i * L, L)] = srcs[f][0, pl.ds(i * L, L)]

            _start(0, 0)
            srefs = tuple(srcs[f].at[0] for f in range(FPT))
            drefs = tuple(dsts[f].at[0] for f in range(FPT))

            def _pair(p, _):
                for b in range(2):
                    ch = p * 2 + b

                    @pl.when(ch + 1 < nchunks)
                    def _():
                        _start(ch + 1, 1 - b)
                    _wait(ch, b)

                    @plsc.parallel_loop(0, groups, 1, unroll=GU)
                    def _grp(g):
                        o = g * L
                        rc16 = erc[b][pl.ds(o, L)]
                        w16 = ebw[b][pl.ds(o, L)]
                        r16 = rc16 & mask16
                        c16 = lax.shift_right_logical(rc16, 16)
                        for f in range(FPT):
                            v = plsc.load_gather(srefs[f], [r16])
                            plsc.addupdate_scatter(drefs[f], [c16], v * w16)
                return 0
            lax.fori_loop(0, nchunks // 2, _pair, 0)

            for f in range(FPT):
                pltpu.sync_copy(dsts[f], houts[k].at[fb + f])

    f = pl.kernel(
        body, out_type=out_type, mesh=mesh, scratch_types=scratch,
        compiler_params=pltpu.CompilerParams(needs_layout_passes=False))
    return f(xT3, row1, col1, ew1)


def _tc_linear(x, h1T, h2T, h3T, w0, w1, w2, w3, bias_row):
    N, D = x.shape
    U = w0.shape[1]
    BN = 1280
    grid = ((N + BN - 1) // BN,)
    dn_t = (((0,), (0,)), ((), ()))

    def body(w0_r, w1_r, w2_r, w3_r, b_r, x_r, a1_r, a2_r, a3_r, o_r):
        acc = jnp.dot(x_r[...], w0_r[...], preferred_element_type=jnp.float32)
        acc += lax.dot_general(a1_r[...], w1_r[...], dn_t,
                               preferred_element_type=jnp.float32)
        acc += lax.dot_general(a2_r[...], w2_r[...], dn_t,
                               preferred_element_type=jnp.float32)
        acc += lax.dot_general(a3_r[...], w3_r[...], dn_t,
                               preferred_element_type=jnp.float32)
        o_r[...] = acc + b_r[...]

    wspec = pl.BlockSpec((D, U), lambda i: (0, 0))
    hspec = pl.BlockSpec((D, BN), lambda i: (0, i))
    return pl.pallas_call(
        body,
        grid=grid,
        in_specs=[wspec, wspec, wspec, wspec,
                  pl.BlockSpec((1, U), lambda i: (0, 0)),
                  pl.BlockSpec((BN, D), lambda i: (i, 0)),
                  hspec, hspec, hspec],
        out_specs=pl.BlockSpec((BN, U), lambda i: (i, 0)),
        out_shape=jax.ShapeDtypeStruct((N, U), jnp.float32),
    )(w0, w1, w2, w3, bias_row, x, h1T, h2T, h3T)


def kernel(x, edge_index, edge_weight, kernel, bias):
    N, D = x.shape
    E = edge_index.shape[1]
    U = kernel.shape[1]

    xT3 = x.T.reshape(D, 1, N)

    h1, h2, h3, _rc = _sc_propagate(
        xT3, edge_index[0], edge_index[1], edge_weight)
    h1T, h2T, h3T = (h.reshape(D, N) for h in (h1, h2, h3))

    ws = [kernel[k * D:(k + 1) * D] for k in range(K + 1)]
    return _tc_linear(x, h1T, h2T, h3T, *ws, bias.reshape(1, U))

# --- scband reference (transcript-rebuilt; emitter-appended) ---
"""Pipeline reference for scband-tagcn-68135361184096 (READ-ONLY COPY).

The authoritative reference and input builder live on the scoring server;
editing this copy changes nothing except your own understanding.
"""

import jax, jax.numpy as jnp
import numpy as np

N = 10000
E = 320000
D = 128
UNITS = 128
K = 3


def setup_inputs(seed: int = 0) -> dict:
    key = jax.random.key(seed)
    k1, k2, k3, k4 = jax.random.split(key, 4)
    x = jax.random.normal(k1, (N, D), dtype=jnp.float32)
    edge_index = jax.random.randint(k2, (2, E), 0, N, dtype=jnp.int32)
    edge_weight = jax.random.uniform(k3, (E,), dtype=jnp.float32)
    # glorot_uniform for kernel [D*(K+1), UNITS]
    fan_in = D * (K + 1)
    limit = np.sqrt(6.0 / (fan_in + UNITS))
    kernel = jax.random.uniform(k4, (fan_in, UNITS), minval=-limit, maxval=limit, dtype=jnp.float32)
    bias = jnp.zeros((UNITS,), dtype=jnp.float32)
    return {"x": x, "edge_index": edge_index, "edge_weight": edge_weight, "kernel": kernel, "bias": bias}


def _gcn_norm_edge(edge_index, edge_weight, num_nodes, renorm=False, improved=False):
    # Faithful to tf_geometric gcn_norm_edge with renorm=False, improved=False:
    # normalize WITHOUT self-loops first, then append self-loops with fill_weight.
    fill_weight = 2.0 if improved else 1.0
    row, col = edge_index[0], edge_index[1]
    deg = jnp.zeros((num_nodes,), dtype=edge_weight.dtype).at[row].add(edge_weight)
    deg_inv_sqrt = jnp.power(deg, -0.5)
    deg_inv_sqrt = jnp.where(jnp.isinf(deg_inv_sqrt), jnp.zeros_like(deg_inv_sqrt), deg_inv_sqrt)
    normed_w = deg_inv_sqrt[row] * edge_weight * deg_inv_sqrt[col]
    loop_idx = jnp.arange(num_nodes, dtype=row.dtype)
    new_row = jnp.concatenate([row, loop_idx])
    new_col = jnp.concatenate([col, loop_idx])
    new_w = jnp.concatenate([normed_w, jnp.full((num_nodes,), fill_weight, dtype=edge_weight.dtype)])
    return new_row, new_col, new_w


def reference(x, edge_index, edge_weight, kernel, bias):
    num_nodes = x.shape[0]
    row, col, w = _gcn_norm_edge(edge_index, edge_weight, num_nodes, renorm=False, improved=False)
    # TAGCN: concat powers [x, A'x, A'^2 x, ..., A'^K x] then linear
    xs = [x]
    h = x
    for _ in range(K):
        msg = h[row] * w[:, None]  # gather from source, weight by normed edge weight
        h = jnp.zeros_like(h).at[col].add(msg)  # scatter-add to destination
        xs.append(h)
    h_cat = jnp.concatenate(xs, axis=-1)
    out = h_cat @ kernel + bias
    return out

if __name__ == "__main__":
    import jax
    _d = setup_inputs()
    print(jax.jit(kernel)(*tuple(_d.values())))

</pallas_src>

<mosaic_0001>
#map = affine_map<(d0, d1) -> (0, 0, 0)>
#map1 = affine_map<(d0, d1) -> (0)>
module attributes {stable_mosaic.version = 14 : i64} {
  func.func @body(%arg0: i32, %arg1: i32, %arg2: memref<128x1x10000xf32, #tpu.memory_space<hbm>>, %arg3: memref<320000xi32, #tpu.memory_space<hbm>>, %arg4: memref<320000xi32, #tpu.memory_space<hbm>>, %arg5: memref<320000xf32, #tpu.memory_space<hbm>>, %arg6: memref<128x1x10000xf32, #tpu.memory_space<hbm>>, %arg7: memref<128x1x10000xf32, #tpu.memory_space<hbm>>, %arg8: memref<128x1x10000xf32, #tpu.memory_space<hbm>>, %arg9: memref<320000xi32, #tpu.memory_space<hbm>>, %arg10: memref<1x10000xf32, #tpu.memory_space<vmem>>, %arg11: memref<1x10000xf32, #tpu.memory_space<vmem>>, %arg12: memref<1x10000xf32, #tpu.memory_space<vmem>>, %arg13: memref<1x10000xf32, #tpu.memory_space<vmem>>, %arg14: memref<1x10000xf32, #tpu.memory_space<vmem>>, %arg15: memref<1x10000xf32, #tpu.memory_space<vmem>>, %arg16: memref<1x10000xf32, #tpu.memory_space<vmem>>, %arg17: memref<1x10000xf32, #tpu.memory_space<vmem>>, %arg18: memref<10000xf32, #tpu.memory_space<vmem>>, %arg19: memref<2000xi32, #tpu.memory_space<vmem>>, %arg20: memref<2000xi32, #tpu.memory_space<vmem>>, %arg21: memref<2000xf32, #tpu.memory_space<vmem>>, %arg22: memref<3200xi32, #tpu.memory_space<vmem>>, %arg23: memref<3200xi32, #tpu.memory_space<vmem>>, %arg24: memref<3200xf32, #tpu.memory_space<vmem>>, %arg25: memref<3200xf32, #tpu.memory_space<vmem>>, %arg26: memref<80xi32, #tpu.memory_space<vmem>>, %arg27: memref<80xi32, #tpu.memory_space<vmem>>, %arg28: memref<10000xf32, #tpu.memory_space<vmem_shared>>, %arg29: memref<320000xf32, #tpu.memory_space<vmem_shared>>, %arg30: memref<!tpu.dma_semaphore, #tpu.memory_space<semaphore_mem>>, %arg31: memref<!tpu.dma_semaphore, #tpu.memory_space<semaphore_mem>>, %arg32: memref<!tpu.dma_semaphore, #tpu.memory_space<semaphore_mem>>, %arg33: memref<!tpu.dma_semaphore, #tpu.memory_space<semaphore_mem>>, %arg34: memref<!tpu.dma_semaphore, #tpu.memory_space<semaphore_mem>>, %arg35: memref<!tpu.dma_semaphore, #tpu.memory_space<semaphore_mem>>, %arg36: memref<!tpu.dma_semaphore, #tpu.memory_space<semaphore_mem>>, %arg37: memref<!tpu.dma_semaphore, #tpu.memory_space<semaphore_mem>>) attributes {dimension_semantics = [#tpu.dimension_semantics<core_parallel>, #tpu.dimension_semantics<subcore_parallel>], iteration_bounds = array<i64: 2, 16>, scalar_prefetch = 0 : i64, scratch_operands = 28 : i64, tpu.core_type = #tpu.core_type<sc_vector_subcore>, window_params = [{transform_indices = #map}, {transform_indices = #map1}, {transform_indices = #map1}, {transform_indices = #map1}, {transform_indices = #map}, {transform_indices = #map}, {transform_indices = #map}, {transform_indices = #map1}]} {
    %mul3A = arith.constant 16 : i32
    %mul3A_0 = arith.muli %arg0, %mul3A : i32
    %add3A = arith.addi %mul3A_0, %arg1 : i32
    %mul3A_1 = arith.constant 4 : i32
    %mul3A_2 = arith.muli %add3A, %mul3A_1 : i32
    %broadcast_in_dim3A = arith.constant 0.000000e+00 : f32
    %broadcast_in_dim3A_3 = vector.broadcast %broadcast_in_dim3A : f32 to vector<16xf32>
    %parallel_loop3A = arith.constant 0 : i32
    %parallel_loop3A_4 = arith.constant 625 : i32
    %parallel_loop3A_5 = arith.constant 1 : i32
    scf.for %parallel_loop3A_143 = %parallel_loop3A to %parallel_loop3A_4 step %parallel_loop3A_5  : i32 {
      %parallel_loop3A_144 = arith.constant 16 : i32
      %parallel_loop3A_145 = arith.muli %parallel_loop3A_143, %parallel_loop3A_144 : i32
      %parallel_loop3A_146 = arith.index_cast %parallel_loop3A_145 : i32 to index
      %parallel_loop3A_147 = tpu.vector_load %arg18[%parallel_loop3A_146] {strides = array<i32>} : memref<10000xf32, #tpu.memory_space<vmem>>, vector<16xf32>,
      tpu.vector_store %arg18[%parallel_loop3A_146], %broadcast_in_dim3A_3 {strides = array<i32>} : memref<10000xf32, #tpu.memory_space<vmem>>, vector<16xf32>,
    } {sc.loop_unroll_factor = 8 : i64, sc.parallel_access}
    %eq3A = arith.constant 0 : i32
    %eq3A_6 = arith.cmpi eq, %arg1, %eq3A : i32
    %convert_element_type3A = arith.extui %eq3A_6 : i1 to i32
    %cond3A = arith.constant 0 : i32
    %cond3A_7 = arith.cmpi ne, %convert_element_type3A, %cond3A : i32
    scf.if %cond3A_7 {
      "tpu.region"() ({
        %run_scoped3A = tpu.sem_alloc : memref<!tpu.dma_semaphore, #tpu.memory_space<semaphore_mem>>
        tpu.enqueue_dma source(%arg18 : memref<10000xf32, #tpu.memory_space<vmem>>) target(%arg28 : memref<10000xf32, #tpu.memory_space<vmem_shared>>) target_semaphore(%run_scoped3A : memref<!tpu.dma_semaphore, #tpu.memory_space<semaphore_mem>>)
        tpu.wait_dma2 semaphore(%run_scoped3A : memref<!tpu.dma_semaphore, #tpu.memory_space<semaphore_mem>>) src(%arg18 : memref<10000xf32, #tpu.memory_space<vmem>>) dst(%arg28 : memref<10000xf32, #tpu.memory_space<vmem_shared>>)
        tpu.yield
      }) : () -> ()
    } else {
    }
    %barrier3A = arith.constant 0 : index
    tpu.barrier barrier_id(%barrier3A)
    %mul3A_8 = arith.constant 20000 : i32
    %mul3A_9 = arith.muli %arg1, %mul3A_8 : i32
    %scan3A = arith.constant 0 : i32
    %scan3A_10 = arith.constant 0 : i32
    %scan3A_11 = arith.constant 10 : i32
    %scan3A_12 = arith.addi %scan3A_10, %scan3A_11 : i32
    %scan3A_13 = arith.constant 1 : i32
    %scan3A_14 = scf.for %scan3A_143 = %scan3A_10 to %scan3A_12 step %scan3A_13 iter_args(%scan3A_144 = %scan3A) -> (i32)  : i32 {
      %mul3A_145 = arith.constant 2000 : i32
      %mul3A_146 = arith.muli %scan3A_143, %mul3A_145 : i32
      %add3A_147 = arith.addi %mul3A_9, %mul3A_146 : i32
      "tpu.region"() ({
        %run_scoped3A = tpu.sem_alloc : memref<!tpu.dma_semaphore, #tpu.memory_space<semaphore_mem>>
        %dma_start3A_546 = tpu.memref_slice %arg5[%add3A_147] : memref<320000xf32, #tpu.memory_space<hbm>> -> memref<2000xf32, #tpu.memory_space<hbm>>
        %dma_start3A_547 = tpu.memref_slice %arg5[%add3A_147] : memref<320000xf32, #tpu.memory_space<hbm>> -> memref<2000xf32, #tpu.memory_space<hbm>>
        tpu.enqueue_dma source(%dma_start3A_547 : memref<2000xf32, #tpu.memory_space<hbm>>) target(%arg21 : memref<2000xf32, #tpu.memory_space<vmem>>) target_semaphore(%run_scoped3A : memref<!tpu.dma_semaphore, #tpu.memory_space<semaphore_mem>>)
        %dma_wait3A_548 = tpu.memref_slice %arg5[%add3A_147] : memref<320000xf32, #tpu.memory_space<hbm>> -> memref<2000xf32, #tpu.memory_space<hbm>>
        %dma_wait3A_549 = tpu.memref_slice %arg5[%add3A_147] : memref<320000xf32, #tpu.memory_space<hbm>> -> memref<2000xf32, #tpu.memory_space<hbm>>
        tpu.wait_dma2 semaphore(%run_scoped3A : memref<!tpu.dma_semaphore, #tpu.memory_space<semaphore_mem>>) src(%dma_wait3A_549 : memref<2000xf32, #tpu.memory_space<hbm>>) dst(%arg21 : memref<2000xf32, #tpu.memory_space<vmem>>)
        tpu.yield
      }) : () -> ()
      %dma_start3A_148 = tpu.memref_slice %arg3[%add3A_147] : memref<320000xi32, #tpu.memory_space<hbm>> -> memref<80xi32, #tpu.memory_space<hbm>>
      %dma_start3A_149 = tpu.memref_slice %arg3[%add3A_147] : memref<320000xi32, #tpu.memory_space<hbm>> -> memref<80xi32, #tpu.memory_space<hbm>>
      tpu.enqueue_dma source(%dma_start3A_149 : memref<80xi32, #tpu.memory_space<hbm>>) target(%arg26 : memref<80xi32, #tpu.memory_space<vmem>>) target_semaphore(%arg34 : memref<!tpu.dma_semaphore, #tpu.memory_space<semaphore_mem>>)
      %add3A_150 = arith.constant 0 : i32
      %add3A_151 = arith.addi %add3A_147, %add3A_150 : i32
      %dma_wait3A = tpu.memref_slice %arg3[%add3A_151] : memref<320000xi32, #tpu.memory_space<hbm>> -> memref<80xi32, #tpu.memory_space<hbm>>
      %dma_wait3A_152 = tpu.memref_slice %arg3[%add3A_151] : memref<320000xi32, #tpu.memory_space<hbm>> -> memref<80xi32, #tpu.memory_space<hbm>>
      tpu.wait_dma2 semaphore(%arg34 : memref<!tpu.dma_semaphore, #tpu.memory_space<semaphore_mem>>) src(%dma_wait3A_152 : memref<80xi32, #tpu.memory_space<hbm>>) dst(%arg26 : memref<80xi32, #tpu.memory_space<vmem>>)
      %dma_start3A_153 = arith.constant 0 : i32
      %dma_start3A_154 = tpu.memref_slice %arg21[%dma_start3A_153] : memref<2000xf32, #tpu.memory_space<vmem>> -> memref<80xf32, #tpu.memory_space<vmem>>
      %dma_start3A_155 = arith.constant 0 : i32
      %dma_start3A_156 = tpu.memref_slice %arg28[%dma_start3A_155] : memref<10000xf32, #tpu.memory_space<vmem_shared>> -> memref<10000xf32, #tpu.memory_space<vmem_shared>>
      tpu.enqueue_indirect_dma source(%dma_start3A_154 : memref<80xf32, #tpu.memory_space<vmem>>) target(%dma_start3A_156 : memref<10000xf32, #tpu.memory_space<vmem_shared>>) offsets(%arg26 : memref<80xi32, #tpu.memory_space<vmem>>) semaphore(%arg36 : memref<!tpu.dma_semaphore, #tpu.memory_space<semaphore_mem>>) {add = true}
      %add3A_157 = arith.constant 80 : i32
      %add3A_158 = arith.addi %add3A_147, %add3A_157 : i32
      %dma_start3A_159 = tpu.memref_slice %arg3[%add3A_158] : memref<320000xi32, #tpu.memory_space<hbm>> -> memref<80xi32, #tpu.memory_space<hbm>>
      %dma_start3A_160 = tpu.memref_slice %arg3[%add3A_158] : memref<320000xi32, #tpu.memory_space<hbm>> -> memref<80xi32, #tpu.memory_space<hbm>>
      tpu.enqueue_dma source(%dma_start3A_160 : memref<80xi32, #tpu.memory_space<hbm>>) target(%arg27 : memref<80xi32, #tpu.memory_space<vmem>>) target_semaphore(%arg35 : memref<!tpu.dma_semaphore, #tpu.memory_space<semaphore_mem>>)
      %add3A_161 = arith.constant 80 : i32
      %add3A_162 = arith.addi %add3A_147, %add3A_161 : i32
      %dma_wait3A_163 = tpu.memref_slice %arg3[%add3A_162] : memref<320000xi32, #tpu.memory_space<hbm>> -> memref<80xi32, #tpu.memory_space<hbm>>
      %dma_wait3A_164 = tpu.memref_slice %arg3[%add3A_162] : memref<320000xi32, #tpu.memory_space<hbm>> -> memref<80xi32, #tpu.memory_space<hbm>>
      tpu.wait_dma2 semaphore(%arg35 : memref<!tpu.dma_semaphore, #tpu.memory_space<semaphore_mem>>) src(%dma_wait3A_164 : memref<80xi32, #tpu.memory_space<hbm>>) dst(%arg27 : memref<80xi32, #tpu.memory_space<vmem>>)
      %dma_start3A_165 = arith.constant 80 : i32
      %dma_start3A_166 = tpu.memref_slice %arg21[%dma_start3A_165] : memref<2000xf32, #tpu.memory_space<vmem>> -> memref<80xf32, #tpu.memory_space<vmem>>
      %dma_start3A_167 = arith.constant 0 : i32
      %dma_start3A_168 = tpu.memref_slice %arg28[%dma_start3A_167] : memref<10000xf32, #tpu.memory_space<vmem_shared>> -> memref<10000xf32, #tpu.memory_space<vmem_shared>>
      tpu.enqueue_indirect_dma source(%dma_start3A_166 : memref<80xf32, #tpu.memory_space<vmem>>) target(%dma_start3A_168 : memref<10000xf32, #tpu.memory_space<vmem_shared>>) offsets(%arg27 : memref<80xi32, #tpu.memory_space<vmem>>) semaphore(%arg37 : memref<!tpu.dma_semaphore, #tpu.memory_space<semaphore_mem>>) {add = true}
      %dma_wait3A_169 = arith.constant 0 : i32
      %dma_wait3A_170 = tpu.memref_slice %arg21[%dma_wait3A_169] : memref<2000xf32, #tpu.memory_space<vmem>> -> memref<80xf32, #tpu.memory_space<vmem>>
      %dma_wait3A_171 = arith.constant 0 : i32
      %dma_wait3A_172 = tpu.memref_slice %arg28[%dma_wait3A_171] : memref<10000xf32, #tpu.memory_space<vmem_shared>> -> memref<10000xf32, #tpu.memory_space<vmem_shared>>
      tpu.wait_indirect_dma semaphore(%arg36 : memref<!tpu.dma_semaphore, #tpu.memory_space<semaphore_mem>>) src(%dma_wait3A_170 : memref<80xf32, #tpu.memory_space<vmem>>) dst(%dma_wait3A_172 : memref<10000xf32, #tpu.memory_space<vmem_shared>>)
      %add3A_173 = arith.constant 160 : i32
      %add3A_174 = arith.addi %add3A_147, %add3A_173 : i32
      %dma_start3A_175 = tpu.memref_slice %arg3[%add3A_174] : memref<320000xi32, #tpu.memory_space<hbm>> -> memref<80xi32, #tpu.memory_space<hbm>>
      %dma_start3A_176 = tpu.memref_slice %arg3[%add3A_174] : memref<320000xi32, #tpu.memory_space<hbm>> -> memref<80xi32, #tpu.memory_space<hbm>>
      tpu.enqueue_dma source(%dma_start3A_176 : memref<80xi32, #tpu.memory_space<hbm>>) target(%arg26 : memref<80xi32, #tpu.memory_space<vmem>>) target_semaphore(%arg34 : memref<!tpu.dma_semaphore, #tpu.memory_space<semaphore_mem>>)
      %add3A_177 = arith.constant 160 : i32
      %add3A_178 = arith.addi %add3A_147, %add3A_177 : i32
      %dma_wait3A_179 = tpu.memref_slice %arg3[%add3A_178] : memref<320000xi32, #tpu.memory_space<hbm>> -> memref<80xi32, #tpu.memory_space<hbm>>
      %dma_wait3A_180 = tpu.memref_slice %arg3[%add3A_178] : memref<320000xi32, #tpu.memory_space<hbm>> -> memref<80xi32, #tpu.memory_space<hbm>>
      tpu.wait_dma2 semaphore(%arg34 : memref<!tpu.dma_semaphore, #tpu.memory_space<semaphore_mem>>) src(%dma_wait3A_180 : memref<80xi32, #tpu.memory_space<hbm>>) dst(%arg26 : memref<80xi32, #tpu.memory_space<vmem>>)
      %dma_start3A_181 = arith.constant 160 : i32
      %dma_start3A_182 = tpu.memref_slice %arg21[%dma_start3A_181] : memref<2000xf32, #tpu.memory_space<vmem>> -> memref<80xf32, #tpu.memory_space<vmem>>
      %dma_start3A_183 = arith.constant 0 : i32
      %dma_start3A_184 = tpu.memref_slice %arg28[%dma_start3A_183] : memref<10000xf32, #tpu.memory_space<vmem_shared>> -> memref<10000xf32, #tpu.memory_space<vmem_shared>>
      tpu.enqueue_indirect_dma source(%dma_start3A_182 : memref<80xf32, #tpu.memory_space<vmem>>) target(%dma_start3A_184 : memref<10000xf32, #tpu.memory_space<vmem_shared>>) offsets(%arg26 : memref<80xi32, #tpu.memory_space<vmem>>) semaphore(%arg36 : memref<!tpu.dma_semaphore, #tpu.memory_space<semaphore_mem>>) {add = true}
      %dma_wait3A_185 = arith.constant 80 : i32
      %dma_wait3A_186 = tpu.memref_slice %arg21[%dma_wait3A_185] : memref<2000xf32, #tpu.memory_space<vmem>> -> memref<80xf32, #tpu.memory_space<vmem>>
      %dma_wait3A_187 = arith.constant 0 : i32
      %dma_wait3A_188 = tpu.memref_slice %arg28[%dma_wait3A_187] : memref<10000xf32, #tpu.memory_space<vmem_shared>> -> memref<10000xf32, #tpu.memory_space<vmem_shared>>
      tpu.wait_indirect_dma semaphore(%arg37 : memref<!tpu.dma_semaphore, #tpu.memory_space<semaphore_mem>>) src(%dma_wait3A_186 : memref<80xf32, #tpu.memory_space<vmem>>) dst(%dma_wait3A_188 : memref<10000xf32, #tpu.memory_space<vmem_shared>>)
      %add3A_189 = arith.constant 240 : i32
      %add3A_190 = arith.addi %add3A_147, %add3A_189 : i32
      %dma_start3A_191 = tpu.memref_slice %arg3[%add3A_190] : memref<320000xi32, #tpu.memory_space<hbm>> -> memref<80xi32, #tpu.memory_space<hbm>>
      %dma_start3A_192 = tpu.memref_slice %arg3[%add3A_190] : memref<320000xi32, #tpu.memory_space<hbm>> -> memref<80xi32, #tpu.memory_space<hbm>>
      tpu.enqueue_dma source(%dma_start3A_192 : memref<80xi32, #tpu.memory_space<hbm>>) target(%arg27 : memref<80xi32, #tpu.memory_space<vmem>>) target_semaphore(%arg35 : memref<!tpu.dma_semaphore, #tpu.memory_space<semaphore_mem>>)
      %add3A_193 = arith.constant 240 : i32
      %add3A_194 = arith.addi %add3A_147, %add3A_193 : i32
      %dma_wait3A_195 = tpu.memref_slice %arg3[%add3A_194] : memref<320000xi32, #tpu.memory_space<hbm>> -> memref<80xi32, #tpu.memory_space<hbm>>
      %dma_wait3A_196 = tpu.memref_slice %arg3[%add3A_194] : memref<320000xi32, #tpu.memory_space<hbm>> -> memref<80xi32, #tpu.memory_space<hbm>>
      tpu.wait_dma2 semaphore(%arg35 : memref<!tpu.dma_semaphore, #tpu.memory_space<semaphore_mem>>) src(%dma_wait3A_196 : memref<80xi32, #tpu.memory_space<hbm>>) dst(%arg27 : memref<80xi32, #tpu.memory_space<vmem>>)
      %dma_start3A_197 = arith.constant 240 : i32
      %dma_start3A_198 = tpu.memref_slice %arg21[%dma_start3A_197] : memref<2000xf32, #tpu.memory_space<vmem>> -> memref<80xf32, #tpu.memory_space<vmem>>
      %dma_start3A_199 = arith.constant 0 : i32
      %dma_start3A_200 = tpu.memref_slice %arg28[%dma_start3A_199] : memref<10000xf32, #tpu.memory_space<vmem_shared>> -> memref<10000xf32, #tpu.memory_space<vmem_shared>>
      tpu.enqueue_indirect_dma source(%dma_start3A_198 : memref<80xf32, #tpu.memory_space<vmem>>) target(%dma_start3A_200 : memref<10000xf32, #tpu.memory_space<vmem_shared>>) offsets(%arg27 : memref<80xi32, #tpu.memory_space<vmem>>) semaphore(%arg37 : memref<!tpu.dma_semaphore, #tpu.memory_space<semaphore_mem>>) {add = true}
      %dma_wait3A_201 = arith.constant 160 : i32
      %dma_wait3A_202 = tpu.memref_slice %arg21[%dma_wait3A_201] : memref<2000xf32, #tpu.memory_space<vmem>> -> memref<80xf32, #tpu.memory_space<vmem>>
      %dma_wait3A_203 = arith.constant 0 : i32
      %dma_wait3A_204 = tpu.memref_slice %arg28[%dma_wait3A_203] : memref<10000xf32, #tpu.memory_space<vmem_shared>> -> memref<10000xf32, #tpu.memory_space<vmem_shared>>
      tpu.wait_indirect_dma semaphore(%arg36 : memref<!tpu.dma_semaphore, #tpu.memory_space<semaphore_mem>>) src(%dma_wait3A_202 : memref<80xf32, #tpu.memory_space<vmem>>) dst(%dma_wait3A_204 : memref<10000xf32, #tpu.memory_space<vmem_shared>>)
      %add3A_205 = arith.constant 320 : i32
      %add3A_206 = arith.addi %add3A_147, %add3A_205 : i32
      %dma_start3A_207 = tpu.memref_slice %arg3[%add3A_206] : memref<320000xi32, #tpu.memory_space<hbm>> -> memref<80xi32, #tpu.memory_space<hbm>>
      %dma_start3A_208 = tpu.memref_slice %arg3[%add3A_206] : memref<320000xi32, #tpu.memory_space<hbm>> -> memref<80xi32, #tpu.memory_space<hbm>>
      tpu.enqueue_dma source(%dma_start3A_208 : memref<80xi32, #tpu.memory_space<hbm>>) target(%arg26 : memref<80xi32, #tpu.memory_space<vmem>>) target_semaphore(%arg34 : memref<!tpu.dma_semaphore, #tpu.memory_space<semaphore_mem>>)
      %add3A_209 = arith.constant 320 : i32
      %add3A_210 = arith.addi %add3A_147, %add3A_209 : i32
      %dma_wait3A_211 = tpu.memref_slice %arg3[%add3A_210] : memref<320000xi32, #tpu.memory_space<hbm>> -> memref<80xi32, #tpu.memory_space<hbm>>
      %dma_wait3A_212 = tpu.memref_slice %arg3[%add3A_210] : memref<320000xi32, #tpu.memory_space<hbm>> -> memref<80xi32, #tpu.memory_space<hbm>>
      tpu.wait_dma2 semaphore(%arg34 : memref<!tpu.dma_semaphore, #tpu.memory_space<semaphore_mem>>) src(%dma_wait3A_212 : memref<80xi32, #tpu.memory_space<hbm>>) dst(%arg26 : memref<80xi32, #tpu.memory_space<vmem>>)
      %dma_start3A_213 = arith.constant 320 : i32
      %dma_start3A_214 = tpu.memref_slice %arg21[%dma_start3A_213] : memref<2000xf32, #tpu.memory_space<vmem>> -> memref<80xf32, #tpu.memory_space<vmem>>
      %dma_start3A_215 = arith.constant 0 : i32
      %dma_start3A_216 = tpu.memref_slice %arg28[%dma_start3A_215] : memref<10000xf32, #tpu.memory_space<vmem_shared>> -> memref<10000xf32, #tpu.memory_space<vmem_shared>>
      tpu.enqueue_indirect_dma source(%dma_start3A_214 : memref<80xf32, #tpu.memory_space<vmem>>) target(%dma_start3A_216 : memref<10000xf32, #tpu.memory_space<vmem_shared>>) offsets(%arg26 : memref<80xi32, #tpu.memory_space<vmem>>) semaphore(%arg36 : memref<!tpu.dma_semaphore, #tpu.memory_space<semaphore_mem>>) {add = true}
      %dma_wait3A_217 = arith.constant 240 : i32
      %dma_wait3A_218 = tpu.memref_slice %arg21[%dma_wait3A_217] : memref<2000xf32, #tpu.memory_space<vmem>> -> memref<80xf32, #tpu.memory_space<vmem>>
      %dma_wait3A_219 = arith.constant 0 : i32
      %dma_wait3A_220 = tpu.memref_slice %arg28[%dma_wait3A_219] : memref<10000xf32, #tpu.memory_space<vmem_shared>> -> memref<10000xf32, #tpu.memory_space<vmem_shared>>
      tpu.wait_indirect_dma semaphore(%arg37 : memref<!tpu.dma_semaphore, #tpu.memory_space<semaphore_mem>>) src(%dma_wait3A_218 : memref<80xf32, #tpu.memory_space<vmem>>) dst(%dma_wait3A_220 : memref<10000xf32, #tpu.memory_space<vmem_shared>>)
      %add3A_221 = arith.constant 400 : i32
      %add3A_222 = arith.addi %add3A_147, %add3A_221 : i32
      %dma_start3A_223 = tpu.memref_slice %arg3[%add3A_222] : memref<320000xi32, #tpu.memory_space<hbm>> -> memref<80xi32, #tpu.memory_space<hbm>>
      %dma_start3A_224 = tpu.memref_slice %arg3[%add3A_222] : memref<320000xi32, #tpu.memory_space<hbm>> -> memref<80xi32, #tpu.memory_space<hbm>>
      tpu.enqueue_dma source(%dma_start3A_224 : memref<80xi32, #tpu.memory_space<hbm>>) target(%arg27 : memref<80xi32, #tpu.memory_space<vmem>>) target_semaphore(%arg35 : memref<!tpu.dma_semaphore, #tpu.memory_space<semaphore_mem>>)
      %add3A_225 = arith.constant 400 : i32
      %add3A_226 = arith.addi %add3A_147, %add3A_225 : i32
      %dma_wait3A_227 = tpu.memref_slice %arg3[%add3A_226] : memref<320000xi32, #tpu.memory_space<hbm>> -> memref<80xi32, #tpu.memory_space<hbm>>
      %dma_wait3A_228 = tpu.memref_slice %arg3[%add3A_226] : memref<320000xi32, #tpu.memory_space<hbm>> -> memref<80xi32, #tpu.memory_space<hbm>>
      tpu.wait_dma2 semaphore(%arg35 : memref<!tpu.dma_semaphore, #tpu.memory_space<semaphore_mem>>) src(%dma_wait3A_228 : memref<80xi32, #tpu.memory_space<hbm>>) dst(%arg27 : memref<80xi32, #tpu.memory_space<vmem>>)
      %dma_start3A_229 = arith.constant 400 : i32
      %dma_start3A_230 = tpu.memref_slice %arg21[%dma_start3A_229] : memref<2000xf32, #tpu.memory_space<vmem>> -> memref<80xf32, #tpu.memory_space<vmem>>
      %dma_start3A_231 = arith.constant 0 : i32
      %dma_start3A_232 = tpu.memref_slice %arg28[%dma_start3A_231] : memref<10000xf32, #tpu.memory_space<vmem_shared>> -> memref<10000xf32, #tpu.memory_space<vmem_shared>>
      tpu.enqueue_indirect_dma source(%dma_start3A_230 : memref<80xf32, #tpu.memory_space<vmem>>) target(%dma_start3A_232 : memref<10000xf32, #tpu.memory_space<vmem_shared>>) offsets(%arg27 : memref<80xi32, #tpu.memory_space<vmem>>) semaphore(%arg37 : memref<!tpu.dma_semaphore, #tpu.memory_space<semaphore_mem>>) {add = true}
      %dma_wait3A_233 = arith.constant 320 : i32
      %dma_wait3A_234 = tpu.memref_slice %arg21[%dma_wait3A_233] : memref<2000xf32, #tpu.memory_space<vmem>> -> memref<80xf32, #tpu.memory_space<vmem>>
      %dma_wait3A_235 = arith.constant 0 : i32
      %dma_wait3A_236 = tpu.memref_slice %arg28[%dma_wait3A_235] : memref<10000xf32, #tpu.memory_space<vmem_shared>> -> memref<10000xf32, #tpu.memory_space<vmem_shared>>
      tpu.wait_indirect_dma semaphore(%arg36 : memref<!tpu.dma_semaphore, #tpu.memory_space<semaphore_mem>>) src(%dma_wait3A_234 : memref<80xf32, #tpu.memory_space<vmem>>) dst(%dma_wait3A_236 : memref<10000xf32, #tpu.memory_space<vmem_shared>>)
      %add3A_237 = arith.constant 480 : i32
      %add3A_238 = arith.addi %add3A_147, %add3A_237 : i32
      %dma_start3A_239 = tpu.memref_slice %arg3[%add3A_238] : memref<320000xi32, #tpu.memory_space<hbm>> -> memref<80xi32, #tpu.memory_space<hbm>>
      %dma_start3A_240 = tpu.memref_slice %arg3[%add3A_238] : memref<320000xi32, #tpu.memory_space<hbm>> -> memref<80xi32, #tpu.memory_space<hbm>>
      tpu.enqueue_dma source(%dma_start3A_240 : memref<80xi32, #tpu.memory_space<hbm>>) target(%arg26 : memref<80xi32, #tpu.memory_space<vmem>>) target_semaphore(%arg34 : memref<!tpu.dma_semaphore, #tpu.memory_space<semaphore_mem>>)
      %add3A_241 = arith.constant 480 : i32
      %add3A_242 = arith.addi %add3A_147, %add3A_241 : i32
      %dma_wait3A_243 = tpu.memref_slice %arg3[%add3A_242] : memref<320000xi32, #tpu.memory_space<hbm>> -> memref<80xi32, #tpu.memory_space<hbm>>
      %dma_wait3A_244 = tpu.memref_slice %arg3[%add3A_242] : memref<320000xi32, #tpu.memory_space<hbm>> -> memref<80xi32, #tpu.memory_space<hbm>>
      tpu.wait_dma2 semaphore(%arg34 : memref<!tpu.dma_semaphore, #tpu.memory_space<semaphore_mem>>) src(%dma_wait3A_244 : memref<80xi32, #tpu.memory_space<hbm>>) dst(%arg26 : memref<80xi32, #tpu.memory_space<vmem>>)
      %dma_start3A_245 = arith.constant 480 : i32
      %dma_start3A_246 = tpu.memref_slice %arg21[%dma_start3A_245] : memref<2000xf32, #tpu.memory_space<vmem>> -> memref<80xf32, #tpu.memory_space<vmem>>
      %dma_start3A_247 = arith.constant 0 : i32
      %dma_start3A_248 = tpu.memref_slice %arg28[%dma_start3A_247] : memref<10000xf32, #tpu.memory_space<vmem_shared>> -> memref<10000xf32, #tpu.memory_space<vmem_shared>>
      tpu.enqueue_indirect_dma source(%dma_start3A_246 : memref<80xf32, #tpu.memory_space<vmem>>) target(%dma_start3A_248 : memref<10000xf32, #tpu.memory_space<vmem_shared>>) offsets(%arg26 : memref<80xi32, #tpu.memory_space<vmem>>) semaphore(%arg36 : memref<!tpu.dma_semaphore, #tpu.memory_space<semaphore_mem>>) {add = true}
      %dma_wait3A_249 = arith.constant 400 : i32
      %dma_wait3A_250 = tpu.memref_slice %arg21[%dma_wait3A_249] : memref<2000xf32, #tpu.memory_space<vmem>> -> memref<80xf32, #tpu.memory_space<vmem>>
      %dma_wait3A_251 = arith.constant 0 : i32
      %dma_wait3A_252 = tpu.memref_slice %arg28[%dma_wait3A_251] : memref<10000xf32, #tpu.memory_space<vmem_shared>> -> memref<10000xf32, #tpu.memory_space<vmem_shared>>
      tpu.wait_indirect_dma semaphore(%arg37 : memref<!tpu.dma_semaphore, #tpu.memory_space<semaphore_mem>>) src(%dma_wait3A_250 : memref<80xf32, #tpu.memory_space<vmem>>) dst(%dma_wait3A_252 : memref<10000xf32, #tpu.memory_space<vmem_shared>>)
      %add3A_253 = arith.constant 560 : i32
      %add3A_254 = arith.addi %add3A_147, %add3A_253 : i32
      %dma_start3A_255 = tpu.memref_slice %arg3[%add3A_254] : memref<320000xi32, #tpu.memory_space<hbm>> -> memref<80xi32, #tpu.memory_space<hbm>>
      %dma_start3A_256 = tpu.memref_slice %arg3[%add3A_254] : memref<320000xi32, #tpu.memory_space<hbm>> -> memref<80xi32, #tpu.memory_space<hbm>>
      tpu.enqueue_dma source(%dma_start3A_256 : memref<80xi32, #tpu.memory_space<hbm>>) target(%arg27 : memref<80xi32, #tpu.memory_space<vmem>>) target_semaphore(%arg35 : memref<!tpu.dma_semaphore, #tpu.memory_space<semaphore_mem>>)
      %add3A_257 = arith.constant 560 : i32
      %add3A_258 = arith.addi %add3A_147, %add3A_257 : i32
      %dma_wait3A_259 = tpu.memref_slice %arg3[%add3A_258] : memref<320000xi32, #tpu.memory_space<hbm>> -> memref<80xi32, #tpu.memory_space<hbm>>
      %dma_wait3A_260 = tpu.memref_slice %arg3[%add3A_258] : memref<320000xi32, #tpu.memory_space<hbm>> -> memref<80xi32, #tpu.memory_space<hbm>>
      tpu.wait_dma2 semaphore(%arg35 : memref<!tpu.dma_semaphore, #tpu.memory_space<semaphore_mem>>) src(%dma_wait3A_260 : memref<80xi32, #tpu.memory_space<hbm>>) dst(%arg27 : memref<80xi32, #tpu.memory_space<vmem>>)
      %dma_start3A_261 = arith.constant 560 : i32
      %dma_start3A_262 = tpu.memref_slice %arg21[%dma_start3A_261] : memref<2000xf32, #tpu.memory_space<vmem>> -> memref<80xf32, #tpu.memory_space<vmem>>
      %dma_start3A_263 = arith.constant 0 : i32
      %dma_start3A_264 = tpu.memref_slice %arg28[%dma_start3A_263] : memref<10000xf32, #tpu.memory_space<vmem_shared>> -> memref<10000xf32, #tpu.memory_space<vmem_shared>>
      tpu.enqueue_indirect_dma source(%dma_start3A_262 : memref<80xf32, #tpu.memory_space<vmem>>) target(%dma_start3A_264 : memref<10000xf32, #tpu.memory_space<vmem_shared>>) offsets(%arg27 : memref<80xi32, #tpu.memory_space<vmem>>) semaphore(%arg37 : memref<!tpu.dma_semaphore, #tpu.memory_space<semaphore_mem>>) {add = true}
      %dma_wait3A_265 = arith.constant 480 : i32
      %dma_wait3A_266 = tpu.memref_slice %arg21[%dma_wait3A_265] : memref<2000xf32, #tpu.memory_space<vmem>> -> memref<80xf32, #tpu.memory_space<vmem>>
      %dma_wait3A_267 = arith.constant 0 : i32
      %dma_wait3A_268 = tpu.memref_slice %arg28[%dma_wait3A_267] : memref<10000xf32, #tpu.memory_space<vmem_shared>> -> memref<10000xf32, #tpu.memory_space<vmem_shared>>
      tpu.wait_indirect_dma semaphore(%arg36 : memref<!tpu.dma_semaphore, #tpu.memory_space<semaphore_mem>>) src(%dma_wait3A_266 : memref<80xf32, #tpu.memory_space<vmem>>) dst(%dma_wait3A_268 : memref<10000xf32, #tpu.memory_space<vmem_shared>>)
      %add3A_269 = arith.constant 640 : i32
      %add3A_270 = arith.addi %add3A_147, %add3A_269 : i32
      %dma_start3A_271 = tpu.memref_slice %arg3[%add3A_270] : memref<320000xi32, #tpu.memory_space<hbm>> -> memref<80xi32, #tpu.memory_space<hbm>>
      %dma_start3A_272 = tpu.memref_slice %arg3[%add3A_270] : memref<320000xi32, #tpu.memory_space<hbm>> -> memref<80xi32, #tpu.memory_space<hbm>>
      tpu.enqueue_dma source(%dma_start3A_272 : memref<80xi32, #tpu.memory_space<hbm>>) target(%arg26 : memref<80xi32, #tpu.memory_space<vmem>>) target_semaphore(%arg34 : memref<!tpu.dma_semaphore, #tpu.memory_space<semaphore_mem>>)
      %add3A_273 = arith.constant 640 : i32
      %add3A_274 = arith.addi %add3A_147, %add3A_273 : i32
      %dma_wait3A_275 = tpu.memref_slice %arg3[%add3A_274] : memref<320000xi32, #tpu.memory_space<hbm>> -> memref<80xi32, #tpu.memory_space<hbm>>
      %dma_wait3A_276 = tpu.memref_slice %arg3[%add3A_274] : memref<320000xi32, #tpu.memory_space<hbm>> -> memref<80xi32, #tpu.memory_space<hbm>>
      tpu.wait_dma2 semaphore(%arg34 : memref<!tpu.dma_semaphore, #tpu.memory_space<semaphore_mem>>) src(%dma_wait3A_276 : memref<80xi32, #tpu.memory_space<hbm>>) dst(%arg26 : memref<80xi32, #tpu.memory_space<vmem>>)
      %dma_start3A_277 = arith.constant 640 : i32
      %dma_start3A_278 = tpu.memref_slice %arg21[%dma_start3A_277] : memref<2000xf32, #tpu.memory_space<vmem>> -> memref<80xf32, #tpu.memory_space<vmem>>
      %dma_start3A_279 = arith.constant 0 : i32
      %dma_start3A_280 = tpu.memref_slice %arg28[%dma_start3A_279] : memref<10000xf32, #tpu.memory_space<vmem_shared>> -> memref<10000xf32, #tpu.memory_space<vmem_shared>>
      tpu.enqueue_indirect_dma source(%dma_start3A_278 : memref<80xf32, #tpu.memory_space<vmem>>) target(%dma_start3A_280 : memref<10000xf32, #tpu.memory_space<vmem_shared>>) offsets(%arg26 : memref<80xi32, #tpu.memory_space<vmem>>) semaphore(%arg36 : memref<!tpu.dma_semaphore, #tpu.memory_space<semaphore_mem>>) {add = true}
      %dma_wait3A_281 = arith.constant 560 : i32
      %dma_wait3A_282 = tpu.memref_slice %arg21[%dma_wait3A_281] : memref<2000xf32, #tpu.memory_space<vmem>> -> memref<80xf32, #tpu.memory_space<vmem>>
      %dma_wait3A_283 = arith.constant 0 : i32
      %dma_wait3A_284 = tpu.memref_slice %arg28[%dma_wait3A_283] : memref<10000xf32, #tpu.memory_space<vmem_shared>> -> memref<10000xf32, #tpu.memory_space<vmem_shared>>
      tpu.wait_indirect_dma semaphore(%arg37 : memref<!tpu.dma_semaphore, #tpu.memory_space<semaphore_mem>>) src(%dma_wait3A_282 : memref<80xf32, #tpu.memory_space<vmem>>) dst(%dma_wait3A_284 : memref<10000xf32, #tpu.memory_space<vmem_shared>>)
      %add3A_285 = arith.constant 720 : i32
      %add3A_286 = arith.addi %add3A_147, %add3A_285 : i32
      %dma_start3A_287 = tpu.memref_slice %arg3[%add3A_286] : memref<320000xi32, #tpu.memory_space<hbm>> -> memref<80xi32, #tpu.memory_space<hbm>>
      %dma_start3A_288 = tpu.memref_slice %arg3[%add3A_286] : memref<320000xi32, #tpu.memory_space<hbm>> -> memref<80xi32, #tpu.memory_space<hbm>>
      tpu.enqueue_dma source(%dma_start3A_288 : memref<80xi32, #tpu.memory_space<hbm>>) target(%arg27 : memref<80xi32, #tpu.memory_space<vmem>>) target_semaphore(%arg35 : memref<!tpu.dma_semaphore, #tpu.memory_space<semaphore_mem>>)
      %add3A_289 = arith.constant 720 : i32
      %add3A_290 = arith.addi %add3A_147, %add3A_289 : i32
      %dma_wait3A_291 = tpu.memref_slice %arg3[%add3A_290] : memref<320000xi32, #tpu.memory_space<hbm>> -> memref<80xi32, #tpu.memory_space<hbm>>
      %dma_wait3A_292 = tpu.memref_slice %arg3[%add3A_290] : memref<320000xi32, #tpu.memory_space<hbm>> -> memref<80xi32, #tpu.memory_space<hbm>>
      tpu.wait_dma2 semaphore(%arg35 : memref<!tpu.dma_semaphore, #tpu.memory_space<semaphore_mem>>) src(%dma_wait3A_292 : memref<80xi32, #tpu.memory_space<hbm>>) dst(%arg27 : memref<80xi32, #tpu.memory_space<vmem>>)
      %dma_start3A_293 = arith.constant 720 : i32
      %dma_start3A_294 = tpu.memref_slice %arg21[%dma_start3A_293] : memref<2000xf32, #tpu.memory_space<vmem>> -> memref<80xf32, #tpu.memory_space<vmem>>
      %dma_start3A_295 = arith.constant 0 : i32
      %dma_start3A_296 = tpu.memref_slice %arg28[%dma_start3A_295] : memref<10000xf32, #tpu.memory_space<vmem_shared>> -> memref<10000xf32, #tpu.memory_space<vmem_shared>>
      tpu.enqueue_indirect_dma source(%dma_start3A_294 : memref<80xf32, #tpu.memory_space<vmem>>) target(%dma_start3A_296 : memref<10000xf32, #tpu.memory_space<vmem_shared>>) offsets(%arg27 : memref<80xi32, #tpu.memory_space<vmem>>) semaphore(%arg37 : memref<!tpu.dma_semaphore, #tpu.memory_space<semaphore_mem>>) {add = true}
      %dma_wait3A_297 = arith.constant 640 : i32
      %dma_wait3A_298 = tpu.memref_slice %arg21[%dma_wait3A_297] : memref<2000xf32, #tpu.memory_space<vmem>> -> memref<80xf32, #tpu.memory_space<vmem>>
      %dma_wait3A_299 = arith.constant 0 : i32
      %dma_wait3A_300 = tpu.memref_slice %arg28[%dma_wait3A_299] : memref<10000xf32, #tpu.memory_space<vmem_shared>> -> memref<10000xf32, #tpu.memory_space<vmem_shared>>
      tpu.wait_indirect_dma semaphore(%arg36 : memref<!tpu.dma_semaphore, #tpu.memory_space<semaphore_mem>>) src(%dma_wait3A_298 : memref<80xf32, #tpu.memory_space<vmem>>) dst(%dma_wait3A_300 : memref<10000xf32, #tpu.memory_space<vmem_shared>>)
      %add3A_301 = arith.constant 800 : i32
      %add3A_302 = arith.addi %add3A_147, %add3A_301 : i32
      %dma_start3A_303 = tpu.memref_slice %arg3[%add3A_302] : memref<320000xi32, #tpu.memory_space<hbm>> -> memref<80xi32, #tpu.memory_space<hbm>>
      %dma_start3A_304 = tpu.memref_slice %arg3[%add3A_302] : memref<320000xi32, #tpu.memory_space<hbm>> -> memref<80xi32, #tpu.memory_space<hbm>>
      tpu.enqueue_dma source(%dma_start3A_304 : memref<80xi32, #tpu.memory_space<hbm>>) target(%arg26 : memref<80xi32, #tpu.memory_space<vmem>>) target_semaphore(%arg34 : memref<!tpu.dma_semaphore, #tpu.memory_space<semaphore_mem>>)
      %add3A_305 = arith.constant 800 : i32
      %add3A_306 = arith.addi %add3A_147, %add3A_305 : i32
      %dma_wait3A_307 = tpu.memref_slice %arg3[%add3A_306] : memref<320000xi32, #tpu.memory_space<hbm>> -> memref<80xi32, #tpu.memory_space<hbm>>
      %dma_wait3A_308 = tpu.memref_slice %arg3[%add3A_306] : memref<320000xi32, #tpu.memory_space<hbm>> -> memref<80xi32, #tpu.memory_space<hbm>>
      tpu.wait_dma2 semaphore(%arg34 : memref<!tpu.dma_semaphore, #tpu.memory_space<semaphore_mem>>) src(%dma_wait3A_308 : memref<80xi32, #tpu.memory_space<hbm>>) dst(%arg26 : memref<80xi32, #tpu.memory_space<vmem>>)
      %dma_start3A_309 = arith.constant 800 : i32
      %dma_start3A_310 = tpu.memref_slice %arg21[%dma_start3A_309] : memref<2000xf32, #tpu.memory_space<vmem>> -> memref<80xf32, #tpu.memory_space<vmem>>
      %dma_start3A_311 = arith.constant 0 : i32
      %dma_start3A_312 = tpu.memref_slice %arg28[%dma_start3A_311] : memref<10000xf32, #tpu.memory_space<vmem_shared>> -> memref<10000xf32, #tpu.memory_space<vmem_shared>>
      tpu.enqueue_indirect_dma source(%dma_start3A_310 : memref<80xf32, #tpu.memory_space<vmem>>) target(%dma_start3A_312 : memref<10000xf32, #tpu.memory_space<vmem_shared>>) offsets(%arg26 : memref<80xi32, #tpu.memory_space<vmem>>) semaphore(%arg36 : memref<!tpu.dma_semaphore, #tpu.memory_space<semaphore_mem>>) {add = true}
      %dma_wait3A_313 = arith.constant 720 : i32
      %dma_wait3A_314 = tpu.memref_slice %arg21[%dma_wait3A_313] : memref<2000xf32, #tpu.memory_space<vmem>> -> memref<80xf32, #tpu.memory_space<vmem>>
      %dma_wait3A_315 = arith.constant 0 : i32
      %dma_wait3A_316 = tpu.memref_slice %arg28[%dma_wait3A_315] : memref<10000xf32, #tpu.memory_space<vmem_shared>> -> memref<10000xf32, #tpu.memory_space<vmem_shared>>
      tpu.wait_indirect_dma semaphore(%arg37 : memref<!tpu.dma_semaphore, #tpu.memory_space<semaphore_mem>>) src(%dma_wait3A_314 : memref<80xf32, #tpu.memory_space<vmem>>) dst(%dma_wait3A_316 : memref<10000xf32, #tpu.memory_space<vmem_shared>>)
      %add3A_317 = arith.constant 880 : i32
      %add3A_318 = arith.addi %add3A_147, %add3A_317 : i32
      %dma_start3A_319 = tpu.memref_slice %arg3[%add3A_318] : memref<320000xi32, #tpu.memory_space<hbm>> -> memref<80xi32, #tpu.memory_space<hbm>>
      %dma_start3A_320 = tpu.memref_slice %arg3[%add3A_318] : memref<320000xi32, #tpu.memory_space<hbm>> -> memref<80xi32, #tpu.memory_space<hbm>>
      tpu.enqueue_dma source(%dma_start3A_320 : memref<80xi32, #tpu.memory_space<hbm>>) target(%arg27 : memref<80xi32, #tpu.memory_space<vmem>>) target_semaphore(%arg35 : memref<!tpu.dma_semaphore, #tpu.memory_space<semaphore_mem>>)
      %add3A_321 = arith.constant 880 : i32
      %add3A_322 = arith.addi %add3A_147, %add3A_321 : i32
      %dma_wait3A_323 = tpu.memref_slice %arg3[%add3A_322] : memref<320000xi32, #tpu.memory_space<hbm>> -> memref<80xi32, #tpu.memory_space<hbm>>
      %dma_wait3A_324 = tpu.memref_slice %arg3[%add3A_322] : memref<320000xi32, #tpu.memory_space<hbm>> -> memref<80xi32, #tpu.memory_space<hbm>>
      tpu.wait_dma2 semaphore(%arg35 : memref<!tpu.dma_semaphore, #tpu.memory_space<semaphore_mem>>) src(%dma_wait3A_324 : memref<80xi32, #tpu.memory_space<hbm>>) dst(%arg27 : memref<80xi32, #tpu.memory_space<vmem>>)
      %dma_start3A_325 = arith.constant 880 : i32
      %dma_start3A_326 = tpu.memref_slice %arg21[%dma_start3A_325] : memref<2000xf32, #tpu.memory_space<vmem>> -> memref<80xf32, #tpu.memory_space<vmem>>
      %dma_start3A_327 = arith.constant 0 : i32
      %dma_start3A_328 = tpu.memref_slice %arg28[%dma_start3A_327] : memref<10000xf32, #tpu.memory_space<vmem_shared>> -> memref<10000xf32, #tpu.memory_space<vmem_shared>>
      tpu.enqueue_indirect_dma source(%dma_start3A_326 : memref<80xf32, #tpu.memory_space<vmem>>) target(%dma_start3A_328 : memref<10000xf32, #tpu.memory_space<vmem_shared>>) offsets(%arg27 : memref<80xi32, #tpu.memory_space<vmem>>) semaphore(%arg37 : memref<!tpu.dma_semaphore, #tpu.memory_space<semaphore_mem>>) {add = true}
      %dma_wait3A_329 = arith.constant 800 : i32
      %dma_wait3A_330 = tpu.memref_slice %arg21[%dma_wait3A_329] : memref<2000xf32, #tpu.memory_space<vmem>> -> memref<80xf32, #tpu.memory_space<vmem>>
      %dma_wait3A_331 = arith.constant 0 : i32
      %dma_wait3A_332 = tpu.memref_slice %arg28[%dma_wait3A_331] : memref<10000xf32, #tpu.memory_space<vmem_shared>> -> memref<10000xf32, #tpu.memory_space<vmem_shared>>
      tpu.wait_indirect_dma semaphore(%arg36 : memref<!tpu.dma_semaphore, #tpu.memory_space<semaphore_mem>>) src(%dma_wait3A_330 : memref<80xf32, #tpu.memory_space<vmem>>) dst(%dma_wait3A_332 : memref<10000xf32, #tpu.memory_space<vmem_shared>>)
      %add3A_333 = arith.constant 960 : i32
      %add3A_334 = arith.addi %add3A_147, %add3A_333 : i32
      %dma_start3A_335 = tpu.memref_slice %arg3[%add3A_334] : memref<320000xi32, #tpu.memory_space<hbm>> -> memref<80xi32, #tpu.memory_space<hbm>>
      %dma_start3A_336 = tpu.memref_slice %arg3[%add3A_334] : memref<320000xi32, #tpu.memory_space<hbm>> -> memref<80xi32, #tpu.memory_space<hbm>>
      tpu.enqueue_dma source(%dma_start3A_336 : memref<80xi32, #tpu.memory_space<hbm>>) target(%arg26 : memref<80xi32, #tpu.memory_space<vmem>>) target_semaphore(%arg34 : memref<!tpu.dma_semaphore, #tpu.memory_space<semaphore_mem>>)
      %add3A_337 = arith.constant 960 : i32
      %add3A_338 = arith.addi %add3A_147, %add3A_337 : i32
      %dma_wait3A_339 = tpu.memref_slice %arg3[%add3A_338] : memref<320000xi32, #tpu.memory_space<hbm>> -> memref<80xi32, #tpu.memory_space<hbm>>
      %dma_wait3A_340 = tpu.memref_slice %arg3[%add3A_338] : memref<320000xi32, #tpu.memory_space<hbm>> -> memref<80xi32, #tpu.memory_space<hbm>>
      tpu.wait_dma2 semaphore(%arg34 : memref<!tpu.dma_semaphore, #tpu.memory_space<semaphore_mem>>) src(%dma_wait3A_340 : memref<80xi32, #tpu.memory_space<hbm>>) dst(%arg26 : memref<80xi32, #tpu.memory_space<vmem>>)
      %dma_start3A_341 = arith.constant 960 : i32
      %dma_start3A_342 = tpu.memref_slice %arg21[%dma_start3A_341] : memref<2000xf32, #tpu.memory_space<vmem>> -> memref<80xf32, #tpu.memory_space<vmem>>
      %dma_start3A_343 = arith.constant 0 : i32
      %dma_start3A_344 = tpu.memref_slice %arg28[%dma_start3A_343] : memref<10000xf32, #tpu.memory_space<vmem_shared>> -> memref<10000xf32, #tpu.memory_space<vmem_shared>>
      tpu.enqueue_indirect_dma source(%dma_start3A_342 : memref<80xf32, #tpu.memory_space<vmem>>) target(%dma_start3A_344 : memref<10000xf32, #tpu.memory_space<vmem_shared>>) offsets(%arg26 : memref<80xi32, #tpu.memory_space<vmem>>) semaphore(%arg36 : memref<!tpu.dma_semaphore, #tpu.memory_space<semaphore_mem>>) {add = true}
      %dma_wait3A_345 = arith.constant 880 : i32
      %dma_wait3A_346 = tpu.memref_slice %arg21[%dma_wait3A_345] : memref<2000xf32, #tpu.memory_space<vmem>> -> memref<80xf32, #tpu.memory_space<vmem>>
      %dma_wait3A_347 = arith.constant 0 : i32
      %dma_wait3A_348 = tpu.memref_slice %arg28[%dma_wait3A_347] : memref<10000xf32, #tpu.memory_space<vmem_shared>> -> memref<10000xf32, #tpu.memory_space<vmem_shared>>
      tpu.wait_indirect_dma semaphore(%arg37 : memref<!tpu.dma_semaphore, #tpu.memory_space<semaphore_mem>>) src(%dma_wait3A_346 : memref<80xf32, #tpu.memory_space<vmem>>) dst(%dma_wait3A_348 : memref<10000xf32, #tpu.memory_space<vmem_shared>>)
      %add3A_349 = arith.constant 1040 : i32
      %add3A_350 = arith.addi %add3A_147, %add3A_349 : i32
      %dma_start3A_351 = tpu.memref_slice %arg3[%add3A_350] : memref<320000xi32, #tpu.memory_space<hbm>> -> memref<80xi32, #tpu.memory_space<hbm>>
      %dma_start3A_352 = tpu.memref_slice %arg3[%add3A_350] : memref<320000xi32, #tpu.memory_space<hbm>> -> memref<80xi32, #tpu.memory_space<hbm>>
      tpu.enqueue_dma source(%dma_start3A_352 : memref<80xi32, #tpu.memory_space<hbm>>) target(%arg27 : memref<80xi32, #tpu.memory_space<vmem>>) target_semaphore(%arg35 : memref<!tpu.dma_semaphore, #tpu.memory_space<semaphore_mem>>)
      %add3A_353 = arith.constant 1040 : i32
      %add3A_354 = arith.addi %add3A_147, %add3A_353 : i32
      %dma_wait3A_355 = tpu.memref_slice %arg3[%add3A_354] : memref<320000xi32, #tpu.memory_space<hbm>> -> memref<80xi32, #tpu.memory_space<hbm>>
      %dma_wait3A_356 = tpu.memref_slice %arg3[%add3A_354] : memref<320000xi32, #tpu.memory_space<hbm>> -> memref<80xi32, #tpu.memory_space<hbm>>
      tpu.wait_dma2 semaphore(%arg35 : memref<!tpu.dma_semaphore, #tpu.memory_space<semaphore_mem>>) src(%dma_wait3A_356 : memref<80xi32, #tpu.memory_space<hbm>>) dst(%arg27 : memref<80xi32, #tpu.memory_space<vmem>>)
      %dma_start3A_357 = arith.constant 1040 : i32
      %dma_start3A_358 = tpu.memref_slice %arg21[%dma_start3A_357] : memref<2000xf32, #tpu.memory_space<vmem>> -> memref<80xf32, #tpu.memory_space<vmem>>
      %dma_start3A_359 = arith.constant 0 : i32
      %dma_start3A_360 = tpu.memref_slice %arg28[%dma_start3A_359] : memref<10000xf32, #tpu.memory_space<vmem_shared>> -> memref<10000xf32, #tpu.memory_space<vmem_shared>>
      tpu.enqueue_indirect_dma source(%dma_start3A_358 : memref<80xf32, #tpu.memory_space<vmem>>) target(%dma_start3A_360 : memref<10000xf32, #tpu.memory_space<vmem_shared>>) offsets(%arg27 : memref<80xi32, #tpu.memory_space<vmem>>) semaphore(%arg37 : memref<!tpu.dma_semaphore, #tpu.memory_space<semaphore_mem>>) {add = true}
      %dma_wait3A_361 = arith.constant 960 : i32
      %dma_wait3A_362 = tpu.memref_slice %arg21[%dma_wait3A_361] : memref<2000xf32, #tpu.memory_space<vmem>> -> memref<80xf32, #tpu.memory_space<vmem>>
      %dma_wait3A_363 = arith.constant 0 : i32
      %dma_wait3A_364 = tpu.memref_slice %arg28[%dma_wait3A_363] : memref<10000xf32, #tpu.memory_space<vmem_shared>> -> memref<10000xf32, #tpu.memory_space<vmem_shared>>
      tpu.wait_indirect_dma semaphore(%arg36 : memref<!tpu.dma_semaphore, #tpu.memory_space<semaphore_mem>>) src(%dma_wait3A_362 : memref<80xf32, #tpu.memory_space<vmem>>) dst(%dma_wait3A_364 : memref<10000xf32, #tpu.memory_space<vmem_shared>>)
      %add3A_365 = arith.constant 1120 : i32
      %add3A_366 = arith.addi %add3A_147, %add3A_365 : i32
      %dma_start3A_367 = tpu.memref_slice %arg3[%add3A_366] : memref<320000xi32, #tpu.memory_space<hbm>> -> memref<80xi32, #tpu.memory_space<hbm>>
      %dma_start3A_368 = tpu.memref_slice %arg3[%add3A_366] : memref<320000xi32, #tpu.memory_space<hbm>> -> memref<80xi32, #tpu.memory_space<hbm>>
      tpu.enqueue_dma source(%dma_start3A_368 : memref<80xi32, #tpu.memory_space<hbm>>) target(%arg26 : memref<80xi32, #tpu.memory_space<vmem>>) target_semaphore(%arg34 : memref<!tpu.dma_semaphore, #tpu.memory_space<semaphore_mem>>)
      %add3A_369 = arith.constant 1120 : i32
      %add3A_370 = arith.addi %add3A_147, %add3A_369 : i32
      %dma_wait3A_371 = tpu.memref_slice %arg3[%add3A_370] : memref<320000xi32, #tpu.memory_space<hbm>> -> memref<80xi32, #tpu.memory_space<hbm>>
      %dma_wait3A_372 = tpu.memref_slice %arg3[%add3A_370] : memref<320000xi32, #tpu.memory_space<hbm>> -> memref<80xi32, #tpu.memory_space<hbm>>
      tpu.wait_dma2 semaphore(%arg34 : memref<!tpu.dma_semaphore, #tpu.memory_space<semaphore_mem>>) src(%dma_wait3A_372 : memref<80xi32, #tpu.memory_space<hbm>>) dst(%arg26 : memref<80xi32, #tpu.memory_space<vmem>>)
      %dma_start3A_373 = arith.constant 1120 : i32
      %dma_start3A_374 = tpu.memref_slice %arg21[%dma_start3A_373] : memref<2000xf32, #tpu.memory_space<vmem>> -> memref<80xf32, #tpu.memory_space<vmem>>
      %dma_start3A_375 = arith.constant 0 : i32
      %dma_start3A_376 = tpu.memref_slice %arg28[%dma_start3A_375] : memref<10000xf32, #tpu.memory_space<vmem_shared>> -> memref<10000xf32, #tpu.memory_space<vmem_shared>>
      tpu.enqueue_indirect_dma source(%dma_start3A_374 : memref<80xf32, #tpu.memory_space<vmem>>) target(%dma_start3A_376 : memref<10000xf32, #tpu.memory_space<vmem_shared>>) offsets(%arg26 : memref<80xi32, #tpu.memory_space<vmem>>) semaphore(%arg36 : memref<!tpu.dma_semaphore, #tpu.memory_space<semaphore_mem>>) {add = true}
      %dma_wait3A_377 = arith.constant 1040 : i32
      %dma_wait3A_378 = tpu.memref_slice %arg21[%dma_wait3A_377] : memref<2000xf32, #tpu.memory_space<vmem>> -> memref<80xf32, #tpu.memory_space<vmem>>
      %dma_wait3A_379 = arith.constant 0 : i32
      %dma_wait3A_380 = tpu.memref_slice %arg28[%dma_wait3A_379] : memref<10000xf32, #tpu.memory_space<vmem_shared>> -> memref<10000xf32, #tpu.memory_space<vmem_shared>>
      tpu.wait_indirect_dma semaphore(%arg37 : memref<!tpu.dma_semaphore, #tpu.memory_space<semaphore_mem>>) src(%dma_wait3A_378 : memref<80xf32, #tpu.memory_space<vmem>>) dst(%dma_wait3A_380 : memref<10000xf32, #tpu.memory_space<vmem_shared>>)
      %add3A_381 = arith.constant 1200 : i32
      %add3A_382 = arith.addi %add3A_147, %add3A_381 : i32
      %dma_start3A_383 = tpu.memref_slice %arg3[%add3A_382] : memref<320000xi32, #tpu.memory_space<hbm>> -> memref<80xi32, #tpu.memory_space<hbm>>
      %dma_start3A_384 = tpu.memref_slice %arg3[%add3A_382] : memref<320000xi32, #tpu.memory_space<hbm>> -> memref<80xi32, #tpu.memory_space<hbm>>
      tpu.enqueue_dma source(%dma_start3A_384 : memref<80xi32, #tpu.memory_space<hbm>>) target(%arg27 : memref<80xi32, #tpu.memory_space<vmem>>) target_semaphore(%arg35 : memref<!tpu.dma_semaphore, #tpu.memory_space<semaphore_mem>>)
      %add3A_385 = arith.constant 1200 : i32
      %add3A_386 = arith.addi %add3A_147, %add3A_385 : i32
      %dma_wait3A_387 = tpu.memref_slice %arg3[%add3A_386] : memref<320000xi32, #tpu.memory_space<hbm>> -> memref<80xi32, #tpu.memory_space<hbm>>
      %dma_wait3A_388 = tpu.memref_slice %arg3[%add3A_386] : memref<320000xi32, #tpu.memory_space<hbm>> -> memref<80xi32, #tpu.memory_space<hbm>>
      tpu.wait_dma2 semaphore(%arg35 : memref<!tpu.dma_semaphore, #tpu.memory_space<semaphore_mem>>) src(%dma_wait3A_388 : memref<80xi32, #tpu.memory_space<hbm>>) dst(%arg27 : memref<80xi32, #tpu.memory_space<vmem>>)
      %dma_start3A_389 = arith.constant 1200 : i32
      %dma_start3A_390 = tpu.memref_slice %arg21[%dma_start3A_389] : memref<2000xf32, #tpu.memory_space<vmem>> -> memref<80xf32, #tpu.memory_space<vmem>>
      %dma_start3A_391 = arith.constant 0 : i32
      %dma_start3A_392 = tpu.memref_slice %arg28[%dma_start3A_391] : memref<10000xf32, #tpu.memory_space<vmem_shared>> -> memref<10000xf32, #tpu.memory_space<vmem_shared>>
      tpu.enqueue_indirect_dma source(%dma_start3A_390 : memref<80xf32, #tpu.memory_space<vmem>>) target(%dma_start3A_392 : memref<10000xf32, #tpu.memory_space<vmem_shared>>) offsets(%arg27 : memref<80xi32, #tpu.memory_space<vmem>>) semaphore(%arg37 : memref<!tpu.dma_semaphore, #tpu.memory_space<semaphore_mem>>) {add = true}
      %dma_wait3A_393 = arith.constant 1120 : i32
      %dma_wait3A_394 = tpu.memref_slice %arg21[%dma_wait3A_393] : memref<2000xf32, #tpu.memory_space<vmem>> -> memref<80xf32, #tpu.memory_space<vmem>>
      %dma_wait3A_395 = arith.constant 0 : i32
      %dma_wait3A_396 = tpu.memref_slice %arg28[%dma_wait3A_395] : memref<10000xf32, #tpu.memory_space<vmem_shared>> -> memref<10000xf32, #tpu.memory_space<vmem_shared>>
      tpu.wait_indirect_dma semaphore(%arg36 : memref<!tpu.dma_semaphore, #tpu.memory_space<semaphore_mem>>) src(%dma_wait3A_394 : memref<80xf32, #tpu.memory_space<vmem>>) dst(%dma_wait3A_396 : memref<10000xf32, #tpu.memory_space<vmem_shared>>)
      %add3A_397 = arith.constant 1280 : i32
      %add3A_398 = arith.addi %add3A_147, %add3A_397 : i32
      %dma_start3A_399 = tpu.memref_slice %arg3[%add3A_398] : memref<320000xi32, #tpu.memory_space<hbm>> -> memref<80xi32, #tpu.memory_space<hbm>>
      %dma_start3A_400 = tpu.memref_slice %arg3[%add3A_398] : memref<320000xi32, #tpu.memory_space<hbm>> -> memref<80xi32, #tpu.memory_space<hbm>>
      tpu.enqueue_dma source(%dma_start3A_400 : memref<80xi32, #tpu.memory_space<hbm>>) target(%arg26 : memref<80xi32, #tpu.memory_space<vmem>>) target_semaphore(%arg34 : memref<!tpu.dma_semaphore, #tpu.memory_space<semaphore_mem>>)
      %add3A_401 = arith.constant 1280 : i32
      %add3A_402 = arith.addi %add3A_147, %add3A_401 : i32
      %dma_wait3A_403 = tpu.memref_slice %arg3[%add3A_402] : memref<320000xi32, #tpu.memory_space<hbm>> -> memref<80xi32, #tpu.memory_space<hbm>>
      %dma_wait3A_404 = tpu.memref_slice %arg3[%add3A_402] : memref<320000xi32, #tpu.memory_space<hbm>> -> memref<80xi32, #tpu.memory_space<hbm>>
      tpu.wait_dma2 semaphore(%arg34 : memref<!tpu.dma_semaphore, #tpu.memory_space<semaphore_mem>>) src(%dma_wait3A_404 : memref<80xi32, #tpu.memory_space<hbm>>) dst(%arg26 : memref<80xi32, #tpu.memory_space<vmem>>)
      %dma_start3A_405 = arith.constant 1280 : i32
      %dma_start3A_406 = tpu.memref_slice %arg21[%dma_start3A_405] : memref<2000xf32, #tpu.memory_space<vmem>> -> memref<80xf32, #tpu.memory_space<vmem>>
      %dma_start3A_407 = arith.constant 0 : i32
      %dma_start3A_408 = tpu.memref_slice %arg28[%dma_start3A_407] : memref<10000xf32, #tpu.memory_space<vmem_shared>> -> memref<10000xf32, #tpu.memory_space<vmem_shared>>
      tpu.enqueue_indirect_dma source(%dma_start3A_406 : memref<80xf32, #tpu.memory_space<vmem>>) target(%dma_start3A_408 : memref<10000xf32, #tpu.memory_space<vmem_shared>>) offsets(%arg26 : memref<80xi32, #tpu.memory_space<vmem>>) semaphore(%arg36 : memref<!tpu.dma_semaphore, #tpu.memory_space<semaphore_mem>>) {add = true}
      %dma_wait3A_409 = arith.constant 1200 : i32
      %dma_wait3A_410 = tpu.memref_slice %arg21[%dma_wait3A_409] : memref<2000xf32, #tpu.memory_space<vmem>> -> memref<80xf32, #tpu.memory_space<vmem>>
      %dma_wait3A_411 = arith.constant 0 : i32
      %dma_wait3A_412 = tpu.memref_slice %arg28[%dma_wait3A_411] : memref<10000xf32, #tpu.memory_space<vmem_shared>> -> memref<10000xf32, #tpu.memory_space<vmem_shared>>
      tpu.wait_indirect_dma semaphore(%arg37 : memref<!tpu.dma_semaphore, #tpu.memory_space<semaphore_mem>>) src(%dma_wait3A_410 : memref<80xf32, #tpu.memory_space<vmem>>) dst(%dma_wait3A_412 : memref<10000xf32, #tpu.memory_space<vmem_shared>>)
      %add3A_413 = arith.constant 1360 : i32
      %add3A_414 = arith.addi %add3A_147, %add3A_413 : i32
      %dma_start3A_415 = tpu.memref_slice %arg3[%add3A_414] : memref<320000xi32, #tpu.memory_space<hbm>> -> memref<80xi32, #tpu.memory_space<hbm>>
      %dma_start3A_416 = tpu.memref_slice %arg3[%add3A_414] : memref<320000xi32, #tpu.memory_space<hbm>> -> memref<80xi32, #tpu.memory_space<hbm>>
      tpu.enqueue_dma source(%dma_start3A_416 : memref<80xi32, #tpu.memory_space<hbm>>) target(%arg27 : memref<80xi32, #tpu.memory_space<vmem>>) target_semaphore(%arg35 : memref<!tpu.dma_semaphore, #tpu.memory_space<semaphore_mem>>)
      %add3A_417 = arith.constant 1360 : i32
      %add3A_418 = arith.addi %add3A_147, %add3A_417 : i32
      %dma_wait3A_419 = tpu.memref_slice %arg3[%add3A_418] : memref<320000xi32, #tpu.memory_space<hbm>> -> memref<80xi32, #tpu.memory_space<hbm>>
      %dma_wait3A_420 = tpu.memref_slice %arg3[%add3A_418] : memref<320000xi32, #tpu.memory_space<hbm>> -> memref<80xi32, #tpu.memory_space<hbm>>
      tpu.wait_dma2 semaphore(%arg35 : memref<!tpu.dma_semaphore, #tpu.memory_space<semaphore_mem>>) src(%dma_wait3A_420 : memref<80xi32, #tpu.memory_space<hbm>>) dst(%arg27 : memref<80xi32, #tpu.memory_space<vmem>>)
      %dma_start3A_421 = arith.constant 1360 : i32
      %dma_start3A_422 = tpu.memref_slice %arg21[%dma_start3A_421] : memref<2000xf32, #tpu.memory_space<vmem>> -> memref<80xf32, #tpu.memory_space<vmem>>
      %dma_start3A_423 = arith.constant 0 : i32
      %dma_start3A_424 = tpu.memref_slice %arg28[%dma_start3A_423] : memref<10000xf32, #tpu.memory_space<vmem_shared>> -> memref<10000xf32, #tpu.memory_space<vmem_shared>>
      tpu.enqueue_indirect_dma source(%dma_start3A_422 : memref<80xf32, #tpu.memory_space<vmem>>) target(%dma_start3A_424 : memref<10000xf32, #tpu.memory_space<vmem_shared>>) offsets(%arg27 : memref<80xi32, #tpu.memory_space<vmem>>) semaphore(%arg37 : memref<!tpu.dma_semaphore, #tpu.memory_space<semaphore_mem>>) {add = true}
      %dma_wait3A_425 = arith.constant 1280 : i32
      %dma_wait3A_426 = tpu.memref_slice %arg21[%dma_wait3A_425] : memref<2000xf32, #tpu.memory_space<vmem>> -> memref<80xf32, #tpu.memory_space<vmem>>
      %dma_wait3A_427 = arith.constant 0 : i32
      %dma_wait3A_428 = tpu.memref_slice %arg28[%dma_wait3A_427] : memref<10000xf32, #tpu.memory_space<vmem_shared>> -> memref<10000xf32, #tpu.memory_space<vmem_shared>>
      tpu.wait_indirect_dma semaphore(%arg36 : memref<!tpu.dma_semaphore, #tpu.memory_space<semaphore_mem>>) src(%dma_wait3A_426 : memref<80xf32, #tpu.memory_space<vmem>>) dst(%dma_wait3A_428 : memref<10000xf32, #tpu.memory_space<vmem_shared>>)
      %add3A_429 = arith.constant 1440 : i32
      %add3A_430 = arith.addi %add3A_147, %add3A_429 : i32
      %dma_start3A_431 = tpu.memref_slice %arg3[%add3A_430] : memref<320000xi32, #tpu.memory_space<hbm>> -> memref<80xi32, #tpu.memory_space<hbm>>
      %dma_start3A_432 = tpu.memref_slice %arg3[%add3A_430] : memref<320000xi32, #tpu.memory_space<hbm>> -> memref<80xi32, #tpu.memory_space<hbm>>
      tpu.enqueue_dma source(%dma_start3A_432 : memref<80xi32, #tpu.memory_space<hbm>>) target(%arg26 : memref<80xi32, #tpu.memory_space<vmem>>) target_semaphore(%arg34 : memref<!tpu.dma_semaphore, #tpu.memory_space<semaphore_mem>>)
      %add3A_433 = arith.constant 1440 : i32
      %add3A_434 = arith.addi %add3A_147, %add3A_433 : i32
      %dma_wait3A_435 = tpu.memref_slice %arg3[%add3A_434] : memref<320000xi32, #tpu.memory_space<hbm>> -> memref<80xi32, #tpu.memory_space<hbm>>
      %dma_wait3A_436 = tpu.memref_slice %arg3[%add3A_434] : memref<320000xi32, #tpu.memory_space<hbm>> -> memref<80xi32, #tpu.memory_space<hbm>>
      tpu.wait_dma2 semaphore(%arg34 : memref<!tpu.dma_semaphore, #tpu.memory_space<semaphore_mem>>) src(%dma_wait3A_436 : memref<80xi32, #tpu.memory_space<hbm>>) dst(%arg26 : memref<80xi32, #tpu.memory_space<vmem>>)
      %dma_start3A_437 = arith.constant 1440 : i32
      %dma_start3A_438 = tpu.memref_slice %arg21[%dma_start3A_437] : memref<2000xf32, #tpu.memory_space<vmem>> -> memref<80xf32, #tpu.memory_space<vmem>>
      %dma_start3A_439 = arith.constant 0 : i32
      %dma_start3A_440 = tpu.memref_slice %arg28[%dma_start3A_439] : memref<10000xf32, #tpu.memory_space<vmem_shared>> -> memref<10000xf32, #tpu.memory_space<vmem_shared>>
      tpu.enqueue_indirect_dma source(%dma_start3A_438 : memref<80xf32, #tpu.memory_space<vmem>>) target(%dma_start3A_440 : memref<10000xf32, #tpu.memory_space<vmem_shared>>) offsets(%arg26 : memref<80xi32, #tpu.memory_space<vmem>>) semaphore(%arg36 : memref<!tpu.dma_semaphore, #tpu.memory_space<semaphore_mem>>) {add = true}
      %dma_wait3A_441 = arith.constant 1360 : i32
      %dma_wait3A_442 = tpu.memref_slice %arg21[%dma_wait3A_441] : memref<2000xf32, #tpu.memory_space<vmem>> -> memref<80xf32, #tpu.memory_space<vmem>>
      %dma_wait3A_443 = arith.constant 0 : i32
      %dma_wait3A_444 = tpu.memref_slice %arg28[%dma_wait3A_443] : memref<10000xf32, #tpu.memory_space<vmem_shared>> -> memref<10000xf32, #tpu.memory_space<vmem_shared>>
      tpu.wait_indirect_dma semaphore(%arg37 : memref<!tpu.dma_semaphore, #tpu.memory_space<semaphore_mem>>) src(%dma_wait3A_442 : memref<80xf32, #tpu.memory_space<vmem>>) dst(%dma_wait3A_444 : memref<10000xf32, #tpu.memory_space<vmem_shared>>)
      %add3A_445 = arith.constant 1520 : i32
      %add3A_446 = arith.addi %add3A_147, %add3A_445 : i32
      %dma_start3A_447 = tpu.memref_slice %arg3[%add3A_446] : memref<320000xi32, #tpu.memory_space<hbm>> -> memref<80xi32, #tpu.memory_space<hbm>>
      %dma_start3A_448 = tpu.memref_slice %arg3[%add3A_446] : memref<320000xi32, #tpu.memory_space<hbm>> -> memref<80xi32, #tpu.memory_space<hbm>>
      tpu.enqueue_dma source(%dma_start3A_448 : memref<80xi32, #tpu.memory_space<hbm>>) target(%arg27 : memref<80xi32, #tpu.memory_space<vmem>>) target_semaphore(%arg35 : memref<!tpu.dma_semaphore, #tpu.memory_space<semaphore_mem>>)
      %add3A_449 = arith.constant 1520 : i32
      %add3A_450 = arith.addi %add3A_147, %add3A_449 : i32
      %dma_wait3A_451 = tpu.memref_slice %arg3[%add3A_450] : memref<320000xi32, #tpu.memory_space<hbm>> -> memref<80xi32, #tpu.memory_space<hbm>>
      %dma_wait3A_452 = tpu.memref_slice %arg3[%add3A_450] : memref<320000xi32, #tpu.memory_space<hbm>> -> memref<80xi32, #tpu.memory_space<hbm>>
      tpu.wait_dma2 semaphore(%arg35 : memref<!tpu.dma_semaphore, #tpu.memory_space<semaphore_mem>>) src(%dma_wait3A_452 : memref<80xi32, #tpu.memory_space<hbm>>) dst(%arg27 : memref<80xi32, #tpu.memory_space<vmem>>)
      %dma_start3A_453 = arith.constant 1520 : i32
      %dma_start3A_454 = tpu.memref_slice %arg21[%dma_start3A_453] : memref<2000xf32, #tpu.memory_space<vmem>> -> memref<80xf32, #tpu.memory_space<vmem>>
      %dma_start3A_455 = arith.constant 0 : i32
      %dma_start3A_456 = tpu.memref_slice %arg28[%dma_start3A_455] : memref<10000xf32, #tpu.memory_space<vmem_shared>> -> memref<10000xf32, #tpu.memory_space<vmem_shared>>
      tpu.enqueue_indirect_dma source(%dma_start3A_454 : memref<80xf32, #tpu.memory_space<vmem>>) target(%dma_start3A_456 : memref<10000xf32, #tpu.memory_space<vmem_shared>>) offsets(%arg27 : memref<80xi32, #tpu.memory_space<vmem>>) semaphore(%arg37 : memref<!tpu.dma_semaphore, #tpu.memory_space<semaphore_mem>>) {add = true}
      %dma_wait3A_457 = arith.constant 1440 : i32
      %dma_wait3A_458 = tpu.memref_slice %arg21[%dma_wait3A_457] : memref<2000xf32, #tpu.memory_space<vmem>> -> memref<80xf32, #tpu.memory_space<vmem>>
      %dma_wait3A_459 = arith.constant 0 : i32
      %dma_wait3A_460 = tpu.memref_slice %arg28[%dma_wait3A_459] : memref<10000xf32, #tpu.memory_space<vmem_shared>> -> memref<10000xf32, #tpu.memory_space<vmem_shared>>
      tpu.wait_indirect_dma semaphore(%arg36 : memref<!tpu.dma_semaphore, #tpu.memory_space<semaphore_mem>>) src(%dma_wait3A_458 : memref<80xf32, #tpu.memory_space<vmem>>) dst(%dma_wait3A_460 : memref<10000xf32, #tpu.memory_space<vmem_shared>>)
      %add3A_461 = arith.constant 1600 : i32
      %add3A_462 = arith.addi %add3A_147, %add3A_461 : i32
      %dma_start3A_463 = tpu.memref_slice %arg3[%add3A_462] : memref<320000xi32, #tpu.memory_space<hbm>> -> memref<80xi32, #tpu.memory_space<hbm>>
      %dma_start3A_464 = tpu.memref_slice %arg3[%add3A_462] : memref<320000xi32, #tpu.memory_space<hbm>> -> memref<80xi32, #tpu.memory_space<hbm>>
      tpu.enqueue_dma source(%dma_start3A_464 : memref<80xi32, #tpu.memory_space<hbm>>) target(%arg26 : memref<80xi32, #tpu.memory_space<vmem>>) target_semaphore(%arg34 : memref<!tpu.dma_semaphore, #tpu.memory_space<semaphore_mem>>)
      %add3A_465 = arith.constant 1600 : i32
      %add3A_466 = arith.addi %add3A_147, %add3A_465 : i32
      %dma_wait3A_467 = tpu.memref_slice %arg3[%add3A_466] : memref<320000xi32, #tpu.memory_space<hbm>> -> memref<80xi32, #tpu.memory_space<hbm>>
      %dma_wait3A_468 = tpu.memref_slice %arg3[%add3A_466] : memref<320000xi32, #tpu.memory_space<hbm>> -> memref<80xi32, #tpu.memory_space<hbm>>
      tpu.wait_dma2 semaphore(%arg34 : memref<!tpu.dma_semaphore, #tpu.memory_space<semaphore_mem>>) src(%dma_wait3A_468 : memref<80xi32, #tpu.memory_space<hbm>>) dst(%arg26 : memref<80xi32, #tpu.memory_space<vmem>>)
      %dma_start3A_469 = arith.constant 1600 : i32
      %dma_start3A_470 = tpu.memref_slice %arg21[%dma_start3A_469] : memref<2000xf32, #tpu.memory_space<vmem>> -> memref<80xf32, #tpu.memory_space<vmem>>
      %dma_start3A_471 = arith.constant 0 : i32
      %dma_start3A_472 = tpu.memref_slice %arg28[%dma_start3A_471] : memref<10000xf32, #tpu.memory_space<vmem_shared>> -> memref<10000xf32, #tpu.memory_space<vmem_shared>>
      tpu.enqueue_indirect_dma source(%dma_start3A_470 : memref<80xf32, #tpu.memory_space<vmem>>) target(%dma_start3A_472 : memref<10000xf32, #tpu.memory_space<vmem_shared>>) offsets(%arg26 : memref<80xi32, #tpu.memory_space<vmem>>) semaphore(%arg36 : memref<!tpu.dma_semaphore, #tpu.memory_space<semaphore_mem>>) {add = true}
      %dma_wait3A_473 = arith.constant 1520 : i32
      %dma_wait3A_474 = tpu.memref_slice %arg21[%dma_wait3A_473] : memref<2000xf32, #tpu.memory_space<vmem>> -> memref<80xf32, #tpu.memory_space<vmem>>
      %dma_wait3A_475 = arith.constant 0 : i32
      %dma_wait3A_476 = tpu.memref_slice %arg28[%dma_wait3A_475] : memref<10000xf32, #tpu.memory_space<vmem_shared>> -> memref<10000xf32, #tpu.memory_space<vmem_shared>>
      tpu.wait_indirect_dma semaphore(%arg37 : memref<!tpu.dma_semaphore, #tpu.memory_space<semaphore_mem>>) src(%dma_wait3A_474 : memref<80xf32, #tpu.memory_space<vmem>>) dst(%dma_wait3A_476 : memref<10000xf32, #tpu.memory_space<vmem_shared>>)
      %add3A_477 = arith.constant 1680 : i32
      %add3A_478 = arith.addi %add3A_147, %add3A_477 : i32
      %dma_start3A_479 = tpu.memref_slice %arg3[%add3A_478] : memref<320000xi32, #tpu.memory_space<hbm>> -> memref<80xi32, #tpu.memory_space<hbm>>
      %dma_start3A_480 = tpu.memref_slice %arg3[%add3A_478] : memref<320000xi32, #tpu.memory_space<hbm>> -> memref<80xi32, #tpu.memory_space<hbm>>
      tpu.enqueue_dma source(%dma_start3A_480 : memref<80xi32, #tpu.memory_space<hbm>>) target(%arg27 : memref<80xi32, #tpu.memory_space<vmem>>) target_semaphore(%arg35 : memref<!tpu.dma_semaphore, #tpu.memory_space<semaphore_mem>>)
      %add3A_481 = arith.constant 1680 : i32
      %add3A_482 = arith.addi %add3A_147, %add3A_481 : i32
      %dma_wait3A_483 = tpu.memref_slice %arg3[%add3A_482] : memref<320000xi32, #tpu.memory_space<hbm>> -> memref<80xi32, #tpu.memory_space<hbm>>
      %dma_wait3A_484 = tpu.memref_slice %arg3[%add3A_482] : memref<320000xi32, #tpu.memory_space<hbm>> -> memref<80xi32, #tpu.memory_space<hbm>>
      tpu.wait_dma2 semaphore(%arg35 : memref<!tpu.dma_semaphore, #tpu.memory_space<semaphore_mem>>) src(%dma_wait3A_484 : memref<80xi32, #tpu.memory_space<hbm>>) dst(%arg27 : memref<80xi32, #tpu.memory_space<vmem>>)
      %dma_start3A_485 = arith.constant 1680 : i32
      %dma_start3A_486 = tpu.memref_slice %arg21[%dma_start3A_485] : memref<2000xf32, #tpu.memory_space<vmem>> -> memref<80xf32, #tpu.memory_space<vmem>>
      %dma_start3A_487 = arith.constant 0 : i32
      %dma_start3A_488 = tpu.memref_slice %arg28[%dma_start3A_487] : memref<10000xf32, #tpu.memory_space<vmem_shared>> -> memref<10000xf32, #tpu.memory_space<vmem_shared>>
      tpu.enqueue_indirect_dma source(%dma_start3A_486 : memref<80xf32, #tpu.memory_space<vmem>>) target(%dma_start3A_488 : memref<10000xf32, #tpu.memory_space<vmem_shared>>) offsets(%arg27 : memref<80xi32, #tpu.memory_space<vmem>>) semaphore(%arg37 : memref<!tpu.dma_semaphore, #tpu.memory_space<semaphore_mem>>) {add = true}
      %dma_wait3A_489 = arith.constant 1600 : i32
      %dma_wait3A_490 = tpu.memref_slice %arg21[%dma_wait3A_489] : memref<2000xf32, #tpu.memory_space<vmem>> -> memref<80xf32, #tpu.memory_space<vmem>>
      %dma_wait3A_491 = arith.constant 0 : i32
      %dma_wait3A_492 = tpu.memref_slice %arg28[%dma_wait3A_491] : memref<10000xf32, #tpu.memory_space<vmem_shared>> -> memref<10000xf32, #tpu.memory_space<vmem_shared>>
      tpu.wait_indirect_dma semaphore(%arg36 : memref<!tpu.dma_semaphore, #tpu.memory_space<semaphore_mem>>) src(%dma_wait3A_490 : memref<80xf32, #tpu.memory_space<vmem>>) dst(%dma_wait3A_492 : memref<10000xf32, #tpu.memory_space<vmem_shared>>)
      %add3A_493 = arith.constant 1760 : i32
      %add3A_494 = arith.addi %add3A_147, %add3A_493 : i32
      %dma_start3A_495 = tpu.memref_slice %arg3[%add3A_494] : memref<320000xi32, #tpu.memory_space<hbm>> -> memref<80xi32, #tpu.memory_space<hbm>>
      %dma_start3A_496 = tpu.memref_slice %arg3[%add3A_494] : memref<320000xi32, #tpu.memory_space<hbm>> -> memref<80xi32, #tpu.memory_space<hbm>>
      tpu.enqueue_dma source(%dma_start3A_496 : memref<80xi32, #tpu.memory_space<hbm>>) target(%arg26 : memref<80xi32, #tpu.memory_space<vmem>>) target_semaphore(%arg34 : memref<!tpu.dma_semaphore, #tpu.memory_space<semaphore_mem>>)
      %add3A_497 = arith.constant 1760 : i32
      %add3A_498 = arith.addi %add3A_147, %add3A_497 : i32
      %dma_wait3A_499 = tpu.memref_slice %arg3[%add3A_498] : memref<320000xi32, #tpu.memory_space<hbm>> -> memref<80xi32, #tpu.memory_space<hbm>>
      %dma_wait3A_500 = tpu.memref_slice %arg3[%add3A_498] : memref<320000xi32, #tpu.memory_space<hbm>> -> memref<80xi32, #tpu.memory_space<hbm>>
      tpu.wait_dma2 semaphore(%arg34 : memref<!tpu.dma_semaphore, #tpu.memory_space<semaphore_mem>>) src(%dma_wait3A_500 : memref<80xi32, #tpu.memory_space<hbm>>) dst(%arg26 : memref<80xi32, #tpu.memory_space<vmem>>)
      %dma_start3A_501 = arith.constant 1760 : i32
      %dma_start3A_502 = tpu.memref_slice %arg21[%dma_start3A_501] : memref<2000xf32, #tpu.memory_space<vmem>> -> memref<80xf32, #tpu.memory_space<vmem>>
      %dma_start3A_503 = arith.constant 0 : i32
      %dma_start3A_504 = tpu.memref_slice %arg28[%dma_start3A_503] : memref<10000xf32, #tpu.memory_space<vmem_shared>> -> memref<10000xf32, #tpu.memory_space<vmem_shared>>
      tpu.enqueue_indirect_dma source(%dma_start3A_502 : memref<80xf32, #tpu.memory_space<vmem>>) target(%dma_start3A_504 : memref<10000xf32, #tpu.memory_space<vmem_shared>>) offsets(%arg26 : memref<80xi32, #tpu.memory_space<vmem>>) semaphore(%arg36 : memref<!tpu.dma_semaphore, #tpu.memory_space<semaphore_mem>>) {add = true}
      %dma_wait3A_505 = arith.constant 1680 : i32
      %dma_wait3A_506 = tpu.memref_slice %arg21[%dma_wait3A_505] : memref<2000xf32, #tpu.memory_space<vmem>> -> memref<80xf32, #tpu.memory_space<vmem>>
      %dma_wait3A_507 = arith.constant 0 : i32
      %dma_wait3A_508 = tpu.memref_slice %arg28[%dma_wait3A_507] : memref<10000xf32, #tpu.memory_space<vmem_shared>> -> memref<10000xf32, #tpu.memory_space<vmem_shared>>
      tpu.wait_indirect_dma semaphore(%arg37 : memref<!tpu.dma_semaphore, #tpu.memory_space<semaphore_mem>>) src(%dma_wait3A_506 : memref<80xf32, #tpu.memory_space<vmem>>) dst(%dma_wait3A_508 : memref<10000xf32, #tpu.memory_space<vmem_shared>>)
      %add3A_509 = arith.constant 1840 : i32
      %add3A_510 = arith.addi %add3A_147, %add3A_509 : i32
      %dma_start3A_511 = tpu.memref_slice %arg3[%add3A_510] : memref<320000xi32, #tpu.memory_space<hbm>> -> memref<80xi32, #tpu.memory_space<hbm>>
      %dma_start3A_512 = tpu.memref_slice %arg3[%add3A_510] : memref<320000xi32, #tpu.memory_space<hbm>> -> memref<80xi32, #tpu.memory_space<hbm>>
      tpu.enqueue_dma source(%dma_start3A_512 : memref<80xi32, #tpu.memory_space<hbm>>) target(%arg27 : memref<80xi32, #tpu.memory_space<vmem>>) target_semaphore(%arg35 : memref<!tpu.dma_semaphore, #tpu.memory_space<semaphore_mem>>)
      %add3A_513 = arith.constant 1840 : i32
      %add3A_514 = arith.addi %add3A_147, %add3A_513 : i32
      %dma_wait3A_515 = tpu.memref_slice %arg3[%add3A_514] : memref<320000xi32, #tpu.memory_space<hbm>> -> memref<80xi32, #tpu.memory_space<hbm>>
      %dma_wait3A_516 = tpu.memref_slice %arg3[%add3A_514] : memref<320000xi32, #tpu.memory_space<hbm>> -> memref<80xi32, #tpu.memory_space<hbm>>
      tpu.wait_dma2 semaphore(%arg35 : memref<!tpu.dma_semaphore, #tpu.memory_space<semaphore_mem>>) src(%dma_wait3A_516 : memref<80xi32, #tpu.memory_space<hbm>>) dst(%arg27 : memref<80xi32, #tpu.memory_space<vmem>>)
      %dma_start3A_517 = arith.constant 1840 : i32
      %dma_start3A_518 = tpu.memref_slice %arg21[%dma_start3A_517] : memref<2000xf32, #tpu.memory_space<vmem>> -> memref<80xf32, #tpu.memory_space<vmem>>
      %dma_start3A_519 = arith.constant 0 : i32
      %dma_start3A_520 = tpu.memref_slice %arg28[%dma_start3A_519] : memref<10000xf32, #tpu.memory_space<vmem_shared>> -> memref<10000xf32, #tpu.memory_space<vmem_shared>>
      tpu.enqueue_indirect_dma source(%dma_start3A_518 : memref<80xf32, #tpu.memory_space<vmem>>) target(%dma_start3A_520 : memref<10000xf32, #tpu.memory_space<vmem_shared>>) offsets(%arg27 : memref<80xi32, #tpu.memory_space<vmem>>) semaphore(%arg37 : memref<!tpu.dma_semaphore, #tpu.memory_space<semaphore_mem>>) {add = true}
      %dma_wait3A_521 = arith.constant 1760 : i32
      %dma_wait3A_522 = tpu.memref_slice %arg21[%dma_wait3A_521] : memref<2000xf32, #tpu.memory_space<vmem>> -> memref<80xf32, #tpu.memory_space<vmem>>
      %dma_wait3A_523 = arith.constant 0 : i32
      %dma_wait3A_524 = tpu.memref_slice %arg28[%dma_wait3A_523] : memref<10000xf32, #tpu.memory_space<vmem_shared>> -> memref<10000xf32, #tpu.memory_space<vmem_shared>>
      tpu.wait_indirect_dma semaphore(%arg36 : memref<!tpu.dma_semaphore, #tpu.memory_space<semaphore_mem>>) src(%dma_wait3A_522 : memref<80xf32, #tpu.memory_space<vmem>>) dst(%dma_wait3A_524 : memref<10000xf32, #tpu.memory_space<vmem_shared>>)
      %add3A_525 = arith.constant 1920 : i32
      %add3A_526 = arith.addi %add3A_147, %add3A_525 : i32
      %dma_start3A_527 = tpu.memref_slice %arg3[%add3A_526] : memref<320000xi32, #tpu.memory_space<hbm>> -> memref<80xi32, #tpu.memory_space<hbm>>
      %dma_start3A_528 = tpu.memref_slice %arg3[%add3A_526] : memref<320000xi32, #tpu.memory_space<hbm>> -> memref<80xi32, #tpu.memory_space<hbm>>
      tpu.enqueue_dma source(%dma_start3A_528 : memref<80xi32, #tpu.memory_space<hbm>>) target(%arg26 : memref<80xi32, #tpu.memory_space<vmem>>) target_semaphore(%arg34 : memref<!tpu.dma_semaphore, #tpu.memory_space<semaphore_mem>>)
      %add3A_529 = arith.constant 1920 : i32
      %add3A_530 = arith.addi %add3A_147, %add3A_529 : i32
      %dma_wait3A_531 = tpu.memref_slice %arg3[%add3A_530] : memref<320000xi32, #tpu.memory_space<hbm>> -> memref<80xi32, #tpu.memory_space<hbm>>
      %dma_wait3A_532 = tpu.memref_slice %arg3[%add3A_530] : memref<320000xi32, #tpu.memory_space<hbm>> -> memref<80xi32, #tpu.memory_space<hbm>>
      tpu.wait_dma2 semaphore(%arg34 : memref<!tpu.dma_semaphore, #tpu.memory_space<semaphore_mem>>) src(%dma_wait3A_532 : memref<80xi32, #tpu.memory_space<hbm>>) dst(%arg26 : memref<80xi32, #tpu.memory_space<vmem>>)
      %dma_start3A_533 = arith.constant 1920 : i32
      %dma_start3A_534 = tpu.memref_slice %arg21[%dma_start3A_533] : memref<2000xf32, #tpu.memory_space<vmem>> -> memref<80xf32, #tpu.memory_space<vmem>>
      %dma_start3A_535 = arith.constant 0 : i32
      %dma_start3A_536 = tpu.memref_slice %arg28[%dma_start3A_535] : memref<10000xf32, #tpu.memory_space<vmem_shared>> -> memref<10000xf32, #tpu.memory_space<vmem_shared>>
      tpu.enqueue_indirect_dma source(%dma_start3A_534 : memref<80xf32, #tpu.memory_space<vmem>>) target(%dma_start3A_536 : memref<10000xf32, #tpu.memory_space<vmem_shared>>) offsets(%arg26 : memref<80xi32, #tpu.memory_space<vmem>>) semaphore(%arg36 : memref<!tpu.dma_semaphore, #tpu.memory_space<semaphore_mem>>) {add = true}
      %dma_wait3A_537 = arith.constant 1840 : i32
      %dma_wait3A_538 = tpu.memref_slice %arg21[%dma_wait3A_537] : memref<2000xf32, #tpu.memory_space<vmem>> -> memref<80xf32, #tpu.memory_space<vmem>>
      %dma_wait3A_539 = arith.constant 0 : i32
      %dma_wait3A_540 = tpu.memref_slice %arg28[%dma_wait3A_539] : memref<10000xf32, #tpu.memory_space<vmem_shared>> -> memref<10000xf32, #tpu.memory_space<vmem_shared>>
      tpu.wait_indirect_dma semaphore(%arg37 : memref<!tpu.dma_semaphore, #tpu.memory_space<semaphore_mem>>) src(%dma_wait3A_538 : memref<80xf32, #tpu.memory_space<vmem>>) dst(%dma_wait3A_540 : memref<10000xf32, #tpu.memory_space<vmem_shared>>)
      %dma_wait3A_541 = arith.constant 1920 : i32
      %dma_wait3A_542 = tpu.memref_slice %arg21[%dma_wait3A_541] : memref<2000xf32, #tpu.memory_space<vmem>> -> memref<80xf32, #tpu.memory_space<vmem>>
      %dma_wait3A_543 = arith.constant 0 : i32
      %dma_wait3A_544 = tpu.memref_slice %arg28[%dma_wait3A_543] : memref<10000xf32, #tpu.memory_space<vmem_shared>> -> memref<10000xf32, #tpu.memory_space<vmem_shared>>
      tpu.wait_indirect_dma semaphore(%arg36 : memref<!tpu.dma_semaphore, #tpu.memory_space<semaphore_mem>>) src(%dma_wait3A_542 : memref<80xf32, #tpu.memory_space<vmem>>) dst(%dma_wait3A_544 : memref<10000xf32, #tpu.memory_space<vmem_shared>>)
      %scan3A_545 = arith.constant 0 : i32
      scf.yield %scan3A_545 : i32
    }
    %scan3A_15 = arith.constant 10 : i32
    %barrier3A_16 = arith.constant 0 : index
    tpu.barrier barrier_id(%barrier3A_16)
    "tpu.region"() ({
      %run_scoped3A = tpu.sem_alloc : memref<!tpu.dma_semaphore, #tpu.memory_space<semaphore_mem>>
      tpu.enqueue_dma source(%arg28 : memref<10000xf32, #tpu.memory_space<vmem_shared>>) target(%arg18 : memref<10000xf32, #tpu.memory_space<vmem>>) target_semaphore(%run_scoped3A : memref<!tpu.dma_semaphore, #tpu.memory_space<semaphore_mem>>)
      tpu.wait_dma2 semaphore(%run_scoped3A : memref<!tpu.dma_semaphore, #tpu.memory_space<semaphore_mem>>) src(%arg28 : memref<10000xf32, #tpu.memory_space<vmem_shared>>) dst(%arg18 : memref<10000xf32, #tpu.memory_space<vmem>>)
      tpu.yield
    }) : () -> ()
    %scan3A_17 = arith.constant 0 : i32
    %scan3A_18 = arith.constant 0 : i32
    %scan3A_19 = arith.constant 625 : i32
    %scan3A_20 = arith.addi %scan3A_18, %scan3A_19 : i32
    %scan3A_21 = arith.constant 1 : i32
    %scan3A_22 = scf.for %scan3A_143 = %scan3A_18 to %scan3A_20 step %scan3A_21 iter_args(%scan3A_144 = %scan3A_17) -> (i32)  : i32 {
      %mul3A_145 = arith.constant 16 : i32
      %mul3A_146 = arith.muli %scan3A_143, %mul3A_145 : i32
      %get3A = arith.index_cast %mul3A_146 : i32 to index
      %get3A_147 = tpu.vector_load %arg18[%get3A] {strides = array<i32>} : memref<10000xf32, #tpu.memory_space<vmem>>, vector<16xf32>,
      %bitcast_convert_type3A = tpu.bitcast %get3A_147 : vector<16xf32> -> vector<16xi32>
      %shift_right_logical3A = arith.constant 1 : i32
      %shift_right_logical3A_148 = vector.broadcast %shift_right_logical3A : i32 to vector<16xi32>
      %shift_right_logical3A_149 = arith.shrui %bitcast_convert_type3A, %shift_right_logical3A_148 : vector<16xi32>
      %sub3A = arith.constant 1597463007 : i32
      %sub3A_150 = vector.broadcast %sub3A : i32 to vector<16xi32>
      %sub3A_151 = arith.subi %sub3A_150, %shift_right_logical3A_149 : vector<16xi32>
      %bitcast_convert_type3A_152 = tpu.bitcast %sub3A_151 : vector<16xi32> -> vector<16xf32>
      %mul3A_153 = arith.constant 5.000000e-01 : f32
      %mul3A_154 = vector.broadcast %mul3A_153 : f32 to vector<16xf32>
      %mul3A_155 = arith.mulf %mul3A_154, %get3A_147 : vector<16xf32>
      %mul3A_156 = arith.mulf %mul3A_155, %bitcast_convert_type3A_152 : vector<16xf32>
      %mul3A_157 = arith.mulf %mul3A_156, %bitcast_convert_type3A_152 : vector<16xf32>
      %sub3A_158 = arith.constant 1.500000e+00 : f32
      %sub3A_159 = vector.broadcast %sub3A_158 : f32 to vector<16xf32>
      %sub3A_160 = arith.subf %sub3A_159, %mul3A_157 : vector<16xf32>
      %mul3A_161 = arith.mulf %bitcast_convert_type3A_152, %sub3A_160 : vector<16xf32>
      %mul3A_162 = arith.constant 5.000000e-01 : f32
      %mul3A_163 = vector.broadcast %mul3A_162 : f32 to vector<16xf32>
      %mul3A_164 = arith.mulf %mul3A_163, %get3A_147 : vector<16xf32>
      %mul3A_165 = arith.mulf %mul3A_164, %mul3A_161 : vector<16xf32>
      %mul3A_166 = arith.mulf %mul3A_165, %mul3A_161 : vector<16xf32>
      %sub3A_167 = arith.constant 1.500000e+00 : f32
      %sub3A_168 = vector.broadcast %sub3A_167 : f32 to vector<16xf32>
      %sub3A_169 = arith.subf %sub3A_168, %mul3A_166 : vector<16xf32>
      %mul3A_170 = arith.mulf %mul3A_161, %sub3A_169 : vector<16xf32>
      %mul3A_171 = arith.constant 5.000000e-01 : f32
      %mul3A_172 = vector.broadcast %mul3A_171 : f32 to vector<16xf32>
      %mul3A_173 = arith.mulf %mul3A_172, %get3A_147 : vector<16xf32>
      %mul3A_174 = arith.mulf %mul3A_173, %mul3A_170 : vector<16xf32>
      %mul3A_175 = arith.mulf %mul3A_174, %mul3A_170 : vector<16xf32>
      %sub3A_176 = arith.constant 1.500000e+00 : f32
      %sub3A_177 = vector.broadcast %sub3A_176 : f32 to vector<16xf32>
      %sub3A_178 = arith.subf %sub3A_177, %mul3A_175 : vector<16xf32>
      %mul3A_179 = arith.mulf %mul3A_170, %sub3A_178 : vector<16xf32>
      %mul3A_180 = arith.constant 5.000000e-01 : f32
      %mul3A_181 = vector.broadcast %mul3A_180 : f32 to vector<16xf32>
      %mul3A_182 = arith.mulf %mul3A_181, %get3A_147 : vector<16xf32>
      %mul3A_183 = arith.mulf %mul3A_182, %mul3A_179 : vector<16xf32>
      %mul3A_184 = arith.mulf %mul3A_183, %mul3A_179 : vector<16xf32>
      %sub3A_185 = arith.constant 1.500000e+00 : f32
      %sub3A_186 = vector.broadcast %sub3A_185 : f32 to vector<16xf32>
      %sub3A_187 = arith.subf %sub3A_186, %mul3A_184 : vector<16xf32>
      %mul3A_188 = arith.mulf %mul3A_179, %sub3A_187 : vector<16xf32>
      %gt3A = arith.constant 0.000000e+00 : f32
      %gt3A_189 = vector.broadcast %gt3A : f32 to vector<16xf32>
      %gt3A_190 = arith.cmpf ogt, %get3A_147, %gt3A_189 : vector<16xf32>
      %jit3A = arith.constant 0.000000e+00 : f32
      %broadcast_in_dim3A_191 = vector.broadcast %jit3A : f32 to vector<16xf32>
      %select_n3A = arith.select %gt3A_190, %mul3A_188, %broadcast_in_dim3A_191 : vector<16xi1>, vector<16xf32>
      %mul3A_192 = arith.constant 16 : i32
      %mul3A_193 = arith.muli %scan3A_143, %mul3A_192 : i32
      %swap3A = arith.index_cast %mul3A_193 : i32 to index
      %swap3A_194 = tpu.vector_load %arg18[%swap3A] {strides = array<i32>} : memref<10000xf32, #tpu.memory_space<vmem>>, vector<16xf32>,
      tpu.vector_store %arg18[%swap3A], %select_n3A {strides = array<i32>} : memref<10000xf32, #tpu.memory_space<vmem>>, vector<16xf32>,
      %scan3A_195 = arith.constant 0 : i32
      scf.yield %scan3A_195 : i32
    }
    %scan3A_23 = arith.constant 625 : i32
    %scan3A_24 = arith.constant 0 : i32
    %scan3A_25 = arith.constant 0 : i32
    %scan3A_26 = arith.constant 10 : i32
    %scan3A_27 = arith.addi %scan3A_25, %scan3A_26 : i32
    %scan3A_28 = arith.constant 1 : i32
    %scan3A_29 = scf.for %scan3A_143 = %scan3A_25 to %scan3A_27 step %scan3A_28 iter_args(%scan3A_144 = %scan3A_24) -> (i32)  : i32 {
      %mul3A_145 = arith.constant 2000 : i32
      %mul3A_146 = arith.muli %scan3A_143, %mul3A_145 : i32
      %add3A_147 = arith.addi %mul3A_9, %mul3A_146 : i32
      "tpu.region"() ({
        %run_scoped3A = tpu.sem_alloc : memref<!tpu.dma_semaphore, #tpu.memory_space<semaphore_mem>>
        %dma_start3A_152 = tpu.memref_slice %arg3[%add3A_147] : memref<320000xi32, #tpu.memory_space<hbm>> -> memref<2000xi32, #tpu.memory_space<hbm>>
        %dma_start3A_153 = tpu.memref_slice %arg3[%add3A_147] : memref<320000xi32, #tpu.memory_space<hbm>> -> memref<2000xi32, #tpu.memory_space<hbm>>
        tpu.enqueue_dma source(%dma_start3A_153 : memref<2000xi32, #tpu.memory_space<hbm>>) target(%arg19 : memref<2000xi32, #tpu.memory_space<vmem>>) target_semaphore(%run_scoped3A : memref<!tpu.dma_semaphore, #tpu.memory_space<semaphore_mem>>)
        %dma_wait3A = tpu.memref_slice %arg3[%add3A_147] : memref<320000xi32, #tpu.memory_space<hbm>> -> memref<2000xi32, #tpu.memory_space<hbm>>
        %dma_wait3A_154 = tpu.memref_slice %arg3[%add3A_147] : memref<320000xi32, #tpu.memory_space<hbm>> -> memref<2000xi32, #tpu.memory_space<hbm>>
        tpu.wait_dma2 semaphore(%run_scoped3A : memref<!tpu.dma_semaphore, #tpu.memory_space<semaphore_mem>>) src(%dma_wait3A_154 : memref<2000xi32, #tpu.memory_space<hbm>>) dst(%arg19 : memref<2000xi32, #tpu.memory_space<vmem>>)
        tpu.yield
      }) : () -> ()
      "tpu.region"() ({
        %run_scoped3A = tpu.sem_alloc : memref<!tpu.dma_semaphore, #tpu.memory_space<semaphore_mem>>
        %dma_start3A_152 = tpu.memref_slice %arg4[%add3A_147] : memref<320000xi32, #tpu.memory_space<hbm>> -> memref<2000xi32, #tpu.memory_space<hbm>>
        %dma_start3A_153 = tpu.memref_slice %arg4[%add3A_147] : memref<320000xi32, #tpu.memory_space<hbm>> -> memref<2000xi32, #tpu.memory_space<hbm>>
        tpu.enqueue_dma source(%dma_start3A_153 : memref<2000xi32, #tpu.memory_space<hbm>>) target(%arg20 : memref<2000xi32, #tpu.memory_space<vmem>>) target_semaphore(%run_scoped3A : memref<!tpu.dma_semaphore, #tpu.memory_space<semaphore_mem>>)
        %dma_wait3A = tpu.memref_slice %arg4[%add3A_147] : memref<320000xi32, #tpu.memory_space<hbm>> -> memref<2000xi32, #tpu.memory_space<hbm>>
        %dma_wait3A_154 = tpu.memref_slice %arg4[%add3A_147] : memref<320000xi32, #tpu.memory_space<hbm>> -> memref<2000xi32, #tpu.memory_space<hbm>>
        tpu.wait_dma2 semaphore(%run_scoped3A : memref<!tpu.dma_semaphore, #tpu.memory_space<semaphore_mem>>) src(%dma_wait3A_154 : memref<2000xi32, #tpu.memory_space<hbm>>) dst(%arg20 : memref<2000xi32, #tpu.memory_space<vmem>>)
        tpu.yield
      }) : () -> ()
      "tpu.region"() ({
        %run_scoped3A = tpu.sem_alloc : memref<!tpu.dma_semaphore, #tpu.memory_space<semaphore_mem>>
        %dma_start3A_152 = tpu.memref_slice %arg5[%add3A_147] : memref<320000xf32, #tpu.memory_space<hbm>> -> memref<2000xf32, #tpu.memory_space<hbm>>
        %dma_start3A_153 = tpu.memref_slice %arg5[%add3A_147] : memref<320000xf32, #tpu.memory_space<hbm>> -> memref<2000xf32, #tpu.memory_space<hbm>>
        tpu.enqueue_dma source(%dma_start3A_153 : memref<2000xf32, #tpu.memory_space<hbm>>) target(%arg21 : memref<2000xf32, #tpu.memory_space<vmem>>) target_semaphore(%run_scoped3A : memref<!tpu.dma_semaphore, #tpu.memory_space<semaphore_mem>>)
        %dma_wait3A = tpu.memref_slice %arg5[%add3A_147] : memref<320000xf32, #tpu.memory_space<hbm>> -> memref<2000xf32, #tpu.memory_space<hbm>>
        %dma_wait3A_154 = tpu.memref_slice %arg5[%add3A_147] : memref<320000xf32, #tpu.memory_space<hbm>> -> memref<2000xf32, #tpu.memory_space<hbm>>
        tpu.wait_dma2 semaphore(%run_scoped3A : memref<!tpu.dma_semaphore, #tpu.memory_space<semaphore_mem>>) src(%dma_wait3A_154 : memref<2000xf32, #tpu.memory_space<hbm>>) dst(%arg21 : memref<2000xf32, #tpu.memory_space<vmem>>)
        tpu.yield
      }) : () -> ()
      %parallel_loop3A_148 = arith.constant 0 : i32
      %parallel_loop3A_149 = arith.constant 125 : i32
      %parallel_loop3A_150 = arith.constant 1 : i32
      scf.for %parallel_loop3A_152 = %parallel_loop3A_148 to %parallel_loop3A_149 step %parallel_loop3A_150  : i32 {
        %parallel_loop3A_153 = arith.constant 16 : i32
        %parallel_loop3A_154 = arith.muli %parallel_loop3A_152, %parallel_loop3A_153 : i32
        %parallel_loop3A_155 = arith.index_cast %parallel_loop3A_154 : i32 to index
        %parallel_loop3A_156 = tpu.vector_load %arg19[%parallel_loop3A_155] {strides = array<i32>} : memref<2000xi32, #tpu.memory_space<vmem>>, vector<16xi32>,
        %parallel_loop3A_157 = arith.index_cast %parallel_loop3A_154 : i32 to index
        %parallel_loop3A_158 = tpu.vector_load %arg20[%parallel_loop3A_157] {strides = array<i32>} : memref<2000xi32, #tpu.memory_space<vmem>>, vector<16xi32>,
        %parallel_loop3A_159 = arith.index_cast %parallel_loop3A_154 : i32 to index
        %parallel_loop3A_160 = tpu.vector_load %arg21[%parallel_loop3A_159] {strides = array<i32>} : memref<2000xf32, #tpu.memory_space<vmem>>, vector<16xf32>,
        %parallel_loop3A_161 = tpu.vector_load_idx %arg18[%parallel_loop3A_156] : memref<10000xf32, #tpu.memory_space<vmem>>[vector<16xi32>], vector<16xf32>,
        %parallel_loop3A_162 = tpu.vector_load_idx %arg18[%parallel_loop3A_158] : memref<10000xf32, #tpu.memory_space<vmem>>[vector<16xi32>], vector<16xf32>,
        %parallel_loop3A_163 = arith.mulf %parallel_loop3A_161, %parallel_loop3A_160 : vector<16xf32>
        %parallel_loop3A_164 = arith.mulf %parallel_loop3A_163, %parallel_loop3A_162 : vector<16xf32>
        %parallel_loop3A_165 = arith.index_cast %parallel_loop3A_154 : i32 to index
        %parallel_loop3A_166 = tpu.vector_load %arg21[%parallel_loop3A_165] {strides = array<i32>} : memref<2000xf32, #tpu.memory_space<vmem>>, vector<16xf32>,
        tpu.vector_store %arg21[%parallel_loop3A_165], %parallel_loop3A_164 {strides = array<i32>} : memref<2000xf32, #tpu.memory_space<vmem>>, vector<16xf32>,
        %parallel_loop3A_167 = arith.constant 16 : i32
        %parallel_loop3A_168 = vector.broadcast %parallel_loop3A_167 : i32 to vector<16xi32>
        %parallel_loop3A_169 = arith.shli %parallel_loop3A_158, %parallel_loop3A_168 : vector<16xi32>
        %parallel_loop3A_170 = arith.ori %parallel_loop3A_156, %parallel_loop3A_169 : vector<16xi32>
        %parallel_loop3A_171 = arith.index_cast %parallel_loop3A_154 : i32 to index
        %parallel_loop3A_172 = tpu.vector_load %arg19[%parallel_loop3A_171] {strides = array<i32>} : memref<2000xi32, #tpu.memory_space<vmem>>, vector<16xi32>,
        tpu.vector_store %arg19[%parallel_loop3A_171], %parallel_loop3A_170 {strides = array<i32>} : memref<2000xi32, #tpu.memory_space<vmem>>, vector<16xi32>,
      } {sc.loop_unroll_factor = 5 : i64, sc.parallel_access}
      "tpu.region"() ({
        %run_scoped3A = tpu.sem_alloc : memref<!tpu.dma_semaphore, #tpu.memory_space<semaphore_mem>>
        %dma_start3A_152 = tpu.memref_slice %arg29[%add3A_147] : memref<320000xf32, #tpu.memory_space<vmem_shared>> -> memref<2000xf32, #tpu.memory_space<vmem_shared>>
        %dma_start3A_153 = tpu.memref_slice %arg29[%add3A_147] : memref<320000xf32, #tpu.memory_space<vmem_shared>> -> memref<2000xf32, #tpu.memory_space<vmem_shared>>
        tpu.enqueue_dma source(%arg21 : memref<2000xf32, #tpu.memory_space<vmem>>) target(%dma_start3A_153 : memref<2000xf32, #tpu.memory_space<vmem_shared>>) target_semaphore(%run_scoped3A : memref<!tpu.dma_semaphore, #tpu.memory_space<semaphore_mem>>)
        %dma_wait3A = tpu.memref_slice %arg29[%add3A_147] : memref<320000xf32, #tpu.memory_space<vmem_shared>> -> memref<2000xf32, #tpu.memory_space<vmem_shared>>
        %dma_wait3A_154 = tpu.memref_slice %arg29[%add3A_147] : memref<320000xf32, #tpu.memory_space<vmem_shared>> -> memref<2000xf32, #tpu.memory_space<vmem_shared>>
        tpu.wait_dma2 semaphore(%run_scoped3A : memref<!tpu.dma_semaphore, #tpu.memory_space<semaphore_mem>>) src(%arg21 : memref<2000xf32, #tpu.memory_space<vmem>>) dst(%dma_wait3A_154 : memref<2000xf32, #tpu.memory_space<vmem_shared>>)
        tpu.yield
      }) : () -> ()
      "tpu.region"() ({
        %run_scoped3A = tpu.sem_alloc : memref<!tpu.dma_semaphore, #tpu.memory_space<semaphore_mem>>
        %dma_start3A_152 = tpu.memref_slice %arg9[%add3A_147] : memref<320000xi32, #tpu.memory_space<hbm>> -> memref<2000xi32, #tpu.memory_space<hbm>>
        %dma_start3A_153 = tpu.memref_slice %arg9[%add3A_147] : memref<320000xi32, #tpu.memory_space<hbm>> -> memref<2000xi32, #tpu.memory_space<hbm>>
        tpu.enqueue_dma source(%arg19 : memref<2000xi32, #tpu.memory_space<vmem>>) target(%dma_start3A_153 : memref<2000xi32, #tpu.memory_space<hbm>>) target_semaphore(%run_scoped3A : memref<!tpu.dma_semaphore, #tpu.memory_space<semaphore_mem>>)
        %dma_wait3A = tpu.memref_slice %arg9[%add3A_147] : memref<320000xi32, #tpu.memory_space<hbm>> -> memref<2000xi32, #tpu.memory_space<hbm>>
        %dma_wait3A_154 = tpu.memref_slice %arg9[%add3A_147] : memref<320000xi32, #tpu.memory_space<hbm>> -> memref<2000xi32, #tpu.memory_space<hbm>>
        tpu.wait_dma2 semaphore(%run_scoped3A : memref<!tpu.dma_semaphore, #tpu.memory_space<semaphore_mem>>) src(%arg19 : memref<2000xi32, #tpu.memory_space<vmem>>) dst(%dma_wait3A_154 : memref<2000xi32, #tpu.memory_space<hbm>>)
        tpu.yield
      }) : () -> ()
      %scan3A_151 = arith.constant 0 : i32
      scf.yield %scan3A_151 : i32
    }
    %scan3A_30 = arith.constant 10 : i32
    %barrier3A_31 = arith.constant 0 : index
    tpu.barrier barrier_id(%barrier3A_31)
    %add3A_32 = arith.constant 0 : i32
    %add3A_33 = arith.addi %mul3A_2, %add3A_32 : i32
    "tpu.region"() ({
      %run_scoped3A = tpu.sem_alloc : memref<!tpu.dma_semaphore, #tpu.memory_space<semaphore_mem>>
      %dma_start3A_143 = arith.constant 0 : i32
      %dma_start3A_144 = arith.constant 0 : i32
      %dma_start3A_145 = tpu.memref_slice %arg2[%add3A_33, %dma_start3A_143, %dma_start3A_144] : memref<128x1x10000xf32, #tpu.memory_space<hbm>> -> memref<1x1x10000xf32, #tpu.memory_space<hbm>>
      %dma_start3A_146 = tpu.memref_squeeze %dma_start3A_145 : memref<1x1x10000xf32, #tpu.memory_space<hbm>> -> memref<1x10000xf32, #tpu.memory_space<hbm>>
      %dma_start3A_147 = arith.constant 0 : i32
      %dma_start3A_148 = arith.constant 0 : i32
      %dma_start3A_149 = tpu.memref_slice %arg2[%add3A_33, %dma_start3A_147, %dma_start3A_148] : memref<128x1x10000xf32, #tpu.memory_space<hbm>> -> memref<1x1x10000xf32, #tpu.memory_space<hbm>>
      %dma_start3A_150 = tpu.memref_squeeze %dma_start3A_149 : memref<1x1x10000xf32, #tpu.memory_space<hbm>> -> memref<1x10000xf32, #tpu.memory_space<hbm>>
      tpu.enqueue_dma source(%dma_start3A_150 : memref<1x10000xf32, #tpu.memory_space<hbm>>) target(%arg10 : memref<1x10000xf32, #tpu.memory_space<vmem>>) target_semaphore(%run_scoped3A : memref<!tpu.dma_semaphore, #tpu.memory_space<semaphore_mem>>)
      %dma_wait3A = arith.constant 0 : i32
      %dma_wait3A_151 = arith.constant 0 : i32
      %dma_wait3A_152 = tpu.memref_slice %arg2[%add3A_33, %dma_wait3A, %dma_wait3A_151] : memref<128x1x10000xf32, #tpu.memory_space<hbm>> -> memref<1x1x10000xf32, #tpu.memory_space<hbm>>
      %dma_wait3A_153 = tpu.memref_squeeze %dma_wait3A_152 : memref<1x1x10000xf32, #tpu.memory_space<hbm>> -> memref<1x10000xf32, #tpu.memory_space<hbm>>
      %dma_wait3A_154 = arith.constant 0 : i32
      %dma_wait3A_155 = arith.constant 0 : i32
      %dma_wait3A_156 = tpu.memref_slice %arg2[%add3A_33, %dma_wait3A_154, %dma_wait3A_155] : memref<128x1x10000xf32, #tpu.memory_space<hbm>> -> memref<1x1x10000xf32, #tpu.memory_space<hbm>>
      %dma_wait3A_157 = tpu.memref_squeeze %dma_wait3A_156 : memref<1x1x10000xf32, #tpu.memory_space<hbm>> -> memref<1x10000xf32, #tpu.memory_space<hbm>>
      tpu.wait_dma2 semaphore(%run_scoped3A : memref<!tpu.dma_semaphore, #tpu.memory_space<semaphore_mem>>) src(%dma_wait3A_157 : memref<1x10000xf32, #tpu.memory_space<hbm>>) dst(%arg10 : memref<1x10000xf32, #tpu.memory_space<vmem>>)
      tpu.yield
    }) : () -> ()
    %add3A_34 = arith.constant 1 : i32
    %add3A_35 = arith.addi %mul3A_2, %add3A_34 : i32
    "tpu.region"() ({
      %run_scoped3A = tpu.sem_alloc : memref<!tpu.dma_semaphore, #tpu.memory_space<semaphore_mem>>
      %dma_start3A_143 = arith.constant 0 : i32
      %dma_start3A_144 = arith.constant 0 : i32
      %dma_start3A_145 = tpu.memref_slice %arg2[%add3A_35, %dma_start3A_143, %dma_start3A_144] : memref<128x1x10000xf32, #tpu.memory_space<hbm>> -> memref<1x1x10000xf32, #tpu.memory_space<hbm>>
      %dma_start3A_146 = tpu.memref_squeeze %dma_start3A_145 : memref<1x1x10000xf32, #tpu.memory_space<hbm>> -> memref<1x10000xf32, #tpu.memory_space<hbm>>
      %dma_start3A_147 = arith.constant 0 : i32
      %dma_start3A_148 = arith.constant 0 : i32
      %dma_start3A_149 = tpu.memref_slice %arg2[%add3A_35, %dma_start3A_147, %dma_start3A_148] : memref<128x1x10000xf32, #tpu.memory_space<hbm>> -> memref<1x1x10000xf32, #tpu.memory_space<hbm>>
      %dma_start3A_150 = tpu.memref_squeeze %dma_start3A_149 : memref<1x1x10000xf32, #tpu.memory_space<hbm>> -> memref<1x10000xf32, #tpu.memory_space<hbm>>
      tpu.enqueue_dma source(%dma_start3A_150 : memref<1x10000xf32, #tpu.memory_space<hbm>>) target(%arg11 : memref<1x10000xf32, #tpu.memory_space<vmem>>) target_semaphore(%run_scoped3A : memref<!tpu.dma_semaphore, #tpu.memory_space<semaphore_mem>>)
      %dma_wait3A = arith.constant 0 : i32
      %dma_wait3A_151 = arith.constant 0 : i32
      %dma_wait3A_152 = tpu.memref_slice %arg2[%add3A_35, %dma_wait3A, %dma_wait3A_151] : memref<128x1x10000xf32, #tpu.memory_space<hbm>> -> memref<1x1x10000xf32, #tpu.memory_space<hbm>>
      %dma_wait3A_153 = tpu.memref_squeeze %dma_wait3A_152 : memref<1x1x10000xf32, #tpu.memory_space<hbm>> -> memref<1x10000xf32, #tpu.memory_space<hbm>>
      %dma_wait3A_154 = arith.constant 0 : i32
      %dma_wait3A_155 = arith.constant 0 : i32
      %dma_wait3A_156 = tpu.memref_slice %arg2[%add3A_35, %dma_wait3A_154, %dma_wait3A_155] : memref<128x1x10000xf32, #tpu.memory_space<hbm>> -> memref<1x1x10000xf32, #tpu.memory_space<hbm>>
      %dma_wait3A_157 = tpu.memref_squeeze %dma_wait3A_156 : memref<1x1x10000xf32, #tpu.memory_space<hbm>> -> memref<1x10000xf32, #tpu.memory_space<hbm>>
      tpu.wait_dma2 semaphore(%run_scoped3A : memref<!tpu.dma_semaphore, #tpu.memory_space<semaphore_mem>>) src(%dma_wait3A_157 : memref<1x10000xf32, #tpu.memory_space<hbm>>) dst(%arg11 : memref<1x10000xf32, #tpu.memory_space<vmem>>)
      tpu.yield
    }) : () -> ()
    %add3A_36 = arith.constant 2 : i32
    %add3A_37 = arith.addi %mul3A_2, %add3A_36 : i32
    "tpu.region"() ({
      %run_scoped3A = tpu.sem_alloc : memref<!tpu.dma_semaphore, #tpu.memory_space<semaphore_mem>>
      %dma_start3A_143 = arith.constant 0 : i32
      %dma_start3A_144 = arith.constant 0 : i32
      %dma_start3A_145 = tpu.memref_slice %arg2[%add3A_37, %dma_start3A_143, %dma_start3A_144] : memref<128x1x10000xf32, #tpu.memory_space<hbm>> -> memref<1x1x10000xf32, #tpu.memory_space<hbm>>
      %dma_start3A_146 = tpu.memref_squeeze %dma_start3A_145 : memref<1x1x10000xf32, #tpu.memory_space<hbm>> -> memref<1x10000xf32, #tpu.memory_space<hbm>>
      %dma_start3A_147 = arith.constant 0 : i32
      %dma_start3A_148 = arith.constant 0 : i32
      %dma_start3A_149 = tpu.memref_slice %arg2[%add3A_37, %dma_start3A_147, %dma_start3A_148] : memref<128x1x10000xf32, #tpu.memory_space<hbm>> -> memref<1x1x10000xf32, #tpu.memory_space<hbm>>
      %dma_start3A_150 = tpu.memref_squeeze %dma_start3A_149 : memref<1x1x10000xf32, #tpu.memory_space<hbm>> -> memref<1x10000xf32, #tpu.memory_space<hbm>>
      tpu.enqueue_dma source(%dma_start3A_150 : memref<1x10000xf32, #tpu.memory_space<hbm>>) target(%arg12 : memref<1x10000xf32, #tpu.memory_space<vmem>>) target_semaphore(%run_scoped3A : memref<!tpu.dma_semaphore, #tpu.memory_space<semaphore_mem>>)
      %dma_wait3A = arith.constant 0 : i32
      %dma_wait3A_151 = arith.constant 0 : i32
      %dma_wait3A_152 = tpu.memref_slice %arg2[%add3A_37, %dma_wait3A, %dma_wait3A_151] : memref<128x1x10000xf32, #tpu.memory_space<hbm>> -> memref<1x1x10000xf32, #tpu.memory_space<hbm>>
      %dma_wait3A_153 = tpu.memref_squeeze %dma_wait3A_152 : memref<1x1x10000xf32, #tpu.memory_space<hbm>> -> memref<1x10000xf32, #tpu.memory_space<hbm>>
      %dma_wait3A_154 = arith.constant 0 : i32
      %dma_wait3A_155 = arith.constant 0 : i32
      %dma_wait3A_156 = tpu.memref_slice %arg2[%add3A_37, %dma_wait3A_154, %dma_wait3A_155] : memref<128x1x10000xf32, #tpu.memory_space<hbm>> -> memref<1x1x10000xf32, #tpu.memory_space<hbm>>
      %dma_wait3A_157 = tpu.memref_squeeze %dma_wait3A_156 : memref<1x1x10000xf32, #tpu.memory_space<hbm>> -> memref<1x10000xf32, #tpu.memory_space<hbm>>
      tpu.wait_dma2 semaphore(%run_scoped3A : memref<!tpu.dma_semaphore, #tpu.memory_space<semaphore_mem>>) src(%dma_wait3A_157 : memref<1x10000xf32, #tpu.memory_space<hbm>>) dst(%arg12 : memref<1x10000xf32, #tpu.memory_space<vmem>>)
      tpu.yield
    }) : () -> ()
    %add3A_38 = arith.constant 3 : i32
    %add3A_39 = arith.addi %mul3A_2, %add3A_38 : i32
    "tpu.region"() ({
      %run_scoped3A = tpu.sem_alloc : memref<!tpu.dma_semaphore, #tpu.memory_space<semaphore_mem>>
      %dma_start3A_143 = arith.constant 0 : i32
      %dma_start3A_144 = arith.constant 0 : i32
      %dma_start3A_145 = tpu.memref_slice %arg2[%add3A_39, %dma_start3A_143, %dma_start3A_144] : memref<128x1x10000xf32, #tpu.memory_space<hbm>> -> memref<1x1x10000xf32, #tpu.memory_space<hbm>>
      %dma_start3A_146 = tpu.memref_squeeze %dma_start3A_145 : memref<1x1x10000xf32, #tpu.memory_space<hbm>> -> memref<1x10000xf32, #tpu.memory_space<hbm>>
      %dma_start3A_147 = arith.constant 0 : i32
      %dma_start3A_148 = arith.constant 0 : i32
      %dma_start3A_149 = tpu.memref_slice %arg2[%add3A_39, %dma_start3A_147, %dma_start3A_148] : memref<128x1x10000xf32, #tpu.memory_space<hbm>> -> memref<1x1x10000xf32, #tpu.memory_space<hbm>>
      %dma_start3A_150 = tpu.memref_squeeze %dma_start3A_149 : memref<1x1x10000xf32, #tpu.memory_space<hbm>> -> memref<1x10000xf32, #tpu.memory_space<hbm>>
      tpu.enqueue_dma source(%dma_start3A_150 : memref<1x10000xf32, #tpu.memory_space<hbm>>) target(%arg13 : memref<1x10000xf32, #tpu.memory_space<vmem>>) target_semaphore(%run_scoped3A : memref<!tpu.dma_semaphore, #tpu.memory_space<semaphore_mem>>)
      %dma_wait3A = arith.constant 0 : i32
      %dma_wait3A_151 = arith.constant 0 : i32
      %dma_wait3A_152 = tpu.memref_slice %arg2[%add3A_39, %dma_wait3A, %dma_wait3A_151] : memref<128x1x10000xf32, #tpu.memory_space<hbm>> -> memref<1x1x10000xf32, #tpu.memory_space<hbm>>
      %dma_wait3A_153 = tpu.memref_squeeze %dma_wait3A_152 : memref<1x1x10000xf32, #tpu.memory_space<hbm>> -> memref<1x10000xf32, #tpu.memory_space<hbm>>
      %dma_wait3A_154 = arith.constant 0 : i32
      %dma_wait3A_155 = arith.constant 0 : i32
      %dma_wait3A_156 = tpu.memref_slice %arg2[%add3A_39, %dma_wait3A_154, %dma_wait3A_155] : memref<128x1x10000xf32, #tpu.memory_space<hbm>> -> memref<1x1x10000xf32, #tpu.memory_space<hbm>>
      %dma_wait3A_157 = tpu.memref_squeeze %dma_wait3A_156 : memref<1x1x10000xf32, #tpu.memory_space<hbm>> -> memref<1x10000xf32, #tpu.memory_space<hbm>>
      tpu.wait_dma2 semaphore(%run_scoped3A : memref<!tpu.dma_semaphore, #tpu.memory_space<semaphore_mem>>) src(%dma_wait3A_157 : memref<1x10000xf32, #tpu.memory_space<hbm>>) dst(%arg13 : memref<1x10000xf32, #tpu.memory_space<vmem>>)
      tpu.yield
    }) : () -> ()
    %broadcast_in_dim3A_40 = arith.constant 65535 : i32
    %broadcast_in_dim3A_41 = vector.broadcast %broadcast_in_dim3A_40 : i32 to vector<16xi32>
    %parallel_loop3A_42 = arith.constant 0 : i32
    %parallel_loop3A_43 = arith.constant 625 : i32
    %parallel_loop3A_44 = arith.constant 1 : i32
    scf.for %parallel_loop3A_143 = %parallel_loop3A_42 to %parallel_loop3A_43 step %parallel_loop3A_44  : i32 {
      %parallel_loop3A_144 = arith.constant 16 : i32
      %parallel_loop3A_145 = arith.muli %parallel_loop3A_143, %parallel_loop3A_144 : i32
      %parallel_loop3A_146 = arith.constant 0 : i32
      %parallel_loop3A_147 = arith.index_cast %parallel_loop3A_146 : i32 to index
      %parallel_loop3A_148 = arith.index_cast %parallel_loop3A_145 : i32 to index
      %parallel_loop3A_149 = tpu.vector_load %arg10[%parallel_loop3A_147, %parallel_loop3A_148] {strides = array<i32>} : memref<1x10000xf32, #tpu.memory_space<vmem>>, vector<16xf32>,
      %parallel_loop3A_150 = arith.constant 16 : i32
      %parallel_loop3A_151 = arith.muli %parallel_loop3A_143, %parallel_loop3A_150 : i32
      %parallel_loop3A_152 = arith.constant 0 : i32
      %parallel_loop3A_153 = arith.index_cast %parallel_loop3A_152 : i32 to index
      %parallel_loop3A_154 = arith.index_cast %parallel_loop3A_151 : i32 to index
      %parallel_loop3A_155 = tpu.vector_load %arg14[%parallel_loop3A_153, %parallel_loop3A_154] {strides = array<i32>} : memref<1x10000xf32, #tpu.memory_space<vmem>>, vector<16xf32>,
      tpu.vector_store %arg14[%parallel_loop3A_153, %parallel_loop3A_154], %parallel_loop3A_149 {strides = array<i32>} : memref<1x10000xf32, #tpu.memory_space<vmem>>, vector<16xf32>,
      %parallel_loop3A_156 = arith.constant 16 : i32
      %parallel_loop3A_157 = arith.muli %parallel_loop3A_143, %parallel_loop3A_156 : i32
      %parallel_loop3A_158 = arith.constant 0 : i32
      %parallel_loop3A_159 = arith.index_cast %parallel_loop3A_158 : i32 to index
      %parallel_loop3A_160 = arith.index_cast %parallel_loop3A_157 : i32 to index
      %parallel_loop3A_161 = tpu.vector_load %arg11[%parallel_loop3A_159, %parallel_loop3A_160] {strides = array<i32>} : memref<1x10000xf32, #tpu.memory_space<vmem>>, vector<16xf32>,
      %parallel_loop3A_162 = arith.constant 16 : i32
      %parallel_loop3A_163 = arith.muli %parallel_loop3A_143, %parallel_loop3A_162 : i32
      %parallel_loop3A_164 = arith.constant 0 : i32
      %parallel_loop3A_165 = arith.index_cast %parallel_loop3A_164 : i32 to index
      %parallel_loop3A_166 = arith.index_cast %parallel_loop3A_163 : i32 to index
      %parallel_loop3A_167 = tpu.vector_load %arg15[%parallel_loop3A_165, %parallel_loop3A_166] {strides = array<i32>} : memref<1x10000xf32, #tpu.memory_space<vmem>>, vector<16xf32>,
      tpu.vector_store %arg15[%parallel_loop3A_165, %parallel_loop3A_166], %parallel_loop3A_161 {strides = array<i32>} : memref<1x10000xf32, #tpu.memory_space<vmem>>, vector<16xf32>,
      %parallel_loop3A_168 = arith.constant 16 : i32
      %parallel_loop3A_169 = arith.muli %parallel_loop3A_143, %parallel_loop3A_168 : i32
      %parallel_loop3A_170 = arith.constant 0 : i32
      %parallel_loop3A_171 = arith.index_cast %parallel_loop3A_170 : i32 to index
      %parallel_loop3A_172 = arith.index_cast %parallel_loop3A_169 : i32 to index
      %parallel_loop3A_173 = tpu.vector_load %arg12[%parallel_loop3A_171, %parallel_loop3A_172] {strides = array<i32>} : memref<1x10000xf32, #tpu.memory_space<vmem>>, vector<16xf32>,
      %parallel_loop3A_174 = arith.constant 16 : i32
      %parallel_loop3A_175 = arith.muli %parallel_loop3A_143, %parallel_loop3A_174 : i32
      %parallel_loop3A_176 = arith.constant 0 : i32
      %parallel_loop3A_177 = arith.index_cast %parallel_loop3A_176 : i32 to index
      %parallel_loop3A_178 = arith.index_cast %parallel_loop3A_175 : i32 to index
      %parallel_loop3A_179 = tpu.vector_load %arg16[%parallel_loop3A_177, %parallel_loop3A_178] {strides = array<i32>} : memref<1x10000xf32, #tpu.memory_space<vmem>>, vector<16xf32>,
      tpu.vector_store %arg16[%parallel_loop3A_177, %parallel_loop3A_178], %parallel_loop3A_173 {strides = array<i32>} : memref<1x10000xf32, #tpu.memory_space<vmem>>, vector<16xf32>,
      %parallel_loop3A_180 = arith.constant 16 : i32
      %parallel_loop3A_181 = arith.muli %parallel_loop3A_143, %parallel_loop3A_180 : i32
      %parallel_loop3A_182 = arith.constant 0 : i32
      %parallel_loop3A_183 = arith.index_cast %parallel_loop3A_182 : i32 to index
      %parallel_loop3A_184 = arith.index_cast %parallel_loop3A_181 : i32 to index
      %parallel_loop3A_185 = tpu.vector_load %arg13[%parallel_loop3A_183, %parallel_loop3A_184] {strides = array<i32>} : memref<1x10000xf32, #tpu.memory_space<vmem>>, vector<16xf32>,
      %parallel_loop3A_186 = arith.constant 16 : i32
      %parallel_loop3A_187 = arith.muli %parallel_loop3A_143, %parallel_loop3A_186 : i32
      %parallel_loop3A_188 = arith.constant 0 : i32
      %parallel_loop3A_189 = arith.index_cast %parallel_loop3A_188 : i32 to index
      %parallel_loop3A_190 = arith.index_cast %parallel_loop3A_187 : i32 to index
      %parallel_loop3A_191 = tpu.vector_load %arg17[%parallel_loop3A_189, %parallel_loop3A_190] {strides = array<i32>} : memref<1x10000xf32, #tpu.memory_space<vmem>>, vector<16xf32>,
      tpu.vector_store %arg17[%parallel_loop3A_189, %parallel_loop3A_190], %parallel_loop3A_185 {strides = array<i32>} : memref<1x10000xf32, #tpu.memory_space<vmem>>, vector<16xf32>,
    } {sc.loop_unroll_factor = 10 : i64, sc.parallel_access}
    %dma_start3A = arith.constant 0 : i32
    %dma_start3A_45 = tpu.memref_slice %arg9[%dma_start3A] : memref<320000xi32, #tpu.memory_space<hbm>> -> memref<3200xi32, #tpu.memory_space<hbm>>
    %dma_start3A_46 = arith.constant 0 : i32
    %dma_start3A_47 = tpu.memref_slice %arg9[%dma_start3A_46] : memref<320000xi32, #tpu.memory_space<hbm>> -> memref<3200xi32, #tpu.memory_space<hbm>>
    tpu.enqueue_dma source(%dma_start3A_47 : memref<3200xi32, #tpu.memory_space<hbm>>) target(%arg22 : memref<3200xi32, #tpu.memory_space<vmem>>) target_semaphore(%arg30 : memref<!tpu.dma_semaphore, #tpu.memory_space<semaphore_mem>>)
    %dma_start3A_48 = arith.constant 0 : i32
    %dma_start3A_49 = tpu.memref_slice %arg29[%dma_start3A_48] : memref<320000xf32, #tpu.memory_space<vmem_shared>> -> memref<3200xf32, #tpu.memory_space<vmem_shared>>
    %dma_start3A_50 = arith.constant 0 : i32
    %dma_start3A_51 = tpu.memref_slice %arg29[%dma_start3A_50] : memref<320000xf32, #tpu.memory_space<vmem_shared>> -> memref<3200xf32, #tpu.memory_space<vmem_shared>>
    tpu.enqueue_dma source(%dma_start3A_51 : memref<3200xf32, #tpu.memory_space<vmem_shared>>) target(%arg24 : memref<3200xf32, #tpu.memory_space<vmem>>) target_semaphore(%arg32 : memref<!tpu.dma_semaphore, #tpu.memory_space<semaphore_mem>>)
    %scan3A_52 = arith.constant 0 : i32
    %scan3A_53 = arith.constant 0 : i32
    %scan3A_54 = arith.constant 0 : i32
    %scan3A_55 = arith.constant 0 : i32
    %scan3A_56 = arith.constant 0 : i32
    %scan3A_57 = arith.constant 0 : i32
    %scan3A_58 = arith.constant 0 : i32
    %scan3A_59 = arith.constant 0 : i32
    %scan3A_60 = arith.constant 0 : i32
    %scan3A_61 = arith.constant 0 : i32
    %scan3A_62 = arith.constant 50 : i32
    %scan3A_63 = arith.addi %scan3A_61, %scan3A_62 : i32
    %scan3A_64 = arith.constant 1 : i32
    %scan3A_65 = scf.for %scan3A_143 = %scan3A_61 to %scan3A_63 step %scan3A_64 iter_args(%scan3A_144 = %scan3A_60) -> (i32)  : i32 {
      %mul3A_145 = arith.constant 2 : i32
      %mul3A_146 = arith.muli %scan3A_143, %mul3A_145 : i32
      %add3A_147 = arith.constant 0 : i32
      %add3A_148 = arith.addi %mul3A_146, %add3A_147 : i32
      %add3A_149 = arith.constant 1 : i32
      %add3A_150 = arith.addi %add3A_148, %add3A_149 : i32
      %lt3A = arith.constant 100 : i32
      %lt3A_151 = arith.cmpi slt, %add3A_150, %lt3A : i32
      %convert_element_type3A_152 = arith.extui %lt3A_151 : i1 to i32
      %cond3A_153 = arith.constant 0 : i32
      %cond3A_154 = arith.cmpi ne, %convert_element_type3A_152, %cond3A_153 : i32
      scf.if %cond3A_154 {
        %add3A_188 = arith.constant 1 : i32
        %add3A_189 = arith.addi %add3A_148, %add3A_188 : i32
        %mul3A_190 = arith.constant 3200 : i32
        %mul3A_191 = arith.muli %add3A_189, %mul3A_190 : i32
        %dma_start3A_192 = tpu.memref_slice %arg9[%mul3A_191] : memref<320000xi32, #tpu.memory_space<hbm>> -> memref<3200xi32, #tpu.memory_space<hbm>>
        %dma_start3A_193 = tpu.memref_slice %arg9[%mul3A_191] : memref<320000xi32, #tpu.memory_space<hbm>> -> memref<3200xi32, #tpu.memory_space<hbm>>
        tpu.enqueue_dma source(%dma_start3A_193 : memref<3200xi32, #tpu.memory_space<hbm>>) target(%arg23 : memref<3200xi32, #tpu.memory_space<vmem>>) target_semaphore(%arg31 : memref<!tpu.dma_semaphore, #tpu.memory_space<semaphore_mem>>)
        %mul3A_194 = arith.constant 3200 : i32
        %mul3A_195 = arith.muli %add3A_189, %mul3A_194 : i32
        %dma_start3A_196 = tpu.memref_slice %arg29[%mul3A_195] : memref<320000xf32, #tpu.memory_space<vmem_shared>> -> memref<3200xf32, #tpu.memory_space<vmem_shared>>
        %dma_start3A_197 = tpu.memref_slice %arg29[%mul3A_195] : memref<320000xf32, #tpu.memory_space<vmem_shared>> -> memref<3200xf32, #tpu.memory_space<vmem_shared>>
        tpu.enqueue_dma source(%dma_start3A_197 : memref<3200xf32, #tpu.memory_space<vmem_shared>>) target(%arg25 : memref<3200xf32, #tpu.memory_space<vmem>>) target_semaphore(%arg33 : memref<!tpu.dma_semaphore, #tpu.memory_space<semaphore_mem>>)
      } else {
      }
      %mul3A_155 = arith.constant 3200 : i32
      %mul3A_156 = arith.muli %add3A_148, %mul3A_155 : i32
      %dma_wait3A = tpu.memref_slice %arg9[%mul3A_156] : memref<320000xi32, #tpu.memory_space<hbm>> -> memref<3200xi32, #tpu.memory_space<hbm>>
      %dma_wait3A_157 = tpu.memref_slice %arg9[%mul3A_156] : memref<320000xi32, #tpu.memory_space<hbm>> -> memref<3200xi32, #tpu.memory_space<hbm>>
      tpu.wait_dma2 semaphore(%arg30 : memref<!tpu.dma_semaphore, #tpu.memory_space<semaphore_mem>>) src(%dma_wait3A_157 : memref<3200xi32, #tpu.memory_space<hbm>>) dst(%arg22 : memref<3200xi32, #tpu.memory_space<vmem>>)
      %mul3A_158 = arith.constant 3200 : i32
      %mul3A_159 = arith.muli %add3A_148, %mul3A_158 : i32
      %dma_wait3A_160 = tpu.memref_slice %arg29[%mul3A_159] : memref<320000xf32, #tpu.memory_space<vmem_shared>> -> memref<3200xf32, #tpu.memory_space<vmem_shared>>
      %dma_wait3A_161 = tpu.memref_slice %arg29[%mul3A_159] : memref<320000xf32, #tpu.memory_space<vmem_shared>> -> memref<3200xf32, #tpu.memory_space<vmem_shared>>
      tpu.wait_dma2 semaphore(%arg32 : memref<!tpu.dma_semaphore, #tpu.memory_space<semaphore_mem>>) src(%dma_wait3A_161 : memref<3200xf32, #tpu.memory_space<vmem_shared>>) dst(%arg24 : memref<3200xf32, #tpu.memory_space<vmem>>)
      %parallel_loop3A_162 = arith.constant 0 : i32
      %parallel_loop3A_163 = arith.constant 200 : i32
      %parallel_loop3A_164 = arith.constant 1 : i32
      scf.for %parallel_loop3A_188 = %parallel_loop3A_162 to %parallel_loop3A_163 step %parallel_loop3A_164  : i32 {
        %parallel_loop3A_189 = arith.constant 16 : i32
        %parallel_loop3A_190 = arith.muli %parallel_loop3A_188, %parallel_loop3A_189 : i32
        %parallel_loop3A_191 = arith.index_cast %parallel_loop3A_190 : i32 to index
        %parallel_loop3A_192 = tpu.vector_load %arg22[%parallel_loop3A_191] {strides = array<i32>} : memref<3200xi32, #tpu.memory_space<vmem>>, vector<16xi32>,
        %parallel_loop3A_193 = arith.index_cast %parallel_loop3A_190 : i32 to index
        %parallel_loop3A_194 = tpu.vector_load %arg24[%parallel_loop3A_193] {strides = array<i32>} : memref<3200xf32, #tpu.memory_space<vmem>>, vector<16xf32>,
        %parallel_loop3A_195 = arith.andi %parallel_loop3A_192, %broadcast_in_dim3A_41 : vector<16xi32>
        %parallel_loop3A_196 = arith.constant 16 : i32
        %parallel_loop3A_197 = vector.broadcast %parallel_loop3A_196 : i32 to vector<16xi32>
        %parallel_loop3A_198 = arith.shrui %parallel_loop3A_192, %parallel_loop3A_197 : vector<16xi32>
        %parallel_loop3A_199 = arith.constant 0 : i32
        %parallel_loop3A_200 = tpu.memref_slice %arg10[%scan3A_52, %parallel_loop3A_199] : memref<1x10000xf32, #tpu.memory_space<vmem>> -> memref<1x10000xf32, #tpu.memory_space<vmem>>
        %parallel_loop3A_201 = tpu.memref_squeeze %parallel_loop3A_200 : memref<1x10000xf32, #tpu.memory_space<vmem>> -> memref<10000xf32, #tpu.memory_space<vmem>>
        %parallel_loop3A_202 = tpu.vector_load_idx %parallel_loop3A_201[%parallel_loop3A_195] : memref<10000xf32, #tpu.memory_space<vmem>>[vector<16xi32>], vector<16xf32>,
        %parallel_loop3A_203 = arith.mulf %parallel_loop3A_202, %parallel_loop3A_194 : vector<16xf32>
        %parallel_loop3A_204 = arith.constant 0 : i32
        %parallel_loop3A_205 = tpu.memref_slice %arg14[%scan3A_53, %parallel_loop3A_204] : memref<1x10000xf32, #tpu.memory_space<vmem>> -> memref<1x10000xf32, #tpu.memory_space<vmem>>
        %parallel_loop3A_206 = tpu.memref_squeeze %parallel_loop3A_205 : memref<1x10000xf32, #tpu.memory_space<vmem>> -> memref<10000xf32, #tpu.memory_space<vmem>>
        tpu.vector_store_idx %parallel_loop3A_206[%parallel_loop3A_198], %parallel_loop3A_203 {add = true} : memref<10000xf32, #tpu.memory_space<vmem>>[vector<16xi32>], vector<16xf32>,
        %parallel_loop3A_207 = arith.constant 0 : i32
        %parallel_loop3A_208 = tpu.memref_slice %arg11[%scan3A_54, %parallel_loop3A_207] : memref<1x10000xf32, #tpu.memory_space<vmem>> -> memref<1x10000xf32, #tpu.memory_space<vmem>>
        %parallel_loop3A_209 = tpu.memref_squeeze %parallel_loop3A_208 : memref<1x10000xf32, #tpu.memory_space<vmem>> -> memref<10000xf32, #tpu.memory_space<vmem>>
        %parallel_loop3A_210 = tpu.vector_load_idx %parallel_loop3A_209[%parallel_loop3A_195] : memref<10000xf32, #tpu.memory_space<vmem>>[vector<16xi32>], vector<16xf32>,
        %parallel_loop3A_211 = arith.mulf %parallel_loop3A_210, %parallel_loop3A_194 : vector<16xf32>
        %parallel_loop3A_212 = arith.constant 0 : i32
        %parallel_loop3A_213 = tpu.memref_slice %arg15[%scan3A_55, %parallel_loop3A_212] : memref<1x10000xf32, #tpu.memory_space<vmem>> -> memref<1x10000xf32, #tpu.memory_space<vmem>>
        %parallel_loop3A_214 = tpu.memref_squeeze %parallel_loop3A_213 : memref<1x10000xf32, #tpu.memory_space<vmem>> -> memref<10000xf32, #tpu.memory_space<vmem>>
        tpu.vector_store_idx %parallel_loop3A_214[%parallel_loop3A_198], %parallel_loop3A_211 {add = true} : memref<10000xf32, #tpu.memory_space<vmem>>[vector<16xi32>], vector<16xf32>,
        %parallel_loop3A_215 = arith.constant 0 : i32
        %parallel_loop3A_216 = tpu.memref_slice %arg12[%scan3A_56, %parallel_loop3A_215] : memref<1x10000xf32, #tpu.memory_space<vmem>> -> memref<1x10000xf32, #tpu.memory_space<vmem>>
        %parallel_loop3A_217 = tpu.memref_squeeze %parallel_loop3A_216 : memref<1x10000xf32, #tpu.memory_space<vmem>> -> memref<10000xf32, #tpu.memory_space<vmem>>
        %parallel_loop3A_218 = tpu.vector_load_idx %parallel_loop3A_217[%parallel_loop3A_195] : memref<10000xf32, #tpu.memory_space<vmem>>[vector<16xi32>], vector<16xf32>,
        %parallel_loop3A_219 = arith.mulf %parallel_loop3A_218, %parallel_loop3A_194 : vector<16xf32>
        %parallel_loop3A_220 = arith.constant 0 : i32
        %parallel_loop3A_221 = tpu.memref_slice %arg16[%scan3A_57, %parallel_loop3A_220] : memref<1x10000xf32, #tpu.memory_space<vmem>> -> memref<1x10000xf32, #tpu.memory_space<vmem>>
        %parallel_loop3A_222 = tpu.memref_squeeze %parallel_loop3A_221 : memref<1x10000xf32, #tpu.memory_space<vmem>> -> memref<10000xf32, #tpu.memory_space<vmem>>
        tpu.vector_store_idx %parallel_loop3A_222[%parallel_loop3A_198], %parallel_loop3A_219 {add = true} : memref<10000xf32, #tpu.memory_space<vmem>>[vector<16xi32>], vector<16xf32>,
        %parallel_loop3A_223 = arith.constant 0 : i32
        %parallel_loop3A_224 = tpu.memref_slice %arg13[%scan3A_58, %parallel_loop3A_223] : memref<1x10000xf32, #tpu.memory_space<vmem>> -> memref<1x10000xf32, #tpu.memory_space<vmem>>
        %parallel_loop3A_225 = tpu.memref_squeeze %parallel_loop3A_224 : memref<1x10000xf32, #tpu.memory_space<vmem>> -> memref<10000xf32, #tpu.memory_space<vmem>>
        %parallel_loop3A_226 = tpu.vector_load_idx %parallel_loop3A_225[%parallel_loop3A_195] : memref<10000xf32, #tpu.memory_space<vmem>>[vector<16xi32>], vector<16xf32>,
        %parallel_loop3A_227 = arith.mulf %parallel_loop3A_226, %parallel_loop3A_194 : vector<16xf32>
        %parallel_loop3A_228 = arith.constant 0 : i32
        %parallel_loop3A_229 = tpu.memref_slice %arg17[%scan3A_59, %parallel_loop3A_228] : memref<1x10000xf32, #tpu.memory_space<vmem>> -> memref<1x10000xf32, #tpu.memory_space<vmem>>
        %parallel_loop3A_230 = tpu.memref_squeeze %parallel_loop3A_229 : memref<1x10000xf32, #tpu.memory_space<vmem>> -> memref<10000xf32, #tpu.memory_space<vmem>>
        tpu.vector_store_idx %parallel_loop3A_230[%parallel_loop3A_198], %parallel_loop3A_227 {add = true} : memref<10000xf32, #tpu.memory_space<vmem>>[vector<16xi32>], vector<16xf32>,
      } {sc.loop_unroll_factor = 10 : i64, sc.parallel_access}
      %mul3A_165 = arith.constant 2 : i32
      %mul3A_166 = arith.muli %scan3A_143, %mul3A_165 : i32
      %add3A_167 = arith.constant 1 : i32
      %add3A_168 = arith.addi %mul3A_166, %add3A_167 : i32
      %add3A_169 = arith.constant 1 : i32
      %add3A_170 = arith.addi %add3A_168, %add3A_169 : i32
      %lt3A_171 = arith.constant 100 : i32
      %lt3A_172 = arith.cmpi slt, %add3A_170, %lt3A_171 : i32
      %convert_element_type3A_173 = arith.extui %lt3A_172 : i1 to i32
      %cond3A_174 = arith.constant 0 : i32
      %cond3A_175 = arith.cmpi ne, %convert_element_type3A_173, %cond3A_174 : i32
      scf.if %cond3A_175 {
        %add3A_188 = arith.constant 1 : i32
        %add3A_189 = arith.addi %add3A_168, %add3A_188 : i32
        %mul3A_190 = arith.constant 3200 : i32
        %mul3A_191 = arith.muli %add3A_189, %mul3A_190 : i32
        %dma_start3A_192 = tpu.memref_slice %arg9[%mul3A_191] : memref<320000xi32, #tpu.memory_space<hbm>> -> memref<3200xi32, #tpu.memory_space<hbm>>
        %dma_start3A_193 = tpu.memref_slice %arg9[%mul3A_191] : memref<320000xi32, #tpu.memory_space<hbm>> -> memref<3200xi32, #tpu.memory_space<hbm>>
        tpu.enqueue_dma source(%dma_start3A_193 : memref<3200xi32, #tpu.memory_space<hbm>>) target(%arg22 : memref<3200xi32, #tpu.memory_space<vmem>>) target_semaphore(%arg30 : memref<!tpu.dma_semaphore, #tpu.memory_space<semaphore_mem>>)
        %mul3A_194 = arith.constant 3200 : i32
        %mul3A_195 = arith.muli %add3A_189, %mul3A_194 : i32
        %dma_start3A_196 = tpu.memref_slice %arg29[%mul3A_195] : memref<320000xf32, #tpu.memory_space<vmem_shared>> -> memref<3200xf32, #tpu.memory_space<vmem_shared>>
        %dma_start3A_197 = tpu.memref_slice %arg29[%mul3A_195] : memref<320000xf32, #tpu.memory_space<vmem_shared>> -> memref<3200xf32, #tpu.memory_space<vmem_shared>>
        tpu.enqueue_dma source(%dma_start3A_197 : memref<3200xf32, #tpu.memory_space<vmem_shared>>) target(%arg24 : memref<3200xf32, #tpu.memory_space<vmem>>) target_semaphore(%arg32 : memref<!tpu.dma_semaphore, #tpu.memory_space<semaphore_mem>>)
      } else {
      }
      %mul3A_176 = arith.constant 3200 : i32
      %mul3A_177 = arith.muli %add3A_168, %mul3A_176 : i32
      %dma_wait3A_178 = tpu.memref_slice %arg9[%mul3A_177] : memref<320000xi32, #tpu.memory_space<hbm>> -> memref<3200xi32, #tpu.memory_space<hbm>>
      %dma_wait3A_179 = tpu.memref_slice %arg9[%mul3A_177] : memref<320000xi32, #tpu.memory_space<hbm>> -> memref<3200xi32, #tpu.memory_space<hbm>>
      tpu.wait_dma2 semaphore(%arg31 : memref<!tpu.dma_semaphore, #tpu.memory_space<semaphore_mem>>) src(%dma_wait3A_179 : memref<3200xi32, #tpu.memory_space<hbm>>) dst(%arg23 : memref<3200xi32, #tpu.memory_space<vmem>>)
      %mul3A_180 = arith.constant 3200 : i32
      %mul3A_181 = arith.muli %add3A_168, %mul3A_180 : i32
      %dma_wait3A_182 = tpu.memref_slice %arg29[%mul3A_181] : memref<320000xf32, #tpu.memory_space<vmem_shared>> -> memref<3200xf32, #tpu.memory_space<vmem_shared>>
      %dma_wait3A_183 = tpu.memref_slice %arg29[%mul3A_181] : memref<320000xf32, #tpu.memory_space<vmem_shared>> -> memref<3200xf32, #tpu.memory_space<vmem_shared>>
      tpu.wait_dma2 semaphore(%arg33 : memref<!tpu.dma_semaphore, #tpu.memory_space<semaphore_mem>>) src(%dma_wait3A_183 : memref<3200xf32, #tpu.memory_space<vmem_shared>>) dst(%arg25 : memref<3200xf32, #tpu.memory_space<vmem>>)
      %parallel_loop3A_184 = arith.constant 0 : i32
      %parallel_loop3A_185 = arith.constant 200 : i32
      %parallel_loop3A_186 = arith.constant 1 : i32
      scf.for %parallel_loop3A_188 = %parallel_loop3A_184 to %parallel_loop3A_185 step %parallel_loop3A_186  : i32 {
        %parallel_loop3A_189 = arith.constant 16 : i32
        %parallel_loop3A_190 = arith.muli %parallel_loop3A_188, %parallel_loop3A_189 : i32
        %parallel_loop3A_191 = arith.index_cast %parallel_loop3A_190 : i32 to index
        %parallel_loop3A_192 = tpu.vector_load %arg23[%parallel_loop3A_191] {strides = array<i32>} : memref<3200xi32, #tpu.memory_space<vmem>>, vector<16xi32>,
        %parallel_loop3A_193 = arith.index_cast %parallel_loop3A_190 : i32 to index
        %parallel_loop3A_194 = tpu.vector_load %arg25[%parallel_loop3A_193] {strides = array<i32>} : memref<3200xf32, #tpu.memory_space<vmem>>, vector<16xf32>,
        %parallel_loop3A_195 = arith.andi %parallel_loop3A_192, %broadcast_in_dim3A_41 : vector<16xi32>
        %parallel_loop3A_196 = arith.constant 16 : i32
        %parallel_loop3A_197 = vector.broadcast %parallel_loop3A_196 : i32 to vector<16xi32>
        %parallel_loop3A_198 = arith.shrui %parallel_loop3A_192, %parallel_loop3A_197 : vector<16xi32>
        %parallel_loop3A_199 = arith.constant 0 : i32
        %parallel_loop3A_200 = tpu.memref_slice %arg10[%scan3A_52, %parallel_loop3A_199] : memref<1x10000xf32, #tpu.memory_space<vmem>> -> memref<1x10000xf32, #tpu.memory_space<vmem>>
        %parallel_loop3A_201 = tpu.memref_squeeze %parallel_loop3A_200 : memref<1x10000xf32, #tpu.memory_space<vmem>> -> memref<10000xf32, #tpu.memory_space<vmem>>
        %parallel_loop3A_202 = tpu.vector_load_idx %parallel_loop3A_201[%parallel_loop3A_195] : memref<10000xf32, #tpu.memory_space<vmem>>[vector<16xi32>], vector<16xf32>,
        %parallel_loop3A_203 = arith.mulf %parallel_loop3A_202, %parallel_loop3A_194 : vector<16xf32>
        %parallel_loop3A_204 = arith.constant 0 : i32
        %parallel_loop3A_205 = tpu.memref_slice %arg14[%scan3A_53, %parallel_loop3A_204] : memref<1x10000xf32, #tpu.memory_space<vmem>> -> memref<1x10000xf32, #tpu.memory_space<vmem>>
        %parallel_loop3A_206 = tpu.memref_squeeze %parallel_loop3A_205 : memref<1x10000xf32, #tpu.memory_space<vmem>> -> memref<10000xf32, #tpu.memory_space<vmem>>
        tpu.vector_store_idx %parallel_loop3A_206[%parallel_loop3A_198], %parallel_loop3A_203 {add = true} : memref<10000xf32, #tpu.memory_space<vmem>>[vector<16xi32>], vector<16xf32>,
        %parallel_loop3A_207 = arith.constant 0 : i32
        %parallel_loop3A_208 = tpu.memref_slice %arg11[%scan3A_54, %parallel_loop3A_207] : memref<1x10000xf32, #tpu.memory_space<vmem>> -> memref<1x10000xf32, #tpu.memory_space<vmem>>
        %parallel_loop3A_209 = tpu.memref_squeeze %parallel_loop3A_208 : memref<1x10000xf32, #tpu.memory_space<vmem>> -> memref<10000xf32, #tpu.memory_space<vmem>>
        %parallel_loop3A_210 = tpu.vector_load_idx %parallel_loop3A_209[%parallel_loop3A_195] : memref<10000xf32, #tpu.memory_space<vmem>>[vector<16xi32>], vector<16xf32>,
        %parallel_loop3A_211 = arith.mulf %parallel_loop3A_210, %parallel_loop3A_194 : vector<16xf32>
        %parallel_loop3A_212 = arith.constant 0 : i32
        %parallel_loop3A_213 = tpu.memref_slice %arg15[%scan3A_55, %parallel_loop3A_212] : memref<1x10000xf32, #tpu.memory_space<vmem>> -> memref<1x10000xf32, #tpu.memory_space<vmem>>
        %parallel_loop3A_214 = tpu.memref_squeeze %parallel_loop3A_213 : memref<1x10000xf32, #tpu.memory_space<vmem>> -> memref<10000xf32, #tpu.memory_space<vmem>>
        tpu.vector_store_idx %parallel_loop3A_214[%parallel_loop3A_198], %parallel_loop3A_211 {add = true} : memref<10000xf32, #tpu.memory_space<vmem>>[vector<16xi32>], vector<16xf32>,
        %parallel_loop3A_215 = arith.constant 0 : i32
        %parallel_loop3A_216 = tpu.memref_slice %arg12[%scan3A_56, %parallel_loop3A_215] : memref<1x10000xf32, #tpu.memory_space<vmem>> -> memref<1x10000xf32, #tpu.memory_space<vmem>>
        %parallel_loop3A_217 = tpu.memref_squeeze %parallel_loop3A_216 : memref<1x10000xf32, #tpu.memory_space<vmem>> -> memref<10000xf32, #tpu.memory_space<vmem>>
        %parallel_loop3A_218 = tpu.vector_load_idx %parallel_loop3A_217[%parallel_loop3A_195] : memref<10000xf32, #tpu.memory_space<vmem>>[vector<16xi32>], vector<16xf32>,
        %parallel_loop3A_219 = arith.mulf %parallel_loop3A_218, %parallel_loop3A_194 : vector<16xf32>
        %parallel_loop3A_220 = arith.constant 0 : i32
        %parallel_loop3A_221 = tpu.memref_slice %arg16[%scan3A_57, %parallel_loop3A_220] : memref<1x10000xf32, #tpu.memory_space<vmem>> -> memref<1x10000xf32, #tpu.memory_space<vmem>>
        %parallel_loop3A_222 = tpu.memref_squeeze %parallel_loop3A_221 : memref<1x10000xf32, #tpu.memory_space<vmem>> -> memref<10000xf32, #tpu.memory_space<vmem>>
        tpu.vector_store_idx %parallel_loop3A_222[%parallel_loop3A_198], %parallel_loop3A_219 {add = true} : memref<10000xf32, #tpu.memory_space<vmem>>[vector<16xi32>], vector<16xf32>,
        %parallel_loop3A_223 = arith.constant 0 : i32
        %parallel_loop3A_224 = tpu.memref_slice %arg13[%scan3A_58, %parallel_loop3A_223] : memref<1x10000xf32, #tpu.memory_space<vmem>> -> memref<1x10000xf32, #tpu.memory_space<vmem>>
        %parallel_loop3A_225 = tpu.memref_squeeze %parallel_loop3A_224 : memref<1x10000xf32, #tpu.memory_space<vmem>> -> memref<10000xf32, #tpu.memory_space<vmem>>
        %parallel_loop3A_226 = tpu.vector_load_idx %parallel_loop3A_225[%parallel_loop3A_195] : memref<10000xf32, #tpu.memory_space<vmem>>[vector<16xi32>], vector<16xf32>,
        %parallel_loop3A_227 = arith.mulf %parallel_loop3A_226, %parallel_loop3A_194 : vector<16xf32>
        %parallel_loop3A_228 = arith.constant 0 : i32
        %parallel_loop3A_229 = tpu.memref_slice %arg17[%scan3A_59, %parallel_loop3A_228] : memref<1x10000xf32, #tpu.memory_space<vmem>> -> memref<1x10000xf32, #tpu.memory_space<vmem>>
        %parallel_loop3A_230 = tpu.memref_squeeze %parallel_loop3A_229 : memref<1x10000xf32, #tpu.memory_space<vmem>> -> memref<10000xf32, #tpu.memory_space<vmem>>
        tpu.vector_store_idx %parallel_loop3A_230[%parallel_loop3A_198], %parallel_loop3A_227 {add = true} : memref<10000xf32, #tpu.memory_space<vmem>>[vector<16xi32>], vector<16xf32>,
      } {sc.loop_unroll_factor = 10 : i64, sc.parallel_access}
      %scan3A_187 = arith.constant 0 : i32
      scf.yield %scan3A_187 : i32
    }
    %scan3A_66 = arith.constant 50 : i32
    %add3A_67 = arith.constant 0 : i32
    %add3A_68 = arith.addi %mul3A_2, %add3A_67 : i32
    "tpu.region"() ({
      %run_scoped3A = tpu.sem_alloc : memref<!tpu.dma_semaphore, #tpu.memory_space<semaphore_mem>>
      %dma_start3A_143 = arith.constant 0 : i32
      %dma_start3A_144 = arith.constant 0 : i32
      %dma_start3A_145 = tpu.memref_slice %arg6[%add3A_68, %dma_start3A_143, %dma_start3A_144] : memref<128x1x10000xf32, #tpu.memory_space<hbm>> -> memref<1x1x10000xf32, #tpu.memory_space<hbm>>
      %dma_start3A_146 = tpu.memref_squeeze %dma_start3A_145 : memref<1x1x10000xf32, #tpu.memory_space<hbm>> -> memref<1x10000xf32, #tpu.memory_space<hbm>>
      %dma_start3A_147 = arith.constant 0 : i32
      %dma_start3A_148 = arith.constant 0 : i32
      %dma_start3A_149 = tpu.memref_slice %arg6[%add3A_68, %dma_start3A_147, %dma_start3A_148] : memref<128x1x10000xf32, #tpu.memory_space<hbm>> -> memref<1x1x10000xf32, #tpu.memory_space<hbm>>
      %dma_start3A_150 = tpu.memref_squeeze %dma_start3A_149 : memref<1x1x10000xf32, #tpu.memory_space<hbm>> -> memref<1x10000xf32, #tpu.memory_space<hbm>>
      tpu.enqueue_dma source(%arg14 : memref<1x10000xf32, #tpu.memory_space<vmem>>) target(%dma_start3A_150 : memref<1x10000xf32, #tpu.memory_space<hbm>>) target_semaphore(%run_scoped3A : memref<!tpu.dma_semaphore, #tpu.memory_space<semaphore_mem>>)
      %dma_wait3A = arith.constant 0 : i32
      %dma_wait3A_151 = arith.constant 0 : i32
      %dma_wait3A_152 = tpu.memref_slice %arg6[%add3A_68, %dma_wait3A, %dma_wait3A_151] : memref<128x1x10000xf32, #tpu.memory_space<hbm>> -> memref<1x1x10000xf32, #tpu.memory_space<hbm>>
      %dma_wait3A_153 = tpu.memref_squeeze %dma_wait3A_152 : memref<1x1x10000xf32, #tpu.memory_space<hbm>> -> memref<1x10000xf32, #tpu.memory_space<hbm>>
      %dma_wait3A_154 = arith.constant 0 : i32
      %dma_wait3A_155 = arith.constant 0 : i32
      %dma_wait3A_156 = tpu.memref_slice %arg6[%add3A_68, %dma_wait3A_154, %dma_wait3A_155] : memref<128x1x10000xf32, #tpu.memory_space<hbm>> -> memref<1x1x10000xf32, #tpu.memory_space<hbm>>
      %dma_wait3A_157 = tpu.memref_squeeze %dma_wait3A_156 : memref<1x1x10000xf32, #tpu.memory_space<hbm>> -> memref<1x10000xf32, #tpu.memory_space<hbm>>
      tpu.wait_dma2 semaphore(%run_scoped3A : memref<!tpu.dma_semaphore, #tpu.memory_space<semaphore_mem>>) src(%arg14 : memref<1x10000xf32, #tpu.memory_space<vmem>>) dst(%dma_wait3A_157 : memref<1x10000xf32, #tpu.memory_space<hbm>>)
      tpu.yield
    }) : () -> ()
    %add3A_69 = arith.constant 1 : i32
    %add3A_70 = arith.addi %mul3A_2, %add3A_69 : i32
    "tpu.region"() ({
      %run_scoped3A = tpu.sem_alloc : memref<!tpu.dma_semaphore, #tpu.memory_space<semaphore_mem>>
      %dma_start3A_143 = arith.constant 0 : i32
      %dma_start3A_144 = arith.constant 0 : i32
      %dma_start3A_145 = tpu.memref_slice %arg6[%add3A_70, %dma_start3A_143, %dma_start3A_144] : memref<128x1x10000xf32, #tpu.memory_space<hbm>> -> memref<1x1x10000xf32, #tpu.memory_space<hbm>>
      %dma_start3A_146 = tpu.memref_squeeze %dma_start3A_145 : memref<1x1x10000xf32, #tpu.memory_space<hbm>> -> memref<1x10000xf32, #tpu.memory_space<hbm>>
      %dma_start3A_147 = arith.constant 0 : i32
      %dma_start3A_148 = arith.constant 0 : i32
      %dma_start3A_149 = tpu.memref_slice %arg6[%add3A_70, %dma_start3A_147, %dma_start3A_148] : memref<128x1x10000xf32, #tpu.memory_space<hbm>> -> memref<1x1x10000xf32, #tpu.memory_space<hbm>>
      %dma_start3A_150 = tpu.memref_squeeze %dma_start3A_149 : memref<1x1x10000xf32, #tpu.memory_space<hbm>> -> memref<1x10000xf32, #tpu.memory_space<hbm>>
      tpu.enqueue_dma source(%arg15 : memref<1x10000xf32, #tpu.memory_space<vmem>>) target(%dma_start3A_150 : memref<1x10000xf32, #tpu.memory_space<hbm>>) target_semaphore(%run_scoped3A : memref<!tpu.dma_semaphore, #tpu.memory_space<semaphore_mem>>)
      %dma_wait3A = arith.constant 0 : i32
      %dma_wait3A_151 = arith.constant 0 : i32
      %dma_wait3A_152 = tpu.memref_slice %arg6[%add3A_70, %dma_wait3A, %dma_wait3A_151] : memref<128x1x10000xf32, #tpu.memory_space<hbm>> -> memref<1x1x10000xf32, #tpu.memory_space<hbm>>
      %dma_wait3A_153 = tpu.memref_squeeze %dma_wait3A_152 : memref<1x1x10000xf32, #tpu.memory_space<hbm>> -> memref<1x10000xf32, #tpu.memory_space<hbm>>
      %dma_wait3A_154 = arith.constant 0 : i32
      %dma_wait3A_155 = arith.constant 0 : i32
      %dma_wait3A_156 = tpu.memref_slice %arg6[%add3A_70, %dma_wait3A_154, %dma_wait3A_155] : memref<128x1x10000xf32, #tpu.memory_space<hbm>> -> memref<1x1x10000xf32, #tpu.memory_space<hbm>>
      %dma_wait3A_157 = tpu.memref_squeeze %dma_wait3A_156 : memref<1x1x10000xf32, #tpu.memory_space<hbm>> -> memref<1x10000xf32, #tpu.memory_space<hbm>>
      tpu.wait_dma2 semaphore(%run_scoped3A : memref<!tpu.dma_semaphore, #tpu.memory_space<semaphore_mem>>) src(%arg15 : memref<1x10000xf32, #tpu.memory_space<vmem>>) dst(%dma_wait3A_157 : memref<1x10000xf32, #tpu.memory_space<hbm>>)
      tpu.yield
    }) : () -> ()
    %add3A_71 = arith.constant 2 : i32
    %add3A_72 = arith.addi %mul3A_2, %add3A_71 : i32
    "tpu.region"() ({
      %run_scoped3A = tpu.sem_alloc : memref<!tpu.dma_semaphore, #tpu.memory_space<semaphore_mem>>
      %dma_start3A_143 = arith.constant 0 : i32
      %dma_start3A_144 = arith.constant 0 : i32
      %dma_start3A_145 = tpu.memref_slice %arg6[%add3A_72, %dma_start3A_143, %dma_start3A_144] : memref<128x1x10000xf32, #tpu.memory_space<hbm>> -> memref<1x1x10000xf32, #tpu.memory_space<hbm>>
      %dma_start3A_146 = tpu.memref_squeeze %dma_start3A_145 : memref<1x1x10000xf32, #tpu.memory_space<hbm>> -> memref<1x10000xf32, #tpu.memory_space<hbm>>
      %dma_start3A_147 = arith.constant 0 : i32
      %dma_start3A_148 = arith.constant 0 : i32
      %dma_start3A_149 = tpu.memref_slice %arg6[%add3A_72, %dma_start3A_147, %dma_start3A_148] : memref<128x1x10000xf32, #tpu.memory_space<hbm>> -> memref<1x1x10000xf32, #tpu.memory_space<hbm>>
      %dma_start3A_150 = tpu.memref_squeeze %dma_start3A_149 : memref<1x1x10000xf32, #tpu.memory_space<hbm>> -> memref<1x10000xf32, #tpu.memory_space<hbm>>
      tpu.enqueue_dma source(%arg16 : memref<1x10000xf32, #tpu.memory_space<vmem>>) target(%dma_start3A_150 : memref<1x10000xf32, #tpu.memory_space<hbm>>) target_semaphore(%run_scoped3A : memref<!tpu.dma_semaphore, #tpu.memory_space<semaphore_mem>>)
      %dma_wait3A = arith.constant 0 : i32
      %dma_wait3A_151 = arith.constant 0 : i32
      %dma_wait3A_152 = tpu.memref_slice %arg6[%add3A_72, %dma_wait3A, %dma_wait3A_151] : memref<128x1x10000xf32, #tpu.memory_space<hbm>> -> memref<1x1x10000xf32, #tpu.memory_space<hbm>>
      %dma_wait3A_153 = tpu.memref_squeeze %dma_wait3A_152 : memref<1x1x10000xf32, #tpu.memory_space<hbm>> -> memref<1x10000xf32, #tpu.memory_space<hbm>>
      %dma_wait3A_154 = arith.constant 0 : i32
      %dma_wait3A_155 = arith.constant 0 : i32
      %dma_wait3A_156 = tpu.memref_slice %arg6[%add3A_72, %dma_wait3A_154, %dma_wait3A_155] : memref<128x1x10000xf32, #tpu.memory_space<hbm>> -> memref<1x1x10000xf32, #tpu.memory_space<hbm>>
      %dma_wait3A_157 = tpu.memref_squeeze %dma_wait3A_156 : memref<1x1x10000xf32, #tpu.memory_space<hbm>> -> memref<1x10000xf32, #tpu.memory_space<hbm>>
      tpu.wait_dma2 semaphore(%run_scoped3A : memref<!tpu.dma_semaphore, #tpu.memory_space<semaphore_mem>>) src(%arg16 : memref<1x10000xf32, #tpu.memory_space<vmem>>) dst(%dma_wait3A_157 : memref<1x10000xf32, #tpu.memory_space<hbm>>)
      tpu.yield
    }) : () -> ()
    %add3A_73 = arith.constant 3 : i32
    %add3A_74 = arith.addi %mul3A_2, %add3A_73 : i32
    "tpu.region"() ({
      %run_scoped3A = tpu.sem_alloc : memref<!tpu.dma_semaphore, #tpu.memory_space<semaphore_mem>>
      %dma_start3A_143 = arith.constant 0 : i32
      %dma_start3A_144 = arith.constant 0 : i32
      %dma_start3A_145 = tpu.memref_slice %arg6[%add3A_74, %dma_start3A_143, %dma_start3A_144] : memref<128x1x10000xf32, #tpu.memory_space<hbm>> -> memref<1x1x10000xf32, #tpu.memory_space<hbm>>
      %dma_start3A_146 = tpu.memref_squeeze %dma_start3A_145 : memref<1x1x10000xf32, #tpu.memory_space<hbm>> -> memref<1x10000xf32, #tpu.memory_space<hbm>>
      %dma_start3A_147 = arith.constant 0 : i32
      %dma_start3A_148 = arith.constant 0 : i32
      %dma_start3A_149 = tpu.memref_slice %arg6[%add3A_74, %dma_start3A_147, %dma_start3A_148] : memref<128x1x10000xf32, #tpu.memory_space<hbm>> -> memref<1x1x10000xf32, #tpu.memory_space<hbm>>
      %dma_start3A_150 = tpu.memref_squeeze %dma_start3A_149 : memref<1x1x10000xf32, #tpu.memory_space<hbm>> -> memref<1x10000xf32, #tpu.memory_space<hbm>>
      tpu.enqueue_dma source(%arg17 : memref<1x10000xf32, #tpu.memory_space<vmem>>) target(%dma_start3A_150 : memref<1x10000xf32, #tpu.memory_space<hbm>>) target_semaphore(%run_scoped3A : memref<!tpu.dma_semaphore, #tpu.memory_space<semaphore_mem>>)
      %dma_wait3A = arith.constant 0 : i32
      %dma_wait3A_151 = arith.constant 0 : i32
      %dma_wait3A_152 = tpu.memref_slice %arg6[%add3A_74, %dma_wait3A, %dma_wait3A_151] : memref<128x1x10000xf32, #tpu.memory_space<hbm>> -> memref<1x1x10000xf32, #tpu.memory_space<hbm>>
      %dma_wait3A_153 = tpu.memref_squeeze %dma_wait3A_152 : memref<1x1x10000xf32, #tpu.memory_space<hbm>> -> memref<1x10000xf32, #tpu.memory_space<hbm>>
      %dma_wait3A_154 = arith.constant 0 : i32
      %dma_wait3A_155 = arith.constant 0 : i32
      %dma_wait3A_156 = tpu.memref_slice %arg6[%add3A_74, %dma_wait3A_154, %dma_wait3A_155] : memref<128x1x10000xf32, #tpu.memory_space<hbm>> -> memref<1x1x10000xf32, #tpu.memory_space<hbm>>
      %dma_wait3A_157 = tpu.memref_squeeze %dma_wait3A_156 : memref<1x1x10000xf32, #tpu.memory_space<hbm>> -> memref<1x10000xf32, #tpu.memory_space<hbm>>
      tpu.wait_dma2 semaphore(%run_scoped3A : memref<!tpu.dma_semaphore, #tpu.memory_space<semaphore_mem>>) src(%arg17 : memref<1x10000xf32, #tpu.memory_space<vmem>>) dst(%dma_wait3A_157 : memref<1x10000xf32, #tpu.memory_space<hbm>>)
      tpu.yield
    }) : () -> ()
    %parallel_loop3A_75 = arith.constant 0 : i32
    %parallel_loop3A_76 = arith.constant 625 : i32
    %parallel_loop3A_77 = arith.constant 1 : i32
    scf.for %parallel_loop3A_143 = %parallel_loop3A_75 to %parallel_loop3A_76 step %parallel_loop3A_77  : i32 {
      %parallel_loop3A_144 = arith.constant 16 : i32
      %parallel_loop3A_145 = arith.muli %parallel_loop3A_143, %parallel_loop3A_144 : i32
      %parallel_loop3A_146 = arith.constant 0 : i32
      %parallel_loop3A_147 = arith.index_cast %parallel_loop3A_146 : i32 to index
      %parallel_loop3A_148 = arith.index_cast %parallel_loop3A_145 : i32 to index
      %parallel_loop3A_149 = tpu.vector_load %arg14[%parallel_loop3A_147, %parallel_loop3A_148] {strides = array<i32>} : memref<1x10000xf32, #tpu.memory_space<vmem>>, vector<16xf32>,
      %parallel_loop3A_150 = arith.constant 16 : i32
      %parallel_loop3A_151 = arith.muli %parallel_loop3A_143, %parallel_loop3A_150 : i32
      %parallel_loop3A_152 = arith.constant 0 : i32
      %parallel_loop3A_153 = arith.index_cast %parallel_loop3A_152 : i32 to index
      %parallel_loop3A_154 = arith.index_cast %parallel_loop3A_151 : i32 to index
      %parallel_loop3A_155 = tpu.vector_load %arg10[%parallel_loop3A_153, %parallel_loop3A_154] {strides = array<i32>} : memref<1x10000xf32, #tpu.memory_space<vmem>>, vector<16xf32>,
      tpu.vector_store %arg10[%parallel_loop3A_153, %parallel_loop3A_154], %parallel_loop3A_149 {strides = array<i32>} : memref<1x10000xf32, #tpu.memory_space<vmem>>, vector<16xf32>,
      %parallel_loop3A_156 = arith.constant 16 : i32
      %parallel_loop3A_157 = arith.muli %parallel_loop3A_143, %parallel_loop3A_156 : i32
      %parallel_loop3A_158 = arith.constant 0 : i32
      %parallel_loop3A_159 = arith.index_cast %parallel_loop3A_158 : i32 to index
      %parallel_loop3A_160 = arith.index_cast %parallel_loop3A_157 : i32 to index
      %parallel_loop3A_161 = tpu.vector_load %arg15[%parallel_loop3A_159, %parallel_loop3A_160] {strides = array<i32>} : memref<1x10000xf32, #tpu.memory_space<vmem>>, vector<16xf32>,
      %parallel_loop3A_162 = arith.constant 16 : i32
      %parallel_loop3A_163 = arith.muli %parallel_loop3A_143, %parallel_loop3A_162 : i32
      %parallel_loop3A_164 = arith.constant 0 : i32
      %parallel_loop3A_165 = arith.index_cast %parallel_loop3A_164 : i32 to index
      %parallel_loop3A_166 = arith.index_cast %parallel_loop3A_163 : i32 to index
      %parallel_loop3A_167 = tpu.vector_load %arg11[%parallel_loop3A_165, %parallel_loop3A_166] {strides = array<i32>} : memref<1x10000xf32, #tpu.memory_space<vmem>>, vector<16xf32>,
      tpu.vector_store %arg11[%parallel_loop3A_165, %parallel_loop3A_166], %parallel_loop3A_161 {strides = array<i32>} : memref<1x10000xf32, #tpu.memory_space<vmem>>, vector<16xf32>,
      %parallel_loop3A_168 = arith.constant 16 : i32
      %parallel_loop3A_169 = arith.muli %parallel_loop3A_143, %parallel_loop3A_168 : i32
      %parallel_loop3A_170 = arith.constant 0 : i32
      %parallel_loop3A_171 = arith.index_cast %parallel_loop3A_170 : i32 to index
      %parallel_loop3A_172 = arith.index_cast %parallel_loop3A_169 : i32 to index
      %parallel_loop3A_173 = tpu.vector_load %arg16[%parallel_loop3A_171, %parallel_loop3A_172] {strides = array<i32>} : memref<1x10000xf32, #tpu.memory_space<vmem>>, vector<16xf32>,
      %parallel_loop3A_174 = arith.constant 16 : i32
      %parallel_loop3A_175 = arith.muli %parallel_loop3A_143, %parallel_loop3A_174 : i32
      %parallel_loop3A_176 = arith.constant 0 : i32
      %parallel_loop3A_177 = arith.index_cast %parallel_loop3A_176 : i32 to index
      %parallel_loop3A_178 = arith.index_cast %parallel_loop3A_175 : i32 to index
      %parallel_loop3A_179 = tpu.vector_load %arg12[%parallel_loop3A_177, %parallel_loop3A_178] {strides = array<i32>} : memref<1x10000xf32, #tpu.memory_space<vmem>>, vector<16xf32>,
      tpu.vector_store %arg12[%parallel_loop3A_177, %parallel_loop3A_178], %parallel_loop3A_173 {strides = array<i32>} : memref<1x10000xf32, #tpu.memory_space<vmem>>, vector<16xf32>,
      %parallel_loop3A_180 = arith.constant 16 : i32
      %parallel_loop3A_181 = arith.muli %parallel_loop3A_143, %parallel_loop3A_180 : i32
      %parallel_loop3A_182 = arith.constant 0 : i32
      %parallel_loop3A_183 = arith.index_cast %parallel_loop3A_182 : i32 to index
      %parallel_loop3A_184 = arith.index_cast %parallel_loop3A_181 : i32 to index
      %parallel_loop3A_185 = tpu.vector_load %arg17[%parallel_loop3A_183, %parallel_loop3A_184] {strides = array<i32>} : memref<1x10000xf32, #tpu.memory_space<vmem>>, vector<16xf32>,
      %parallel_loop3A_186 = arith.constant 16 : i32
      %parallel_loop3A_187 = arith.muli %parallel_loop3A_143, %parallel_loop3A_186 : i32
      %parallel_loop3A_188 = arith.constant 0 : i32
      %parallel_loop3A_189 = arith.index_cast %parallel_loop3A_188 : i32 to index
      %parallel_loop3A_190 = arith.index_cast %parallel_loop3A_187 : i32 to index
      %parallel_loop3A_191 = tpu.vector_load %arg13[%parallel_loop3A_189, %parallel_loop3A_190] {strides = array<i32>} : memref<1x10000xf32, #tpu.memory_space<vmem>>, vector<16xf32>,
      tpu.vector_store %arg13[%parallel_loop3A_189, %parallel_loop3A_190], %parallel_loop3A_185 {strides = array<i32>} : memref<1x10000xf32, #tpu.memory_space<vmem>>, vector<16xf32>,
    } {sc.loop_unroll_factor = 10 : i64, sc.parallel_access}
    %dma_start3A_78 = arith.constant 0 : i32
    %dma_start3A_79 = tpu.memref_slice %arg9[%dma_start3A_78] : memref<320000xi32, #tpu.memory_space<hbm>> -> memref<3200xi32, #tpu.memory_space<hbm>>
    %dma_start3A_80 = arith.constant 0 : i32
    %dma_start3A_81 = tpu.memref_slice %arg9[%dma_start3A_80] : memref<320000xi32, #tpu.memory_space<hbm>> -> memref<3200xi32, #tpu.memory_space<hbm>>
    tpu.enqueue_dma source(%dma_start3A_81 : memref<3200xi32, #tpu.memory_space<hbm>>) target(%arg22 : memref<3200xi32, #tpu.memory_space<vmem>>) target_semaphore(%arg30 : memref<!tpu.dma_semaphore, #tpu.memory_space<semaphore_mem>>)
    %dma_start3A_82 = arith.constant 0 : i32
    %dma_start3A_83 = tpu.memref_slice %arg29[%dma_start3A_82] : memref<320000xf32, #tpu.memory_space<vmem_shared>> -> memref<3200xf32, #tpu.memory_space<vmem_shared>>
    %dma_start3A_84 = arith.constant 0 : i32
    %dma_start3A_85 = tpu.memref_slice %arg29[%dma_start3A_84] : memref<320000xf32, #tpu.memory_space<vmem_shared>> -> memref<3200xf32, #tpu.memory_space<vmem_shared>>
    tpu.enqueue_dma source(%dma_start3A_85 : memref<3200xf32, #tpu.memory_space<vmem_shared>>) target(%arg24 : memref<3200xf32, #tpu.memory_space<vmem>>) target_semaphore(%arg32 : memref<!tpu.dma_semaphore, #tpu.memory_space<semaphore_mem>>)
    %scan3A_86 = arith.constant 0 : i32
    %scan3A_87 = arith.constant 0 : i32
    %scan3A_88 = arith.constant 0 : i32
    %scan3A_89 = arith.constant 0 : i32
    %scan3A_90 = arith.constant 0 : i32
    %scan3A_91 = arith.constant 0 : i32
    %scan3A_92 = arith.constant 0 : i32
    %scan3A_93 = arith.constant 0 : i32
    %scan3A_94 = arith.constant 0 : i32
    %scan3A_95 = arith.constant 0 : i32
    %scan3A_96 = arith.constant 50 : i32
    %scan3A_97 = arith.addi %scan3A_95, %scan3A_96 : i32
    %scan3A_98 = arith.constant 1 : i32
    %scan3A_99 = scf.for %scan3A_143 = %scan3A_95 to %scan3A_97 step %scan3A_98 iter_args(%scan3A_144 = %scan3A_94) -> (i32)  : i32 {
      %mul3A_145 = arith.constant 2 : i32
      %mul3A_146 = arith.muli %scan3A_143, %mul3A_145 : i32
      %add3A_147 = arith.constant 0 : i32
      %add3A_148 = arith.addi %mul3A_146, %add3A_147 : i32
      %add3A_149 = arith.constant 1 : i32
      %add3A_150 = arith.addi %add3A_148, %add3A_149 : i32
      %lt3A = arith.constant 100 : i32
      %lt3A_151 = arith.cmpi slt, %add3A_150, %lt3A : i32
      %convert_element_type3A_152 = arith.extui %lt3A_151 : i1 to i32
      %cond3A_153 = arith.constant 0 : i32
      %cond3A_154 = arith.cmpi ne, %convert_element_type3A_152, %cond3A_153 : i32
      scf.if %cond3A_154 {
        %add3A_188 = arith.constant 1 : i32
        %add3A_189 = arith.addi %add3A_148, %add3A_188 : i32
        %mul3A_190 = arith.constant 3200 : i32
        %mul3A_191 = arith.muli %add3A_189, %mul3A_190 : i32
        %dma_start3A_192 = tpu.memref_slice %arg9[%mul3A_191] : memref<320000xi32, #tpu.memory_space<hbm>> -> memref<3200xi32, #tpu.memory_space<hbm>>
        %dma_start3A_193 = tpu.memref_slice %arg9[%mul3A_191] : memref<320000xi32, #tpu.memory_space<hbm>> -> memref<3200xi32, #tpu.memory_space<hbm>>
        tpu.enqueue_dma source(%dma_start3A_193 : memref<3200xi32, #tpu.memory_space<hbm>>) target(%arg23 : memref<3200xi32, #tpu.memory_space<vmem>>) target_semaphore(%arg31 : memref<!tpu.dma_semaphore, #tpu.memory_space<semaphore_mem>>)
        %mul3A_194 = arith.constant 3200 : i32
        %mul3A_195 = arith.muli %add3A_189, %mul3A_194 : i32
        %dma_start3A_196 = tpu.memref_slice %arg29[%mul3A_195] : memref<320000xf32, #tpu.memory_space<vmem_shared>> -> memref<3200xf32, #tpu.memory_space<vmem_shared>>
        %dma_start3A_197 = tpu.memref_slice %arg29[%mul3A_195] : memref<320000xf32, #tpu.memory_space<vmem_shared>> -> memref<3200xf32, #tpu.memory_space<vmem_shared>>
        tpu.enqueue_dma source(%dma_start3A_197 : memref<3200xf32, #tpu.memory_space<vmem_shared>>) target(%arg25 : memref<3200xf32, #tpu.memory_space<vmem>>) target_semaphore(%arg33 : memref<!tpu.dma_semaphore, #tpu.memory_space<semaphore_mem>>)
      } else {
      }
      %mul3A_155 = arith.constant 3200 : i32
      %mul3A_156 = arith.muli %add3A_148, %mul3A_155 : i32
      %dma_wait3A = tpu.memref_slice %arg9[%mul3A_156] : memref<320000xi32, #tpu.memory_space<hbm>> -> memref<3200xi32, #tpu.memory_space<hbm>>
      %dma_wait3A_157 = tpu.memref_slice %arg9[%mul3A_156] : memref<320000xi32, #tpu.memory_space<hbm>> -> memref<3200xi32, #tpu.memory_space<hbm>>
      tpu.wait_dma2 semaphore(%arg30 : memref<!tpu.dma_semaphore, #tpu.memory_space<semaphore_mem>>) src(%dma_wait3A_157 : memref<3200xi32, #tpu.memory_space<hbm>>) dst(%arg22 : memref<3200xi32, #tpu.memory_space<vmem>>)
      %mul3A_158 = arith.constant 3200 : i32
      %mul3A_159 = arith.muli %add3A_148, %mul3A_158 : i32
      %dma_wait3A_160 = tpu.memref_slice %arg29[%mul3A_159] : memref<320000xf32, #tpu.memory_space<vmem_shared>> -> memref<3200xf32, #tpu.memory_space<vmem_shared>>
      %dma_wait3A_161 = tpu.memref_slice %arg29[%mul3A_159] : memref<320000xf32, #tpu.memory_space<vmem_shared>> -> memref<3200xf32, #tpu.memory_space<vmem_shared>>
      tpu.wait_dma2 semaphore(%arg32 : memref<!tpu.dma_semaphore, #tpu.memory_space<semaphore_mem>>) src(%dma_wait3A_161 : memref<3200xf32, #tpu.memory_space<vmem_shared>>) dst(%arg24 : memref<3200xf32, #tpu.memory_space<vmem>>)
      %parallel_loop3A_162 = arith.constant 0 : i32
      %parallel_loop3A_163 = arith.constant 200 : i32
      %parallel_loop3A_164 = arith.constant 1 : i32
      scf.for %parallel_loop3A_188 = %parallel_loop3A_162 to %parallel_loop3A_163 step %parallel_loop3A_164  : i32 {
        %parallel_loop3A_189 = arith.constant 16 : i32
        %parallel_loop3A_190 = arith.muli %parallel_loop3A_188, %parallel_loop3A_189 : i32
        %parallel_loop3A_191 = arith.index_cast %parallel_loop3A_190 : i32 to index
        %parallel_loop3A_192 = tpu.vector_load %arg22[%parallel_loop3A_191] {strides = array<i32>} : memref<3200xi32, #tpu.memory_space<vmem>>, vector<16xi32>,
        %parallel_loop3A_193 = arith.index_cast %parallel_loop3A_190 : i32 to index
        %parallel_loop3A_194 = tpu.vector_load %arg24[%parallel_loop3A_193] {strides = array<i32>} : memref<3200xf32, #tpu.memory_space<vmem>>, vector<16xf32>,
        %parallel_loop3A_195 = arith.andi %parallel_loop3A_192, %broadcast_in_dim3A_41 : vector<16xi32>
        %parallel_loop3A_196 = arith.constant 16 : i32
        %parallel_loop3A_197 = vector.broadcast %parallel_loop3A_196 : i32 to vector<16xi32>
        %parallel_loop3A_198 = arith.shrui %parallel_loop3A_192, %parallel_loop3A_197 : vector<16xi32>
        %parallel_loop3A_199 = arith.constant 0 : i32
        %parallel_loop3A_200 = tpu.memref_slice %arg14[%scan3A_86, %parallel_loop3A_199] : memref<1x10000xf32, #tpu.memory_space<vmem>> -> memref<1x10000xf32, #tpu.memory_space<vmem>>
        %parallel_loop3A_201 = tpu.memref_squeeze %parallel_loop3A_200 : memref<1x10000xf32, #tpu.memory_space<vmem>> -> memref<10000xf32, #tpu.memory_space<vmem>>
        %parallel_loop3A_202 = tpu.vector_load_idx %parallel_loop3A_201[%parallel_loop3A_195] : memref<10000xf32, #tpu.memory_space<vmem>>[vector<16xi32>], vector<16xf32>,
        %parallel_loop3A_203 = arith.mulf %parallel_loop3A_202, %parallel_loop3A_194 : vector<16xf32>
        %parallel_loop3A_204 = arith.constant 0 : i32
        %parallel_loop3A_205 = tpu.memref_slice %arg10[%scan3A_87, %parallel_loop3A_204] : memref<1x10000xf32, #tpu.memory_space<vmem>> -> memref<1x10000xf32, #tpu.memory_space<vmem>>
        %parallel_loop3A_206 = tpu.memref_squeeze %parallel_loop3A_205 : memref<1x10000xf32, #tpu.memory_space<vmem>> -> memref<10000xf32, #tpu.memory_space<vmem>>
        tpu.vector_store_idx %parallel_loop3A_206[%parallel_loop3A_198], %parallel_loop3A_203 {add = true} : memref<10000xf32, #tpu.memory_space<vmem>>[vector<16xi32>], vector<16xf32>,
        %parallel_loop3A_207 = arith.constant 0 : i32
        %parallel_loop3A_208 = tpu.memref_slice %arg15[%scan3A_88, %parallel_loop3A_207] : memref<1x10000xf32, #tpu.memory_space<vmem>> -> memref<1x10000xf32, #tpu.memory_space<vmem>>
        %parallel_loop3A_209 = tpu.memref_squeeze %parallel_loop3A_208 : memref<1x10000xf32, #tpu.memory_space<vmem>> -> memref<10000xf32, #tpu.memory_space<vmem>>
        %parallel_loop3A_210 = tpu.vector_load_idx %parallel_loop3A_209[%parallel_loop3A_195] : memref<10000xf32, #tpu.memory_space<vmem>>[vector<16xi32>], vector<16xf32>,
        %parallel_loop3A_211 = arith.mulf %parallel_loop3A_210, %parallel_loop3A_194 : vector<16xf32>
        %parallel_loop3A_212 = arith.constant 0 : i32
        %parallel_loop3A_213 = tpu.memref_slice %arg11[%scan3A_89, %parallel_loop3A_212] : memref<1x10000xf32, #tpu.memory_space<vmem>> -> memref<1x10000xf32, #tpu.memory_space<vmem>>
        %parallel_loop3A_214 = tpu.memref_squeeze %parallel_loop3A_213 : memref<1x10000xf32, #tpu.memory_space<vmem>> -> memref<10000xf32, #tpu.memory_space<vmem>>
        tpu.vector_store_idx %parallel_loop3A_214[%parallel_loop3A_198], %parallel_loop3A_211 {add = true} : memref<10000xf32, #tpu.memory_space<vmem>>[vector<16xi32>], vector<16xf32>,
        %parallel_loop3A_215 = arith.constant 0 : i32
        %parallel_loop3A_216 = tpu.memref_slice %arg16[%scan3A_90, %parallel_loop3A_215] : memref<1x10000xf32, #tpu.memory_space<vmem>> -> memref<1x10000xf32, #tpu.memory_space<vmem>>
        %parallel_loop3A_217 = tpu.memref_squeeze %parallel_loop3A_216 : memref<1x10000xf32, #tpu.memory_space<vmem>> -> memref<10000xf32, #tpu.memory_space<vmem>>
        %parallel_loop3A_218 = tpu.vector_load_idx %parallel_loop3A_217[%parallel_loop3A_195] : memref<10000xf32, #tpu.memory_space<vmem>>[vector<16xi32>], vector<16xf32>,
        %parallel_loop3A_219 = arith.mulf %parallel_loop3A_218, %parallel_loop3A_194 : vector<16xf32>
        %parallel_loop3A_220 = arith.constant 0 : i32
        %parallel_loop3A_221 = tpu.memref_slice %arg12[%scan3A_91, %parallel_loop3A_220] : memref<1x10000xf32, #tpu.memory_space<vmem>> -> memref<1x10000xf32, #tpu.memory_space<vmem>>
        %parallel_loop3A_222 = tpu.memref_squeeze %parallel_loop3A_221 : memref<1x10000xf32, #tpu.memory_space<vmem>> -> memref<10000xf32, #tpu.memory_space<vmem>>
        tpu.vector_store_idx %parallel_loop3A_222[%parallel_loop3A_198], %parallel_loop3A_219 {add = true} : memref<10000xf32, #tpu.memory_space<vmem>>[vector<16xi32>], vector<16xf32>,
        %parallel_loop3A_223 = arith.constant 0 : i32
        %parallel_loop3A_224 = tpu.memref_slice %arg17[%scan3A_92, %parallel_loop3A_223] : memref<1x10000xf32, #tpu.memory_space<vmem>> -> memref<1x10000xf32, #tpu.memory_space<vmem>>
        %parallel_loop3A_225 = tpu.memref_squeeze %parallel_loop3A_224 : memref<1x10000xf32, #tpu.memory_space<vmem>> -> memref<10000xf32, #tpu.memory_space<vmem>>
        %parallel_loop3A_226 = tpu.vector_load_idx %parallel_loop3A_225[%parallel_loop3A_195] : memref<10000xf32, #tpu.memory_space<vmem>>[vector<16xi32>], vector<16xf32>,
        %parallel_loop3A_227 = arith.mulf %parallel_loop3A_226, %parallel_loop3A_194 : vector<16xf32>
        %parallel_loop3A_228 = arith.constant 0 : i32
        %parallel_loop3A_229 = tpu.memref_slice %arg13[%scan3A_93, %parallel_loop3A_228] : memref<1x10000xf32, #tpu.memory_space<vmem>> -> memref<1x10000xf32, #tpu.memory_space<vmem>>
        %parallel_loop3A_230 = tpu.memref_squeeze %parallel_loop3A_229 : memref<1x10000xf32, #tpu.memory_space<vmem>> -> memref<10000xf32, #tpu.memory_space<vmem>>
        tpu.vector_store_idx %parallel_loop3A_230[%parallel_loop3A_198], %parallel_loop3A_227 {add = true} : memref<10000xf32, #tpu.memory_space<vmem>>[vector<16xi32>], vector<16xf32>,
      } {sc.loop_unroll_factor = 10 : i64, sc.parallel_access}
      %mul3A_165 = arith.constant 2 : i32
      %mul3A_166 = arith.muli %scan3A_143, %mul3A_165 : i32
      %add3A_167 = arith.constant 1 : i32
      %add3A_168 = arith.addi %mul3A_166, %add3A_167 : i32
      %add3A_169 = arith.constant 1 : i32
      %add3A_170 = arith.addi %add3A_168, %add3A_169 : i32
      %lt3A_171 = arith.constant 100 : i32
      %lt3A_172 = arith.cmpi slt, %add3A_170, %lt3A_171 : i32
      %convert_element_type3A_173 = arith.extui %lt3A_172 : i1 to i32
      %cond3A_174 = arith.constant 0 : i32
      %cond3A_175 = arith.cmpi ne, %convert_element_type3A_173, %cond3A_174 : i32
      scf.if %cond3A_175 {
        %add3A_188 = arith.constant 1 : i32
        %add3A_189 = arith.addi %add3A_168, %add3A_188 : i32
        %mul3A_190 = arith.constant 3200 : i32
        %mul3A_191 = arith.muli %add3A_189, %mul3A_190 : i32
        %dma_start3A_192 = tpu.memref_slice %arg9[%mul3A_191] : memref<320000xi32, #tpu.memory_space<hbm>> -> memref<3200xi32, #tpu.memory_space<hbm>>
        %dma_start3A_193 = tpu.memref_slice %arg9[%mul3A_191] : memref<320000xi32, #tpu.memory_space<hbm>> -> memref<3200xi32, #tpu.memory_space<hbm>>
        tpu.enqueue_dma source(%dma_start3A_193 : memref<3200xi32, #tpu.memory_space<hbm>>) target(%arg22 : memref<3200xi32, #tpu.memory_space<vmem>>) target_semaphore(%arg30 : memref<!tpu.dma_semaphore, #tpu.memory_space<semaphore_mem>>)
        %mul3A_194 = arith.constant 3200 : i32
        %mul3A_195 = arith.muli %add3A_189, %mul3A_194 : i32
        %dma_start3A_196 = tpu.memref_slice %arg29[%mul3A_195] : memref<320000xf32, #tpu.memory_space<vmem_shared>> -> memref<3200xf32, #tpu.memory_space<vmem_shared>>
        %dma_start3A_197 = tpu.memref_slice %arg29[%mul3A_195] : memref<320000xf32, #tpu.memory_space<vmem_shared>> -> memref<3200xf32, #tpu.memory_space<vmem_shared>>
        tpu.enqueue_dma source(%dma_start3A_197 : memref<3200xf32, #tpu.memory_space<vmem_shared>>) target(%arg24 : memref<3200xf32, #tpu.memory_space<vmem>>) target_semaphore(%arg32 : memref<!tpu.dma_semaphore, #tpu.memory_space<semaphore_mem>>)
      } else {
      }
      %mul3A_176 = arith.constant 3200 : i32
      %mul3A_177 = arith.muli %add3A_168, %mul3A_176 : i32
      %dma_wait3A_178 = tpu.memref_slice %arg9[%mul3A_177] : memref<320000xi32, #tpu.memory_space<hbm>> -> memref<3200xi32, #tpu.memory_space<hbm>>
      %dma_wait3A_179 = tpu.memref_slice %arg9[%mul3A_177] : memref<320000xi32, #tpu.memory_space<hbm>> -> memref<3200xi32, #tpu.memory_space<hbm>>
      tpu.wait_dma2 semaphore(%arg31 : memref<!tpu.dma_semaphore, #tpu.memory_space<semaphore_mem>>) src(%dma_wait3A_179 : memref<3200xi32, #tpu.memory_space<hbm>>) dst(%arg23 : memref<3200xi32, #tpu.memory_space<vmem>>)
      %mul3A_180 = arith.constant 3200 : i32
      %mul3A_181 = arith.muli %add3A_168, %mul3A_180 : i32
      %dma_wait3A_182 = tpu.memref_slice %arg29[%mul3A_181] : memref<320000xf32, #tpu.memory_space<vmem_shared>> -> memref<3200xf32, #tpu.memory_space<vmem_shared>>
      %dma_wait3A_183 = tpu.memref_slice %arg29[%mul3A_181] : memref<320000xf32, #tpu.memory_space<vmem_shared>> -> memref<3200xf32, #tpu.memory_space<vmem_shared>>
      tpu.wait_dma2 semaphore(%arg33 : memref<!tpu.dma_semaphore, #tpu.memory_space<semaphore_mem>>) src(%dma_wait3A_183 : memref<3200xf32, #tpu.memory_space<vmem_shared>>) dst(%arg25 : memref<3200xf32, #tpu.memory_space<vmem>>)
      %parallel_loop3A_184 = arith.constant 0 : i32
      %parallel_loop3A_185 = arith.constant 200 : i32
      %parallel_loop3A_186 = arith.constant 1 : i32
      scf.for %parallel_loop3A_188 = %parallel_loop3A_184 to %parallel_loop3A_185 step %parallel_loop3A_186  : i32 {
        %parallel_loop3A_189 = arith.constant 16 : i32
        %parallel_loop3A_190 = arith.muli %parallel_loop3A_188, %parallel_loop3A_189 : i32
        %parallel_loop3A_191 = arith.index_cast %parallel_loop3A_190 : i32 to index
        %parallel_loop3A_192 = tpu.vector_load %arg23[%parallel_loop3A_191] {strides = array<i32>} : memref<3200xi32, #tpu.memory_space<vmem>>, vector<16xi32>,
        %parallel_loop3A_193 = arith.index_cast %parallel_loop3A_190 : i32 to index
        %parallel_loop3A_194 = tpu.vector_load %arg25[%parallel_loop3A_193] {strides = array<i32>} : memref<3200xf32, #tpu.memory_space<vmem>>, vector<16xf32>,
        %parallel_loop3A_195 = arith.andi %parallel_loop3A_192, %broadcast_in_dim3A_41 : vector<16xi32>
        %parallel_loop3A_196 = arith.constant 16 : i32
        %parallel_loop3A_197 = vector.broadcast %parallel_loop3A_196 : i32 to vector<16xi32>
        %parallel_loop3A_198 = arith.shrui %parallel_loop3A_192, %parallel_loop3A_197 : vector<16xi32>
        %parallel_loop3A_199 = arith.constant 0 : i32
        %parallel_loop3A_200 = tpu.memref_slice %arg14[%scan3A_86, %parallel_loop3A_199] : memref<1x10000xf32, #tpu.memory_space<vmem>> -> memref<1x10000xf32, #tpu.memory_space<vmem>>
        %parallel_loop3A_201 = tpu.memref_squeeze %parallel_loop3A_200 : memref<1x10000xf32, #tpu.memory_space<vmem>> -> memref<10000xf32, #tpu.memory_space<vmem>>
        %parallel_loop3A_202 = tpu.vector_load_idx %parallel_loop3A_201[%parallel_loop3A_195] : memref<10000xf32, #tpu.memory_space<vmem>>[vector<16xi32>], vector<16xf32>,
        %parallel_loop3A_203 = arith.mulf %parallel_loop3A_202, %parallel_loop3A_194 : vector<16xf32>
        %parallel_loop3A_204 = arith.constant 0 : i32
        %parallel_loop3A_205 = tpu.memref_slice %arg10[%scan3A_87, %parallel_loop3A_204] : memref<1x10000xf32, #tpu.memory_space<vmem>> -> memref<1x10000xf32, #tpu.memory_space<vmem>>
        %parallel_loop3A_206 = tpu.memref_squeeze %parallel_loop3A_205 : memref<1x10000xf32, #tpu.memory_space<vmem>> -> memref<10000xf32, #tpu.memory_space<vmem>>
        tpu.vector_store_idx %parallel_loop3A_206[%parallel_loop3A_198], %parallel_loop3A_203 {add = true} : memref<10000xf32, #tpu.memory_space<vmem>>[vector<16xi32>], vector<16xf32>,
        %parallel_loop3A_207 = arith.constant 0 : i32
        %parallel_loop3A_208 = tpu.memref_slice %arg15[%scan3A_88, %parallel_loop3A_207] : memref<1x10000xf32, #tpu.memory_space<vmem>> -> memref<1x10000xf32, #tpu.memory_space<vmem>>
        %parallel_loop3A_209 = tpu.memref_squeeze %parallel_loop3A_208 : memref<1x10000xf32, #tpu.memory_space<vmem>> -> memref<10000xf32, #tpu.memory_space<vmem>>
        %parallel_loop3A_210 = tpu.vector_load_idx %parallel_loop3A_209[%parallel_loop3A_195] : memref<10000xf32, #tpu.memory_space<vmem>>[vector<16xi32>], vector<16xf32>,
        %parallel_loop3A_211 = arith.mulf %parallel_loop3A_210, %parallel_loop3A_194 : vector<16xf32>
        %parallel_loop3A_212 = arith.constant 0 : i32
        %parallel_loop3A_213 = tpu.memref_slice %arg11[%scan3A_89, %parallel_loop3A_212] : memref<1x10000xf32, #tpu.memory_space<vmem>> -> memref<1x10000xf32, #tpu.memory_space<vmem>>
        %parallel_loop3A_214 = tpu.memref_squeeze %parallel_loop3A_213 : memref<1x10000xf32, #tpu.memory_space<vmem>> -> memref<10000xf32, #tpu.memory_space<vmem>>
        tpu.vector_store_idx %parallel_loop3A_214[%parallel_loop3A_198], %parallel_loop3A_211 {add = true} : memref<10000xf32, #tpu.memory_space<vmem>>[vector<16xi32>], vector<16xf32>,
        %parallel_loop3A_215 = arith.constant 0 : i32
        %parallel_loop3A_216 = tpu.memref_slice %arg16[%scan3A_90, %parallel_loop3A_215] : memref<1x10000xf32, #tpu.memory_space<vmem>> -> memref<1x10000xf32, #tpu.memory_space<vmem>>
        %parallel_loop3A_217 = tpu.memref_squeeze %parallel_loop3A_216 : memref<1x10000xf32, #tpu.memory_space<vmem>> -> memref<10000xf32, #tpu.memory_space<vmem>>
        %parallel_loop3A_218 = tpu.vector_load_idx %parallel_loop3A_217[%parallel_loop3A_195] : memref<10000xf32, #tpu.memory_space<vmem>>[vector<16xi32>], vector<16xf32>,
        %parallel_loop3A_219 = arith.mulf %parallel_loop3A_218, %parallel_loop3A_194 : vector<16xf32>
        %parallel_loop3A_220 = arith.constant 0 : i32
        %parallel_loop3A_221 = tpu.memref_slice %arg12[%scan3A_91, %parallel_loop3A_220] : memref<1x10000xf32, #tpu.memory_space<vmem>> -> memref<1x10000xf32, #tpu.memory_space<vmem>>
        %parallel_loop3A_222 = tpu.memref_squeeze %parallel_loop3A_221 : memref<1x10000xf32, #tpu.memory_space<vmem>> -> memref<10000xf32, #tpu.memory_space<vmem>>
        tpu.vector_store_idx %parallel_loop3A_222[%parallel_loop3A_198], %parallel_loop3A_219 {add = true} : memref<10000xf32, #tpu.memory_space<vmem>>[vector<16xi32>], vector<16xf32>,
        %parallel_loop3A_223 = arith.constant 0 : i32
        %parallel_loop3A_224 = tpu.memref_slice %arg17[%scan3A_92, %parallel_loop3A_223] : memref<1x10000xf32, #tpu.memory_space<vmem>> -> memref<1x10000xf32, #tpu.memory_space<vmem>>
        %parallel_loop3A_225 = tpu.memref_squeeze %parallel_loop3A_224 : memref<1x10000xf32, #tpu.memory_space<vmem>> -> memref<10000xf32, #tpu.memory_space<vmem>>
        %parallel_loop3A_226 = tpu.vector_load_idx %parallel_loop3A_225[%parallel_loop3A_195] : memref<10000xf32, #tpu.memory_space<vmem>>[vector<16xi32>], vector<16xf32>,
        %parallel_loop3A_227 = arith.mulf %parallel_loop3A_226, %parallel_loop3A_194 : vector<16xf32>
        %parallel_loop3A_228 = arith.constant 0 : i32
        %parallel_loop3A_229 = tpu.memref_slice %arg13[%scan3A_93, %parallel_loop3A_228] : memref<1x10000xf32, #tpu.memory_space<vmem>> -> memref<1x10000xf32, #tpu.memory_space<vmem>>
        %parallel_loop3A_230 = tpu.memref_squeeze %parallel_loop3A_229 : memref<1x10000xf32, #tpu.memory_space<vmem>> -> memref<10000xf32, #tpu.memory_space<vmem>>
        tpu.vector_store_idx %parallel_loop3A_230[%parallel_loop3A_198], %parallel_loop3A_227 {add = true} : memref<10000xf32, #tpu.memory_space<vmem>>[vector<16xi32>], vector<16xf32>,
      } {sc.loop_unroll_factor = 10 : i64, sc.parallel_access}
      %scan3A_187 = arith.constant 0 : i32
      scf.yield %scan3A_187 : i32
    }
    %scan3A_100 = arith.constant 50 : i32
    %add3A_101 = arith.constant 0 : i32
    %add3A_102 = arith.addi %mul3A_2, %add3A_101 : i32
    "tpu.region"() ({
      %run_scoped3A = tpu.sem_alloc : memref<!tpu.dma_semaphore, #tpu.memory_space<semaphore_mem>>
      %dma_start3A_143 = arith.constant 0 : i32
      %dma_start3A_144 = arith.constant 0 : i32
      %dma_start3A_145 = tpu.memref_slice %arg7[%add3A_102, %dma_start3A_143, %dma_start3A_144] : memref<128x1x10000xf32, #tpu.memory_space<hbm>> -> memref<1x1x10000xf32, #tpu.memory_space<hbm>>
      %dma_start3A_146 = tpu.memref_squeeze %dma_start3A_145 : memref<1x1x10000xf32, #tpu.memory_space<hbm>> -> memref<1x10000xf32, #tpu.memory_space<hbm>>
      %dma_start3A_147 = arith.constant 0 : i32
      %dma_start3A_148 = arith.constant 0 : i32
      %dma_start3A_149 = tpu.memref_slice %arg7[%add3A_102, %dma_start3A_147, %dma_start3A_148] : memref<128x1x10000xf32, #tpu.memory_space<hbm>> -> memref<1x1x10000xf32, #tpu.memory_space<hbm>>
      %dma_start3A_150 = tpu.memref_squeeze %dma_start3A_149 : memref<1x1x10000xf32, #tpu.memory_space<hbm>> -> memref<1x10000xf32, #tpu.memory_space<hbm>>
      tpu.enqueue_dma source(%arg10 : memref<1x10000xf32, #tpu.memory_space<vmem>>) target(%dma_start3A_150 : memref<1x10000xf32, #tpu.memory_space<hbm>>) target_semaphore(%run_scoped3A : memref<!tpu.dma_semaphore, #tpu.memory_space<semaphore_mem>>)
      %dma_wait3A = arith.constant 0 : i32
      %dma_wait3A_151 = arith.constant 0 : i32
      %dma_wait3A_152 = tpu.memref_slice %arg7[%add3A_102, %dma_wait3A, %dma_wait3A_151] : memref<128x1x10000xf32, #tpu.memory_space<hbm>> -> memref<1x1x10000xf32, #tpu.memory_space<hbm>>
      %dma_wait3A_153 = tpu.memref_squeeze %dma_wait3A_152 : memref<1x1x10000xf32, #tpu.memory_space<hbm>> -> memref<1x10000xf32, #tpu.memory_space<hbm>>
      %dma_wait3A_154 = arith.constant 0 : i32
      %dma_wait3A_155 = arith.constant 0 : i32
      %dma_wait3A_156 = tpu.memref_slice %arg7[%add3A_102, %dma_wait3A_154, %dma_wait3A_155] : memref<128x1x10000xf32, #tpu.memory_space<hbm>> -> memref<1x1x10000xf32, #tpu.memory_space<hbm>>
      %dma_wait3A_157 = tpu.memref_squeeze %dma_wait3A_156 : memref<1x1x10000xf32, #tpu.memory_space<hbm>> -> memref<1x10000xf32, #tpu.memory_space<hbm>>
      tpu.wait_dma2 semaphore(%run_scoped3A : memref<!tpu.dma_semaphore, #tpu.memory_space<semaphore_mem>>) src(%arg10 : memref<1x10000xf32, #tpu.memory_space<vmem>>) dst(%dma_wait3A_157 : memref<1x10000xf32, #tpu.memory_space<hbm>>)
      tpu.yield
    }) : () -> ()
    %add3A_103 = arith.constant 1 : i32
    %add3A_104 = arith.addi %mul3A_2, %add3A_103 : i32
    "tpu.region"() ({
      %run_scoped3A = tpu.sem_alloc : memref<!tpu.dma_semaphore, #tpu.memory_space<semaphore_mem>>
      %dma_start3A_143 = arith.constant 0 : i32
      %dma_start3A_144 = arith.constant 0 : i32
      %dma_start3A_145 = tpu.memref_slice %arg7[%add3A_104, %dma_start3A_143, %dma_start3A_144] : memref<128x1x10000xf32, #tpu.memory_space<hbm>> -> memref<1x1x10000xf32, #tpu.memory_space<hbm>>
      %dma_start3A_146 = tpu.memref_squeeze %dma_start3A_145 : memref<1x1x10000xf32, #tpu.memory_space<hbm>> -> memref<1x10000xf32, #tpu.memory_space<hbm>>
      %dma_start3A_147 = arith.constant 0 : i32
      %dma_start3A_148 = arith.constant 0 : i32
      %dma_start3A_149 = tpu.memref_slice %arg7[%add3A_104, %dma_start3A_147, %dma_start3A_148] : memref<128x1x10000xf32, #tpu.memory_space<hbm>> -> memref<1x1x10000xf32, #tpu.memory_space<hbm>>
      %dma_start3A_150 = tpu.memref_squeeze %dma_start3A_149 : memref<1x1x10000xf32, #tpu.memory_space<hbm>> -> memref<1x10000xf32, #tpu.memory_space<hbm>>
      tpu.enqueue_dma source(%arg11 : memref<1x10000xf32, #tpu.memory_space<vmem>>) target(%dma_start3A_150 : memref<1x10000xf32, #tpu.memory_space<hbm>>) target_semaphore(%run_scoped3A : memref<!tpu.dma_semaphore, #tpu.memory_space<semaphore_mem>>)
      %dma_wait3A = arith.constant 0 : i32
      %dma_wait3A_151 = arith.constant 0 : i32
      %dma_wait3A_152 = tpu.memref_slice %arg7[%add3A_104, %dma_wait3A, %dma_wait3A_151] : memref<128x1x10000xf32, #tpu.memory_space<hbm>> -> memref<1x1x10000xf32, #tpu.memory_space<hbm>>
      %dma_wait3A_153 = tpu.memref_squeeze %dma_wait3A_152 : memref<1x1x10000xf32, #tpu.memory_space<hbm>> -> memref<1x10000xf32, #tpu.memory_space<hbm>>
      %dma_wait3A_154 = arith.constant 0 : i32
      %dma_wait3A_155 = arith.constant 0 : i32
      %dma_wait3A_156 = tpu.memref_slice %arg7[%add3A_104, %dma_wait3A_154, %dma_wait3A_155] : memref<128x1x10000xf32, #tpu.memory_space<hbm>> -> memref<1x1x10000xf32, #tpu.memory_space<hbm>>
      %dma_wait3A_157 = tpu.memref_squeeze %dma_wait3A_156 : memref<1x1x10000xf32, #tpu.memory_space<hbm>> -> memref<1x10000xf32, #tpu.memory_space<hbm>>
      tpu.wait_dma2 semaphore(%run_scoped3A : memref<!tpu.dma_semaphore, #tpu.memory_space<semaphore_mem>>) src(%arg11 : memref<1x10000xf32, #tpu.memory_space<vmem>>) dst(%dma_wait3A_157 : memref<1x10000xf32, #tpu.memory_space<hbm>>)
      tpu.yield
    }) : () -> ()
    %add3A_105 = arith.constant 2 : i32
    %add3A_106 = arith.addi %mul3A_2, %add3A_105 : i32
    "tpu.region"() ({
      %run_scoped3A = tpu.sem_alloc : memref<!tpu.dma_semaphore, #tpu.memory_space<semaphore_mem>>
      %dma_start3A_143 = arith.constant 0 : i32
      %dma_start3A_144 = arith.constant 0 : i32
      %dma_start3A_145 = tpu.memref_slice %arg7[%add3A_106, %dma_start3A_143, %dma_start3A_144] : memref<128x1x10000xf32, #tpu.memory_space<hbm>> -> memref<1x1x10000xf32, #tpu.memory_space<hbm>>
      %dma_start3A_146 = tpu.memref_squeeze %dma_start3A_145 : memref<1x1x10000xf32, #tpu.memory_space<hbm>> -> memref<1x10000xf32, #tpu.memory_space<hbm>>
      %dma_start3A_147 = arith.constant 0 : i32
      %dma_start3A_148 = arith.constant 0 : i32
      %dma_start3A_149 = tpu.memref_slice %arg7[%add3A_106, %dma_start3A_147, %dma_start3A_148] : memref<128x1x10000xf32, #tpu.memory_space<hbm>> -> memref<1x1x10000xf32, #tpu.memory_space<hbm>>
      %dma_start3A_150 = tpu.memref_squeeze %dma_start3A_149 : memref<1x1x10000xf32, #tpu.memory_space<hbm>> -> memref<1x10000xf32, #tpu.memory_space<hbm>>
      tpu.enqueue_dma source(%arg12 : memref<1x10000xf32, #tpu.memory_space<vmem>>) target(%dma_start3A_150 : memref<1x10000xf32, #tpu.memory_space<hbm>>) target_semaphore(%run_scoped3A : memref<!tpu.dma_semaphore, #tpu.memory_space<semaphore_mem>>)
      %dma_wait3A = arith.constant 0 : i32
      %dma_wait3A_151 = arith.constant 0 : i32
      %dma_wait3A_152 = tpu.memref_slice %arg7[%add3A_106, %dma_wait3A, %dma_wait3A_151] : memref<128x1x10000xf32, #tpu.memory_space<hbm>> -> memref<1x1x10000xf32, #tpu.memory_space<hbm>>
      %dma_wait3A_153 = tpu.memref_squeeze %dma_wait3A_152 : memref<1x1x10000xf32, #tpu.memory_space<hbm>> -> memref<1x10000xf32, #tpu.memory_space<hbm>>
      %dma_wait3A_154 = arith.constant 0 : i32
      %dma_wait3A_155 = arith.constant 0 : i32
      %dma_wait3A_156 = tpu.memref_slice %arg7[%add3A_106, %dma_wait3A_154, %dma_wait3A_155] : memref<128x1x10000xf32, #tpu.memory_space<hbm>> -> memref<1x1x10000xf32, #tpu.memory_space<hbm>>
      %dma_wait3A_157 = tpu.memref_squeeze %dma_wait3A_156 : memref<1x1x10000xf32, #tpu.memory_space<hbm>> -> memref<1x10000xf32, #tpu.memory_space<hbm>>
      tpu.wait_dma2 semaphore(%run_scoped3A : memref<!tpu.dma_semaphore, #tpu.memory_space<semaphore_mem>>) src(%arg12 : memref<1x10000xf32, #tpu.memory_space<vmem>>) dst(%dma_wait3A_157 : memref<1x10000xf32, #tpu.memory_space<hbm>>)
      tpu.yield
    }) : () -> ()
    %add3A_107 = arith.constant 3 : i32
    %add3A_108 = arith.addi %mul3A_2, %add3A_107 : i32
    "tpu.region"() ({
      %run_scoped3A = tpu.sem_alloc : memref<!tpu.dma_semaphore, #tpu.memory_space<semaphore_mem>>
      %dma_start3A_143 = arith.constant 0 : i32
      %dma_start3A_144 = arith.constant 0 : i32
      %dma_start3A_145 = tpu.memref_slice %arg7[%add3A_108, %dma_start3A_143, %dma_start3A_144] : memref<128x1x10000xf32, #tpu.memory_space<hbm>> -> memref<1x1x10000xf32, #tpu.memory_space<hbm>>
      %dma_start3A_146 = tpu.memref_squeeze %dma_start3A_145 : memref<1x1x10000xf32, #tpu.memory_space<hbm>> -> memref<1x10000xf32, #tpu.memory_space<hbm>>
      %dma_start3A_147 = arith.constant 0 : i32
      %dma_start3A_148 = arith.constant 0 : i32
      %dma_start3A_149 = tpu.memref_slice %arg7[%add3A_108, %dma_start3A_147, %dma_start3A_148] : memref<128x1x10000xf32, #tpu.memory_space<hbm>> -> memref<1x1x10000xf32, #tpu.memory_space<hbm>>
      %dma_start3A_150 = tpu.memref_squeeze %dma_start3A_149 : memref<1x1x10000xf32, #tpu.memory_space<hbm>> -> memref<1x10000xf32, #tpu.memory_space<hbm>>
      tpu.enqueue_dma source(%arg13 : memref<1x10000xf32, #tpu.memory_space<vmem>>) target(%dma_start3A_150 : memref<1x10000xf32, #tpu.memory_space<hbm>>) target_semaphore(%run_scoped3A : memref<!tpu.dma_semaphore, #tpu.memory_space<semaphore_mem>>)
      %dma_wait3A = arith.constant 0 : i32
      %dma_wait3A_151 = arith.constant 0 : i32
      %dma_wait3A_152 = tpu.memref_slice %arg7[%add3A_108, %dma_wait3A, %dma_wait3A_151] : memref<128x1x10000xf32, #tpu.memory_space<hbm>> -> memref<1x1x10000xf32, #tpu.memory_space<hbm>>
      %dma_wait3A_153 = tpu.memref_squeeze %dma_wait3A_152 : memref<1x1x10000xf32, #tpu.memory_space<hbm>> -> memref<1x10000xf32, #tpu.memory_space<hbm>>
      %dma_wait3A_154 = arith.constant 0 : i32
      %dma_wait3A_155 = arith.constant 0 : i32
      %dma_wait3A_156 = tpu.memref_slice %arg7[%add3A_108, %dma_wait3A_154, %dma_wait3A_155] : memref<128x1x10000xf32, #tpu.memory_space<hbm>> -> memref<1x1x10000xf32, #tpu.memory_space<hbm>>
      %dma_wait3A_157 = tpu.memref_squeeze %dma_wait3A_156 : memref<1x1x10000xf32, #tpu.memory_space<hbm>> -> memref<1x10000xf32, #tpu.memory_space<hbm>>
      tpu.wait_dma2 semaphore(%run_scoped3A : memref<!tpu.dma_semaphore, #tpu.memory_space<semaphore_mem>>) src(%arg13 : memref<1x10000xf32, #tpu.memory_space<vmem>>) dst(%dma_wait3A_157 : memref<1x10000xf32, #tpu.memory_space<hbm>>)
      tpu.yield
    }) : () -> ()
    %parallel_loop3A_109 = arith.constant 0 : i32
    %parallel_loop3A_110 = arith.constant 625 : i32
    %parallel_loop3A_111 = arith.constant 1 : i32
    scf.for %parallel_loop3A_143 = %parallel_loop3A_109 to %parallel_loop3A_110 step %parallel_loop3A_111  : i32 {
      %parallel_loop3A_144 = arith.constant 16 : i32
      %parallel_loop3A_145 = arith.muli %parallel_loop3A_143, %parallel_loop3A_144 : i32
      %parallel_loop3A_146 = arith.constant 0 : i32
      %parallel_loop3A_147 = arith.index_cast %parallel_loop3A_146 : i32 to index
      %parallel_loop3A_148 = arith.index_cast %parallel_loop3A_145 : i32 to index
      %parallel_loop3A_149 = tpu.vector_load %arg10[%parallel_loop3A_147, %parallel_loop3A_148] {strides = array<i32>} : memref<1x10000xf32, #tpu.memory_space<vmem>>, vector<16xf32>,
      %parallel_loop3A_150 = arith.constant 16 : i32
      %parallel_loop3A_151 = arith.muli %parallel_loop3A_143, %parallel_loop3A_150 : i32
      %parallel_loop3A_152 = arith.constant 0 : i32
      %parallel_loop3A_153 = arith.index_cast %parallel_loop3A_152 : i32 to index
      %parallel_loop3A_154 = arith.index_cast %parallel_loop3A_151 : i32 to index
      %parallel_loop3A_155 = tpu.vector_load %arg14[%parallel_loop3A_153, %parallel_loop3A_154] {strides = array<i32>} : memref<1x10000xf32, #tpu.memory_space<vmem>>, vector<16xf32>,
      tpu.vector_store %arg14[%parallel_loop3A_153, %parallel_loop3A_154], %parallel_loop3A_149 {strides = array<i32>} : memref<1x10000xf32, #tpu.memory_space<vmem>>, vector<16xf32>,
      %parallel_loop3A_156 = arith.constant 16 : i32
      %parallel_loop3A_157 = arith.muli %parallel_loop3A_143, %parallel_loop3A_156 : i32
      %parallel_loop3A_158 = arith.constant 0 : i32
      %parallel_loop3A_159 = arith.index_cast %parallel_loop3A_158 : i32 to index
      %parallel_loop3A_160 = arith.index_cast %parallel_loop3A_157 : i32 to index
      %parallel_loop3A_161 = tpu.vector_load %arg11[%parallel_loop3A_159, %parallel_loop3A_160] {strides = array<i32>} : memref<1x10000xf32, #tpu.memory_space<vmem>>, vector<16xf32>,
      %parallel_loop3A_162 = arith.constant 16 : i32
      %parallel_loop3A_163 = arith.muli %parallel_loop3A_143, %parallel_loop3A_162 : i32
      %parallel_loop3A_164 = arith.constant 0 : i32
      %parallel_loop3A_165 = arith.index_cast %parallel_loop3A_164 : i32 to index
      %parallel_loop3A_166 = arith.index_cast %parallel_loop3A_163 : i32 to index
      %parallel_loop3A_167 = tpu.vector_load %arg15[%parallel_loop3A_165, %parallel_loop3A_166] {strides = array<i32>} : memref<1x10000xf32, #tpu.memory_space<vmem>>, vector<16xf32>,
      tpu.vector_store %arg15[%parallel_loop3A_165, %parallel_loop3A_166], %parallel_loop3A_161 {strides = array<i32>} : memref<1x10000xf32, #tpu.memory_space<vmem>>, vector<16xf32>,
      %parallel_loop3A_168 = arith.constant 16 : i32
      %parallel_loop3A_169 = arith.muli %parallel_loop3A_143, %parallel_loop3A_168 : i32
      %parallel_loop3A_170 = arith.constant 0 : i32
      %parallel_loop3A_171 = arith.index_cast %parallel_loop3A_170 : i32 to index
      %parallel_loop3A_172 = arith.index_cast %parallel_loop3A_169 : i32 to index
      %parallel_loop3A_173 = tpu.vector_load %arg12[%parallel_loop3A_171, %parallel_loop3A_172] {strides = array<i32>} : memref<1x10000xf32, #tpu.memory_space<vmem>>, vector<16xf32>,
      %parallel_loop3A_174 = arith.constant 16 : i32
      %parallel_loop3A_175 = arith.muli %parallel_loop3A_143, %parallel_loop3A_174 : i32
      %parallel_loop3A_176 = arith.constant 0 : i32
      %parallel_loop3A_177 = arith.index_cast %parallel_loop3A_176 : i32 to index
      %parallel_loop3A_178 = arith.index_cast %parallel_loop3A_175 : i32 to index
      %parallel_loop3A_179 = tpu.vector_load %arg16[%parallel_loop3A_177, %parallel_loop3A_178] {strides = array<i32>} : memref<1x10000xf32, #tpu.memory_space<vmem>>, vector<16xf32>,
      tpu.vector_store %arg16[%parallel_loop3A_177, %parallel_loop3A_178], %parallel_loop3A_173 {strides = array<i32>} : memref<1x10000xf32, #tpu.memory_space<vmem>>, vector<16xf32>,
      %parallel_loop3A_180 = arith.constant 16 : i32
      %parallel_loop3A_181 = arith.muli %parallel_loop3A_143, %parallel_loop3A_180 : i32
      %parallel_loop3A_182 = arith.constant 0 : i32
      %parallel_loop3A_183 = arith.index_cast %parallel_loop3A_182 : i32 to index
      %parallel_loop3A_184 = arith.index_cast %parallel_loop3A_181 : i32 to index
      %parallel_loop3A_185 = tpu.vector_load %arg13[%parallel_loop3A_183, %parallel_loop3A_184] {strides = array<i32>} : memref<1x10000xf32, #tpu.memory_space<vmem>>, vector<16xf32>,
      %parallel_loop3A_186 = arith.constant 16 : i32
      %parallel_loop3A_187 = arith.muli %parallel_loop3A_143, %parallel_loop3A_186 : i32
      %parallel_loop3A_188 = arith.constant 0 : i32
      %parallel_loop3A_189 = arith.index_cast %parallel_loop3A_188 : i32 to index
      %parallel_loop3A_190 = arith.index_cast %parallel_loop3A_187 : i32 to index
      %parallel_loop3A_191 = tpu.vector_load %arg17[%parallel_loop3A_189, %parallel_loop3A_190] {strides = array<i32>} : memref<1x10000xf32, #tpu.memory_space<vmem>>, vector<16xf32>,
      tpu.vector_store %arg17[%parallel_loop3A_189, %parallel_loop3A_190], %parallel_loop3A_185 {strides = array<i32>} : memref<1x10000xf32, #tpu.memory_space<vmem>>, vector<16xf32>,
    } {sc.loop_unroll_factor = 10 : i64, sc.parallel_access}
    %dma_start3A_112 = arith.constant 0 : i32
    %dma_start3A_113 = tpu.memref_slice %arg9[%dma_start3A_112] : memref<320000xi32, #tpu.memory_space<hbm>> -> memref<3200xi32, #tpu.memory_space<hbm>>
    %dma_start3A_114 = arith.constant 0 : i32
    %dma_start3A_115 = tpu.memref_slice %arg9[%dma_start3A_114] : memref<320000xi32, #tpu.memory_space<hbm>> -> memref<3200xi32, #tpu.memory_space<hbm>>
    tpu.enqueue_dma source(%dma_start3A_115 : memref<3200xi32, #tpu.memory_space<hbm>>) target(%arg22 : memref<3200xi32, #tpu.memory_space<vmem>>) target_semaphore(%arg30 : memref<!tpu.dma_semaphore, #tpu.memory_space<semaphore_mem>>)
    %dma_start3A_116 = arith.constant 0 : i32
    %dma_start3A_117 = tpu.memref_slice %arg29[%dma_start3A_116] : memref<320000xf32, #tpu.memory_space<vmem_shared>> -> memref<3200xf32, #tpu.memory_space<vmem_shared>>
    %dma_start3A_118 = arith.constant 0 : i32
    %dma_start3A_119 = tpu.memref_slice %arg29[%dma_start3A_118] : memref<320000xf32, #tpu.memory_space<vmem_shared>> -> memref<3200xf32, #tpu.memory_space<vmem_shared>>
    tpu.enqueue_dma source(%dma_start3A_119 : memref<3200xf32, #tpu.memory_space<vmem_shared>>) target(%arg24 : memref<3200xf32, #tpu.memory_space<vmem>>) target_semaphore(%arg32 : memref<!tpu.dma_semaphore, #tpu.memory_space<semaphore_mem>>)
    %scan3A_120 = arith.constant 0 : i32
    %scan3A_121 = arith.constant 0 : i32
    %scan3A_122 = arith.constant 0 : i32
    %scan3A_123 = arith.constant 0 : i32
    %scan3A_124 = arith.constant 0 : i32
    %scan3A_125 = arith.constant 0 : i32
    %scan3A_126 = arith.constant 0 : i32
    %scan3A_127 = arith.constant 0 : i32
    %scan3A_128 = arith.constant 0 : i32
    %scan3A_129 = arith.constant 0 : i32
    %scan3A_130 = arith.constant 50 : i32
    %scan3A_131 = arith.addi %scan3A_129, %scan3A_130 : i32
    %scan3A_132 = arith.constant 1 : i32
    %scan3A_133 = scf.for %scan3A_143 = %scan3A_129 to %scan3A_131 step %scan3A_132 iter_args(%scan3A_144 = %scan3A_128) -> (i32)  : i32 {
      %mul3A_145 = arith.constant 2 : i32
      %mul3A_146 = arith.muli %scan3A_143, %mul3A_145 : i32
      %add3A_147 = arith.constant 0 : i32
      %add3A_148 = arith.addi %mul3A_146, %add3A_147 : i32
      %add3A_149 = arith.constant 1 : i32
      %add3A_150 = arith.addi %add3A_148, %add3A_149 : i32
      %lt3A = arith.constant 100 : i32
      %lt3A_151 = arith.cmpi slt, %add3A_150, %lt3A : i32
      %convert_element_type3A_152 = arith.extui %lt3A_151 : i1 to i32
      %cond3A_153 = arith.constant 0 : i32
      %cond3A_154 = arith.cmpi ne, %convert_element_type3A_152, %cond3A_153 : i32
      scf.if %cond3A_154 {
        %add3A_188 = arith.constant 1 : i32
        %add3A_189 = arith.addi %add3A_148, %add3A_188 : i32
        %mul3A_190 = arith.constant 3200 : i32
        %mul3A_191 = arith.muli %add3A_189, %mul3A_190 : i32
        %dma_start3A_192 = tpu.memref_slice %arg9[%mul3A_191] : memref<320000xi32, #tpu.memory_space<hbm>> -> memref<3200xi32, #tpu.memory_space<hbm>>
        %dma_start3A_193 = tpu.memref_slice %arg9[%mul3A_191] : memref<320000xi32, #tpu.memory_space<hbm>> -> memref<3200xi32, #tpu.memory_space<hbm>>
        tpu.enqueue_dma source(%dma_start3A_193 : memref<3200xi32, #tpu.memory_space<hbm>>) target(%arg23 : memref<3200xi32, #tpu.memory_space<vmem>>) target_semaphore(%arg31 : memref<!tpu.dma_semaphore, #tpu.memory_space<semaphore_mem>>)
        %mul3A_194 = arith.constant 3200 : i32
        %mul3A_195 = arith.muli %add3A_189, %mul3A_194 : i32
        %dma_start3A_196 = tpu.memref_slice %arg29[%mul3A_195] : memref<320000xf32, #tpu.memory_space<vmem_shared>> -> memref<3200xf32, #tpu.memory_space<vmem_shared>>
        %dma_start3A_197 = tpu.memref_slice %arg29[%mul3A_195] : memref<320000xf32, #tpu.memory_space<vmem_shared>> -> memref<3200xf32, #tpu.memory_space<vmem_shared>>
        tpu.enqueue_dma source(%dma_start3A_197 : memref<3200xf32, #tpu.memory_space<vmem_shared>>) target(%arg25 : memref<3200xf32, #tpu.memory_space<vmem>>) target_semaphore(%arg33 : memref<!tpu.dma_semaphore, #tpu.memory_space<semaphore_mem>>)
      } else {
      }
      %mul3A_155 = arith.constant 3200 : i32
      %mul3A_156 = arith.muli %add3A_148, %mul3A_155 : i32
      %dma_wait3A = tpu.memref_slice %arg9[%mul3A_156] : memref<320000xi32, #tpu.memory_space<hbm>> -> memref<3200xi32, #tpu.memory_space<hbm>>
      %dma_wait3A_157 = tpu.memref_slice %arg9[%mul3A_156] : memref<320000xi32, #tpu.memory_space<hbm>> -> memref<3200xi32, #tpu.memory_space<hbm>>
      tpu.wait_dma2 semaphore(%arg30 : memref<!tpu.dma_semaphore, #tpu.memory_space<semaphore_mem>>) src(%dma_wait3A_157 : memref<3200xi32, #tpu.memory_space<hbm>>) dst(%arg22 : memref<3200xi32, #tpu.memory_space<vmem>>)
      %mul3A_158 = arith.constant 3200 : i32
      %mul3A_159 = arith.muli %add3A_148, %mul3A_158 : i32
      %dma_wait3A_160 = tpu.memref_slice %arg29[%mul3A_159] : memref<320000xf32, #tpu.memory_space<vmem_shared>> -> memref<3200xf32, #tpu.memory_space<vmem_shared>>
      %dma_wait3A_161 = tpu.memref_slice %arg29[%mul3A_159] : memref<320000xf32, #tpu.memory_space<vmem_shared>> -> memref<3200xf32, #tpu.memory_space<vmem_shared>>
      tpu.wait_dma2 semaphore(%arg32 : memref<!tpu.dma_semaphore, #tpu.memory_space<semaphore_mem>>) src(%dma_wait3A_161 : memref<3200xf32, #tpu.memory_space<vmem_shared>>) dst(%arg24 : memref<3200xf32, #tpu.memory_space<vmem>>)
      %parallel_loop3A_162 = arith.constant 0 : i32
      %parallel_loop3A_163 = arith.constant 200 : i32
      %parallel_loop3A_164 = arith.constant 1 : i32
      scf.for %parallel_loop3A_188 = %parallel_loop3A_162 to %parallel_loop3A_163 step %parallel_loop3A_164  : i32 {
        %parallel_loop3A_189 = arith.constant 16 : i32
        %parallel_loop3A_190 = arith.muli %parallel_loop3A_188, %parallel_loop3A_189 : i32
        %parallel_loop3A_191 = arith.index_cast %parallel_loop3A_190 : i32 to index
        %parallel_loop3A_192 = tpu.vector_load %arg22[%parallel_loop3A_191] {strides = array<i32>} : memref<3200xi32, #tpu.memory_space<vmem>>, vector<16xi32>,
        %parallel_loop3A_193 = arith.index_cast %parallel_loop3A_190 : i32 to index
        %parallel_loop3A_194 = tpu.vector_load %arg24[%parallel_loop3A_193] {strides = array<i32>} : memref<3200xf32, #tpu.memory_space<vmem>>, vector<16xf32>,
        %parallel_loop3A_195 = arith.andi %parallel_loop3A_192, %broadcast_in_dim3A_41 : vector<16xi32>
        %parallel_loop3A_196 = arith.constant 16 : i32
        %parallel_loop3A_197 = vector.broadcast %parallel_loop3A_196 : i32 to vector<16xi32>
        %parallel_loop3A_198 = arith.shrui %parallel_loop3A_192, %parallel_loop3A_197 : vector<16xi32>
        %parallel_loop3A_199 = arith.constant 0 : i32
        %parallel_loop3A_200 = tpu.memref_slice %arg10[%scan3A_120, %parallel_loop3A_199] : memref<1x10000xf32, #tpu.memory_space<vmem>> -> memref<1x10000xf32, #tpu.memory_space<vmem>>
        %parallel_loop3A_201 = tpu.memref_squeeze %parallel_loop3A_200 : memref<1x10000xf32, #tpu.memory_space<vmem>> -> memref<10000xf32, #tpu.memory_space<vmem>>
        %parallel_loop3A_202 = tpu.vector_load_idx %parallel_loop3A_201[%parallel_loop3A_195] : memref<10000xf32, #tpu.memory_space<vmem>>[vector<16xi32>], vector<16xf32>,
        %parallel_loop3A_203 = arith.mulf %parallel_loop3A_202, %parallel_loop3A_194 : vector<16xf32>
        %parallel_loop3A_204 = arith.constant 0 : i32
        %parallel_loop3A_205 = tpu.memref_slice %arg14[%scan3A_121, %parallel_loop3A_204] : memref<1x10000xf32, #tpu.memory_space<vmem>> -> memref<1x10000xf32, #tpu.memory_space<vmem>>
        %parallel_loop3A_206 = tpu.memref_squeeze %parallel_loop3A_205 : memref<1x10000xf32, #tpu.memory_space<vmem>> -> memref<10000xf32, #tpu.memory_space<vmem>>
        tpu.vector_store_idx %parallel_loop3A_206[%parallel_loop3A_198], %parallel_loop3A_203 {add = true} : memref<10000xf32, #tpu.memory_space<vmem>>[vector<16xi32>], vector<16xf32>,
        %parallel_loop3A_207 = arith.constant 0 : i32
        %parallel_loop3A_208 = tpu.memref_slice %arg11[%scan3A_122, %parallel_loop3A_207] : memref<1x10000xf32, #tpu.memory_space<vmem>> -> memref<1x10000xf32, #tpu.memory_space<vmem>>
        %parallel_loop3A_209 = tpu.memref_squeeze %parallel_loop3A_208 : memref<1x10000xf32, #tpu.memory_space<vmem>> -> memref<10000xf32, #tpu.memory_space<vmem>>
        %parallel_loop3A_210 = tpu.vector_load_idx %parallel_loop3A_209[%parallel_loop3A_195] : memref<10000xf32, #tpu.memory_space<vmem>>[vector<16xi32>], vector<16xf32>,
        %parallel_loop3A_211 = arith.mulf %parallel_loop3A_210, %parallel_loop3A_194 : vector<16xf32>
        %parallel_loop3A_212 = arith.constant 0 : i32
        %parallel_loop3A_213 = tpu.memref_slice %arg15[%scan3A_123, %parallel_loop3A_212] : memref<1x10000xf32, #tpu.memory_space<vmem>> -> memref<1x10000xf32, #tpu.memory_space<vmem>>
        %parallel_loop3A_214 = tpu.memref_squeeze %parallel_loop3A_213 : memref<1x10000xf32, #tpu.memory_space<vmem>> -> memref<10000xf32, #tpu.memory_space<vmem>>
        tpu.vector_store_idx %parallel_loop3A_214[%parallel_loop3A_198], %parallel_loop3A_211 {add = true} : memref<10000xf32, #tpu.memory_space<vmem>>[vector<16xi32>], vector<16xf32>,
        %parallel_loop3A_215 = arith.constant 0 : i32
        %parallel_loop3A_216 = tpu.memref_slice %arg12[%scan3A_124, %parallel_loop3A_215] : memref<1x10000xf32, #tpu.memory_space<vmem>> -> memref<1x10000xf32, #tpu.memory_space<vmem>>
        %parallel_loop3A_217 = tpu.memref_squeeze %parallel_loop3A_216 : memref<1x10000xf32, #tpu.memory_space<vmem>> -> memref<10000xf32, #tpu.memory_space<vmem>>
        %parallel_loop3A_218 = tpu.vector_load_idx %parallel_loop3A_217[%parallel_loop3A_195] : memref<10000xf32, #tpu.memory_space<vmem>>[vector<16xi32>], vector<16xf32>,
        %parallel_loop3A_219 = arith.mulf %parallel_loop3A_218, %parallel_loop3A_194 : vector<16xf32>
        %parallel_loop3A_220 = arith.constant 0 : i32
        %parallel_loop3A_221 = tpu.memref_slice %arg16[%scan3A_125, %parallel_loop3A_220] : memref<1x10000xf32, #tpu.memory_space<vmem>> -> memref<1x10000xf32, #tpu.memory_space<vmem>>
        %parallel_loop3A_222 = tpu.memref_squeeze %parallel_loop3A_221 : memref<1x10000xf32, #tpu.memory_space<vmem>> -> memref<10000xf32, #tpu.memory_space<vmem>>
        tpu.vector_store_idx %parallel_loop3A_222[%parallel_loop3A_198], %parallel_loop3A_219 {add = true} : memref<10000xf32, #tpu.memory_space<vmem>>[vector<16xi32>], vector<16xf32>,
        %parallel_loop3A_223 = arith.constant 0 : i32
        %parallel_loop3A_224 = tpu.memref_slice %arg13[%scan3A_126, %parallel_loop3A_223] : memref<1x10000xf32, #tpu.memory_space<vmem>> -> memref<1x10000xf32, #tpu.memory_space<vmem>>
        %parallel_loop3A_225 = tpu.memref_squeeze %parallel_loop3A_224 : memref<1x10000xf32, #tpu.memory_space<vmem>> -> memref<10000xf32, #tpu.memory_space<vmem>>
        %parallel_loop3A_226 = tpu.vector_load_idx %parallel_loop3A_225[%parallel_loop3A_195] : memref<10000xf32, #tpu.memory_space<vmem>>[vector<16xi32>], vector<16xf32>,
        %parallel_loop3A_227 = arith.mulf %parallel_loop3A_226, %parallel_loop3A_194 : vector<16xf32>
        %parallel_loop3A_228 = arith.constant 0 : i32
        %parallel_loop3A_229 = tpu.memref_slice %arg17[%scan3A_127, %parallel_loop3A_228] : memref<1x10000xf32, #tpu.memory_space<vmem>> -> memref<1x10000xf32, #tpu.memory_space<vmem>>
        %parallel_loop3A_230 = tpu.memref_squeeze %parallel_loop3A_229 : memref<1x10000xf32, #tpu.memory_space<vmem>> -> memref<10000xf32, #tpu.memory_space<vmem>>
        tpu.vector_store_idx %parallel_loop3A_230[%parallel_loop3A_198], %parallel_loop3A_227 {add = true} : memref<10000xf32, #tpu.memory_space<vmem>>[vector<16xi32>], vector<16xf32>,
      } {sc.loop_unroll_factor = 10 : i64, sc.parallel_access}
      %mul3A_165 = arith.constant 2 : i32
      %mul3A_166 = arith.muli %scan3A_143, %mul3A_165 : i32
      %add3A_167 = arith.constant 1 : i32
      %add3A_168 = arith.addi %mul3A_166, %add3A_167 : i32
      %add3A_169 = arith.constant 1 : i32
      %add3A_170 = arith.addi %add3A_168, %add3A_169 : i32
      %lt3A_171 = arith.constant 100 : i32
      %lt3A_172 = arith.cmpi slt, %add3A_170, %lt3A_171 : i32
      %convert_element_type3A_173 = arith.extui %lt3A_172 : i1 to i32
      %cond3A_174 = arith.constant 0 : i32
      %cond3A_175 = arith.cmpi ne, %convert_element_type3A_173, %cond3A_174 : i32
      scf.if %cond3A_175 {
        %add3A_188 = arith.constant 1 : i32
        %add3A_189 = arith.addi %add3A_168, %add3A_188 : i32
        %mul3A_190 = arith.constant 3200 : i32
        %mul3A_191 = arith.muli %add3A_189, %mul3A_190 : i32
        %dma_start3A_192 = tpu.memref_slice %arg9[%mul3A_191] : memref<320000xi32, #tpu.memory_space<hbm>> -> memref<3200xi32, #tpu.memory_space<hbm>>
        %dma_start3A_193 = tpu.memref_slice %arg9[%mul3A_191] : memref<320000xi32, #tpu.memory_space<hbm>> -> memref<3200xi32, #tpu.memory_space<hbm>>
        tpu.enqueue_dma source(%dma_start3A_193 : memref<3200xi32, #tpu.memory_space<hbm>>) target(%arg22 : memref<3200xi32, #tpu.memory_space<vmem>>) target_semaphore(%arg30 : memref<!tpu.dma_semaphore, #tpu.memory_space<semaphore_mem>>)
        %mul3A_194 = arith.constant 3200 : i32
        %mul3A_195 = arith.muli %add3A_189, %mul3A_194 : i32
        %dma_start3A_196 = tpu.memref_slice %arg29[%mul3A_195] : memref<320000xf32, #tpu.memory_space<vmem_shared>> -> memref<3200xf32, #tpu.memory_space<vmem_shared>>
        %dma_start3A_197 = tpu.memref_slice %arg29[%mul3A_195] : memref<320000xf32, #tpu.memory_space<vmem_shared>> -> memref<3200xf32, #tpu.memory_space<vmem_shared>>
        tpu.enqueue_dma source(%dma_start3A_197 : memref<3200xf32, #tpu.memory_space<vmem_shared>>) target(%arg24 : memref<3200xf32, #tpu.memory_space<vmem>>) target_semaphore(%arg32 : memref<!tpu.dma_semaphore, #tpu.memory_space<semaphore_mem>>)
      } else {
      }
      %mul3A_176 = arith.constant 3200 : i32
      %mul3A_177 = arith.muli %add3A_168, %mul3A_176 : i32
      %dma_wait3A_178 = tpu.memref_slice %arg9[%mul3A_177] : memref<320000xi32, #tpu.memory_space<hbm>> -> memref<3200xi32, #tpu.memory_space<hbm>>
      %dma_wait3A_179 = tpu.memref_slice %arg9[%mul3A_177] : memref<320000xi32, #tpu.memory_space<hbm>> -> memref<3200xi32, #tpu.memory_space<hbm>>
      tpu.wait_dma2 semaphore(%arg31 : memref<!tpu.dma_semaphore, #tpu.memory_space<semaphore_mem>>) src(%dma_wait3A_179 : memref<3200xi32, #tpu.memory_space<hbm>>) dst(%arg23 : memref<3200xi32, #tpu.memory_space<vmem>>)
      %mul3A_180 = arith.constant 3200 : i32
      %mul3A_181 = arith.muli %add3A_168, %mul3A_180 : i32
      %dma_wait3A_182 = tpu.memref_slice %arg29[%mul3A_181] : memref<320000xf32, #tpu.memory_space<vmem_shared>> -> memref<3200xf32, #tpu.memory_space<vmem_shared>>
      %dma_wait3A_183 = tpu.memref_slice %arg29[%mul3A_181] : memref<320000xf32, #tpu.memory_space<vmem_shared>> -> memref<3200xf32, #tpu.memory_space<vmem_shared>>
      tpu.wait_dma2 semaphore(%arg33 : memref<!tpu.dma_semaphore, #tpu.memory_space<semaphore_mem>>) src(%dma_wait3A_183 : memref<3200xf32, #tpu.memory_space<vmem_shared>>) dst(%arg25 : memref<3200xf32, #tpu.memory_space<vmem>>)
      %parallel_loop3A_184 = arith.constant 0 : i32
      %parallel_loop3A_185 = arith.constant 200 : i32
      %parallel_loop3A_186 = arith.constant 1 : i32
      scf.for %parallel_loop3A_188 = %parallel_loop3A_184 to %parallel_loop3A_185 step %parallel_loop3A_186  : i32 {
        %parallel_loop3A_189 = arith.constant 16 : i32
        %parallel_loop3A_190 = arith.muli %parallel_loop3A_188, %parallel_loop3A_189 : i32
        %parallel_loop3A_191 = arith.index_cast %parallel_loop3A_190 : i32 to index
        %parallel_loop3A_192 = tpu.vector_load %arg23[%parallel_loop3A_191] {strides = array<i32>} : memref<3200xi32, #tpu.memory_space<vmem>>, vector<16xi32>,
        %parallel_loop3A_193 = arith.index_cast %parallel_loop3A_190 : i32 to index
        %parallel_loop3A_194 = tpu.vector_load %arg25[%parallel_loop3A_193] {strides = array<i32>} : memref<3200xf32, #tpu.memory_space<vmem>>, vector<16xf32>,
        %parallel_loop3A_195 = arith.andi %parallel_loop3A_192, %broadcast_in_dim3A_41 : vector<16xi32>
        %parallel_loop3A_196 = arith.constant 16 : i32
        %parallel_loop3A_197 = vector.broadcast %parallel_loop3A_196 : i32 to vector<16xi32>
        %parallel_loop3A_198 = arith.shrui %parallel_loop3A_192, %parallel_loop3A_197 : vector<16xi32>
        %parallel_loop3A_199 = arith.constant 0 : i32
        %parallel_loop3A_200 = tpu.memref_slice %arg10[%scan3A_120, %parallel_loop3A_199] : memref<1x10000xf32, #tpu.memory_space<vmem>> -> memref<1x10000xf32, #tpu.memory_space<vmem>>
        %parallel_loop3A_201 = tpu.memref_squeeze %parallel_loop3A_200 : memref<1x10000xf32, #tpu.memory_space<vmem>> -> memref<10000xf32, #tpu.memory_space<vmem>>
        %parallel_loop3A_202 = tpu.vector_load_idx %parallel_loop3A_201[%parallel_loop3A_195] : memref<10000xf32, #tpu.memory_space<vmem>>[vector<16xi32>], vector<16xf32>,
        %parallel_loop3A_203 = arith.mulf %parallel_loop3A_202, %parallel_loop3A_194 : vector<16xf32>
        %parallel_loop3A_204 = arith.constant 0 : i32
        %parallel_loop3A_205 = tpu.memref_slice %arg14[%scan3A_121, %parallel_loop3A_204] : memref<1x10000xf32, #tpu.memory_space<vmem>> -> memref<1x10000xf32, #tpu.memory_space<vmem>>
        %parallel_loop3A_206 = tpu.memref_squeeze %parallel_loop3A_205 : memref<1x10000xf32, #tpu.memory_space<vmem>> -> memref<10000xf32, #tpu.memory_space<vmem>>
        tpu.vector_store_idx %parallel_loop3A_206[%parallel_loop3A_198], %parallel_loop3A_203 {add = true} : memref<10000xf32, #tpu.memory_space<vmem>>[vector<16xi32>], vector<16xf32>,
        %parallel_loop3A_207 = arith.constant 0 : i32
        %parallel_loop3A_208 = tpu.memref_slice %arg11[%scan3A_122, %parallel_loop3A_207] : memref<1x10000xf32, #tpu.memory_space<vmem>> -> memref<1x10000xf32, #tpu.memory_space<vmem>>
        %parallel_loop3A_209 = tpu.memref_squeeze %parallel_loop3A_208 : memref<1x10000xf32, #tpu.memory_space<vmem>> -> memref<10000xf32, #tpu.memory_space<vmem>>
        %parallel_loop3A_210 = tpu.vector_load_idx %parallel_loop3A_209[%parallel_loop3A_195] : memref<10000xf32, #tpu.memory_space<vmem>>[vector<16xi32>], vector<16xf32>,
        %parallel_loop3A_211 = arith.mulf %parallel_loop3A_210, %parallel_loop3A_194 : vector<16xf32>
        %parallel_loop3A_212 = arith.constant 0 : i32
        %parallel_loop3A_213 = tpu.memref_slice %arg15[%scan3A_123, %parallel_loop3A_212] : memref<1x10000xf32, #tpu.memory_space<vmem>> -> memref<1x10000xf32, #tpu.memory_space<vmem>>
        %parallel_loop3A_214 = tpu.memref_squeeze %parallel_loop3A_213 : memref<1x10000xf32, #tpu.memory_space<vmem>> -> memref<10000xf32, #tpu.memory_space<vmem>>
        tpu.vector_store_idx %parallel_loop3A_214[%parallel_loop3A_198], %parallel_loop3A_211 {add = true} : memref<10000xf32, #tpu.memory_space<vmem>>[vector<16xi32>], vector<16xf32>,
        %parallel_loop3A_215 = arith.constant 0 : i32
        %parallel_loop3A_216 = tpu.memref_slice %arg12[%scan3A_124, %parallel_loop3A_215] : memref<1x10000xf32, #tpu.memory_space<vmem>> -> memref<1x10000xf32, #tpu.memory_space<vmem>>
        %parallel_loop3A_217 = tpu.memref_squeeze %parallel_loop3A_216 : memref<1x10000xf32, #tpu.memory_space<vmem>> -> memref<10000xf32, #tpu.memory_space<vmem>>
        %parallel_loop3A_218 = tpu.vector_load_idx %parallel_loop3A_217[%parallel_loop3A_195] : memref<10000xf32, #tpu.memory_space<vmem>>[vector<16xi32>], vector<16xf32>,
        %parallel_loop3A_219 = arith.mulf %parallel_loop3A_218, %parallel_loop3A_194 : vector<16xf32>
        %parallel_loop3A_220 = arith.constant 0 : i32
        %parallel_loop3A_221 = tpu.memref_slice %arg16[%scan3A_125, %parallel_loop3A_220] : memref<1x10000xf32, #tpu.memory_space<vmem>> -> memref<1x10000xf32, #tpu.memory_space<vmem>>
        %parallel_loop3A_222 = tpu.memref_squeeze %parallel_loop3A_221 : memref<1x10000xf32, #tpu.memory_space<vmem>> -> memref<10000xf32, #tpu.memory_space<vmem>>
        tpu.vector_store_idx %parallel_loop3A_222[%parallel_loop3A_198], %parallel_loop3A_219 {add = true} : memref<10000xf32, #tpu.memory_space<vmem>>[vector<16xi32>], vector<16xf32>,
        %parallel_loop3A_223 = arith.constant 0 : i32
        %parallel_loop3A_224 = tpu.memref_slice %arg13[%scan3A_126, %parallel_loop3A_223] : memref<1x10000xf32, #tpu.memory_space<vmem>> -> memref<1x10000xf32, #tpu.memory_space<vmem>>
        %parallel_loop3A_225 = tpu.memref_squeeze %parallel_loop3A_224 : memref<1x10000xf32, #tpu.memory_space<vmem>> -> memref<10000xf32, #tpu.memory_space<vmem>>
        %parallel_loop3A_226 = tpu.vector_load_idx %parallel_loop3A_225[%parallel_loop3A_195] : memref<10000xf32, #tpu.memory_space<vmem>>[vector<16xi32>], vector<16xf32>,
        %parallel_loop3A_227 = arith.mulf %parallel_loop3A_226, %parallel_loop3A_194 : vector<16xf32>
        %parallel_loop3A_228 = arith.constant 0 : i32
        %parallel_loop3A_229 = tpu.memref_slice %arg17[%scan3A_127, %parallel_loop3A_228] : memref<1x10000xf32, #tpu.memory_space<vmem>> -> memref<1x10000xf32, #tpu.memory_space<vmem>>
        %parallel_loop3A_230 = tpu.memref_squeeze %parallel_loop3A_229 : memref<1x10000xf32, #tpu.memory_space<vmem>> -> memref<10000xf32, #tpu.memory_space<vmem>>
        tpu.vector_store_idx %parallel_loop3A_230[%parallel_loop3A_198], %parallel_loop3A_227 {add = true} : memref<10000xf32, #tpu.memory_space<vmem>>[vector<16xi32>], vector<16xf32>,
      } {sc.loop_unroll_factor = 10 : i64, sc.parallel_access}
      %scan3A_187 = arith.constant 0 : i32
      scf.yield %scan3A_187 : i32
    }
    %scan3A_134 = arith.constant 50 : i32
    %add3A_135 = arith.constant 0 : i32
    %add3A_136 = arith.addi %mul3A_2, %add3A_135 : i32
    "tpu.region"() ({
      %run_scoped3A = tpu.sem_alloc : memref<!tpu.dma_semaphore, #tpu.memory_space<semaphore_mem>>
      %dma_start3A_143 = arith.constant 0 : i32
      %dma_start3A_144 = arith.constant 0 : i32
      %dma_start3A_145 = tpu.memref_slice %arg8[%add3A_136, %dma_start3A_143, %dma_start3A_144] : memref<128x1x10000xf32, #tpu.memory_space<hbm>> -> memref<1x1x10000xf32, #tpu.memory_space<hbm>>
      %dma_start3A_146 = tpu.memref_squeeze %dma_start3A_145 : memref<1x1x10000xf32, #tpu.memory_space<hbm>> -> memref<1x10000xf32, #tpu.memory_space<hbm>>
      %dma_start3A_147 = arith.constant 0 : i32
      %dma_start3A_148 = arith.constant 0 : i32
      %dma_start3A_149 = tpu.memref_slice %arg8[%add3A_136, %dma_start3A_147, %dma_start3A_148] : memref<128x1x10000xf32, #tpu.memory_space<hbm>> -> memref<1x1x10000xf32, #tpu.memory_space<hbm>>
      %dma_start3A_150 = tpu.memref_squeeze %dma_start3A_149 : memref<1x1x10000xf32, #tpu.memory_space<hbm>> -> memref<1x10000xf32, #tpu.memory_space<hbm>>
      tpu.enqueue_dma source(%arg14 : memref<1x10000xf32, #tpu.memory_space<vmem>>) target(%dma_start3A_150 : memref<1x10000xf32, #tpu.memory_space<hbm>>) target_semaphore(%run_scoped3A : memref<!tpu.dma_semaphore, #tpu.memory_space<semaphore_mem>>)
      %dma_wait3A = arith.constant 0 : i32
      %dma_wait3A_151 = arith.constant 0 : i32
      %dma_wait3A_152 = tpu.memref_slice %arg8[%add3A_136, %dma_wait3A, %dma_wait3A_151] : memref<128x1x10000xf32, #tpu.memory_space<hbm>> -> memref<1x1x10000xf32, #tpu.memory_space<hbm>>
      %dma_wait3A_153 = tpu.memref_squeeze %dma_wait3A_152 : memref<1x1x10000xf32, #tpu.memory_space<hbm>> -> memref<1x10000xf32, #tpu.memory_space<hbm>>
      %dma_wait3A_154 = arith.constant 0 : i32
      %dma_wait3A_155 = arith.constant 0 : i32
      %dma_wait3A_156 = tpu.memref_slice %arg8[%add3A_136, %dma_wait3A_154, %dma_wait3A_155] : memref<128x1x10000xf32, #tpu.memory_space<hbm>> -> memref<1x1x10000xf32, #tpu.memory_space<hbm>>
      %dma_wait3A_157 = tpu.memref_squeeze %dma_wait3A_156 : memref<1x1x10000xf32, #tpu.memory_space<hbm>> -> memref<1x10000xf32, #tpu.memory_space<hbm>>
      tpu.wait_dma2 semaphore(%run_scoped3A : memref<!tpu.dma_semaphore, #tpu.memory_space<semaphore_mem>>) src(%arg14 : memref<1x10000xf32, #tpu.memory_space<vmem>>) dst(%dma_wait3A_157 : memref<1x10000xf32, #tpu.memory_space<hbm>>)
      tpu.yield
    }) : () -> ()
    %add3A_137 = arith.constant 1 : i32
    %add3A_138 = arith.addi %mul3A_2, %add3A_137 : i32
    "tpu.region"() ({
      %run_scoped3A = tpu.sem_alloc : memref<!tpu.dma_semaphore, #tpu.memory_space<semaphore_mem>>
      %dma_start3A_143 = arith.constant 0 : i32
      %dma_start3A_144 = arith.constant 0 : i32
      %dma_start3A_145 = tpu.memref_slice %arg8[%add3A_138, %dma_start3A_143, %dma_start3A_144] : memref<128x1x10000xf32, #tpu.memory_space<hbm>> -> memref<1x1x10000xf32, #tpu.memory_space<hbm>>
      %dma_start3A_146 = tpu.memref_squeeze %dma_start3A_145 : memref<1x1x10000xf32, #tpu.memory_space<hbm>> -> memref<1x10000xf32, #tpu.memory_space<hbm>>
      %dma_start3A_147 = arith.constant 0 : i32
      %dma_start3A_148 = arith.constant 0 : i32
      %dma_start3A_149 = tpu.memref_slice %arg8[%add3A_138, %dma_start3A_147, %dma_start3A_148] : memref<128x1x10000xf32, #tpu.memory_space<hbm>> -> memref<1x1x10000xf32, #tpu.memory_space<hbm>>
      %dma_start3A_150 = tpu.memref_squeeze %dma_start3A_149 : memref<1x1x10000xf32, #tpu.memory_space<hbm>> -> memref<1x10000xf32, #tpu.memory_space<hbm>>
      tpu.enqueue_dma source(%arg15 : memref<1x10000xf32, #tpu.memory_space<vmem>>) target(%dma_start3A_150 : memref<1x10000xf32, #tpu.memory_space<hbm>>) target_semaphore(%run_scoped3A : memref<!tpu.dma_semaphore, #tpu.memory_space<semaphore_mem>>)
      %dma_wait3A = arith.constant 0 : i32
      %dma_wait3A_151 = arith.constant 0 : i32
      %dma_wait3A_152 = tpu.memref_slice %arg8[%add3A_138, %dma_wait3A, %dma_wait3A_151] : memref<128x1x10000xf32, #tpu.memory_space<hbm>> -> memref<1x1x10000xf32, #tpu.memory_space<hbm>>
      %dma_wait3A_153 = tpu.memref_squeeze %dma_wait3A_152 : memref<1x1x10000xf32, #tpu.memory_space<hbm>> -> memref<1x10000xf32, #tpu.memory_space<hbm>>
      %dma_wait3A_154 = arith.constant 0 : i32
      %dma_wait3A_155 = arith.constant 0 : i32
      %dma_wait3A_156 = tpu.memref_slice %arg8[%add3A_138, %dma_wait3A_154, %dma_wait3A_155] : memref<128x1x10000xf32, #tpu.memory_space<hbm>> -> memref<1x1x10000xf32, #tpu.memory_space<hbm>>
      %dma_wait3A_157 = tpu.memref_squeeze %dma_wait3A_156 : memref<1x1x10000xf32, #tpu.memory_space<hbm>> -> memref<1x10000xf32, #tpu.memory_space<hbm>>
      tpu.wait_dma2 semaphore(%run_scoped3A : memref<!tpu.dma_semaphore, #tpu.memory_space<semaphore_mem>>) src(%arg15 : memref<1x10000xf32, #tpu.memory_space<vmem>>) dst(%dma_wait3A_157 : memref<1x10000xf32, #tpu.memory_space<hbm>>)
      tpu.yield
    }) : () -> ()
    %add3A_139 = arith.constant 2 : i32
    %add3A_140 = arith.addi %mul3A_2, %add3A_139 : i32
    "tpu.region"() ({
      %run_scoped3A = tpu.sem_alloc : memref<!tpu.dma_semaphore, #tpu.memory_space<semaphore_mem>>
      %dma_start3A_143 = arith.constant 0 : i32
      %dma_start3A_144 = arith.constant 0 : i32
      %dma_start3A_145 = tpu.memref_slice %arg8[%add3A_140, %dma_start3A_143, %dma_start3A_144] : memref<128x1x10000xf32, #tpu.memory_space<hbm>> -> memref<1x1x10000xf32, #tpu.memory_space<hbm>>
      %dma_start3A_146 = tpu.memref_squeeze %dma_start3A_145 : memref<1x1x10000xf32, #tpu.memory_space<hbm>> -> memref<1x10000xf32, #tpu.memory_space<hbm>>
      %dma_start3A_147 = arith.constant 0 : i32
      %dma_start3A_148 = arith.constant 0 : i32
      %dma_start3A_149 = tpu.memref_slice %arg8[%add3A_140, %dma_start3A_147, %dma_start3A_148] : memref<128x1x10000xf32, #tpu.memory_space<hbm>> -> memref<1x1x10000xf32, #tpu.memory_space<hbm>>
      %dma_start3A_150 = tpu.memref_squeeze %dma_start3A_149 : memref<1x1x10000xf32, #tpu.memory_space<hbm>> -> memref<1x10000xf32, #tpu.memory_space<hbm>>
      tpu.enqueue_dma source(%arg16 : memref<1x10000xf32, #tpu.memory_space<vmem>>) target(%dma_start3A_150 : memref<1x10000xf32, #tpu.memory_space<hbm>>) target_semaphore(%run_scoped3A : memref<!tpu.dma_semaphore, #tpu.memory_space<semaphore_mem>>)
      %dma_wait3A = arith.constant 0 : i32
      %dma_wait3A_151 = arith.constant 0 : i32
      %dma_wait3A_152 = tpu.memref_slice %arg8[%add3A_140, %dma_wait3A, %dma_wait3A_151] : memref<128x1x10000xf32, #tpu.memory_space<hbm>> -> memref<1x1x10000xf32, #tpu.memory_space<hbm>>
      %dma_wait3A_153 = tpu.memref_squeeze %dma_wait3A_152 : memref<1x1x10000xf32, #tpu.memory_space<hbm>> -> memref<1x10000xf32, #tpu.memory_space<hbm>>
      %dma_wait3A_154 = arith.constant 0 : i32
      %dma_wait3A_155 = arith.constant 0 : i32
      %dma_wait3A_156 = tpu.memref_slice %arg8[%add3A_140, %dma_wait3A_154, %dma_wait3A_155] : memref<128x1x10000xf32, #tpu.memory_space<hbm>> -> memref<1x1x10000xf32, #tpu.memory_space<hbm>>
      %dma_wait3A_157 = tpu.memref_squeeze %dma_wait3A_156 : memref<1x1x10000xf32, #tpu.memory_space<hbm>> -> memref<1x10000xf32, #tpu.memory_space<hbm>>
      tpu.wait_dma2 semaphore(%run_scoped3A : memref<!tpu.dma_semaphore, #tpu.memory_space<semaphore_mem>>) src(%arg16 : memref<1x10000xf32, #tpu.memory_space<vmem>>) dst(%dma_wait3A_157 : memref<1x10000xf32, #tpu.memory_space<hbm>>)
      tpu.yield
    }) : () -> ()
    %add3A_141 = arith.constant 3 : i32
    %add3A_142 = arith.addi %mul3A_2, %add3A_141 : i32
    "tpu.region"() ({
      %run_scoped3A = tpu.sem_alloc : memref<!tpu.dma_semaphore, #tpu.memory_space<semaphore_mem>>
      %dma_start3A_143 = arith.constant 0 : i32
      %dma_start3A_144 = arith.constant 0 : i32
      %dma_start3A_145 = tpu.memref_slice %arg8[%add3A_142, %dma_start3A_143, %dma_start3A_144] : memref<128x1x10000xf32, #tpu.memory_space<hbm>> -> memref<1x1x10000xf32, #tpu.memory_space<hbm>>
      %dma_start3A_146 = tpu.memref_squeeze %dma_start3A_145 : memref<1x1x10000xf32, #tpu.memory_space<hbm>> -> memref<1x10000xf32, #tpu.memory_space<hbm>>
      %dma_start3A_147 = arith.constant 0 : i32
      %dma_start3A_148 = arith.constant 0 : i32
      %dma_start3A_149 = tpu.memref_slice %arg8[%add3A_142, %dma_start3A_147, %dma_start3A_148] : memref<128x1x10000xf32, #tpu.memory_space<hbm>> -> memref<1x1x10000xf32, #tpu.memory_space<hbm>>
      %dma_start3A_150 = tpu.memref_squeeze %dma_start3A_149 : memref<1x1x10000xf32, #tpu.memory_space<hbm>> -> memref<1x10000xf32, #tpu.memory_space<hbm>>
      tpu.enqueue_dma source(%arg17 : memref<1x10000xf32, #tpu.memory_space<vmem>>) target(%dma_start3A_150 : memref<1x10000xf32, #tpu.memory_space<hbm>>) target_semaphore(%run_scoped3A : memref<!tpu.dma_semaphore, #tpu.memory_space<semaphore_mem>>)
      %dma_wait3A = arith.constant 0 : i32
      %dma_wait3A_151 = arith.constant 0 : i32
      %dma_wait3A_152 = tpu.memref_slice %arg8[%add3A_142, %dma_wait3A, %dma_wait3A_151] : memref<128x1x10000xf32, #tpu.memory_space<hbm>> -> memref<1x1x10000xf32, #tpu.memory_space<hbm>>
      %dma_wait3A_153 = tpu.memref_squeeze %dma_wait3A_152 : memref<1x1x10000xf32, #tpu.memory_space<hbm>> -> memref<1x10000xf32, #tpu.memory_space<hbm>>
      %dma_wait3A_154 = arith.constant 0 : i32
      %dma_wait3A_155 = arith.constant 0 : i32
      %dma_wait3A_156 = tpu.memref_slice %arg8[%add3A_142, %dma_wait3A_154, %dma_wait3A_155] : memref<128x1x10000xf32, #tpu.memory_space<hbm>> -> memref<1x1x10000xf32, #tpu.memory_space<hbm>>
      %dma_wait3A_157 = tpu.memref_squeeze %dma_wait3A_156 : memref<1x1x10000xf32, #tpu.memory_space<hbm>> -> memref<1x10000xf32, #tpu.memory_space<hbm>>
      tpu.wait_dma2 semaphore(%run_scoped3A : memref<!tpu.dma_semaphore, #tpu.memory_space<semaphore_mem>>) src(%arg17 : memref<1x10000xf32, #tpu.memory_space<vmem>>) dst(%dma_wait3A_157 : memref<1x10000xf32, #tpu.memory_space<hbm>>)
      tpu.yield
    }) : () -> ()
    return
  }
}

module attributes {stable_mosaic.version = 14 : i64} {
  func.func @body(%arg0: i32, %arg1: memref<128x128xf32, #tpu.memory_space<vmem>>, %arg2: memref<128x128xf32, #tpu.memory_space<vmem>>, %arg3: memref<128x128xf32, #tpu.memory_space<vmem>>, %arg4: memref<128x128xf32, #tpu.memory_space<vmem>>, %arg5: memref<1x128xf32, #tpu.memory_space<vmem>>, %arg6: memref<1280x128xf32, #tpu.memory_space<vmem>>, %arg7: memref<128x1280xf32, #tpu.memory_space<vmem>>, %arg8: memref<128x1280xf32, #tpu.memory_space<vmem>>, %arg9: memref<128x1280xf32, #tpu.memory_space<vmem>>, %arg10: memref<1280x128xf32, #tpu.memory_space<vmem>>) attributes {dimension_semantics = [#tpu.dimension_semantics<arbitrary>], iteration_bounds = array<i64: 8>, scalar_prefetch = 0 : i64, scratch_operands = 0 : i64, tpu.core_type = #tpu.core_type<tc>, window_params = [{pipeline_mode = #tpu.pipeline_mode<synchronous>, transform_indices = @transform_0, window_bounds = array<i64: 128, 128>}, {pipeline_mode = #tpu.pipeline_mode<synchronous>, transform_indices = @transform_1, window_bounds = array<i64: 128, 128>}, {pipeline_mode = #tpu.pipeline_mode<synchronous>, transform_indices = @transform_2, window_bounds = array<i64: 128, 128>}, {pipeline_mode = #tpu.pipeline_mode<synchronous>, transform_indices = @transform_3, window_bounds = array<i64: 128, 128>}, {pipeline_mode = #tpu.pipeline_mode<synchronous>, transform_indices = @transform_4, window_bounds = array<i64: 1, 128>}, {transform_indices = @transform_5, window_bounds = array<i64: 1280, 128>}, {transform_indices = @transform_6, window_bounds = array<i64: 128, 1280>}, {transform_indices = @transform_7, window_bounds = array<i64: 128, 1280>}, {transform_indices = @transform_8, window_bounds = array<i64: 128, 1280>}, {transform_indices = @transform_9, window_bounds = array<i64: 1280, 128>}]} {
    %get3A = arith.constant 0 : index
    %get3A_0 = arith.constant 0 : index
    %get3A_1 = vector.load %arg6[%get3A, %get3A_0] : memref<1280x128xf32, #tpu.memory_space<vmem>>, vector<1280x128xf32>
    %get3A_2 = arith.constant 0 : index
    %get3A_3 = arith.constant 0 : index
    %get3A_4 = vector.load %arg1[%get3A_2, %get3A_3] : memref<128x128xf32, #tpu.memory_space<vmem>>, vector<128x128xf32>
    %dot_general3A = arith.constant dense<0.000000e+00> : vector<1280x128xf32>
    %dot_general3A_5 = tpu.matmul %get3A_1, %get3A_4, %dot_general3A {dimension_numbers = #tpu.dot_dimension_numbers<[1], [0], [0], [1], [0, 0, 1, 1], [], []>, transpose_lhs_hint = false} : vector<1280x128xf32>, vector<128x128xf32>, vector<1280x128xf32> -> vector<1280x128xf32>
    %get3A_6 = arith.constant 0 : index
    %get3A_7 = arith.constant 0 : index
    %get3A_8 = vector.load %arg7[%get3A_6, %get3A_7] : memref<128x1280xf32, #tpu.memory_space<vmem>>, vector<128x1280xf32>
    %get3A_9 = arith.constant 0 : index
    %get3A_10 = arith.constant 0 : index
    %get3A_11 = vector.load %arg2[%get3A_9, %get3A_10] : memref<128x128xf32, #tpu.memory_space<vmem>>, vector<128x128xf32>
    %dot_general3A_12 = arith.constant dense<0.000000e+00> : vector<1280x128xf32>
    %dot_general3A_13 = tpu.matmul %get3A_8, %get3A_11, %dot_general3A_12 {dimension_numbers = #tpu.dot_dimension_numbers<[0], [0], [1], [1], [0, 1, 1, 1], [], []>, transpose_lhs_hint = false} : vector<128x1280xf32>, vector<128x128xf32>, vector<1280x128xf32> -> vector<1280x128xf32>
    %add3A = arith.addf %dot_general3A_5, %dot_general3A_13 : vector<1280x128xf32>
    %get3A_14 = arith.constant 0 : index
    %get3A_15 = arith.constant 0 : index
    %get3A_16 = vector.load %arg8[%get3A_14, %get3A_15] : memref<128x1280xf32, #tpu.memory_space<vmem>>, vector<128x1280xf32>
    %get3A_17 = arith.constant 0 : index
    %get3A_18 = arith.constant 0 : index
    %get3A_19 = vector.load %arg3[%get3A_17, %get3A_18] : memref<128x128xf32, #tpu.memory_space<vmem>>, vector<128x128xf32>
    %dot_general3A_20 = arith.constant dense<0.000000e+00> : vector<1280x128xf32>
    %dot_general3A_21 = tpu.matmul %get3A_16, %get3A_19, %dot_general3A_20 {dimension_numbers = #tpu.dot_dimension_numbers<[0], [0], [1], [1], [0, 1, 1, 1], [], []>, transpose_lhs_hint = false} : vector<128x1280xf32>, vector<128x128xf32>, vector<1280x128xf32> -> vector<1280x128xf32>
    %add3A_22 = arith.addf %add3A, %dot_general3A_21 : vector<1280x128xf32>
    %get3A_23 = arith.constant 0 : index
    %get3A_24 = arith.constant 0 : index
    %get3A_25 = vector.load %arg9[%get3A_23, %get3A_24] : memref<128x1280xf32, #tpu.memory_space<vmem>>, vector<128x1280xf32>
    %get3A_26 = arith.constant 0 : index
    %get3A_27 = arith.constant 0 : index
    %get3A_28 = vector.load %arg4[%get3A_26, %get3A_27] : memref<128x128xf32, #tpu.memory_space<vmem>>, vector<128x128xf32>
    %dot_general3A_29 = arith.constant dense<0.000000e+00> : vector<1280x128xf32>
    %dot_general3A_30 = tpu.matmul %get3A_25, %get3A_28, %dot_general3A_29 {dimension_numbers = #tpu.dot_dimension_numbers<[0], [0], [1], [1], [0, 1, 1, 1], [], []>, transpose_lhs_hint = false} : vector<128x1280xf32>, vector<128x128xf32>, vector<1280x128xf32> -> vector<1280x128xf32>
    %add3A_31 = arith.addf %add3A_22, %dot_general3A_30 : vector<1280x128xf32>
    %get3A_32 = arith.constant 0 : index
    %get3A_33 = arith.constant 0 : index
    %get3A_34 = vector.load %arg5[%get3A_32, %get3A_33] : memref<1x128xf32, #tpu.memory_space<vmem>>, vector<1x128xf32>
    %add3A_35 = vector.broadcast %get3A_34 : vector<1x128xf32> to vector<1280x128xf32>
    %add3A_36 = arith.addf %add3A_31, %add3A_35 : vector<1280x128xf32>
    %swap3A = arith.constant 0 : index
    %swap3A_37 = arith.constant 0 : index
    %swap3A_38 = vector.load %arg10[%swap3A, %swap3A_37] : memref<1280x128xf32, #tpu.memory_space<vmem>>, vector<1280x128xf32>
    tpu.vector_store %arg10[%swap3A, %swap3A_37], %add3A_36 {strides = array<i32>} : memref<1280x128xf32, #tpu.memory_space<vmem>>, vector<1280x128xf32>,
    return
  }
  func.func @transform_0(%arg0: i32) -> (i32, i32) {
    %c0_i32 = arith.constant 0 : i32
    %c0_i32_0 = arith.constant 0 : i32
    %c0_i32_1 = arith.constant 0 : i32
    return %c0_i32, %c0_i32_0 : i32, i32
  }
  func.func @transform_1(%arg0: i32) -> (i32, i32) {
    %c0_i32 = arith.constant 0 : i32
    %c0_i32_0 = arith.constant 0 : i32
    %c0_i32_1 = arith.constant 0 : i32
    return %c0_i32, %c0_i32_0 : i32, i32
  }
  func.func @transform_2(%arg0: i32) -> (i32, i32) {
    %c0_i32 = arith.constant 0 : i32
    %c0_i32_0 = arith.constant 0 : i32
    %c0_i32_1 = arith.constant 0 : i32
    return %c0_i32, %c0_i32_0 : i32, i32
  }
  func.func @transform_3(%arg0: i32) -> (i32, i32) {
    %c0_i32 = arith.constant 0 : i32
    %c0_i32_0 = arith.constant 0 : i32
    %c0_i32_1 = arith.constant 0 : i32
    return %c0_i32, %c0_i32_0 : i32, i32
  }
  func.func @transform_4(%arg0: i32) -> (i32, i32) {
    %c0_i32 = arith.constant 0 : i32
    %c0_i32_0 = arith.constant 0 : i32
    %c0_i32_1 = arith.constant 0 : i32
    return %c0_i32, %c0_i32_0 : i32, i32
  }
  func.func @transform_5(%arg0: i32) -> (i32, i32) {
    %c0_i32 = arith.constant 0 : i32
    %c0_i32_0 = arith.constant 0 : i32
    return %arg0, %c0_i32 : i32, i32
  }
  func.func @transform_6(%arg0: i32) -> (i32, i32) {
    %c0_i32 = arith.constant 0 : i32
    %c0_i32_0 = arith.constant 0 : i32
    return %c0_i32, %arg0 : i32, i32
  }
  func.func @transform_7(%arg0: i32) -> (i32, i32) {
    %c0_i32 = arith.constant 0 : i32
    %c0_i32_0 = arith.constant 0 : i32
    return %c0_i32, %arg0 : i32, i32
  }
  func.func @transform_8(%arg0: i32) -> (i32, i32) {
    %c0_i32 = arith.constant 0 : i32
    %c0_i32_0 = arith.constant 0 : i32
    return %c0_i32, %arg0 : i32, i32
  }
  func.func @transform_9(%arg0: i32) -> (i32, i32) {
    %c0_i32 = arith.constant 0 : i32
    %c0_i32_0 = arith.constant 0 : i32
    return %arg0, %c0_i32 : i32, i32
  }
}

</mosaic_0001>

<sc_bundles>
// kernel: kernel.5.cloned.1.call-start
scs
__scs_entry_jumppad:
0x0: {  	(pc) =	sbr.rel $0x88, $3  }
0x1: {  	(tag) =	ssettag $0x0;
	lr =	simm.s32 $0x1  }
0x2: {  	[smem:$0x3F9C] =	sst lr;
	_ =	strace $0xD0000000  }
0x3: {  	_ = 	snop  }
0x4: {  	_ = 	snop  }
0x5: {  	_ = 	snop  }
0x6: {  	_ = 	snop  }
0x7: {  	_ = 	snop  }
__scs_overlays_trampoline_lowered:
0x8: {  	[smem:$0x3FAB] =	sst s0  }
0x9: {  	[smem:$0x3FAC] =	sst s1  }
0xa: {  	[smem:$0x3FAD] =	sst s2  }
0xb: {  	[smem:$0x3FAE] =	sst s3  }
0xc: {  	[smem:$0x3FAF] =	sst s4  }
0xd: {  	[smem:$0x3FB0] =	sst s5  }
0xe: {  	[smem:$0x3FB1] =	sst s6  }
0xf: {  	[smem:$0x3FB2] =	sst s7  }
0x10: {  	[smem:$0x3FB3] =	sst s8  }
0x11: {  	[smem:$0x3FB4] =	sst s9;
	s0 =	simm.s32 @!p0 $0x0  }
0x12: {  	s1 =	sld [smem:$0x3F9A];
	s0 =	simm.s32 @p0 $0x1  }
0x13: {  	[smem:$0x3FB5] =	sst s0;
	s0 =	simm.s32 @!p1 $0x0  }
0x14: {  	s2 =	sld [smem:$0x3F99];
	s0 =	simm.s32 @p1 $0x1  }
0x15: {  	[smem:$0x3FB6] =	sst s0;
	s0 =	simm.s32 @!p2 $0x0  }
0x16: {  	s3 =	sld [smem:$0x3FDB];
	s0 =	simm.s32 @p2 $0x1  }
0x17: {  	s4 =	simm.s32 $0x1BF5;
	[smem:$0x3FB8] =	sst s0  }
0x18: {  	s0 =	sld [smem:$0x3F9B];
	_ =	swait.ge [sflag:s4], $0x0  }
0x19: {  	s7 =	sld [smem:$0x3F9C]  }
0x1a: {  	s8 =	sadd.s32 $0xFFFFE003, lr  }
0x1b: {  	s9 =	sadd.s32 $0xFFFFFEF7, lr;
	s5 =	simm.s32 $0xFFFFFFFF;
	p2 =	slt.u32 s8, $0xFFFFF086  }
0x1c: {  	p1 =	slt.u32 s9, $0xF7A;
	s5 =	simm.s32 @!p2 $0x0  }
0x1d: {  	s5 =	simm.s32 @p1 $0x1;
	p0 =	seq.s32 s7, s2  }
0x1e: {  	s7 =	smul.u32 @!p0 $0xF7A, s2;
	p2 =	seq.s32 @!p0 s5, $0x0  }
0x1f: {  	s9 =	smul.u32 $0xF7A, s1;
	s8 =	simm.s32 @!p0 $0x1BF5;
	p2 =	por !p2, p0  }
0x20: {  	[sflag:s8] =	ssyncset.s32 @!p0 $0xFFFFF086;
	s6 =	sadd.s32 @!p0 s3, s7;
	s7 =	simm.s32 @!p0 $0x108  }
0x21: {  	s3 =	sadd.s32 s3, s9;
	s6 =	sadd.s32 @!p0 $0x88, s6;
	s7 =	simm.s32 @p2 $0x1082  }
0x22: {  	[simem:s7], [sflag:s8] =	dma.local @!p0 [hbm:s6], $0xF7A  }
0x23: {  	s9 =	sor.u32 $0xD0000000, s2;
	s6 =	simm.s32 $0x108;
	_ =	swait.ge @!p0 [sflag:s8], $0x0  }
0x24: {  	s3 =	sadd.s32 $0x88, s3;
	s6 =	simm.s32 @!p1 $0x1082;
	[sflag:s4] =	ssyncset.s32 $0xFFFFF086  }
0x25: {  	[simem:s6], [sflag:s4] =	dma.local [hbm:s3], $0xF7A  }
0x26: {  	[smem:$0x3F9C] =	sst s1;
	(tag) =	ssettag s2;
	_ =	strace s9  }
0x27: {  	s1 =	sld [smem:$0x3FAC]  }
0x28: {  	s2 =	sld [smem:$0x3FAD]  }
0x29: {  	s4 =	sld [smem:$0x3FAF]  }
0x2a: {  	p0 =	seq.s32 s5, $0x0;
	s5 =	sld [smem:$0x3FB0]  }
0x2b: {  	s6 =	sld [smem:$0x3FB1]  }
0x2c: {  	s7 =	sld [smem:$0x3FB2]  }
0x2d: {  	s3 =	simm.s32 $0x108;
	s8 =	sld [smem:$0x3FB3]  }
0x2e: {  	s3 =	simm.s32 @!p0 $0x1082;
	s9 =	sld [smem:$0x3FB4]  }
0x2f: {  	lr =	sadd.s32 s0, s3;
	s0 =	sld [smem:$0x3FAB]  }
0x30: {  	s3 =	sld [smem:$0x3FAE]  }
0x31: {  	[smem:$0x3FB7] =	sst s10  }
0x32: {  	s10 =	sld [smem:$0x3FB5];
	_ =	sdelay $0x3  }
0x33: {  	p0 =	seq.s32 s10, $0x1;
	s10 =	sld [smem:$0x3FB7];
	_ =	sdelay $0x3  }
0x34: {  	[smem:$0x3FB7] =	sst s10  }
0x35: {  	s10 =	sld [smem:$0x3FB6];
	_ =	sdelay $0x3  }
0x36: {  	p1 =	seq.s32 s10, $0x1;
	s10 =	sld [smem:$0x3FB7];
	_ =	sdelay $0x3  }
0x37: {  	[smem:$0x3FB7] =	sst s10  }
0x38: {  	s10 =	sld [smem:$0x3FB8]  }
0x39: {  	_ = 	snop;
	(pc) =	sbr.ind lr, $3  }
0x3a: {  	_ = 	snop  }
0x3b: {  	_ = 	snop  }
0x3c: {  	p2 =	seq.s32 s10, $0x1;
	s10 =	sld [smem:$0x3FB7]  }
0x3d: {  	_ =	shalt  }
0x3e: {  	_ =	shalt  }
0x3f: {  	_ =	shalt  }
0x40: {  	_ =	shalt  }
0x41: {  	_ =	shalt  }
0x42: {  	_ =	shalt  }
0x43: {  	_ =	shalt  }
0x44: {  	_ =	shalt  }
0x45: {  	_ =	shalt  }
0x46: {  	_ =	shalt  }
0x47: {  	_ =	shalt  }
0x48: {  	_ =	shalt  }
0x49: {  	_ =	shalt  }
0x4a: {  	_ =	shalt  }
0x4b: {  	_ =	shalt  }
0x4c: {  	_ =	shalt  }
0x4d: {  	_ =	shalt  }
0x4e: {  	_ =	shalt  }
0x4f: {  	_ =	shalt  }
0x50: {  	_ =	shalt  }
0x51: {  	_ =	shalt  }
0x52: {  	_ =	shalt  }
0x53: {  	_ =	shalt  }
0x54: {  	_ =	shalt  }
0x55: {  	_ =	shalt  }
0x56: {  	_ =	shalt  }
0x57: {  	_ =	shalt  }
0x58: {  	_ =	shalt  }
0x59: {  	_ =	shalt  }
0x5a: {  	_ =	shalt  }
0x5b: {  	_ =	shalt  }
0x5c: {  	_ =	shalt  }
0x5d: {  	_ =	shalt  }
0x5e: {  	_ =	shalt  }
0x5f: {  	_ =	shalt  }
0x60: {  	_ =	shalt  }
0x61: {  	_ =	shalt  }
0x62: {  	_ =	shalt  }
0x63: {  	_ =	shalt  }
0x64: {  	_ =	shalt  }
0x65: {  	_ =	shalt  }
0x66: {  	_ =	shalt  }
0x67: {  	_ =	shalt  }
0x68: {  	_ =	shalt  }
0x69: {  	_ =	shalt  }
0x6a: {  	_ =	shalt  }
0x6b: {  	_ =	shalt  }
0x6c: {  	_ =	shalt  }
0x6d: {  	_ =	shalt  }
0x6e: {  	_ =	shalt  }
0x6f: {  	_ =	shalt  }
0x70: {  	_ =	shalt  }
0x71: {  	_ =	shalt  }
0x72: {  	_ =	shalt  }
0x73: {  	_ =	shalt  }
0x74: {  	_ =	shalt  }
0x75: {  	_ =	shalt  }
0x76: {  	_ =	shalt  }
0x77: {  	_ =	shalt  }
0x78: {  	_ =	shalt  }
0x79: {  	_ =	shalt  }
0x7a: {  	_ =	shalt  }
0x7b: {  	_ =	shalt  }
0x7c: {  	_ =	shalt  }
0x7d: {  	_ =	shalt  }
0x7e: {  	_ =	shalt  }
0x7f: {  	_ =	shalt  }
0x80: {  	_ =	shalt  }
0x81: {  	_ =	shalt  }
0x82: {  	_ =	shalt  }
0x83: {  	_ =	shalt  }
0x84: {  	_ =	shalt  }
0x85: {  	_ =	shalt  }
0x86: {  	_ =	shalt  }
0x87: {  	_ =	shalt  }
.Lfunc_end0:
.L_simem_size_0:
called_computation_lowered:
.L_overlay_start_0:
0x88: {  	s2 =	sld [smem:$0x3FD9]  }
0x89: {  	s3 =	sld [smem:$0x3FFE];
	_ =	sdelay $0x1  }
0x8a: {  	s1 =	srdreg.scid  }
0x8b: {  	s0 =	sand.u32 $0x1, s1  }
0x8c: {  	s17 =	sshll.u32 s0, $0xA;
	s2 =	sadd.s32 s3, s2  }
0x8d: {  	s2 =	sadd.s32 s2, s17  }
0x8e: {  	[smem:$0x3FC3] =	sst s2  }
0x8f: {  	_ = 	snop  }
0x90: {  	s2 =	sld [smem:$0x3FC7]  }
0x91: {  	s18 =	sld [smem:$0x3FD0];
	(tm) =	ssettm $0x1  }
0x92: {  	s4 =	sld [smem:$0x3FFB];
	_ =	sdelay $0x3  }
0x93: {  	_ =	strace s4  }
0x94: {  	s4 =	sld [smem:$0x3FFC];
	_ =	sdelay $0x3  }
0x95: {  	_ =	strace s4  }
0x96: {  	s4 =	sld [smem:$0x3FFD];
	_ =	sdelay $0x3  }
0x97: {  	_ =	strace s4  }
0x98: {  	_ =	strace $0x8FFFFFFF  }
0x99: {  	s19 =	sld [smem:$0x3FDB];
	_ =	sdelay $0x1  }
0x9a: {  	s5 =	simm.s32 $_scs_section_size  }
0x9b: {  	s6 =	simm.s32 $_size__tile_overlayer_lowered;
	s7 =	simm.s32 $_tile_overlayer_lowered  }
0x9c: {  	s22 =	simm.s32 $0x1BFF;
	s21 =	sshll.u32 s7, $0x1;
	s4 =	sadd.s32 s5, s19  }
0x9d: {  	s8 =	simm.s32 $0x0;
	s20 =	sshll.u32 s6, $0x1;
	s6 =	sadd.s32 s21, s4  }
0x9e: {  	[timem:s8], [sflag:s22] =	dma.local [hbm:s6], s20  }
0x9f: {  	_ =	swait.ge [sflag:s22], s20  }
0xa0: {  	s5 =	ssub.s32 $0x0, s20;
	[sflag:s22] =	ssyncset.done $0x0  }
0xa1: {  	[sflag:s22] =	ssyncadd.s32 s5;
	_ =	sdelay $0x1  }
0xa2: {  	s23 =	simm.s32 $0x1B8B  }
0xa3: {  	_ =	swait.ge [sflag:s23], $0x1  }
0xa4: {  	[sflag:s23] =	ssyncset.done $0x0  }
0xa5: {  	s25 =	simm.s32 $0x1B8E;
	s24 =	sld [smem:$0x3FFE];
	[sflag:s23] =	ssyncadd.s32 $0xFFFFFFFF  }
0xa6: {  	s26 =	simm.s32 $execute0_lowered;
	[smem:$0x3FD2] =	sst s25  }
0xa7: {  	s6 =	sshll.u32 s26, $0x1;
	_ =	strace $0x80000046;
	[dreg:$0x1] =	wrdreg $0xFFFFFFFF  }
0xa8: {  	s28 =	simm.s32 $_size_execute0_lowered;
	s4 =	sadd.s32 s4, s6;
	[dreg:$0x0] =	wrdreg $0x0  }
0xa9: {  	s6 =	sshll.u32 s28, $0x1;
	[dreg:$0x2] =	wrdreg s4  }
0xaa: {  	[dreg:$0x3] =	wrdreg s6  }
0xab: {  	[dreg:$0x4] =	wrdreg $0xC0  }
0xac: {  	_ =	task [dreg:s8], $0x5FFFF  }
0xad: {  	[dreg:$0x1] =	wrdreg $0xFFFFFFFF  }
0xae: {  	[dreg:$0x0] =	wrdreg $0x60  }
0xaf: {  	[dreg:$0x2] =	wrdreg s24  }
0xb0: {  	[dreg:$0x3] =	wrdreg s18  }
0xb1: {  	[dreg:$0x4] =	wrdreg s2  }
0xb2: {  	[dreg:$0x5] =	wrdreg $0x1AE800  }
0xb3: {  	[dreg:$0x6] =	wrdreg $0x1B0F80  }
0xb4: {  	[dreg:$0x7] =	wrdreg $0x9  }
0xb5: {  	_ =	task.clear_ibuf [dreg:s8], $0x8FFFF;
	_ =	strace $0x90000046  }
0xb6: {  	s29 =	simm.s32 $0x9;
	_ =	strace $0x80000048  }
0xb7: {  	_ =	swait.ge [sflag:s29], $0x1  }
0xb8: {  	[sflag:s29] =	ssyncadd.s32 $0xFFFFFFFF  }
0xb9: {  	_ =	strace $0x90000048  }
0xba: {  	_ =	sfence  }
0xbb: {  	s30 =	sld [smem:$0x0];
	_ =	sdelay $0x2  }
0xbc: {  	s31 =	sshll.u32 s1, $0xD;
	s1 =	sshrl.u32 s1, $0x2  }
0xbd: {  	s3 =	sand.u32 $0x4000, s31;
	s1 =	sadd.s32 s1, s30  }
0xbe: {  	s0 =	sor.u32 s3, s0;
	s1 =	sshll.u32 s1, $0x11  }
0xbf: {  	s0 =	sor.u32 s1, s0  }
0xc0: {  	s0 =	sadd.s32 $0x8F2B, s0  }
0xc1: {  	[sflag:s0] =	ssyncadd.remote.s32 $0x1  }
0xc2: {  	_ =	sfence.sel $0xFFFF  }
0xc3: {  	[dreg:$0x0] =	wrdreg $0xFFFFFFFF;
	(pc) =	sbr.abs _section_cstart, $3  }
0xc4: {  	[dreg:$0x1] =	wrdreg $0xFFFFFFFF  }
0xc5: {  	_ =	task.clear_ibuf [dreg:s8], $0x2FFFF;
	_ =	strace $0x9FFFFFFF  }
0xc6: {  	(tm) =	ssettm $0x7FFFFFFF  }
0xc7: {  	_ =	shalt  }
tec
execute0_lowered:
.L_overlay_start_1:
0x0: {  	(tag) =	ssettag $0x1  }
0x1: {  	s0 =	rddreg [dreg:$0x0]  }
0x2: {  	s21 =	rddreg [dreg:$0x1]  }
0x3: {  	s23 =	rddreg [dreg:$0x2]  }
0x4: {  	s3 =	rddreg [dreg:$0x3]  }
0x5: {  	s26 =	rddreg [dreg:$0x4];
	s5 =	simm.s32 $0x0  }
0x6: {  	[smem:$0x7FF] =	sst s5;
	s2 =	sadd.s32 $0xE00, s0  }
0x7: {  	s22 =	simm.s32 $0x173D0;
	_ =	strace $0x80000047;
	[smem:$0x7EA] =	sst s2  }
0x8: {  	s24 =	simm.s32 $0x17420;
	[dreg:$0x8] =	wrdreg s22  }
0x9: {  	s25 =	simm.s32 $0x17470;
	[dreg:$0x9] =	wrdreg s24  }
0xa: {  	s12 =	simm.s32 $0x174C0;
	[dreg:$0xa] =	wrdreg s25  }
0xb: {  	s14 =	simm.s32 $0x175B0;
	[dreg:$0xb] =	wrdreg s12  }
0xc: {  	s15 =	simm.s32 $0x17600;
	[dreg:$0xe] =	wrdreg s14  }
0xd: {  	s16 =	simm.s32 $0x17650;
	[dreg:$0xf] =	wrdreg s15  }
0xe: {  	s17 =	simm.s32 $0x176A0;
	[dreg:$0x10] =	wrdreg s16  }
0xf: {  	s19 =	simm.s32 $0x176F0;
	[dreg:$0x11] =	wrdreg s17  }
0x10: {  	s12 =	simm.s32 $0x17560;
	[dreg:$0x12] =	wrdreg s19  }
0x11: {  	s1 =	stileid.u32;
	s22 =	simm.s32 $0x17790;
	[dreg:$0xd] =	wrdreg s12  }
0x12: {  	s20 =	srdreg.scid;
	s24 =	simm.s32 $0x177E0;
	[dreg:$0x14] =	wrdreg s22  }
0x13: {  	s28 =	simm.s32 $0x9;
	s25 =	simm.s32 $0x17830;
	[dreg:$0x15] =	wrdreg s24  }
0x14: {  	s29 =	simm.s32 $0x1AD80;
	s15 =	simm.s32 $0x17880;
	[dreg:$0x16] =	wrdreg s25  }
0x15: {  	s30 =	simm.s32 $0x5;
	s16 =	simm.s32 $0x178D0;
	[dreg:$0x17] =	wrdreg s15  }
0x16: {  	s6 =	smul.u32 $0x9C4, s1;
	s17 =	simm.s32 $0x17920;
	[dreg:$0x18] =	wrdreg s16  }
0x17: {  	s31 =	simm.s32 $0x50;
	s19 =	simm.s32 $0x17970;
	[dreg:$0x19] =	wrdreg s17  }
0x18: {  	s8 =	sadd.s32 $0xAC00, s0;
	s9 =	sadd.s32 s6, s2;
	[dreg:$0x1a] =	wrdreg s19  }
0x19: {  	s7 =	sadd.s32 $0x3C200, s0;
	s6 =	sadd.s32 s6, s23;
	[dreg:$0x6] =	wrdreg s9  }
0x1a: {  	s4 =	sadd.s32 $0x63A00, s0;
	s22 =	simm.s32 $0x179C0;
	[dreg:$0x7] =	wrdreg s6  }
0x1b: {  	s13 =	sshll.u32 s1, $0x2;
	s25 =	simm.s32 $0x17A10;
	[dreg:$0x1b] =	wrdreg s22  }
0x1c: {  	s9 =	sand.u32 $0x1, s20;
	s20 =	simm.s32 $0x17740;
	[dreg:$0x1c] =	wrdreg s25  }
0x1d: {  	s22 =	simm.s32 $0x17B00;
	s10 =	ssub.s32 $0x2, s9;
	[dreg:$0x13] =	wrdreg s20  }
0x1e: {  	s9 =	sshll.u32 s9, $0x6;
	[dreg:$0x1f] =	wrdreg s22;
	s11 =	sshrl.u32 s10, $0x1  }
0x1f: {  	s9 =	sor.u32 s13, s9;
	s6 =	ssub.s32 s10, s11;
	s11 =	simm.s32 $0x17510  }
0x20: {  	s10 =	simm.s32 $0x17A60;
	[dreg:$0xc] =	wrdreg s11;
	s11 =	smul.u32 $0x4F0, s9  }
0x21: {  	s9 =	smul.u32 $0x2780, s9;
	[dreg:$0x1d] =	wrdreg s10;
	s25 =	smax.u32 s6, $0x1  }
0x22: {  	s2 =	sadd.s32 $0x8B200, s0;
	[smem:$0x7FC] =	sst s25;
	s18 =	sadd.s32 s8, s11  }
0x23: {  	s9 =	sshrl.u32 s9, $0x3;
	s17 =	sadd.s32 s2, s11;
	[smem:$0x7EB] =	sst s18  }
0x24: {  	s12 =	sadd.s32 $0x4F0, s9;
	s18 =	sadd.s32 s7, s11;
	[smem:$0x7F7] =	sst s17  }
0x25: {  	p0 =	sne.s32 s1, $0x0;
	s13 =	sadd.s32 s8, s12;
	[smem:$0x7EF] =	sst s18  }
0x26: {  	s22 =	simm.s32 $0x9E00;
	s20 =	sadd.s32 s7, s12;
	[smem:$0x7EC] =	sst s13  }
0x27: {  	s10 =	simm.s32 $0x13C00;
	s15 =	sadd.s32 s4, s12;
	[smem:$0x7F0] =	sst s20  }
0x28: {  	s25 =	simm.s32 $0xC580;
	s18 =	sadd.s32 s2, s12;
	[smem:$0x7F4] =	sst s15  }
0x29: {  	s13 =	sadd.s32 $0x9E0, s9;
	[smem:$0x7F8] =	sst s18;
	s20 =	simm.s32 $0x17AB0  }
0x2a: {  	s9 =	sadd.s32 $0xED0, s9;
	s14 =	sadd.s32 s8, s13;
	[dreg:$0x1e] =	wrdreg s20  }
0x2b: {  	s17 =	simm.s32 $0x11480;
	s8 =	sadd.s32 s8, s9;
	[smem:$0x7ED] =	sst s14  }
0x2c: {  	s18 =	simm.s32 $0x17380;
	s24 =	sadd.s32 s7, s13;
	[smem:$0x7EE] =	sst s8  }
0x2d: {  	s15 =	simm.s32 $0x7680;
	s7 =	sadd.s32 s7, s9;
	[smem:$0x7F1] =	sst s24  }
0x2e: {  	s16 =	sadd.s32 s4, s13;
	s19 =	sadd.s32 s2, s13;
	[smem:$0x7F2] =	sst s7  }
0x2f: {  	s2 =	sadd.s32 s2, s9;
	s20 =	sadd.s32 $0x32400, s0;
	[smem:$0x7F5] =	sst s16  }
0x30: {  	s0 =	simm.s32 $0x1AE00;
	s13 =	simm.s32 $0x2780;
	[smem:$0x7F9] =	sst s19  }
0x31: {  	s14 =	sadd.s32 s4, s11;
	s4 =	sadd.s32 s4, s9;
	[smem:$0x7FA] =	sst s2  }
0x32: {  	s24 =	smul.u32 $0x4E20, s1;
	s7 =	simm.s32 $0x6;
	[smem:$0x7FD] =	sst s20  }
0x33: {  	s8 =	simm.s32 $0x7;
	s9 =	simm.s32 $0x8;
	[smem:$0x7F3] =	sst s14  }
0x34: {  	s19 =	simm.s32 $0x16380;
	s16 =	simm.s32 $0xED00;
	[smem:$0x7F6] =	sst s4  }
0x35: {  	v0 =	vimm.f32 $0.0e+00;
	s2 =	simm.s32 $0x0;
	s14 =	simm.s32 $0x4F00;
	[smem:$0x7FB] =	sst s24  }
.LBB2_1:
0x36: {  	[smem:$0x7E9] =	sst s2;
	s1 =	simm.s32 $0x13C40  }
0x37: {  	[tilespmem:s1+$0xFFFFFFC0] =	vst v0  }
0x38: {  	[tilespmem:s1+$0x30] =	vst v0  }
0x39: {  	[tilespmem:s1+$0x20] =	vst v0  }
0x3a: {  	[tilespmem:s1+$0x10] =	vst v0  }
0x3b: {  	[tilespmem:s1+$0x0] =	vst v0  }
0x3c: {  	[tilespmem:s1+$0xFFFFFFF0] =	vst v0  }
0x3d: {  	s2 =	simm.s32 $0x0;
	[tilespmem:s1+$0xFFFFFFE0] =	vst v0  }
.LBB2_2:
0x3e: {  	s2 =	sadd.s32 $0x8, s2;
	[tilespmem:s1+$0xFFFFFFD0] =	vst v0;
	s1 =	sadd.s32 $0x80, s1  }
0x3f: {  	[tilespmem:s1+$0xFFFFFFC0] =	vst v0;
	p1 =	slt.u32 s2, $0x268  }
0x40: {  	[tilespmem:s1+$0x30] =	vst v0  }
.Ltmp0:
0x41: {  	[tilespmem:s1+$0x20] =	vst v0;
	(pc) =	sbr.rel @p1 .LBB2_2-.Ltmp0, $4  }
0x42: {  	[tilespmem:s1+$0x10] =	vst v0  }
0x43: {  	[tilespmem:s1+$0x0] =	vst v0  }
0x44: {  	[tilespmem:s1+$0xFFFFFFF0] =	vst v0  }
0x45: {  	[tilespmem:s1+$0xFFFFFFE0] =	vst v0  }
0x46: {  	[tilespmem:s1+$0xFFFFFFD0] =	vst v0  }
0x47: {  	s1 =	simm.s32 @!p0 $0x13C00;
	[tilespmem:$0x16300] =	vst v0  }
0x48: {  	[spmem:s3] =	stream.linear.scatter @!p0 [tilespmem:s1], [sflag:$0x9], $0x2780, $0x38;
	[tilespmem:$0x1FF18] =	vst v63  }
0x49: {  	s1 =	simm.s32 @!p0 $0x9  }
0x4a: {  	_ =	swait.ge @!p0 [sflag:s1], $0x2780  }
0x4b: {  	[sflag:s1] =	ssyncset.done @!p0 $0x0  }
0x4c: {  	[sflag:s1] =	ssyncadd.s32 @!p0 $0xFFFFD880  }
0x4d: {  	[bflag:$0x0] =	sbarrier.arrive $0xFFFF  }
0x4e: {  	s2 =	rddreg [dreg:$0x7]  }
0x4f: {  	s1 =	sadd.s32 $0x0, s2  }
0x50: {  	[tilespmem:s18], [sflag:$0x9] =	stream.linear.gather [hbm4b:s1+s5], $0x7D0, $0x38;
	[tilespmem:$0x1FF18] =	vst v63  }
0x51: {  	_ =	swait.ge [sflag:s28], $0x7D0  }
0x52: {  	s4 =	rddreg [dreg:$0x6];
	[sflag:s28] =	ssyncset.done $0x0  }
0x53: {  	[sflag:s28] =	ssyncadd.s32 $0xFFFFF830;
	s4 =	sadd.s32 $0x0, s4  }
0x54: {  	[tilespmem:s29], [sflag:$0x5] =	stream.linear.gather [hbm4b:s4+s5], $0x50, $0x38;
	[tilespmem:$0x1FF18] =	vst v63  }
0x55: {  	_ =	swait.ge [sflag:s30], $0x50  }
0x56: {  	[sflag:s30] =	ssyncset.done $0x0  }
0x57: {  	[sflag:s30] =	ssyncadd.s32 $0xFFFFFFB0  }
0x58: {  	[spmem:s3] =	stream.indirect.scatter.add.f32 [tilespmem:s18], [sflag:$0x7], $0x1, s29, s31, $0xb8;
	[tilespmem:$0x1FF18] =	vst v63  }
0x59: {  	s1 =	sadd.s32 $0xA, s4  }
0x5a: {  	[tilespmem:s0], [sflag:$0x6] =	stream.linear.gather [hbm4b:s1+s5], $0x50, $0x38;
	[tilespmem:$0x1FF18] =	vst v63  }
0x5b: {  	_ =	swait.ge [sflag:s7], $0x50  }
0x5c: {  	[sflag:s7] =	ssyncset.done $0x0  }
0x5d: {  	s6 =	rddreg [dreg:$0x8];
	[sflag:s7] =	ssyncadd.s32 $0xFFFFFFB0  }
0x5e: {  	[spmem:s3] =	stream.indirect.scatter.add.f32 [tilespmem:s6], [sflag:$0x8], $0x1, s0, s31, $0xb8;
	[tilespmem:$0x1FF18] =	vst v63  }
0x5f: {  	_ =	swait.ge [sflag:s8], $0x50  }
0x60: {  	[sflag:s8] =	ssyncset.done $0x0  }
0x61: {  	s11 =	sadd.s32 $0x14, s4;
	[sflag:s8] =	ssyncadd.s32 $0xFFFFFFB0  }
0x62: {  	[tilespmem:s29], [sflag:$0x5] =	stream.linear.gather [hbm4b:s11+s5], $0x50, $0x38;
	[tilespmem:$0x1FF18] =	vst v63  }
0x63: {  	_ =	swait.ge [sflag:s30], $0x50  }
0x64: {  	[sflag:s30] =	ssyncset.done $0x0  }
0x65: {  	s12 =	rddreg [dreg:$0x9];
	[sflag:s30] =	ssyncadd.s32 $0xFFFFFFB0  }
0x66: {  	[spmem:s3] =	stream.indirect.scatter.add.f32 [tilespmem:s12], [sflag:$0x7], $0x1, s29, s31, $0xb8;
	[tilespmem:$0x1FF18] =	vst v63  }
0x67: {  	_ =	swait.ge [sflag:s9], $0x50  }
0x68: {  	[sflag:s9] =	ssyncset.done $0x0  }
0x69: {  	s20 =	sadd.s32 $0x1E, s4;
	[sflag:s9] =	ssyncadd.s32 $0xFFFFFFB0  }
0x6a: {  	[tilespmem:s0], [sflag:$0x6] =	stream.linear.gather [hbm4b:s20+s5], $0x50, $0x38;
	[tilespmem:$0x1FF18] =	vst v63  }
0x6b: {  	_ =	swait.ge [sflag:s7], $0x50  }
0x6c: {  	[sflag:s7] =	ssyncset.done $0x0  }
0x6d: {  	s24 =	rddreg [dreg:$0xa];
	[sflag:s7] =	ssyncadd.s32 $0xFFFFFFB0  }
0x6e: {  	[spmem:s3] =	stream.indirect.scatter.add.f32 [tilespmem:s24], [sflag:$0x8], $0x1, s0, s31, $0xb8;
	[tilespmem:$0x1FF18] =	vst v63  }
0x6f: {  	_ =	swait.ge [sflag:s8], $0x50  }
0x70: {  	[sflag:s8] =	ssyncset.done $0x0  }
0x71: {  	s2 =	sadd.s32 $0x28, s4;
	[sflag:s8] =	ssyncadd.s32 $0xFFFFFFB0  }
0x72: {  	[tilespmem:s29], [sflag:$0x5] =	stream.linear.gather [hbm4b:s2+s5], $0x50, $0x38;
	[tilespmem:$0x1FF18] =	vst v63  }
0x73: {  	_ =	swait.ge [sflag:s30], $0x50  }
0x74: {  	[sflag:s30] =	ssyncset.done $0x0  }
0x75: {  	s6 =	rddreg [dreg:$0xb];
	[sflag:s30] =	ssyncadd.s32 $0xFFFFFFB0  }
0x76: {  	[spmem:s3] =	stream.indirect.scatter.add.f32 [tilespmem:s6], [sflag:$0x7], $0x1, s29, s31, $0xb8;
	[tilespmem:$0x1FF18] =	vst v63  }
0x77: {  	_ =	swait.ge [sflag:s9], $0x50  }
0x78: {  	[sflag:s9] =	ssyncset.done $0x0  }
0x79: {  	s11 =	sadd.s32 $0x32, s4;
	[sflag:s9] =	ssyncadd.s32 $0xFFFFFFB0  }
0x7a: {  	[tilespmem:s0], [sflag:$0x6] =	stream.linear.gather [hbm4b:s11+s5], $0x50, $0x38;
	[tilespmem:$0x1FF18] =	vst v63  }
0x7b: {  	_ =	swait.ge [sflag:s7], $0x50  }
0x7c: {  	[sflag:s7] =	ssyncset.done $0x0  }
0x7d: {  	s12 =	rddreg [dreg:$0xc];
	[sflag:s7] =	ssyncadd.s32 $0xFFFFFFB0  }
0x7e: {  	[spmem:s3] =	stream.indirect.scatter.add.f32 [tilespmem:s12], [sflag:$0x8], $0x1, s0, s31, $0xb8;
	[tilespmem:$0x1FF18] =	vst v63  }
0x7f: {  	_ =	swait.ge [sflag:s8], $0x50  }
0x80: {  	[sflag:s8] =	ssyncset.done $0x0  }
0x81: {  	s20 =	sadd.s32 $0x3C, s4;
	[sflag:s8] =	ssyncadd.s32 $0xFFFFFFB0  }
0x82: {  	[tilespmem:s29], [sflag:$0x5] =	stream.linear.gather [hbm4b:s20+s5], $0x50, $0x38;
	[tilespmem:$0x1FF18] =	vst v63  }
0x83: {  	_ =	swait.ge [sflag:s30], $0x50  }
0x84: {  	[sflag:s30] =	ssyncset.done $0x0  }
0x85: {  	s24 =	rddreg [dreg:$0xd];
	[sflag:s30] =	ssyncadd.s32 $0xFFFFFFB0  }
0x86: {  	[spmem:s3] =	stream.indirect.scatter.add.f32 [tilespmem:s24], [sflag:$0x7], $0x1, s29, s31, $0xb8;
	[tilespmem:$0x1FF18] =	vst v63  }
0x87: {  	_ =	swait.ge [sflag:s9], $0x50  }
0x88: {  	[sflag:s9] =	ssyncset.done $0x0  }
0x89: {  	s2 =	sadd.s32 $0x46, s4;
	[sflag:s9] =	ssyncadd.s32 $0xFFFFFFB0  }
0x8a: {  	[tilespmem:s0], [sflag:$0x6] =	stream.linear.gather [hbm4b:s2+s5], $0x50, $0x38;
	[tilespmem:$0x1FF18] =	vst v63  }
0x8b: {  	_ =	swait.ge [sflag:s7], $0x50  }
0x8c: {  	[sflag:s7] =	ssyncset.done $0x0  }
0x8d: {  	s6 =	rddreg [dreg:$0xe];
	[sflag:s7] =	ssyncadd.s32 $0xFFFFFFB0  }
0x8e: {  	[spmem:s3] =	stream.indirect.scatter.add.f32 [tilespmem:s6], [sflag:$0x8], $0x1, s0, s31, $0xb8;
	[tilespmem:$0x1FF18] =	vst v63  }
0x8f: {  	_ =	swait.ge [sflag:s8], $0x50  }
0x90: {  	[sflag:s8] =	ssyncset.done $0x0  }
0x91: {  	s11 =	sadd.s32 $0x50, s4;
	[sflag:s8] =	ssyncadd.s32 $0xFFFFFFB0  }
0x92: {  	[tilespmem:s29], [sflag:$0x5] =	stream.linear.gather [hbm4b:s11+s5], $0x50, $0x38;
	[tilespmem:$0x1FF18] =	vst v63  }
0x93: {  	_ =	swait.ge [sflag:s30], $0x50  }
0x94: {  	[sflag:s30] =	ssyncset.done $0x0  }
0x95: {  	s12 =	rddreg [dreg:$0xf];
	[sflag:s30] =	ssyncadd.s32 $0xFFFFFFB0  }
0x96: {  	[spmem:s3] =	stream.indirect.scatter.add.f32 [tilespmem:s12], [sflag:$0x7], $0x1, s29, s31, $0xb8;
	[tilespmem:$0x1FF18] =	vst v63  }
0x97: {  	_ =	swait.ge [sflag:s9], $0x50  }
0x98: {  	[sflag:s9] =	ssyncset.done $0x0  }
0x99: {  	s20 =	sadd.s32 $0x5A, s4;
	[sflag:s9] =	ssyncadd.s32 $0xFFFFFFB0  }
0x9a: {  	[tilespmem:s0], [sflag:$0x6] =	stream.linear.gather [hbm4b:s20+s5], $0x50, $0x38;
	[tilespmem:$0x1FF18] =	vst v63  }
0x9b: {  	_ =	swait.ge [sflag:s7], $0x50  }
0x9c: {  	[sflag:s7] =	ssyncset.done $0x0  }
0x9d: {  	s24 =	rddreg [dreg:$0x10];
	[sflag:s7] =	ssyncadd.s32 $0xFFFFFFB0  }
0x9e: {  	[spmem:s3] =	stream.indirect.scatter.add.f32 [tilespmem:s24], [sflag:$0x8], $0x1, s0, s31, $0xb8;
	[tilespmem:$0x1FF18] =	vst v63  }
0x9f: {  	_ =	swait.ge [sflag:s8], $0x50  }
0xa0: {  	[sflag:s8] =	ssyncset.done $0x0  }
0xa1: {  	s2 =	sadd.s32 $0x64, s4;
	[sflag:s8] =	ssyncadd.s32 $0xFFFFFFB0  }
0xa2: {  	[tilespmem:s29], [sflag:$0x5] =	stream.linear.gather [hbm4b:s2+s5], $0x50, $0x38;
	[tilespmem:$0x1FF18] =	vst v63  }
0xa3: {  	_ =	swait.ge [sflag:s30], $0x50  }
0xa4: {  	[sflag:s30] =	ssyncset.done $0x0  }
0xa5: {  	s6 =	rddreg [dreg:$0x11];
	[sflag:s30] =	ssyncadd.s32 $0xFFFFFFB0  }
0xa6: {  	[spmem:s3] =	stream.indirect.scatter.add.f32 [tilespmem:s6], [sflag:$0x7], $0x1, s29, s31, $0xb8;
	[tilespmem:$0x1FF18] =	vst v63  }
0xa7: {  	_ =	swait.ge [sflag:s9], $0x50  }
0xa8: {  	[sflag:s9] =	ssyncset.done $0x0  }
0xa9: {  	s11 =	sadd.s32 $0x6E, s4;
	[sflag:s9] =	ssyncadd.s32 $0xFFFFFFB0  }
0xaa: {  	[tilespmem:s0], [sflag:$0x6] =	stream.linear.gather [hbm4b:s11+s5], $0x50, $0x38;
	[tilespmem:$0x1FF18] =	vst v63  }
0xab: {  	_ =	swait.ge [sflag:s7], $0x50  }
0xac: {  	[sflag:s7] =	ssyncset.done $0x0  }
0xad: {  	s12 =	rddreg [dreg:$0x12];
	[sflag:s7] =	ssyncadd.s32 $0xFFFFFFB0  }
0xae: {  	[spmem:s3] =	stream.indirect.scatter.add.f32 [tilespmem:s12], [sflag:$0x8], $0x1, s0, s31, $0xb8;
	[tilespmem:$0x1FF18] =	vst v63  }
0xaf: {  	_ =	swait.ge [sflag:s8], $0x50  }
0xb0: {  	[sflag:s8] =	ssyncset.done $0x0  }
0xb1: {  	s20 =	sadd.s32 $0x78, s4;
	[sflag:s8] =	ssyncadd.s32 $0xFFFFFFB0  }
0xb2: {  	[tilespmem:s29], [sflag:$0x5] =	stream.linear.gather [hbm4b:s20+s5], $0x50, $0x38;
	[tilespmem:$0x1FF18] =	vst v63  }
0xb3: {  	_ =	swait.ge [sflag:s30], $0x50  }
0xb4: {  	[sflag:s30] =	ssyncset.done $0x0  }
0xb5: {  	s24 =	rddreg [dreg:$0x13];
	[sflag:s30] =	ssyncadd.s32 $0xFFFFFFB0  }
0xb6: {  	[spmem:s3] =	stream.indirect.scatter.add.f32 [tilespmem:s24], [sflag:$0x7], $0x1, s29, s31, $0xb8;
	[tilespmem:$0x1FF18] =	vst v63  }
0xb7: {  	_ =	swait.ge [sflag:s9], $0x50  }
0xb8: {  	[sflag:s9] =	ssyncset.done $0x0  }
0xb9: {  	s2 =	sadd.s32 $0x82, s4;
	[sflag:s9] =	ssyncadd.s32 $0xFFFFFFB0  }
0xba: {  	[tilespmem:s0], [sflag:$0x6] =	stream.linear.gather [hbm4b:s2+s5], $0x50, $0x38;
	[tilespmem:$0x1FF18] =	vst v63  }
0xbb: {  	_ =	swait.ge [sflag:s7], $0x50  }
0xbc: {  	[sflag:s7] =	ssyncset.done $0x0  }
0xbd: {  	s6 =	rddreg [dreg:$0x14];
	[sflag:s7] =	ssyncadd.s32 $0xFFFFFFB0  }
0xbe: {  	[spmem:s3] =	stream.indirect.scatter.add.f32 [tilespmem:s6], [sflag:$0x8], $0x1, s0, s31, $0xb8;
	[tilespmem:$0x1FF18] =	vst v63  }
0xbf: {  	_ =	swait.ge [sflag:s8], $0x50  }
0xc0: {  	[sflag:s8] =	ssyncset.done $0x0  }
0xc1: {  	s11 =	sadd.s32 $0x8C, s4;
	[sflag:s8] =	ssyncadd.s32 $0xFFFFFFB0  }
0xc2: {  	[tilespmem:s29], [sflag:$0x5] =	stream.linear.gather [hbm4b:s11+s5], $0x50, $0x38;
	[tilespmem:$0x1FF18] =	vst v63  }
0xc3: {  	_ =	swait.ge [sflag:s30], $0x50  }
0xc4: {  	[sflag:s30] =	ssyncset.done $0x0  }
0xc5: {  	s12 =	rddreg [dreg:$0x15];
	[sflag:s30] =	ssyncadd.s32 $0xFFFFFFB0  }
0xc6: {  	[spmem:s3] =	stream.indirect.scatter.add.f32 [tilespmem:s12], [sflag:$0x7], $0x1, s29, s31, $0xb8;
	[tilespmem:$0x1FF18] =	vst v63  }
0xc7: {  	_ =	swait.ge [sflag:s9], $0x50  }
0xc8: {  	[sflag:s9] =	ssyncset.done $0x0  }
0xc9: {  	s20 =	sadd.s32 $0x96, s4;
	[sflag:s9] =	ssyncadd.s32 $0xFFFFFFB0  }
0xca: {  	[tilespmem:s0], [sflag:$0x6] =	stream.linear.gather [hbm4b:s20+s5], $0x50, $0x38;
	[tilespmem:$0x1FF18] =	vst v63  }
0xcb: {  	_ =	swait.ge [sflag:s7], $0x50  }
0xcc: {  	[sflag:s7] =	ssyncset.done $0x0  }
0xcd: {  	s24 =	rddreg [dreg:$0x16];
	[sflag:s7] =	ssyncadd.s32 $0xFFFFFFB0  }
0xce: {  	[spmem:s3] =	stream.indirect.scatter.add.f32 [tilespmem:s24], [sflag:$0x8], $0x1, s0, s31, $0xb8;
	[tilespmem:$0x1FF18] =	vst v63  }
0xcf: {  	_ =	swait.ge [sflag:s8], $0x50  }
0xd0: {  	[sflag:s8] =	ssyncset.done $0x0  }
0xd1: {  	s2 =	sadd.s32 $0xA0, s4;
	[sflag:s8] =	ssyncadd.s32 $0xFFFFFFB0  }
0xd2: {  	[tilespmem:s29], [sflag:$0x5] =	stream.linear.gather [hbm4b:s2+s5], $0x50, $0x38;
	[tilespmem:$0x1FF18] =	vst v63  }
0xd3: {  	_ =	swait.ge [sflag:s30], $0x50  }
0xd4: {  	[sflag:s30] =	ssyncset.done $0x0  }
0xd5: {  	s6 =	rddreg [dreg:$0x17];
	[sflag:s30] =	ssyncadd.s32 $0xFFFFFFB0  }
0xd6: {  	[spmem:s3] =	stream.indirect.scatter.add.f32 [tilespmem:s6], [sflag:$0x7], $0x1, s29, s31, $0xb8;
	[tilespmem:$0x1FF18] =	vst v63  }
0xd7: {  	_ =	swait.ge [sflag:s9], $0x50  }
0xd8: {  	[sflag:s9] =	ssyncset.done $0x0  }
0xd9: {  	s11 =	sadd.s32 $0xAA, s4;
	[sflag:s9] =	ssyncadd.s32 $0xFFFFFFB0  }
0xda: {  	[tilespmem:s0], [sflag:$0x6] =	stream.linear.gather [hbm4b:s11+s5], $0x50, $0x38;
	[tilespmem:$0x1FF18] =	vst v63  }
0xdb: {  	_ =	swait.ge [sflag:s7], $0x50  }
0xdc: {  	[sflag:s7] =	ssyncset.done $0x0  }
0xdd: {  	s12 =	rddreg [dreg:$0x18];
	[sflag:s7] =	ssyncadd.s32 $0xFFFFFFB0  }
0xde: {  	[spmem:s3] =	stream.indirect.scatter.add.f32 [tilespmem:s12], [sflag:$0x8], $0x1, s0, s31, $0xb8;
	[tilespmem:$0x1FF18] =	vst v63  }
0xdf: {  	_ =	swait.ge [sflag:s8], $0x50  }
0xe0: {  	[sflag:s8] =	ssyncset.done $0x0  }
0xe1: {  	s20 =	sadd.s32 $0xB4, s4;
	[sflag:s8] =	ssyncadd.s32 $0xFFFFFFB0  }
0xe2: {  	[tilespmem:s29], [sflag:$0x5] =	stream.linear.gather [hbm4b:s20+s5], $0x50, $0x38;
	[tilespmem:$0x1FF18] =	vst v63  }
0xe3: {  	_ =	swait.ge [sflag:s30], $0x50  }
0xe4: {  	[sflag:s30] =	ssyncset.done $0x0  }
0xe5: {  	s24 =	rddreg [dreg:$0x19];
	[sflag:s30] =	ssyncadd.s32 $0xFFFFFFB0  }
0xe6: {  	[spmem:s3] =	stream.indirect.scatter.add.f32 [tilespmem:s24], [sflag:$0x7], $0x1, s29, s31, $0xb8;
	[tilespmem:$0x1FF18] =	vst v63  }
0xe7: {  	_ =	swait.ge [sflag:s9], $0x50  }
0xe8: {  	[sflag:s9] =	ssyncset.done $0x0  }
0xe9: {  	s2 =	sadd.s32 $0xBE, s4;
	[sflag:s9] =	ssyncadd.s32 $0xFFFFFFB0  }
0xea: {  	[tilespmem:s0], [sflag:$0x6] =	stream.linear.gather [hbm4b:s2+s5], $0x50, $0x38;
	[tilespmem:$0x1FF18] =	vst v63  }
0xeb: {  	_ =	swait.ge [sflag:s7], $0x50  }
0xec: {  	[sflag:s7] =	ssyncset.done $0x0  }
0xed: {  	s6 =	rddreg [dreg:$0x1a];
	[sflag:s7] =	ssyncadd.s32 $0xFFFFFFB0  }
0xee: {  	[spmem:s3] =	stream.indirect.scatter.add.f32 [tilespmem:s6], [sflag:$0x8], $0x1, s0, s31, $0xb8;
	[tilespmem:$0x1FF18] =	vst v63  }
0xef: {  	_ =	swait.ge [sflag:s8], $0x50  }
0xf0: {  	[sflag:s8] =	ssyncset.done $0x0  }
0xf1: {  	s11 =	sadd.s32 $0xC8, s4;
	[sflag:s8] =	ssyncadd.s32 $0xFFFFFFB0  }
0xf2: {  	[tilespmem:s29], [sflag:$0x5] =	stream.linear.gather [hbm4b:s11+s5], $0x50, $0x38;
	[tilespmem:$0x1FF18] =	vst v63  }
0xf3: {  	_ =	swait.ge [sflag:s30], $0x50  }
0xf4: {  	[sflag:s30] =	ssyncset.done $0x0  }
0xf5: {  	s12 =	rddreg [dreg:$0x1b];
	[sflag:s30] =	ssyncadd.s32 $0xFFFFFFB0  }
0xf6: {  	[spmem:s3] =	stream.indirect.scatter.add.f32 [tilespmem:s12], [sflag:$0x7], $0x1, s29, s31, $0xb8;
	[tilespmem:$0x1FF18] =	vst v63  }
0xf7: {  	_ =	swait.ge [sflag:s9], $0x50  }
0xf8: {  	[sflag:s9] =	ssyncset.done $0x0  }
0xf9: {  	s20 =	sadd.s32 $0xD2, s4;
	[sflag:s9] =	ssyncadd.s32 $0xFFFFFFB0  }
0xfa: {  	[tilespmem:s0], [sflag:$0x6] =	stream.linear.gather [hbm4b:s20+s5], $0x50, $0x38;
	[tilespmem:$0x1FF18] =	vst v63  }
0xfb: {  	_ =	swait.ge [sflag:s7], $0x50  }
0xfc: {  	[sflag:s7] =	ssyncset.done $0x0  }
0xfd: {  	s24 =	rddreg [dreg:$0x1c];
	[sflag:s7] =	ssyncadd.s32 $0xFFFFFFB0  }
0xfe: {  	[spmem:s3] =	stream.indirect.scatter.add.f32 [tilespmem:s24], [sflag:$0x8], $0x1, s0, s31, $0xb8;
	[tilespmem:$0x1FF18] =	vst v63  }
0xff: {  	_ =	swait.ge [sflag:s8], $0x50  }
0x100: {  	[sflag:s8] =	ssyncset.done $0x0  }
0x101: {  	s2 =	sadd.s32 $0xDC, s4;
	[sflag:s8] =	ssyncadd.s32 $0xFFFFFFB0  }
0x102: {  	[tilespmem:s29], [sflag:$0x5] =	stream.linear.gather [hbm4b:s2+s5], $0x50, $0x38;
	[tilespmem:$0x1FF18] =	vst v63  }
0x103: {  	_ =	swait.ge [sflag:s30], $0x50  }
0x104: {  	[sflag:s30] =	ssyncset.done $0x0  }
0x105: {  	s6 =	rddreg [dreg:$0x1d];
	[sflag:s30] =	ssyncadd.s32 $0xFFFFFFB0  }
0x106: {  	[spmem:s3] =	stream.indirect.scatter.add.f32 [tilespmem:s6], [sflag:$0x7], $0x1, s29, s31, $0xb8;
	[tilespmem:$0x1FF18] =	vst v63  }
0x107: {  	_ =	swait.ge [sflag:s9], $0x50  }
0x108: {  	[sflag:s9] =	ssyncset.done $0x0  }
0x109: {  	s11 =	sadd.s32 $0xE6, s4;
	[sflag:s9] =	ssyncadd.s32 $0xFFFFFFB0  }
0x10a: {  	[tilespmem:s0], [sflag:$0x6] =	stream.linear.gather [hbm4b:s11+s5], $0x50, $0x38;
	[tilespmem:$0x1FF18] =	vst v63  }
0x10b: {  	_ =	swait.ge [sflag:s7], $0x50  }
0x10c: {  	[sflag:s7] =	ssyncset.done $0x0  }
0x10d: {  	s12 =	rddreg [dreg:$0x1e];
	[sflag:s7] =	ssyncadd.s32 $0xFFFFFFB0  }
0x10e: {  	[spmem:s3] =	stream.indirect.scatter.add.f32 [tilespmem:s12], [sflag:$0x8], $0x1, s0, s31, $0xb8;
	[tilespmem:$0x1FF18] =	vst v63  }
0x10f: {  	_ =	swait.ge [sflag:s8], $0x50  }
0x110: {  	[sflag:s8] =	ssyncset.done $0x0  }
0x111: {  	s20 =	sadd.s32 $0xF0, s4;
	[sflag:s8] =	ssyncadd.s32 $0xFFFFFFB0  }
0x112: {  	[tilespmem:s29], [sflag:$0x5] =	stream.linear.gather [hbm4b:s20+s5], $0x50, $0x38;
	[tilespmem:$0x1FF18] =	vst v63  }
0x113: {  	_ =	swait.ge [sflag:s30], $0x50  }
0x114: {  	[sflag:s30] =	ssyncset.done $0x0  }
0x115: {  	s24 =	rddreg [dreg:$0x1f];
	[sflag:s30] =	ssyncadd.s32 $0xFFFFFFB0  }
0x116: {  	[spmem:s3] =	stream.indirect.scatter.add.f32 [tilespmem:s24], [sflag:$0x7], $0x1, s29, s31, $0xb8;
	[tilespmem:$0x1FF18] =	vst v63  }
0x117: {  	_ =	swait.ge [sflag:s9], $0x50  }
0x118: {  	[sflag:s9] =	ssyncset.done $0x0  }
0x119: {  	[sflag:s9] =	ssyncadd.s32 $0xFFFFFFB0  }
0x11a: {  	s6 =	simm.s32 $0xFA;
	_ =	swait.ge [sflag:s8], $0x50  }
0x11b: {  	s12 =	simm.s32 $0x1F4;
	s1 =	rddreg [dreg:$0x7];
	[sflag:s8] =	ssyncset.done $0x0  }
.LBB2_4:
0x11c: {  	[sflag:s8] =	ssyncadd.s32 $0xFFFFFFB0;
	s1 =	sadd.s32 s6, s1  }
0x11d: {  	[tilespmem:s18], [sflag:$0x9] =	stream.linear.gather [hbm4b:s1+s5], $0x7D0, $0x38;
	[tilespmem:$0x1FF18] =	vst v63  }
0x11e: {  	_ =	swait.ge [sflag:s28], $0x7D0  }
0x11f: {  	s4 =	rddreg [dreg:$0x6];
	[sflag:s28] =	ssyncset.done $0x0  }
0x120: {  	[sflag:s28] =	ssyncadd.s32 $0xFFFFF830;
	s24 =	sadd.s32 s6, s4  }
0x121: {  	[tilespmem:s29], [sflag:$0x5] =	stream.linear.gather [hbm4b:s24+s5], $0x50, $0x38;
	[tilespmem:$0x1FF18] =	vst v63  }
0x122: {  	_ =	swait.ge [sflag:s30], $0x50  }
0x123: {  	[sflag:s30] =	ssyncset.done $0x0  }
0x124: {  	[sflag:s30] =	ssyncadd.s32 $0xFFFFFFB0  }
0x125: {  	[spmem:s3] =	stream.indirect.scatter.add.f32 [tilespmem:s18], [sflag:$0x7], $0x1, s29, s31, $0xb8;
	[tilespmem:$0x1FF18] =	vst v63  }
0x126: {  	s1 =	sadd.s32 $0xA, s24  }
0x127: {  	[tilespmem:s0], [sflag:$0x6] =	stream.linear.gather [hbm4b:s1+s5], $0x50, $0x38;
	[tilespmem:$0x1FF18] =	vst v63  }
0x128: {  	_ =	swait.ge [sflag:s7], $0x50  }
0x129: {  	[sflag:s7] =	ssyncset.done $0x0  }
0x12a: {  	s11 =	rddreg [dreg:$0x8];
	[sflag:s7] =	ssyncadd.s32 $0xFFFFFFB0  }
0x12b: {  	[spmem:s3] =	stream.indirect.scatter.add.f32 [tilespmem:s11], [sflag:$0x8], $0x1, s0, s31, $0xb8;
	[tilespmem:$0x1FF18] =	vst v63  }
0x12c: {  	_ =	swait.ge [sflag:s8], $0x50  }
0x12d: {  	[sflag:s8] =	ssyncset.done $0x0  }
0x12e: {  	s20 =	sadd.s32 $0x14, s24;
	[sflag:s8] =	ssyncadd.s32 $0xFFFFFFB0  }
0x12f: {  	[tilespmem:s29], [sflag:$0x5] =	stream.linear.gather [hbm4b:s20+s5], $0x50, $0x38;
	[tilespmem:$0x1FF18] =	vst v63  }
0x130: {  	_ =	swait.ge [sflag:s30], $0x50  }
0x131: {  	s2 =	smov.u32 s12;
	[sflag:s30] =	ssyncset.done $0x0  }
0x132: {  	s6 =	smov.u32 s2;
	s2 =	rddreg [dreg:$0x9];
	[sflag:s30] =	ssyncadd.s32 $0xFFFFFFB0  }
0x133: {  	[spmem:s3] =	stream.indirect.scatter.add.f32 [tilespmem:s2], [sflag:$0x7], $0x1, s29, s31, $0xb8;
	[tilespmem:$0x1FF18] =	vst v63  }
0x134: {  	_ =	swait.ge [sflag:s9], $0x50  }
0x135: {  	[sflag:s9] =	ssyncset.done $0x0  }
0x136: {  	s4 =	sadd.s32 $0x1E, s24;
	[sflag:s9] =	ssyncadd.s32 $0xFFFFFFB0  }
0x137: {  	[tilespmem:s0], [sflag:$0x6] =	stream.linear.gather [hbm4b:s4+s5], $0x50, $0x38;
	[tilespmem:$0x1FF18] =	vst v63  }
0x138: {  	_ =	swait.ge [sflag:s7], $0x50  }
0x139: {  	[sflag:s7] =	ssyncset.done $0x0  }
0x13a: {  	s11 =	rddreg [dreg:$0xa];
	[sflag:s7] =	ssyncadd.s32 $0xFFFFFFB0  }
0x13b: {  	[spmem:s3] =	stream.indirect.scatter.add.f32 [tilespmem:s11], [sflag:$0x8], $0x1, s0, s31, $0xb8;
	[tilespmem:$0x1FF18] =	vst v63  }
0x13c: {  	_ =	swait.ge [sflag:s8], $0x50  }
0x13d: {  	[sflag:s8] =	ssyncset.done $0x0  }
0x13e: {  	s20 =	sadd.s32 $0x28, s24;
	[sflag:s8] =	ssyncadd.s32 $0xFFFFFFB0  }
0x13f: {  	[tilespmem:s29], [sflag:$0x5] =	stream.linear.gather [hbm4b:s20+s5], $0x50, $0x38;
	[tilespmem:$0x1FF18] =	vst v63  }
0x140: {  	_ =	swait.ge [sflag:s30], $0x50  }
0x141: {  	[sflag:s30] =	ssyncset.done $0x0  }
0x142: {  	s2 =	rddreg [dreg:$0xb];
	[sflag:s30] =	ssyncadd.s32 $0xFFFFFFB0  }
0x143: {  	[spmem:s3] =	stream.indirect.scatter.add.f32 [tilespmem:s2], [sflag:$0x7], $0x1, s29, s31, $0xb8;
	[tilespmem:$0x1FF18] =	vst v63  }
0x144: {  	_ =	swait.ge [sflag:s9], $0x50  }
0x145: {  	[sflag:s9] =	ssyncset.done $0x0  }
0x146: {  	s4 =	sadd.s32 $0x32, s24;
	[sflag:s9] =	ssyncadd.s32 $0xFFFFFFB0  }
0x147: {  	[tilespmem:s0], [sflag:$0x6] =	stream.linear.gather [hbm4b:s4+s5], $0x50, $0x38;
	[tilespmem:$0x1FF18] =	vst v63  }
0x148: {  	_ =	swait.ge [sflag:s7], $0x50  }
0x149: {  	[sflag:s7] =	ssyncset.done $0x0  }
0x14a: {  	s11 =	rddreg [dreg:$0xc];
	[sflag:s7] =	ssyncadd.s32 $0xFFFFFFB0  }
0x14b: {  	[spmem:s3] =	stream.indirect.scatter.add.f32 [tilespmem:s11], [sflag:$0x8], $0x1, s0, s31, $0xb8;
	[tilespmem:$0x1FF18] =	vst v63  }
0x14c: {  	_ =	swait.ge [sflag:s8], $0x50  }
0x14d: {  	[sflag:s8] =	ssyncset.done $0x0  }
0x14e: {  	s20 =	sadd.s32 $0x3C, s24;
	[sflag:s8] =	ssyncadd.s32 $0xFFFFFFB0  }
0x14f: {  	[tilespmem:s29], [sflag:$0x5] =	stream.linear.gather [hbm4b:s20+s5], $0x50, $0x38;
	[tilespmem:$0x1FF18] =	vst v63  }
0x150: {  	_ =	swait.ge [sflag:s30], $0x50  }
0x151: {  	[sflag:s30] =	ssyncset.done $0x0  }
0x152: {  	s2 =	rddreg [dreg:$0xd];
	[sflag:s30] =	ssyncadd.s32 $0xFFFFFFB0  }
0x153: {  	[spmem:s3] =	stream.indirect.scatter.add.f32 [tilespmem:s2], [sflag:$0x7], $0x1, s29, s31, $0xb8;
	[tilespmem:$0x1FF18] =	vst v63  }
0x154: {  	_ =	swait.ge [sflag:s9], $0x50  }
0x155: {  	[sflag:s9] =	ssyncset.done $0x0  }
0x156: {  	s4 =	sadd.s32 $0x46, s24;
	[sflag:s9] =	ssyncadd.s32 $0xFFFFFFB0  }
0x157: {  	[tilespmem:s0], [sflag:$0x6] =	stream.linear.gather [hbm4b:s4+s5], $0x50, $0x38;
	[tilespmem:$0x1FF18] =	vst v63  }
0x158: {  	_ =	swait.ge [sflag:s7], $0x50  }
0x159: {  	[sflag:s7] =	ssyncset.done $0x0  }
0x15a: {  	s11 =	rddreg [dreg:$0xe];
	[sflag:s7] =	ssyncadd.s32 $0xFFFFFFB0  }
0x15b: {  	[spmem:s3] =	stream.indirect.scatter.add.f32 [tilespmem:s11], [sflag:$0x8], $0x1, s0, s31, $0xb8;
	[tilespmem:$0x1FF18] =	vst v63  }
0x15c: {  	_ =	swait.ge [sflag:s8], $0x50  }
0x15d: {  	[sflag:s8] =	ssyncset.done $0x0  }
0x15e: {  	s20 =	sadd.s32 $0x50, s24;
	[sflag:s8] =	ssyncadd.s32 $0xFFFFFFB0  }
0x15f: {  	[tilespmem:s29], [sflag:$0x5] =	stream.linear.gather [hbm4b:s20+s5], $0x50, $0x38;
	[tilespmem:$0x1FF18] =	vst v63  }
0x160: {  	_ =	swait.ge [sflag:s30], $0x50  }
0x161: {  	[sflag:s30] =	ssyncset.done $0x0  }
0x162: {  	s2 =	rddreg [dreg:$0xf];
	[sflag:s30] =	ssyncadd.s32 $0xFFFFFFB0  }
0x163: {  	[spmem:s3] =	stream.indirect.scatter.add.f32 [tilespmem:s2], [sflag:$0x7], $0x1, s29, s31, $0xb8;
	[tilespmem:$0x1FF18] =	vst v63  }
0x164: {  	_ =	swait.ge [sflag:s9], $0x50  }
0x165: {  	[sflag:s9] =	ssyncset.done $0x0  }
0x166: {  	s4 =	sadd.s32 $0x5A, s24;
	[sflag:s9] =	ssyncadd.s32 $0xFFFFFFB0  }
0x167: {  	[tilespmem:s0], [sflag:$0x6] =	stream.linear.gather [hbm4b:s4+s5], $0x50, $0x38;
	[tilespmem:$0x1FF18] =	vst v63  }
0x168: {  	_ =	swait.ge [sflag:s7], $0x50  }
0x169: {  	[sflag:s7] =	ssyncset.done $0x0  }
0x16a: {  	s11 =	rddreg [dreg:$0x10];
	[sflag:s7] =	ssyncadd.s32 $0xFFFFFFB0  }
0x16b: {  	[spmem:s3] =	stream.indirect.scatter.add.f32 [tilespmem:s11], [sflag:$0x8], $0x1, s0, s31, $0xb8;
	[tilespmem:$0x1FF18] =	vst v63  }
0x16c: {  	_ =	swait.ge [sflag:s8], $0x50  }
0x16d: {  	[sflag:s8] =	ssyncset.done $0x0  }
0x16e: {  	s20 =	sadd.s32 $0x64, s24;
	[sflag:s8] =	ssyncadd.s32 $0xFFFFFFB0  }
0x16f: {  	[tilespmem:s29], [sflag:$0x5] =	stream.linear.gather [hbm4b:s20+s5], $0x50, $0x38;
	[tilespmem:$0x1FF18] =	vst v63  }
0x170: {  	_ =	swait.ge [sflag:s30], $0x50  }
0x171: {  	[sflag:s30] =	ssyncset.done $0x0  }
0x172: {  	s2 =	rddreg [dreg:$0x11];
	[sflag:s30] =	ssyncadd.s32 $0xFFFFFFB0  }
0x173: {  	[spmem:s3] =	stream.indirect.scatter.add.f32 [tilespmem:s2], [sflag:$0x7], $0x1, s29, s31, $0xb8;
	[tilespmem:$0x1FF18] =	vst v63  }
0x174: {  	_ =	swait.ge [sflag:s9], $0x50  }
0x175: {  	[sflag:s9] =	ssyncset.done $0x0  }
0x176: {  	s4 =	sadd.s32 $0x6E, s24;
	[sflag:s9] =	ssyncadd.s32 $0xFFFFFFB0  }
0x177: {  	[tilespmem:s0], [sflag:$0x6] =	stream.linear.gather [hbm4b:s4+s5], $0x50, $0x38;
	[tilespmem:$0x1FF18] =	vst v63  }
0x178: {  	_ =	swait.ge [sflag:s7], $0x50  }
0x179: {  	[sflag:s7] =	ssyncset.done $0x0  }
0x17a: {  	s11 =	rddreg [dreg:$0x12];
	[sflag:s7] =	ssyncadd.s32 $0xFFFFFFB0  }
0x17b: {  	[spmem:s3] =	stream.indirect.scatter.add.f32 [tilespmem:s11], [sflag:$0x8], $0x1, s0, s31, $0xb8;
	[tilespmem:$0x1FF18] =	vst v63  }
0x17c: {  	_ =	swait.ge [sflag:s8], $0x50  }
0x17d: {  	[sflag:s8] =	ssyncset.done $0x0  }
0x17e: {  	s20 =	sadd.s32 $0x78, s24;
	[sflag:s8] =	ssyncadd.s32 $0xFFFFFFB0  }
0x17f: {  	[tilespmem:s29], [sflag:$0x5] =	stream.linear.gather [hbm4b:s20+s5], $0x50, $0x38;
	[tilespmem:$0x1FF18] =	vst v63  }
0x180: {  	_ =	swait.ge [sflag:s30], $0x50  }
0x181: {  	[sflag:s30] =	ssyncset.done $0x0  }
0x182: {  	s2 =	rddreg [dreg:$0x13];
	[sflag:s30] =	ssyncadd.s32 $0xFFFFFFB0  }
0x183: {  	[spmem:s3] =	stream.indirect.scatter.add.f32 [tilespmem:s2], [sflag:$0x7], $0x1, s29, s31, $0xb8;
	[tilespmem:$0x1FF18] =	vst v63  }
0x184: {  	_ =	swait.ge [sflag:s9], $0x50  }
0x185: {  	[sflag:s9] =	ssyncset.done $0x0  }
0x186: {  	s4 =	sadd.s32 $0x82, s24;
	[sflag:s9] =	ssyncadd.s32 $0xFFFFFFB0  }
0x187: {  	[tilespmem:s0], [sflag:$0x6] =	stream.linear.gather [hbm4b:s4+s5], $0x50, $0x38;
	[tilespmem:$0x1FF18] =	vst v63  }
0x188: {  	_ =	swait.ge [sflag:s7], $0x50  }
0x189: {  	[sflag:s7] =	ssyncset.done $0x0  }
0x18a: {  	s11 =	rddreg [dreg:$0x14];
	[sflag:s7] =	ssyncadd.s32 $0xFFFFFFB0  }
0x18b: {  	[spmem:s3] =	stream.indirect.scatter.add.f32 [tilespmem:s11], [sflag:$0x8], $0x1, s0, s31, $0xb8;
	[tilespmem:$0x1FF18] =	vst v63  }
0x18c: {  	_ =	swait.ge [sflag:s8], $0x50  }
0x18d: {  	[sflag:s8] =	ssyncset.done $0x0  }
0x18e: {  	s20 =	sadd.s32 $0x8C, s24;
	[sflag:s8] =	ssyncadd.s32 $0xFFFFFFB0  }
0x18f: {  	[tilespmem:s29], [sflag:$0x5] =	stream.linear.gather [hbm4b:s20+s5], $0x50, $0x38;
	[tilespmem:$0x1FF18] =	vst v63  }
0x190: {  	_ =	swait.ge [sflag:s30], $0x50  }
0x191: {  	[sflag:s30] =	ssyncset.done $0x0  }
0x192: {  	s2 =	rddreg [dreg:$0x15];
	[sflag:s30] =	ssyncadd.s32 $0xFFFFFFB0  }
0x193: {  	[spmem:s3] =	stream.indirect.scatter.add.f32 [tilespmem:s2], [sflag:$0x7], $0x1, s29, s31, $0xb8;
	[tilespmem:$0x1FF18] =	vst v63  }
0x194: {  	_ =	swait.ge [sflag:s9], $0x50  }
0x195: {  	[sflag:s9] =	ssyncset.done $0x0  }
0x196: {  	s4 =	sadd.s32 $0x96, s24;
	[sflag:s9] =	ssyncadd.s32 $0xFFFFFFB0  }
0x197: {  	[tilespmem:s0], [sflag:$0x6] =	stream.linear.gather [hbm4b:s4+s5], $0x50, $0x38;
	[tilespmem:$0x1FF18] =	vst v63  }
0x198: {  	_ =	swait.ge [sflag:s7], $0x50  }
0x199: {  	[sflag:s7] =	ssyncset.done $0x0  }
0x19a: {  	s11 =	rddreg [dreg:$0x16];
	[sflag:s7] =	ssyncadd.s32 $0xFFFFFFB0  }
0x19b: {  	[spmem:s3] =	stream.indirect.scatter.add.f32 [tilespmem:s11], [sflag:$0x8], $0x1, s0, s31, $0xb8;
	[tilespmem:$0x1FF18] =	vst v63  }
0x19c: {  	_ =	swait.ge [sflag:s8], $0x50  }
0x19d: {  	[sflag:s8] =	ssyncset.done $0x0  }
0x19e: {  	s20 =	sadd.s32 $0xA0, s24;
	[sflag:s8] =	ssyncadd.s32 $0xFFFFFFB0  }
0x19f: {  	[tilespmem:s29], [sflag:$0x5] =	stream.linear.gather [hbm4b:s20+s5], $0x50, $0x38;
	[tilespmem:$0x1FF18] =	vst v63  }
0x1a0: {  	_ =	swait.ge [sflag:s30], $0x50  }
0x1a1: {  	[sflag:s30] =	ssyncset.done $0x0  }
0x1a2: {  	s2 =	rddreg [dreg:$0x17];
	[sflag:s30] =	ssyncadd.s32 $0xFFFFFFB0  }
0x1a3: {  	[spmem:s3] =	stream.indirect.scatter.add.f32 [tilespmem:s2], [sflag:$0x7], $0x1, s29, s31, $0xb8;
	[tilespmem:$0x1FF18] =	vst v63  }
0x1a4: {  	_ =	swait.ge [sflag:s9], $0x50  }
0x1a5: {  	[sflag:s9] =	ssyncset.done $0x0  }
0x1a6: {  	s4 =	sadd.s32 $0xAA, s24;
	[sflag:s9] =	ssyncadd.s32 $0xFFFFFFB0  }
0x1a7: {  	[tilespmem:s0], [sflag:$0x6] =	stream.linear.gather [hbm4b:s4+s5], $0x50, $0x38;
	[tilespmem:$0x1FF18] =	vst v63  }
0x1a8: {  	_ =	swait.ge [sflag:s7], $0x50  }
0x1a9: {  	[sflag:s7] =	ssyncset.done $0x0  }
0x1aa: {  	s11 =	rddreg [dreg:$0x18];
	[sflag:s7] =	ssyncadd.s32 $0xFFFFFFB0  }
0x1ab: {  	[spmem:s3] =	stream.indirect.scatter.add.f32 [tilespmem:s11], [sflag:$0x8], $0x1, s0, s31, $0xb8;
	[tilespmem:$0x1FF18] =	vst v63  }
0x1ac: {  	_ =	swait.ge [sflag:s8], $0x50  }
0x1ad: {  	[sflag:s8] =	ssyncset.done $0x0  }
0x1ae: {  	s20 =	sadd.s32 $0xB4, s24;
	[sflag:s8] =	ssyncadd.s32 $0xFFFFFFB0  }
0x1af: {  	[tilespmem:s29], [sflag:$0x5] =	stream.linear.gather [hbm4b:s20+s5], $0x50, $0x38;
	[tilespmem:$0x1FF18] =	vst v63  }
0x1b0: {  	_ =	swait.ge [sflag:s30], $0x50  }
0x1b1: {  	[sflag:s30] =	ssyncset.done $0x0  }
0x1b2: {  	s2 =	rddreg [dreg:$0x19];
	[sflag:s30] =	ssyncadd.s32 $0xFFFFFFB0  }
0x1b3: {  	[spmem:s3] =	stream.indirect.scatter.add.f32 [tilespmem:s2], [sflag:$0x7], $0x1, s29, s31, $0xb8;
	[tilespmem:$0x1FF18] =	vst v63  }
0x1b4: {  	_ =	swait.ge [sflag:s9], $0x50  }
0x1b5: {  	[sflag:s9] =	ssyncset.done $0x0  }
0x1b6: {  	s4 =	sadd.s32 $0xBE, s24;
	[sflag:s9] =	ssyncadd.s32 $0xFFFFFFB0  }
0x1b7: {  	[tilespmem:s0], [sflag:$0x6] =	stream.linear.gather [hbm4b:s4+s5], $0x50, $0x38;
	[tilespmem:$0x1FF18] =	vst v63  }
0x1b8: {  	_ =	swait.ge [sflag:s7], $0x50  }
0x1b9: {  	[sflag:s7] =	ssyncset.done $0x0  }
0x1ba: {  	s11 =	rddreg [dreg:$0x1a];
	[sflag:s7] =	ssyncadd.s32 $0xFFFFFFB0  }
0x1bb: {  	[spmem:s3] =	stream.indirect.scatter.add.f32 [tilespmem:s11], [sflag:$0x8], $0x1, s0, s31, $0xb8;
	[tilespmem:$0x1FF18] =	vst v63  }
0x1bc: {  	_ =	swait.ge [sflag:s8], $0x50  }
0x1bd: {  	[sflag:s8] =	ssyncset.done $0x0  }
0x1be: {  	s20 =	sadd.s32 $0xC8, s24;
	[sflag:s8] =	ssyncadd.s32 $0xFFFFFFB0  }
0x1bf: {  	[tilespmem:s29], [sflag:$0x5] =	stream.linear.gather [hbm4b:s20+s5], $0x50, $0x38;
	[tilespmem:$0x1FF18] =	vst v63  }
0x1c0: {  	_ =	swait.ge [sflag:s30], $0x50  }
0x1c1: {  	[sflag:s30] =	ssyncset.done $0x0  }
0x1c2: {  	s2 =	rddreg [dreg:$0x1b];
	[sflag:s30] =	ssyncadd.s32 $0xFFFFFFB0  }
0x1c3: {  	[spmem:s3] =	stream.indirect.scatter.add.f32 [tilespmem:s2], [sflag:$0x7], $0x1, s29, s31, $0xb8;
	[tilespmem:$0x1FF18] =	vst v63  }
0x1c4: {  	_ =	swait.ge [sflag:s9], $0x50  }
0x1c5: {  	[sflag:s9] =	ssyncset.done $0x0  }
0x1c6: {  	s4 =	sadd.s32 $0xD2, s24;
	[sflag:s9] =	ssyncadd.s32 $0xFFFFFFB0  }
0x1c7: {  	[tilespmem:s0], [sflag:$0x6] =	stream.linear.gather [hbm4b:s4+s5], $0x50, $0x38;
	[tilespmem:$0x1FF18] =	vst v63  }
0x1c8: {  	_ =	swait.ge [sflag:s7], $0x50  }
0x1c9: {  	[sflag:s7] =	ssyncset.done $0x0  }
0x1ca: {  	s11 =	rddreg [dreg:$0x1c];
	[sflag:s7] =	ssyncadd.s32 $0xFFFFFFB0  }
0x1cb: {  	[spmem:s3] =	stream.indirect.scatter.add.f32 [tilespmem:s11], [sflag:$0x8], $0x1, s0, s31, $0xb8;
	[tilespmem:$0x1FF18] =	vst v63  }
0x1cc: {  	_ =	swait.ge [sflag:s8], $0x50  }
0x1cd: {  	[sflag:s8] =	ssyncset.done $0x0  }
0x1ce: {  	s20 =	sadd.s32 $0xDC, s24;
	[sflag:s8] =	ssyncadd.s32 $0xFFFFFFB0  }
0x1cf: {  	[tilespmem:s29], [sflag:$0x5] =	stream.linear.gather [hbm4b:s20+s5], $0x50, $0x38;
	[tilespmem:$0x1FF18] =	vst v63  }
0x1d0: {  	_ =	swait.ge [sflag:s30], $0x50  }
0x1d1: {  	[sflag:s30] =	ssyncset.done $0x0  }
0x1d2: {  	s2 =	rddreg [dreg:$0x1d];
	[sflag:s30] =	ssyncadd.s32 $0xFFFFFFB0  }
0x1d3: {  	[spmem:s3] =	stream.indirect.scatter.add.f32 [tilespmem:s2], [sflag:$0x7], $0x1, s29, s31, $0xb8;
	[tilespmem:$0x1FF18] =	vst v63  }
0x1d4: {  	_ =	swait.ge [sflag:s9], $0x50  }
0x1d5: {  	[sflag:s9] =	ssyncset.done $0x0  }
0x1d6: {  	s4 =	sadd.s32 $0xE6, s24;
	[sflag:s9] =	ssyncadd.s32 $0xFFFFFFB0  }
0x1d7: {  	[tilespmem:s0], [sflag:$0x6] =	stream.linear.gather [hbm4b:s4+s5], $0x50, $0x38;
	[tilespmem:$0x1FF18] =	vst v63  }
0x1d8: {  	_ =	swait.ge [sflag:s7], $0x50  }
0x1d9: {  	[sflag:s7] =	ssyncset.done $0x0  }
0x1da: {  	s11 =	rddreg [dreg:$0x1e];
	[sflag:s7] =	ssyncadd.s32 $0xFFFFFFB0  }
0x1db: {  	[spmem:s3] =	stream.indirect.scatter.add.f32 [tilespmem:s11], [sflag:$0x8], $0x1, s0, s31, $0xb8;
	[tilespmem:$0x1FF18] =	vst v63  }
0x1dc: {  	_ =	swait.ge [sflag:s8], $0x50  }
0x1dd: {  	[sflag:s8] =	ssyncset.done $0x0  }
0x1de: {  	s20 =	sadd.s32 $0xF0, s24;
	[sflag:s8] =	ssyncadd.s32 $0xFFFFFFB0  }
0x1df: {  	[tilespmem:s29], [sflag:$0x5] =	stream.linear.gather [hbm4b:s20+s5], $0x50, $0x38;
	[tilespmem:$0x1FF18] =	vst v63  }
0x1e0: {  	_ =	swait.ge [sflag:s30], $0x50  }
0x1e1: {  	[sflag:s30] =	ssyncset.done $0x0  }
0x1e2: {  	p1 =	sne.s32 s12, $0x8CA;
	s24 =	rddreg [dreg:$0x1f];
	[sflag:s30] =	ssyncadd.s32 $0xFFFFFFB0  }
0x1e3: {  	[spmem:s3] =	stream.indirect.scatter.add.f32 [tilespmem:s24], [sflag:$0x7], $0x1, s29, s31, $0xb8;
	[tilespmem:$0x1FF18] =	vst v63  }
.Ltmp1:
0x1e4: {  	_ =	swait.ge [sflag:s9], $0x50;
	(pc) =	sbr.rel @p1 .LBB2_4-.Ltmp1, $4  }
0x1e5: {  	[sflag:s9] =	ssyncset.done $0x0  }
0x1e6: {  	[sflag:s9] =	ssyncadd.s32 $0xFFFFFFB0  }
0x1e7: {  	_ =	swait.ge [sflag:s8], $0x50  }
0x1e8: {  	s12 =	sadd.s32 $0xFA, s12;
	s1 =	rddreg [dreg:$0x7];
	[sflag:s8] =	ssyncset.done $0x0  }
0x1e9: {  	[sflag:s8] =	ssyncadd.s32 $0xFFFFFFB0;
	s1 =	sadd.s32 s6, s1  }
0x1ea: {  	[tilespmem:s18], [sflag:$0x9] =	stream.linear.gather [hbm4b:s1+s5], $0x7D0, $0x38;
	[tilespmem:$0x1FF18] =	vst v63  }
0x1eb: {  	_ =	swait.ge [sflag:s28], $0x7D0  }
0x1ec: {  	s4 =	rddreg [dreg:$0x6];
	[sflag:s28] =	ssyncset.done $0x0  }
0x1ed: {  	[sflag:s28] =	ssyncadd.s32 $0xFFFFF830;
	s4 =	sadd.s32 s6, s4  }
0x1ee: {  	[tilespmem:s29], [sflag:$0x5] =	stream.linear.gather [hbm4b:s4+s5], $0x50, $0x38;
	[tilespmem:$0x1FF18] =	vst v63  }
0x1ef: {  	_ =	swait.ge [sflag:s30], $0x50  }
0x1f0: {  	[sflag:s30] =	ssyncset.done $0x0  }
0x1f1: {  	[sflag:s30] =	ssyncadd.s32 $0xFFFFFFB0  }
0x1f2: {  	[spmem:s3] =	stream.indirect.scatter.add.f32 [tilespmem:s18], [sflag:$0x7], $0x1, s29, s31, $0xb8;
	[tilespmem:$0x1FF18] =	vst v63  }
0x1f3: {  	s1 =	sadd.s32 $0xA, s4  }
0x1f4: {  	[tilespmem:s0], [sflag:$0x6] =	stream.linear.gather [hbm4b:s1+s5], $0x50, $0x38;
	[tilespmem:$0x1FF18] =	vst v63  }
0x1f5: {  	_ =	swait.ge [sflag:s7], $0x50  }
0x1f6: {  	[sflag:s7] =	ssyncset.done $0x0  }
0x1f7: {  	s6 =	rddreg [dreg:$0x8];
	[sflag:s7] =	ssyncadd.s32 $0xFFFFFFB0  }
0x1f8: {  	[spmem:s3] =	stream.indirect.scatter.add.f32 [tilespmem:s6], [sflag:$0x8], $0x1, s0, s31, $0xb8;
	[tilespmem:$0x1FF18] =	vst v63  }
0x1f9: {  	_ =	swait.ge [sflag:s8], $0x50  }
0x1fa: {  	[sflag:s8] =	ssyncset.done $0x0  }
0x1fb: {  	s11 =	sadd.s32 $0x14, s4;
	[sflag:s8] =	ssyncadd.s32 $0xFFFFFFB0  }
0x1fc: {  	[tilespmem:s29], [sflag:$0x5] =	stream.linear.gather [hbm4b:s11+s5], $0x50, $0x38;
	[tilespmem:$0x1FF18] =	vst v63  }
0x1fd: {  	_ =	swait.ge [sflag:s30], $0x50  }
0x1fe: {  	[sflag:s30] =	ssyncset.done $0x0  }
0x1ff: {  	s12 =	rddreg [dreg:$0x9];
	[sflag:s30] =	ssyncadd.s32 $0xFFFFFFB0  }
0x200: {  	[spmem:s3] =	stream.indirect.scatter.add.f32 [tilespmem:s12], [sflag:$0x7], $0x1, s29, s31, $0xb8;
	[tilespmem:$0x1FF18] =	vst v63  }
0x201: {  	_ =	swait.ge [sflag:s9], $0x50  }
0x202: {  	[sflag:s9] =	ssyncset.done $0x0  }
0x203: {  	s20 =	sadd.s32 $0x1E, s4;
	[sflag:s9] =	ssyncadd.s32 $0xFFFFFFB0  }
0x204: {  	[tilespmem:s0], [sflag:$0x6] =	stream.linear.gather [hbm4b:s20+s5], $0x50, $0x38;
	[tilespmem:$0x1FF18] =	vst v63  }
0x205: {  	_ =	swait.ge [sflag:s7], $0x50  }
0x206: {  	[sflag:s7] =	ssyncset.done $0x0  }
0x207: {  	s24 =	rddreg [dreg:$0xa];
	[sflag:s7] =	ssyncadd.s32 $0xFFFFFFB0  }
0x208: {  	[spmem:s3] =	stream.indirect.scatter.add.f32 [tilespmem:s24], [sflag:$0x8], $0x1, s0, s31, $0xb8;
	[tilespmem:$0x1FF18] =	vst v63  }
0x209: {  	_ =	swait.ge [sflag:s8], $0x50  }
0x20a: {  	[sflag:s8] =	ssyncset.done $0x0  }
0x20b: {  	s2 =	sadd.s32 $0x28, s4;
	[sflag:s8] =	ssyncadd.s32 $0xFFFFFFB0  }
0x20c: {  	[tilespmem:s29], [sflag:$0x5] =	stream.linear.gather [hbm4b:s2+s5], $0x50, $0x38;
	[tilespmem:$0x1FF18] =	vst v63  }
0x20d: {  	_ =	swait.ge [sflag:s30], $0x50  }
0x20e: {  	[sflag:s30] =	ssyncset.done $0x0  }
0x20f: {  	s6 =	rddreg [dreg:$0xb];
	[sflag:s30] =	ssyncadd.s32 $0xFFFFFFB0  }
0x210: {  	[spmem:s3] =	stream.indirect.scatter.add.f32 [tilespmem:s6], [sflag:$0x7], $0x1, s29, s31, $0xb8;
	[tilespmem:$0x1FF18] =	vst v63  }
0x211: {  	_ =	swait.ge [sflag:s9], $0x50  }
0x212: {  	[sflag:s9] =	ssyncset.done $0x0  }
0x213: {  	s11 =	sadd.s32 $0x32, s4;
	[sflag:s9] =	ssyncadd.s32 $0xFFFFFFB0  }
0x214: {  	[tilespmem:s0], [sflag:$0x6] =	stream.linear.gather [hbm4b:s11+s5], $0x50, $0x38;
	[tilespmem:$0x1FF18] =	vst v63  }
0x215: {  	_ =	swait.ge [sflag:s7], $0x50  }
0x216: {  	[sflag:s7] =	ssyncset.done $0x0  }
0x217: {  	s12 =	rddreg [dreg:$0xc];
	[sflag:s7] =	ssyncadd.s32 $0xFFFFFFB0  }
0x218: {  	[spmem:s3] =	stream.indirect.scatter.add.f32 [tilespmem:s12], [sflag:$0x8], $0x1, s0, s31, $0xb8;
	[tilespmem:$0x1FF18] =	vst v63  }
0x219: {  	_ =	swait.ge [sflag:s8], $0x50  }
0x21a: {  	[sflag:s8] =	ssyncset.done $0x0  }
0x21b: {  	s20 =	sadd.s32 $0x3C, s4;
	[sflag:s8] =	ssyncadd.s32 $0xFFFFFFB0  }
0x21c: {  	[tilespmem:s29], [sflag:$0x5] =	stream.linear.gather [hbm4b:s20+s5], $0x50, $0x38;
	[tilespmem:$0x1FF18] =	vst v63  }
0x21d: {  	_ =	swait.ge [sflag:s30], $0x50  }
0x21e: {  	[sflag:s30] =	ssyncset.done $0x0  }
0x21f: {  	s24 =	rddreg [dreg:$0xd];
	[sflag:s30] =	ssyncadd.s32 $0xFFFFFFB0  }
0x220: {  	[spmem:s3] =	stream.indirect.scatter.add.f32 [tilespmem:s24], [sflag:$0x7], $0x1, s29, s31, $0xb8;
	[tilespmem:$0x1FF18] =	vst v63  }
0x221: {  	_ =	swait.ge [sflag:s9], $0x50  }
0x222: {  	[sflag:s9] =	ssyncset.done $0x0  }
0x223: {  	s2 =	sadd.s32 $0x46, s4;
	[sflag:s9] =	ssyncadd.s32 $0xFFFFFFB0  }
0x224: {  	[tilespmem:s0], [sflag:$0x6] =	stream.linear.gather [hbm4b:s2+s5], $0x50, $0x38;
	[tilespmem:$0x1FF18] =	vst v63  }
0x225: {  	_ =	swait.ge [sflag:s7], $0x50  }
0x226: {  	[sflag:s7] =	ssyncset.done $0x0  }
0x227: {  	s6 =	rddreg [dreg:$0xe];
	[sflag:s7] =	ssyncadd.s32 $0xFFFFFFB0  }
0x228: {  	[spmem:s3] =	stream.indirect.scatter.add.f32 [tilespmem:s6], [sflag:$0x8], $0x1, s0, s31, $0xb8;
	[tilespmem:$0x1FF18] =	vst v63  }
0x229: {  	_ =	swait.ge [sflag:s8], $0x50  }
0x22a: {  	[sflag:s8] =	ssyncset.done $0x0  }
0x22b: {  	s11 =	sadd.s32 $0x50, s4;
	[sflag:s8] =	ssyncadd.s32 $0xFFFFFFB0  }
0x22c: {  	[tilespmem:s29], [sflag:$0x5] =	stream.linear.gather [hbm4b:s11+s5], $0x50, $0x38;
	[tilespmem:$0x1FF18] =	vst v63  }
0x22d: {  	_ =	swait.ge [sflag:s30], $0x50  }
0x22e: {  	[sflag:s30] =	ssyncset.done $0x0  }
0x22f: {  	s12 =	rddreg [dreg:$0xf];
	[sflag:s30] =	ssyncadd.s32 $0xFFFFFFB0  }
0x230: {  	[spmem:s3] =	stream.indirect.scatter.add.f32 [tilespmem:s12], [sflag:$0x7], $0x1, s29, s31, $0xb8;
	[tilespmem:$0x1FF18] =	vst v63  }
0x231: {  	_ =	swait.ge [sflag:s9], $0x50  }
0x232: {  	[sflag:s9] =	ssyncset.done $0x0  }
0x233: {  	s20 =	sadd.s32 $0x5A, s4;
	[sflag:s9] =	ssyncadd.s32 $0xFFFFFFB0  }
0x234: {  	[tilespmem:s0], [sflag:$0x6] =	stream.linear.gather [hbm4b:s20+s5], $0x50, $0x38;
	[tilespmem:$0x1FF18] =	vst v63  }
0x235: {  	_ =	swait.ge [sflag:s7], $0x50  }
0x236: {  	[sflag:s7] =	ssyncset.done $0x0  }
0x237: {  	s24 =	rddreg [dreg:$0x10];
	[sflag:s7] =	ssyncadd.s32 $0xFFFFFFB0  }
0x238: {  	[spmem:s3] =	stream.indirect.scatter.add.f32 [tilespmem:s24], [sflag:$0x8], $0x1, s0, s31, $0xb8;
	[tilespmem:$0x1FF18] =	vst v63  }
0x239: {  	_ =	swait.ge [sflag:s8], $0x50  }
0x23a: {  	[sflag:s8] =	ssyncset.done $0x0  }
0x23b: {  	s2 =	sadd.s32 $0x64, s4;
	[sflag:s8] =	ssyncadd.s32 $0xFFFFFFB0  }
0x23c: {  	[tilespmem:s29], [sflag:$0x5] =	stream.linear.gather [hbm4b:s2+s5], $0x50, $0x38;
	[tilespmem:$0x1FF18] =	vst v63  }
0x23d: {  	_ =	swait.ge [sflag:s30], $0x50  }
0x23e: {  	[sflag:s30] =	ssyncset.done $0x0  }
0x23f: {  	s6 =	rddreg [dreg:$0x11];
	[sflag:s30] =	ssyncadd.s32 $0xFFFFFFB0  }
0x240: {  	[spmem:s3] =	stream.indirect.scatter.add.f32 [tilespmem:s6], [sflag:$0x7], $0x1, s29, s31, $0xb8;
	[tilespmem:$0x1FF18] =	vst v63  }
0x241: {  	_ =	swait.ge [sflag:s9], $0x50  }
0x242: {  	[sflag:s9] =	ssyncset.done $0x0  }
0x243: {  	s11 =	sadd.s32 $0x6E, s4;
	[sflag:s9] =	ssyncadd.s32 $0xFFFFFFB0  }
0x244: {  	[tilespmem:s0], [sflag:$0x6] =	stream.linear.gather [hbm4b:s11+s5], $0x50, $0x38;
	[tilespmem:$0x1FF18] =	vst v63  }
0x245: {  	_ =	swait.ge [sflag:s7], $0x50  }
0x246: {  	[sflag:s7] =	ssyncset.done $0x0  }
0x247: {  	s12 =	rddreg [dreg:$0x12];
	[sflag:s7] =	ssyncadd.s32 $0xFFFFFFB0  }
0x248: {  	[spmem:s3] =	stream.indirect.scatter.add.f32 [tilespmem:s12], [sflag:$0x8], $0x1, s0, s31, $0xb8;
	[tilespmem:$0x1FF18] =	vst v63  }
0x249: {  	_ =	swait.ge [sflag:s8], $0x50  }
0x24a: {  	[sflag:s8] =	ssyncset.done $0x0  }
0x24b: {  	s20 =	sadd.s32 $0x78, s4;
	[sflag:s8] =	ssyncadd.s32 $0xFFFFFFB0  }
0x24c: {  	[tilespmem:s29], [sflag:$0x5] =	stream.linear.gather [hbm4b:s20+s5], $0x50, $0x38;
	[tilespmem:$0x1FF18] =	vst v63  }
0x24d: {  	_ =	swait.ge [sflag:s30], $0x50  }
0x24e: {  	[sflag:s30] =	ssyncset.done $0x0  }
0x24f: {  	s24 =	rddreg [dreg:$0x13];
	[sflag:s30] =	ssyncadd.s32 $0xFFFFFFB0  }
0x250: {  	[spmem:s3] =	stream.indirect.scatter.add.f32 [tilespmem:s24], [sflag:$0x7], $0x1, s29, s31, $0xb8;
	[tilespmem:$0x1FF18] =	vst v63  }
0x251: {  	_ =	swait.ge [sflag:s9], $0x50  }
0x252: {  	[sflag:s9] =	ssyncset.done $0x0  }
0x253: {  	s2 =	sadd.s32 $0x82, s4;
	[sflag:s9] =	ssyncadd.s32 $0xFFFFFFB0  }
0x254: {  	[tilespmem:s0], [sflag:$0x6] =	stream.linear.gather [hbm4b:s2+s5], $0x50, $0x38;
	[tilespmem:$0x1FF18] =	vst v63  }
0x255: {  	_ =	swait.ge [sflag:s7], $0x50  }
0x256: {  	[sflag:s7] =	ssyncset.done $0x0  }
0x257: {  	s6 =	rddreg [dreg:$0x14];
	[sflag:s7] =	ssyncadd.s32 $0xFFFFFFB0  }
0x258: {  	[spmem:s3] =	stream.indirect.scatter.add.f32 [tilespmem:s6], [sflag:$0x8], $0x1, s0, s31, $0xb8;
	[tilespmem:$0x1FF18] =	vst v63  }
0x259: {  	_ =	swait.ge [sflag:s8], $0x50  }
0x25a: {  	[sflag:s8] =	ssyncset.done $0x0  }
0x25b: {  	s11 =	sadd.s32 $0x8C, s4;
	[sflag:s8] =	ssyncadd.s32 $0xFFFFFFB0  }
0x25c: {  	[tilespmem:s29], [sflag:$0x5] =	stream.linear.gather [hbm4b:s11+s5], $0x50, $0x38;
	[tilespmem:$0x1FF18] =	vst v63  }
0x25d: {  	_ =	swait.ge [sflag:s30], $0x50  }
0x25e: {  	[sflag:s30] =	ssyncset.done $0x0  }
0x25f: {  	s12 =	rddreg [dreg:$0x15];
	[sflag:s30] =	ssyncadd.s32 $0xFFFFFFB0  }
0x260: {  	[spmem:s3] =	stream.indirect.scatter.add.f32 [tilespmem:s12], [sflag:$0x7], $0x1, s29, s31, $0xb8;
	[tilespmem:$0x1FF18] =	vst v63  }
0x261: {  	_ =	swait.ge [sflag:s9], $0x50  }
0x262: {  	[sflag:s9] =	ssyncset.done $0x0  }
0x263: {  	s20 =	sadd.s32 $0x96, s4;
	[sflag:s9] =	ssyncadd.s32 $0xFFFFFFB0  }
0x264: {  	[tilespmem:s0], [sflag:$0x6] =	stream.linear.gather [hbm4b:s20+s5], $0x50, $0x38;
	[tilespmem:$0x1FF18] =	vst v63  }
0x265: {  	_ =	swait.ge [sflag:s7], $0x50  }
0x266: {  	[sflag:s7] =	ssyncset.done $0x0  }
0x267: {  	s24 =	rddreg [dreg:$0x16];
	[sflag:s7] =	ssyncadd.s32 $0xFFFFFFB0  }
0x268: {  	[spmem:s3] =	stream.indirect.scatter.add.f32 [tilespmem:s24], [sflag:$0x8], $0x1, s0, s31, $0xb8;
	[tilespmem:$0x1FF18] =	vst v63  }
0x269: {  	_ =	swait.ge [sflag:s8], $0x50  }
0x26a: {  	[sflag:s8] =	ssyncset.done $0x0  }
0x26b: {  	s2 =	sadd.s32 $0xA0, s4;
	[sflag:s8] =	ssyncadd.s32 $0xFFFFFFB0  }
0x26c: {  	[tilespmem:s29], [sflag:$0x5] =	stream.linear.gather [hbm4b:s2+s5], $0x50, $0x38;
	[tilespmem:$0x1FF18] =	vst v63  }
0x26d: {  	_ =	swait.ge [sflag:s30], $0x50  }
0x26e: {  	[sflag:s30] =	ssyncset.done $0x0  }
0x26f: {  	s6 =	rddreg [dreg:$0x17];
	[sflag:s30] =	ssyncadd.s32 $0xFFFFFFB0  }
0x270: {  	[spmem:s3] =	stream.indirect.scatter.add.f32 [tilespmem:s6], [sflag:$0x7], $0x1, s29, s31, $0xb8;
	[tilespmem:$0x1FF18] =	vst v63  }
0x271: {  	_ =	swait.ge [sflag:s9], $0x50  }
0x272: {  	[sflag:s9] =	ssyncset.done $0x0  }
0x273: {  	s11 =	sadd.s32 $0xAA, s4;
	[sflag:s9] =	ssyncadd.s32 $0xFFFFFFB0  }
0x274: {  	[tilespmem:s0], [sflag:$0x6] =	stream.linear.gather [hbm4b:s11+s5], $0x50, $0x38;
	[tilespmem:$0x1FF18] =	vst v63  }
0x275: {  	_ =	swait.ge [sflag:s7], $0x50  }
0x276: {  	[sflag:s7] =	ssyncset.done $0x0  }
0x277: {  	s12 =	rddreg [dreg:$0x18];
	[sflag:s7] =	ssyncadd.s32 $0xFFFFFFB0  }
0x278: {  	[spmem:s3] =	stream.indirect.scatter.add.f32 [tilespmem:s12], [sflag:$0x8], $0x1, s0, s31, $0xb8;
	[tilespmem:$0x1FF18] =	vst v63  }
0x279: {  	_ =	swait.ge [sflag:s8], $0x50  }
0x27a: {  	[sflag:s8] =	ssyncset.done $0x0  }
0x27b: {  	s20 =	sadd.s32 $0xB4, s4;
	[sflag:s8] =	ssyncadd.s32 $0xFFFFFFB0  }
0x27c: {  	[tilespmem:s29], [sflag:$0x5] =	stream.linear.gather [hbm4b:s20+s5], $0x50, $0x38;
	[tilespmem:$0x1FF18] =	vst v63  }
0x27d: {  	_ =	swait.ge [sflag:s30], $0x50  }
0x27e: {  	[sflag:s30] =	ssyncset.done $0x0  }
0x27f: {  	s24 =	rddreg [dreg:$0x19];
	[sflag:s30] =	ssyncadd.s32 $0xFFFFFFB0  }
0x280: {  	[spmem:s3] =	stream.indirect.scatter.add.f32 [tilespmem:s24], [sflag:$0x7], $0x1, s29, s31, $0xb8;
	[tilespmem:$0x1FF18] =	vst v63  }
0x281: {  	_ =	swait.ge [sflag:s9], $0x50  }
0x282: {  	[sflag:s9] =	ssyncset.done $0x0  }
0x283: {  	s2 =	sadd.s32 $0xBE, s4;
	[sflag:s9] =	ssyncadd.s32 $0xFFFFFFB0  }
0x284: {  	[tilespmem:s0], [sflag:$0x6] =	stream.linear.gather [hbm4b:s2+s5], $0x50, $0x38;
	[tilespmem:$0x1FF18] =	vst v63  }
0x285: {  	_ =	swait.ge [sflag:s7], $0x50  }
0x286: {  	[sflag:s7] =	ssyncset.done $0x0  }
0x287: {  	s6 =	rddreg [dreg:$0x1a];
	[sflag:s7] =	ssyncadd.s32 $0xFFFFFFB0  }
0x288: {  	[spmem:s3] =	stream.indirect.scatter.add.f32 [tilespmem:s6], [sflag:$0x8], $0x1, s0, s31, $0xb8;
	[tilespmem:$0x1FF18] =	vst v63  }
0x289: {  	_ =	swait.ge [sflag:s8], $0x50  }
0x28a: {  	[sflag:s8] =	ssyncset.done $0x0  }
0x28b: {  	s11 =	sadd.s32 $0xC8, s4;
	[sflag:s8] =	ssyncadd.s32 $0xFFFFFFB0  }
0x28c: {  	[tilespmem:s29], [sflag:$0x5] =	stream.linear.gather [hbm4b:s11+s5], $0x50, $0x38;
	[tilespmem:$0x1FF18] =	vst v63  }
0x28d: {  	_ =	swait.ge [sflag:s30], $0x50  }
0x28e: {  	[sflag:s30] =	ssyncset.done $0x0  }
0x28f: {  	s12 =	rddreg [dreg:$0x1b];
	[sflag:s30] =	ssyncadd.s32 $0xFFFFFFB0  }
0x290: {  	[spmem:s3] =	stream.indirect.scatter.add.f32 [tilespmem:s12], [sflag:$0x7], $0x1, s29, s31, $0xb8;
	[tilespmem:$0x1FF18] =	vst v63  }
0x291: {  	_ =	swait.ge [sflag:s9], $0x50  }
0x292: {  	[sflag:s9] =	ssyncset.done $0x0  }
0x293: {  	s20 =	sadd.s32 $0xD2, s4;
	[sflag:s9] =	ssyncadd.s32 $0xFFFFFFB0  }
0x294: {  	[tilespmem:s0], [sflag:$0x6] =	stream.linear.gather [hbm4b:s20+s5], $0x50, $0x38;
	[tilespmem:$0x1FF18] =	vst v63  }
0x295: {  	_ =	swait.ge [sflag:s7], $0x50  }
0x296: {  	[sflag:s7] =	ssyncset.done $0x0  }
0x297: {  	s24 =	rddreg [dreg:$0x1c];
	[sflag:s7] =	ssyncadd.s32 $0xFFFFFFB0  }
0x298: {  	[spmem:s3] =	stream.indirect.scatter.add.f32 [tilespmem:s24], [sflag:$0x8], $0x1, s0, s31, $0xb8;
	[tilespmem:$0x1FF18] =	vst v63  }
0x299: {  	_ =	swait.ge [sflag:s8], $0x50  }
0x29a: {  	[sflag:s8] =	ssyncset.done $0x0  }
0x29b: {  	s2 =	sadd.s32 $0xDC, s4;
	[sflag:s8] =	ssyncadd.s32 $0xFFFFFFB0  }
0x29c: {  	[tilespmem:s29], [sflag:$0x5] =	stream.linear.gather [hbm4b:s2+s5], $0x50, $0x38;
	[tilespmem:$0x1FF18] =	vst v63  }
0x29d: {  	_ =	swait.ge [sflag:s30], $0x50  }
0x29e: {  	[sflag:s30] =	ssyncset.done $0x0  }
0x29f: {  	s6 =	rddreg [dreg:$0x1d];
	[sflag:s30] =	ssyncadd.s32 $0xFFFFFFB0  }
0x2a0: {  	[spmem:s3] =	stream.indirect.scatter.add.f32 [tilespmem:s6], [sflag:$0x7], $0x1, s29, s31, $0xb8;
	[tilespmem:$0x1FF18] =	vst v63  }
0x2a1: {  	_ =	swait.ge [sflag:s9], $0x50  }
0x2a2: {  	[sflag:s9] =	ssyncset.done $0x0  }
0x2a3: {  	s11 =	sadd.s32 $0xE6, s4;
	[sflag:s9] =	ssyncadd.s32 $0xFFFFFFB0  }
0x2a4: {  	[tilespmem:s0], [sflag:$0x6] =	stream.linear.gather [hbm4b:s11+s5], $0x50, $0x38;
	[tilespmem:$0x1FF18] =	vst v63  }
0x2a5: {  	_ =	swait.ge [sflag:s7], $0x50  }
0x2a6: {  	[sflag:s7] =	ssyncset.done $0x0  }
0x2a7: {  	s12 =	rddreg [dreg:$0x1e];
	[sflag:s7] =	ssyncadd.s32 $0xFFFFFFB0  }
0x2a8: {  	[spmem:s3] =	stream.indirect.scatter.add.f32 [tilespmem:s12], [sflag:$0x8], $0x1, s0, s31, $0xb8;
	[tilespmem:$0x1FF18] =	vst v63  }
0x2a9: {  	_ =	swait.ge [sflag:s8], $0x50  }
0x2aa: {  	[sflag:s8] =	ssyncset.done $0x0  }
0x2ab: {  	s20 =	sadd.s32 $0xF0, s4;
	[sflag:s8] =	ssyncadd.s32 $0xFFFFFFB0  }
0x2ac: {  	[tilespmem:s29], [sflag:$0x5] =	stream.linear.gather [hbm4b:s20+s5], $0x50, $0x38;
	[tilespmem:$0x1FF18] =	vst v63  }
0x2ad: {  	_ =	swait.ge [sflag:s30], $0x50  }
0x2ae: {  	[sflag:s30] =	ssyncset.done $0x0  }
0x2af: {  	s24 =	rddreg [dreg:$0x1f];
	[sflag:s30] =	ssyncadd.s32 $0xFFFFFFB0  }
0x2b0: {  	[spmem:s3] =	stream.indirect.scatter.add.f32 [tilespmem:s24], [sflag:$0x7], $0x1, s29, s31, $0xb8;
	[tilespmem:$0x1FF18] =	vst v63  }
0x2b1: {  	_ =	swait.ge [sflag:s9], $0x50  }
0x2b2: {  	[sflag:s9] =	ssyncset.done $0x0  }
0x2b3: {  	[sflag:s9] =	ssyncadd.s32 $0xFFFFFFB0  }
0x2b4: {  	_ =	swait.ge [sflag:s8], $0x50  }
0x2b5: {  	[sflag:s8] =	ssyncset.done $0x0  }
0x2b6: {  	[sflag:s8] =	ssyncadd.s32 $0xFFFFFFB0  }
0x2b7: {  	[bflag:$0x0] =	sbarrier.arrive $0xFFFF  }
0x2b8: {  	[tilespmem:s10], [sflag:$0x9] =	stream.linear.gather [spmem:s3], $0x2780, $0x38;
	[tilespmem:$0x1FF18] =	vst v63  }
0x2b9: {  	_ =	swait.ge [sflag:s28], $0x2780  }
0x2ba: {  	s1 =	simm.s32 $0x0;
	[sflag:s28] =	ssyncset.done $0x0  }
0x2bb: {  	s2 =	simm.s32 $0x40;
	s6 =	simm.s32 $0x0;
	[sflag:s28] =	ssyncadd.s32 $0xFFFFD880  }
.LBB2_6:
0x2bc: {  	p1 =	sne.s32 s2, $0x9C00;
	v1 =	vld [tilespmem:s1+$0x13C00];
	_ =	sdelay $0x4  }
0x2bd: {  	v2 =	vshrl.u32 v1, $0x1;
	v3 =	vmul.f32 $5.000000000e-01, v1  }
0x2be: {  	v2 =	vsub.s32 $0x5F3759DF, v2  }
0x2bf: {  	v4 =	vmul.f32 v2, v3;
	_ =	sdelay $0x1  }
0x2c0: {  	v4 =	vmul.f32 v2, v4;
	_ =	sdelay $0x1  }
0x2c1: {  	v4 =	vsub.f32 $1.500000000e+00, v4;
	_ =	sdelay $0x1  }
0x2c2: {  	v2 =	vmul.f32 v2, v4;
	_ =	sdelay $0x1  }
0x2c3: {  	v4 =	vmul.f32 v2, v3;
	_ =	sdelay $0x1  }
0x2c4: {  	v4 =	vmul.f32 v4, v2;
	_ =	sdelay $0x1  }
0x2c5: {  	v4 =	vsub.f32 $1.500000000e+00, v4;
	_ =	sdelay $0x1  }
0x2c6: {  	v2 =	vmul.f32 v4, v2;
	_ =	sdelay $0x1  }
0x2c7: {  	v4 =	vmul.f32 v2, v3;
	_ =	sdelay $0x1  }
0x2c8: {  	v4 =	vmul.f32 v4, v2;
	_ =	sdelay $0x1  }
0x2c9: {  	v4 =	vsub.f32 $1.500000000e+00, v4;
	_ =	sdelay $0x1  }
0x2ca: {  	v2 =	vmul.f32 v4, v2;
	_ =	sdelay $0x1  }
0x2cb: {  	v3 =	vmul.f32 v2, v3;
	_ =	sdelay $0x1  }
0x2cc: {  	v3 =	vmul.f32 v3, v2;
	_ =	sdelay $0x1  }
0x2cd: {  	v3 =	vsub.f32 $1.500000000e+00, v3  }
.Ltmp2:
0x2ce: {  	(pc) =	sbr.rel @p1 .LBB2_6-.Ltmp2, $4  }
0x2cf: {  	v2 =	vmul.f32 v3, v2  }
0x2d0: {  	vm0 =	vgt.f32 v1, $0.0e+00  }
0x2d1: {  	v1 =	vnsel vm0, $0x0, v2  }
0x2d2: {  	[tilespmem:s1+$0x13C00] =	vst v1;
	s1 =	sshra.s32 s2, $0x2;
	s2 =	sadd.s32 $0x40, s2  }
0x2d3: {  	v1 =	vld [tilespmem:s1+$0x13C00];
	_ =	sdelay $0x4  }
0x2d4: {  	v2 =	vshrl.u32 v1, $0x1;
	v3 =	vmul.f32 $5.000000000e-01, v1  }
0x2d5: {  	v2 =	vsub.s32 $0x5F3759DF, v2  }
0x2d6: {  	v4 =	vmul.f32 v2, v3;
	_ =	sdelay $0x1  }
0x2d7: {  	v4 =	vmul.f32 v2, v4;
	_ =	sdelay $0x1  }
0x2d8: {  	v4 =	vsub.f32 $1.500000000e+00, v4;
	_ =	sdelay $0x1  }
0x2d9: {  	v2 =	vmul.f32 v2, v4;
	_ =	sdelay $0x1  }
0x2da: {  	v4 =	vmul.f32 v2, v3;
	_ =	sdelay $0x1  }
0x2db: {  	v4 =	vmul.f32 v4, v2;
	_ =	sdelay $0x1  }
0x2dc: {  	v4 =	vsub.f32 $1.500000000e+00, v4;
	_ =	sdelay $0x1  }
0x2dd: {  	v2 =	vmul.f32 v4, v2;
	_ =	sdelay $0x1  }
0x2de: {  	v4 =	vmul.f32 v2, v3;
	_ =	sdelay $0x1  }
0x2df: {  	v4 =	vmul.f32 v4, v2;
	_ =	sdelay $0x1  }
0x2e0: {  	v4 =	vsub.f32 $1.500000000e+00, v4;
	_ =	sdelay $0x1  }
0x2e1: {  	v2 =	vmul.f32 v4, v2;
	_ =	sdelay $0x1  }
0x2e2: {  	v3 =	vmul.f32 v2, v3;
	_ =	sdelay $0x1  }
0x2e3: {  	v3 =	vmul.f32 v3, v2;
	_ =	sdelay $0x1  }
0x2e4: {  	v3 =	vsub.f32 $1.500000000e+00, v3;
	_ =	sdelay $0x1  }
0x2e5: {  	v2 =	vmul.f32 v3, v2  }
0x2e6: {  	vm0 =	vgt.f32 v1, $0.0e+00  }
0x2e7: {  	v1 =	vnsel vm0, $0x0, v2  }
0x2e8: {  	s24 =	sld [smem:$0x7EA];
	[tilespmem:s1+$0x13C00] =	vst v1  }
.LBB2_8:
0x2e9: {  	s2 =	sld [smem:$0x7FB]  }
0x2ea: {  	s1 =	smul.u32 $0x7D0, s6;
	_ =	sdelay $0x1  }
0x2eb: {  	s11 =	sadd.s32 s2, s1  }
0x2ec: {  	s4 =	sshrl.u32 s11, $0x3  }
0x2ed: {  	s2 =	sadd.s32 s24, s4  }
0x2ee: {  	[tilespmem:s19], [sflag:$0x9] =	stream.linear.gather [hbm4b:s2+s5], $0x7D0, $0x38;
	[tilespmem:$0x1FF18] =	vst v63  }
0x2ef: {  	_ =	swait.ge [sflag:s28], $0x7D0  }
0x2f0: {  	[sflag:s28] =	ssyncset.done $0x0  }
0x2f1: {  	s12 =	sadd.s32 s21, s4;
	s19 =	simm.s32 $0x16B80;
	[sflag:s28] =	ssyncadd.s32 $0xFFFFF830  }
0x2f2: {  	[tilespmem:s19], [sflag:$0x9] =	stream.linear.gather [hbm4b:s12+s5], $0x7D0, $0x38;
	[tilespmem:$0x1FF18] =	vst v63  }
0x2f3: {  	_ =	swait.ge [sflag:s28], $0x7D0  }
0x2f4: {  	[sflag:s28] =	ssyncset.done $0x0  }
0x2f5: {  	s20 =	sadd.s32 s23, s4;
	[sflag:s28] =	ssyncadd.s32 $0xFFFFF830  }
0x2f6: {  	[tilespmem:s18], [sflag:$0x9] =	stream.linear.gather [hbm4b:s20+s5], $0x7D0, $0x38;
	[tilespmem:$0x1FF18] =	vst v63  }
0x2f7: {  	_ =	swait.ge [sflag:s28], $0x7D0  }
0x2f8: {  	[sflag:s28] =	ssyncset.done $0x0  }
0x2f9: {  	s1 =	simm.s32 $0x163A0;
	[sflag:s28] =	ssyncadd.s32 $0xFFFFF830  }
0x2fa: {  	v8 =	vld [tilespmem:s1+$0x20]  }
0x2fb: {  	s2 =	simm.s32 $0x16BA0;
	v1 =	vld [tilespmem:s1+$0xFFFFFFF0]  }
0x2fc: {  	v9 =	vld [tilespmem:s2+$0x20]  }
0x2fd: {  	v2 =	vld [tilespmem:s1+$0x0]  }
0x2fe: {  	v10 =	vld [tilespmem:s1+$0x10]  }
0x2ff: {  	v3 =	vld [tilespmem:s1+$0xFFFFFFE0]  }
0x300: {  	v4 =	vld [tilespmem:s2+$0xFFFFFFE0]  }
0x301: {  	s12 =	simm.s32 $0x173A0;
	v11 =	vld [tilespmem:s2+$0xFFFFFFF0]  }
0x302: {  	v7 =	vld [tilespmem:s12+$0x20]  }
0x303: {  	v13 =	vld [tilespmem:s2+$0x0]  }
0x304: {  	v14 =	vld [tilespmem:s2+$0x10]  }
0x305: {  	v18 =	vld [tilespmem:s12+$0xFFFFFFE0]  }
0x306: {  	v19 =	vld [tilespmem:s12+$0xFFFFFFF0]  }
0x307: {  	v22 =	vld [tilespmem:s12+$0x0]  }
0x308: {  	v6 =	vld.idx.msk [tilespmem:v8+s10+$0x0], $0xffff  }
0x309: {  	v12 =	vld.idx.msk [tilespmem:v9+s10+$0x0], $0xffff  }
0x30a: {  	v15 =	vld.idx.msk [tilespmem:v3+s10+$0x0], $0xffff  }
0x30b: {  	v16 =	vld.idx.msk [tilespmem:v1+s10+$0x0], $0xffff  }
0x30c: {  	v17 =	vld.idx.msk [tilespmem:v2+s10+$0x0], $0xffff  }
0x30d: {  	v20 =	vshll.u32 v4, $0x10;
	v5 =	vld.idx.msk [tilespmem:v10+s10+$0x0], $0xffff;
	v7 =	vmul.f32 v6, v7  }
0x30e: {  	v21 =	vshll.u32 v11, $0x10;
	v62 =	vshll.u32 v13, $0x10;
	v63 =	vshll.u32 v14, $0x10;
	v6 =	vld [tilespmem:s12+$0x10]  }
0x30f: {  	v3 =	vor.u32 v3, v20;
	v1 =	vor.u32 v1, v21;
	v12 =	vmul.f32 v12, v7;
	v7 =	vld.idx.msk [tilespmem:v4+s10+$0x0], $0xffff  }
0x310: {  	v4 =	vor.u32 v2, v62;
	v2 =	vor.u32 v10, v63;
	v10 =	vshll.u32 v9, $0x10;
	v9 =	vld.idx.msk [tilespmem:v11+s10+$0x0], $0xffff  }
0x311: {  	v11 =	vmul.f32 v17, v22;
	v10 =	vor.u32 v8, v10;
	v8 =	vld.idx.msk [tilespmem:v13+s10+$0x0], $0xffff;
	[tilespmem:s12+$0x20] =	vst v12  }
0x312: {  	s19 =	simm.s32 $0x0;
	s20 =	simm.s32 $0x163F0;
	s18 =	simm.s32 $0x173A0;
	v13 =	vmul.f32 v16, v19;
	v12 =	vmul.f32 v15, v18;
	[tilespmem:s1+$0x20] =	vst v10;
	v10 =	vld.idx.msk [tilespmem:v14+s10+$0x0], $0xffff  }
.LBB2_9:
0x313: {  	v14 =	vld [tilespmem:s20+$0x20];
	v5 =	vmul.f32 v5, v6  }
0x314: {  	s19 =	sadd.s32 $0x5, s19;
	s2 =	sadd.s32 $0x50, s2;
	v6 =	vld [tilespmem:s20+$0xFFFFFFF0]  }
0x315: {  	p1 =	slt.u32 s19, $0x78;
	v7 =	vmul.f32 v7, v12;
	v15 =	vld [tilespmem:s2+$0x20]  }
0x316: {  	v9 =	vmul.f32 v9, v13;
	v12 =	vld [tilespmem:s20+$0x0]  }
0x317: {  	v13 =	vld [tilespmem:s20+$0x10];
	[tilespmem:s12+$0xFFFFFFE0] =	vst v7;
	v7 =	vmul.f32 v8, v11  }
0x318: {  	v8 =	vld [tilespmem:s20+$0xFFFFFFE0];
	[tilespmem:s1+$0xFFFFFFE0] =	vst v3;
	v3 =	vmul.f32 v10, v5  }
0x319: {  	v10 =	vld [tilespmem:s2+$0xFFFFFFE0];
	[tilespmem:s12+$0xFFFFFFF0] =	vst v9  }
0x31a: {  	v9 =	vld [tilespmem:s2+$0xFFFFFFF0];
	[tilespmem:s1+$0xFFFFFFF0] =	vst v1  }
0x31b: {  	s12 =	sadd.s32 $0x50, s12;
	v5 =	vld.idx.msk [tilespmem:v14+s10+$0x0], $0xffff;
	[tilespmem:s18+$0x0] =	vst v7  }
0x31c: {  	v7 =	vld [tilespmem:s12+$0x20];
	[tilespmem:s1+$0x0] =	vst v4  }
0x31d: {  	v4 =	vld.idx.msk [tilespmem:v15+s10+$0x0], $0xffff;
	[tilespmem:s18+$0x10] =	vst v3;
	s18 =	smov.u32 s12  }
0x31e: {  	v1 =	vshll.u32 v10, $0x10;
	v11 =	vld [tilespmem:s2+$0x0];
	[tilespmem:s1+$0x10] =	vst v2;
	s1 =	smov.u32 s20  }
0x31f: {  	v3 =	vor.u32 v8, v1;
	v1 =	vshll.u32 v9, $0x10;
	v16 =	vld [tilespmem:s2+$0x10]  }
0x320: {  	v8 =	vld.idx.msk [tilespmem:v8+s10+$0x0], $0xffff;
	v1 =	vor.u32 v6, v1  }
0x321: {  	v17 =	vld.idx.msk [tilespmem:v6+s10+$0x0], $0xffff;
	v2 =	vmul.f32 v5, v7  }
0x322: {  	v18 =	vld.idx.msk [tilespmem:v12+s10+$0x0], $0xffff  }
0x323: {  	v6 =	vshll.u32 v11, $0x10;
	v5 =	vld.idx.msk [tilespmem:v13+s10+$0x0], $0xffff;
	v7 =	vmul.f32 v4, v2  }
0x324: {  	v19 =	vld [tilespmem:s12+$0xFFFFFFE0];
	v4 =	vor.u32 v12, v6;
	v2 =	vshll.u32 v16, $0x10;
	v6 =	vshll.u32 v15, $0x10  }
0x325: {  	v15 =	vld [tilespmem:s12+$0xFFFFFFF0];
	v2 =	vor.u32 v13, v2;
	[tilespmem:s12+$0x20] =	vst v7;
	v6 =	vor.u32 v14, v6  }
0x326: {  	v14 =	vld [tilespmem:s12+$0x0];
	[tilespmem:s20+$0x20] =	vst v6  }
.Ltmp3:
0x327: {  	v6 =	vld [tilespmem:s12+$0x10];
	(pc) =	sbr.rel @p1 .LBB2_9-.Ltmp3, $4  }
0x328: {  	v7 =	vld.idx.msk [tilespmem:v10+s10+$0x0], $0xffff  }
0x329: {  	v12 =	vmul.f32 v8, v19;
	v9 =	vld.idx.msk [tilespmem:v9+s10+$0x0], $0xffff  }
0x32a: {  	v13 =	vmul.f32 v17, v15;
	v8 =	vld.idx.msk [tilespmem:v11+s10+$0x0], $0xffff  }
0x32b: {  	s20 =	sadd.s32 $0x50, s20;
	v11 =	vmul.f32 v18, v14;
	v10 =	vld.idx.msk [tilespmem:v16+s10+$0x0], $0xffff  }
0x32c: {  	_ = 	snop  }
0x32d: {  	v7 =	vmul.f32 v7, v12;
	_ =	sdelay $0x1  }
0x32e: {  	v9 =	vmul.f32 v9, v13;
	[tilespmem:s12+$0xFFFFFFE0] =	vst v7  }
0x32f: {  	[tilespmem:s1+$0xFFFFFFE0] =	vst v3  }
0x330: {  	v63 =	vmul.f32 v8, v11;
	v3 =	vmul.f32 v5, v6;
	[tilespmem:s12+$0xFFFFFFF0] =	vst v9  }
0x331: {  	[tilespmem:s1+$0xFFFFFFF0] =	vst v1  }
0x332: {  	[tilespmem:s18+$0x0] =	vst v63;
	v1 =	vmul.f32 v10, v3  }
0x333: {  	[tilespmem:s1+$0x0] =	vst v4  }
0x334: {  	[tilespmem:s18+$0x10] =	vst v1  }
0x335: {  	s19 =	sadd.s32 s11, s26;
	s18 =	simm.s32 $0x17380;
	[tilespmem:s1+$0x10] =	vst v2  }
0x336: {  	[spmem:s19] =	stream.linear.scatter [tilespmem:s18], [sflag:$0x9], $0x7D0, $0x38;
	[tilespmem:$0x1FF18] =	vst v63  }
0x337: {  	_ =	swait.ge [sflag:s28], $0x7D0  }
0x338: {  	s20 =	sld [smem:$0x7FD]  }
0x339: {  	s6 =	sadd.s32 $0x1, s6  }
0x33a: {  	p1 =	sne.s32 s6, $0xA;
	s19 =	simm.s32 $0x16380;
	[sflag:s28] =	ssyncset.done $0x0  }
.Ltmp4:
0x33b: {  	[sflag:s28] =	ssyncadd.s32 $0xFFFFF830;
	s1 =	sadd.s32 s20, s4;
	(pc) =	sbr.rel @p1 .LBB2_8-.Ltmp4, $4  }
0x33c: {  	[hbm4b:s1+s5] =	stream.linear.scatter [tilespmem:s19], [sflag:$0x9], $0x7D0, $0x38;
	[tilespmem:$0x1FF18] =	vst v63  }
0x33d: {  	_ =	swait.ge [sflag:s28], $0x7D0  }
0x33e: {  	[sflag:s28] =	ssyncset.done $0x0  }
0x33f: {  	[sflag:s28] =	ssyncadd.s32 $0xFFFFF830  }
0x340: {  	[bflag:$0x0] =	sbarrier.arrive $0xFFFF  }
0x341: {  	s2 =	sld [smem:$0x7EB];
	_ =	sdelay $0x1  }
0x342: {  	s1 =	simm.s32 $0x0  }
0x343: {  	[tilespmem:s1], [sflag:$0x9] =	stream.linear.gather [hbm4b:s2+s1], $0x2780, $0x38;
	[tilespmem:$0x1FF18] =	vst v63  }
0x344: {  	_ =	swait.ge [sflag:s28], $0x2780  }
0x345: {  	s23 =	sld [smem:$0x7EC]  }
0x346: {  	[sflag:s28] =	ssyncset.done $0x0  }
0x347: {  	[sflag:s28] =	ssyncadd.s32 $0xFFFFD880  }
0x348: {  	[tilespmem:s13], [sflag:$0x9] =	stream.linear.gather [hbm4b:s23+s1], $0x2780, $0x38;
	[tilespmem:$0x1FF18] =	vst v63  }
0x349: {  	_ =	swait.ge [sflag:s28], $0x2780  }
0x34a: {  	s24 =	sld [smem:$0x7ED]  }
0x34b: {  	[sflag:s28] =	ssyncset.done $0x0  }
0x34c: {  	[sflag:s28] =	ssyncadd.s32 $0xFFFFD880  }
0x34d: {  	[tilespmem:s14], [sflag:$0x9] =	stream.linear.gather [hbm4b:s24+s1], $0x2780, $0x38;
	[tilespmem:$0x1FF18] =	vst v63  }
0x34e: {  	_ =	swait.ge [sflag:s28], $0x2780  }
0x34f: {  	s26 =	sld [smem:$0x7EE]  }
0x350: {  	[sflag:s28] =	ssyncset.done $0x0  }
0x351: {  	[sflag:s28] =	ssyncadd.s32 $0xFFFFD880  }
0x352: {  	[tilespmem:s15], [sflag:$0x9] =	stream.linear.gather [hbm4b:s26+s1], $0x2780, $0x38;
	[tilespmem:$0x1FF18] =	vst v63  }
0x353: {  	_ =	swait.ge [sflag:s28], $0x2780  }
0x354: {  	[sflag:s28] =	ssyncset.done $0x0  }
0x355: {  	s4 =	sand.u32 $0x3FE0, s1;
	[sflag:s28] =	ssyncadd.s32 $0xFFFFD880  }
0x356: {  	s6 =	simm.s32 $0x50;
	v1 =	vld [tilespmem:s4+$0x7700]  }
0x357: {  	v2 =	vld [tilespmem:s6+$0x40]  }
0x358: {  	v3 =	vld [tilespmem:s6+$0xFFFFFFC0]  }
0x359: {  	v4 =	vld [tilespmem:s6+$0xFFFFFFD0]  }
0x35a: {  	v5 =	vld [tilespmem:s6+$0xFFFFFFE0]  }
0x35b: {  	s11 =	simm.s32 $0x9E50;
	v6 =	vld [tilespmem:s6+$0xFFFFFFF0];
	[tilespmem:s4+$0x11500] =	vst v1  }
0x35c: {  	v1 =	vld [tilespmem:s6+$0x0];
	[tilespmem:s11+$0x40] =	vst v2  }
0x35d: {  	[tilespmem:s11+$0xFFFFFFC0] =	vst v3;
	v3 =	vld [tilespmem:s6+$0x10]  }
0x35e: {  	s12 =	simm.s32 $0x27D0;
	[tilespmem:s11+$0xFFFFFFD0] =	vst v4;
	v4 =	vld [tilespmem:s6+$0x20]  }
0x35f: {  	[tilespmem:s11+$0xFFFFFFE0] =	vst v5;
	v2 =	vld [tilespmem:s12+$0x40]  }
0x360: {  	[tilespmem:s11+$0xFFFFFFF0] =	vst v6;
	v6 =	vld [tilespmem:s12+$0xFFFFFFC0]  }
0x361: {  	v5 =	vld [tilespmem:s6+$0xFFFFFFB0];
	[tilespmem:s11+$0x0] =	vst v1  }
0x362: {  	v1 =	vld [tilespmem:s12+$0xFFFFFFD0];
	[tilespmem:s11+$0x10] =	vst v3  }
0x363: {  	s18 =	simm.s32 $0xC5D0;
	v3 =	vld [tilespmem:s12+$0xFFFFFFE0];
	[tilespmem:s11+$0x20] =	vst v4  }
0x364: {  	v4 =	vld [tilespmem:s12+$0xFFFFFFF0];
	[tilespmem:s18+$0x40] =	vst v2  }
0x365: {  	s19 =	simm.s32 $0x4F50;
	[tilespmem:s18+$0xFFFFFFC0] =	vst v6;
	v6 =	vld [tilespmem:s12+$0x10]  }
0x366: {  	[tilespmem:s11+$0xFFFFFFB0] =	vst v5;
	v2 =	vld [tilespmem:s19+$0x40]  }
0x367: {  	v5 =	vld [tilespmem:s12+$0xFFFFFFB0];
	[tilespmem:s18+$0xFFFFFFD0] =	vst v1  }
0x368: {  	v1 =	vld [tilespmem:s12+$0x0];
	[tilespmem:s18+$0xFFFFFFE0] =	vst v3  }
0x369: {  	[tilespmem:s18+$0xFFFFFFF0] =	vst v4;
	v3 =	vld [tilespmem:s12+$0x20]  }
0x36a: {  	s24 =	simm.s32 $0xED50;
	v4 =	vld [tilespmem:s19+$0xFFFFFFC0];
	[tilespmem:s18+$0x10] =	vst v6  }
0x36b: {  	s20 =	simm.s32 $0x76D0;
	v6 =	vld [tilespmem:s19+$0xFFFFFFE0];
	[tilespmem:s24+$0x40] =	vst v2  }
0x36c: {  	[tilespmem:s18+$0xFFFFFFB0] =	vst v5;
	v2 =	vld [tilespmem:s20+$0x40]  }
0x36d: {  	v5 =	vld [tilespmem:s19+$0xFFFFFFB0];
	[tilespmem:s18+$0x0] =	vst v1  }
0x36e: {  	v1 =	vld [tilespmem:s19+$0xFFFFFFD0];
	[tilespmem:s18+$0x20] =	vst v3  }
0x36f: {  	[tilespmem:s24+$0xFFFFFFC0] =	vst v4;
	v4 =	vld [tilespmem:s19+$0x10]  }
0x370: {  	s21 =	simm.s32 $0x114D0;
	v3 =	vld [tilespmem:s19+$0x0];
	[tilespmem:s24+$0xFFFFFFE0] =	vst v6  }
0x371: {  	[tilespmem:s21+$0x40] =	vst v2;
	v2 =	vld [tilespmem:s19+$0xFFFFFFF0]  }
0x372: {  	v6 =	vld [tilespmem:s20+$0xFFFFFFC0];
	[tilespmem:s24+$0xFFFFFFB0] =	vst v5  }
0x373: {  	v7 =	vld [tilespmem:s20+$0xFFFFFFE0];
	[tilespmem:s24+$0xFFFFFFD0] =	vst v1  }
0x374: {  	v1 =	vld [tilespmem:s19+$0x20];
	[tilespmem:s24+$0x10] =	vst v4  }
0x375: {  	v5 =	vld [tilespmem:s20+$0xFFFFFFB0];
	[tilespmem:s24+$0x0] =	vst v3  }
0x376: {  	[tilespmem:s24+$0xFFFFFFF0] =	vst v2;
	v2 =	vld [tilespmem:s20+$0xFFFFFFD0]  }
0x377: {  	[tilespmem:s21+$0xFFFFFFC0] =	vst v6;
	v8 =	vld [tilespmem:s20+$0xFFFFFFF0]  }
0x378: {  	v4 =	vld [tilespmem:s20+$0x0];
	[tilespmem:s21+$0xFFFFFFE0] =	vst v7  }
0x379: {  	v3 =	vld [tilespmem:s20+$0x10];
	[tilespmem:s24+$0x20] =	vst v1  }
0x37a: {  	[tilespmem:s21+$0xFFFFFFB0] =	vst v5;
	v1 =	vld [tilespmem:s20+$0x20]  }
0x37b: {  	[tilespmem:s21+$0xFFFFFFD0] =	vst v2;
	v2 =	vld [tilespmem:s4+$0x80]  }
0x37c: {  	s2 =	simm.s32 $0x0;
	s23 =	simm.s32 $0xA0;
	s1 =	simm.s32 $0x9B00;
	v5 =	vld [tilespmem:s4+$0x2800];
	[tilespmem:s21+$0xFFFFFFF0] =	vst v8  }
.LBB2_12:
0x37d: {  	s26 =	sand.u32 $0x3FE0, s23;
	[tilespmem:s21+$0x0] =	vst v4;
	v4 =	vld [tilespmem:s4+$0x4F80]  }
0x37e: {  	s6 =	sadd.s32 $0xA0, s6;
	v6 =	vld [tilespmem:s26+$0x7700];
	[tilespmem:s21+$0x10] =	vst v3  }
0x37f: {  	s2 =	sadd.s32 $0xA, s2;
	v3 =	vld [tilespmem:s6+$0x40];
	[tilespmem:s21+$0x20] =	vst v1  }
0x380: {  	p1 =	slt.u32 s2, $0x262;
	v1 =	vld [tilespmem:s6+$0xFFFFFFC0];
	[tilespmem:s4+$0x9E80] =	vst v2  }
0x381: {  	v2 =	vld [tilespmem:s6+$0xFFFFFFD0];
	[tilespmem:s4+$0xC600] =	vst v5  }
0x382: {  	v5 =	vld [tilespmem:s6+$0xFFFFFFE0];
	[tilespmem:s4+$0xED80] =	vst v4;
	s4 =	smov.u32 s26  }
0x383: {  	s11 =	sadd.s32 $0xA0, s11;
	v4 =	vld [tilespmem:s6+$0xFFFFFFF0];
	[tilespmem:s4+$0x11500] =	vst v6  }
0x384: {  	s12 =	sadd.s32 $0xA0, s12;
	v6 =	vld [tilespmem:s6+$0x0];
	[tilespmem:s11+$0x40] =	vst v3  }
0x385: {  	[tilespmem:s11+$0xFFFFFFC0] =	vst v1;
	v1 =	vld [tilespmem:s12+$0x40]  }
0x386: {  	[tilespmem:s11+$0xFFFFFFD0] =	vst v2;
	v2 =	vld [tilespmem:s6+$0x10]  }
0x387: {  	[tilespmem:s11+$0xFFFFFFE0] =	vst v5;
	v3 =	vld [tilespmem:s6+$0x20]  }
0x388: {  	v5 =	vld [tilespmem:s6+$0xFFFFFFB0];
	[tilespmem:s11+$0xFFFFFFF0] =	vst v4  }
0x389: {  	s18 =	sadd.s32 $0xA0, s18;
	v4 =	vld [tilespmem:s12+$0xFFFFFFC0];
	[tilespmem:s11+$0x0] =	vst v6  }
0x38a: {  	s19 =	sadd.s32 $0xA0, s19;
	v6 =	vld [tilespmem:s12+$0xFFFFFFD0];
	[tilespmem:s18+$0x40] =	vst v1  }
0x38b: {  	[tilespmem:s11+$0x10] =	vst v2;
	v1 =	vld [tilespmem:s19+$0x40]  }
0x38c: {  	v2 =	vld [tilespmem:s12+$0xFFFFFFE0];
	[tilespmem:s11+$0x20] =	vst v3  }
0x38d: {  	[tilespmem:s11+$0xFFFFFFB0] =	vst v5;
	v3 =	vld [tilespmem:s12+$0xFFFFFFF0]  }
0x38e: {  	v5 =	vld [tilespmem:s12+$0xFFFFFFB0];
	[tilespmem:s18+$0xFFFFFFC0] =	vst v4  }
0x38f: {  	s24 =	sadd.s32 $0xA0, s24;
	[tilespmem:s18+$0xFFFFFFD0] =	vst v6;
	v4 =	vld [tilespmem:s12+$0x0]  }
0x390: {  	s20 =	sadd.s32 $0xA0, s20;
	v6 =	vld [tilespmem:s12+$0x10];
	[tilespmem:s24+$0x40] =	vst v1  }
0x391: {  	[tilespmem:s18+$0xFFFFFFE0] =	vst v2;
	v1 =	vld [tilespmem:s20+$0x40]  }
0x392: {  	[tilespmem:s18+$0xFFFFFFF0] =	vst v3;
	v2 =	vld [tilespmem:s12+$0x20]  }
0x393: {  	[tilespmem:s18+$0xFFFFFFB0] =	vst v5;
	v3 =	vld [tilespmem:s19+$0xFFFFFFC0]  }
0x394: {  	v5 =	vld [tilespmem:s19+$0xFFFFFFB0];
	[tilespmem:s18+$0x0] =	vst v4  }
0x395: {  	s21 =	sadd.s32 $0xA0, s21;
	v4 =	vld [tilespmem:s19+$0xFFFFFFD0];
	[tilespmem:s18+$0x10] =	vst v6  }
0x396: {  	v6 =	vld [tilespmem:s19+$0xFFFFFFE0];
	[tilespmem:s21+$0x40] =	vst v1  }
0x397: {  	v1 =	vld [tilespmem:s19+$0xFFFFFFF0];
	[tilespmem:s18+$0x20] =	vst v2  }
0x398: {  	[tilespmem:s24+$0xFFFFFFC0] =	vst v3;
	v2 =	vld [tilespmem:s19+$0x0]  }
0x399: {  	[tilespmem:s24+$0xFFFFFFB0] =	vst v5;
	v3 =	vld [tilespmem:s19+$0x10]  }
0x39a: {  	[tilespmem:s24+$0xFFFFFFD0] =	vst v4;
	v4 =	vld [tilespmem:s19+$0x20]  }
0x39b: {  	v5 =	vld [tilespmem:s20+$0xFFFFFFB0];
	[tilespmem:s24+$0xFFFFFFE0] =	vst v6  }
0x39c: {  	v6 =	vld [tilespmem:s20+$0xFFFFFFC0];
	[tilespmem:s24+$0xFFFFFFF0] =	vst v1  }
0x39d: {  	v1 =	vld [tilespmem:s20+$0xFFFFFFD0];
	[tilespmem:s24+$0x0] =	vst v2  }
0x39e: {  	v2 =	vld [tilespmem:s20+$0xFFFFFFE0];
	[tilespmem:s24+$0x10] =	vst v3  }
0x39f: {  	v7 =	vld [tilespmem:s20+$0xFFFFFFF0];
	[tilespmem:s24+$0x20] =	vst v4  }
.Ltmp5:
0x3a0: {  	[tilespmem:s21+$0xFFFFFFB0] =	vst v5;
	v4 =	vld [tilespmem:s20+$0x0];
	(pc) =	sbr.rel @p1 .LBB2_12-.Ltmp5, $4  }
0x3a1: {  	[tilespmem:s21+$0xFFFFFFC0] =	vst v6;
	v3 =	vld [tilespmem:s20+$0x10]  }
0x3a2: {  	[tilespmem:s21+$0xFFFFFFD0] =	vst v1;
	v1 =	vld [tilespmem:s20+$0x20]  }
0x3a3: {  	[tilespmem:s21+$0xFFFFFFE0] =	vst v2;
	v2 =	vld [tilespmem:s4+$0x80]  }
0x3a4: {  	s23 =	sadd.s32 $0xA0, s23;
	[tilespmem:s21+$0xFFFFFFF0] =	vst v7;
	v5 =	vld [tilespmem:s4+$0x2800]  }
0x3a5: {  	[tilespmem:s21+$0x0] =	vst v4;
	v63 =	vld [tilespmem:s4+$0x4F80]  }
0x3a6: {  	[tilespmem:s21+$0x10] =	vst v3  }
0x3a7: {  	[tilespmem:s21+$0x20] =	vst v1  }
0x3a8: {  	[tilespmem:s4+$0x9E80] =	vst v2  }
0x3a9: {  	[tilespmem:s4+$0xC600] =	vst v5  }
0x3aa: {  	[tilespmem:s4+$0xED80] =	vst v63  }
.LBB2_14:
0x3ab: {  	s2 =	sshra.s32 s1, $0x2  }
0x3ac: {  	v1 =	vld [tilespmem:s2+$0x0]  }
0x3ad: {  	v2 =	vld [tilespmem:s2+$0x2780]  }
0x3ae: {  	v3 =	vld [tilespmem:s2+$0x4F00]  }
0x3af: {  	p1 =	sne.s32 s1, $0x9C00;
	v4 =	vld [tilespmem:s2+$0x7680]  }
.Ltmp6:
0x3b0: {  	_ = 	snop;
	(pc) =	sbr.rel @p1 .LBB2_14-.Ltmp6, $4  }
0x3b1: {  	[tilespmem:s2+$0x9E00] =	vst v1  }
0x3b2: {  	[tilespmem:s2+$0xC580] =	vst v2  }
0x3b3: {  	[tilespmem:s2+$0xED00] =	vst v3  }
0x3b4: {  	s1 =	sadd.s32 $0x40, s1;
	[tilespmem:s2+$0x11480] =	vst v4  }
0x3b5: {  	s20 =	sld [smem:$0x7FD]  }
0x3b6: {  	s12 =	simm.s32 $0x0  }
0x3b7: {  	s1 =	simm.s32 $0x17B80;
	s26 =	rddreg [dreg:$0x4];
	s24 =	simm.s32 $0x19480  }
0x3b8: {  	[tilespmem:s1], [sflag:$0x1] =	stream.linear.gather [hbm4b:s20+s12], $0xC80, $0x38;
	[tilespmem:$0x1FF18] =	vst v63  }
0x3b9: {  	s6 =	simm.s32 $0x0;
	s21 =	simm.s32 $0x18800;
	s23 =	simm.s32 $0x1A100  }
0x3ba: {  	[tilespmem:s24], [sflag:$0x3] =	stream.linear.gather [spmem:s26], $0xC80, $0x38;
	[tilespmem:$0x1FF18] =	vst v63  }
.LBB2_16:
0x3bb: {  	s24 =	smul.u32 $0x1900, s6;
	_ =	sdelay $0x1  }
0x3bc: {  	s1 =	sadd.s32 $0xC80, s24  }
0x3bd: {  	s2 =	sshrl.u32 s1, $0x3  }
0x3be: {  	s2 =	sadd.s32 s20, s2  }
0x3bf: {  	[tilespmem:s21], [sflag:$0x2] =	stream.linear.gather [hbm4b:s2+s12], $0xC80, $0x38;
	[tilespmem:$0x1FF18] =	vst v63  }
0x3c0: {  	s4 =	simm.s32 $0x1;
	s1 =	sadd.s32 s1, s26  }
0x3c1: {  	[tilespmem:s23], [sflag:$0x4] =	stream.linear.gather [spmem:s1], $0xC80, $0x38;
	[tilespmem:$0x1FF18] =	vst v63  }
0x3c2: {  	_ =	swait.ge [sflag:s4], $0xC80  }
0x3c3: {  	[sflag:s4] =	ssyncset.done $0x0  }
0x3c4: {  	s11 =	simm.s32 $0x3;
	[sflag:s4] =	ssyncadd.s32 $0xFFFFF380  }
0x3c5: {  	_ =	swait.ge [sflag:s11], $0xC80  }
0x3c6: {  	[sflag:s11] =	ssyncset.done $0x0  }
0x3c7: {  	s18 =	simm.s32 $0x17BD0;
	[sflag:s11] =	ssyncadd.s32 $0xFFFFF380  }
0x3c8: {  	v1 =	vld [tilespmem:s18+$0x40]  }
0x3c9: {  	s19 =	sand.u32 $0xFE0, s12;
	v2 =	vld [tilespmem:s18+$0xFFFFFFC0]  }
0x3ca: {  	v3 =	vld [tilespmem:s19+$0x17C00]  }
0x3cb: {  	v4 =	vld [tilespmem:s18+$0xFFFFFFD0]  }
0x3cc: {  	v5 =	vld [tilespmem:s18+$0xFFFFFFE0]  }
0x3cd: {  	v6 =	vld [tilespmem:s18+$0xFFFFFFF0]  }
0x3ce: {  	v8 =	vld [tilespmem:s18+$0x0]  }
0x3cf: {  	v9 =	vld [tilespmem:s18+$0x10]  }
0x3d0: {  	v11 =	vld [tilespmem:s18+$0x20]  }
0x3d1: {  	s11 =	simm.s32 $0x194D0;
	v13 =	vld [tilespmem:s18+$0xFFFFFFB0]  }
0x3d2: {  	v17 =	vld [tilespmem:s11+$0x40];
	v7 =	vand.u32 $0xFFFF, v1  }
0x3d3: {  	v20 =	vld [tilespmem:s19+$0x19500];
	v10 =	vand.u32 $0xFFFF, v3  }
0x3d4: {  	v33 =	vld [tilespmem:s11+$0xFFFFFFB0]  }
0x3d5: {  	v34 =	vld [tilespmem:s11+$0xFFFFFFC0]  }
0x3d6: {  	v35 =	vld [tilespmem:s11+$0xFFFFFFD0]  }
0x3d7: {  	v15 =	vld.idx.msk [tilespmem:v7+s5+$0x0], $0xffff  }
0x3d8: {  	v19 =	vld.idx.msk [tilespmem:v10+s5+$0x0], $0xffff  }
0x3d9: {  	v36 =	vld [tilespmem:s11+$0xFFFFFFE0];
	v1 =	vshrl.u32 v1, $0x10  }
0x3da: {  	v37 =	vld [tilespmem:s11+$0xFFFFFFF0];
	v3 =	vshrl.u32 v3, $0x10  }
0x3db: {  	v38 =	vld [tilespmem:s11+$0x0]  }
0x3dc: {  	v43 =	vld [tilespmem:s11+$0x10];
	v15 =	vmul.f32 v15, v17  }
0x3dd: {  	v44 =	vld [tilespmem:s11+$0x20];
	v12 =	vand.u32 $0xFFFF, v2;
	v19 =	vmul.f32 v19, v20  }
0x3de: {  	v14 =	vand.u32 $0xFFFF, v4;
	[tilespmem:v1+s22+$0x0] =	vst.idx.add.f32.msk $0xffff, v15  }
0x3df: {  	v16 =	vand.u32 $0xFFFF, v5;
	[tilespmem:v3+s22+$0x0] =	vst.idx.add.f32.msk $0xffff, v19  }
0x3e0: {  	v18 =	vand.u32 $0xFFFF, v6;
	v27 =	vld.idx.msk [tilespmem:v7+s13+$0x0], $0xffff  }
0x3e1: {  	v24 =	vand.u32 $0xFFFF, v13;
	v19 =	vld.idx.msk [tilespmem:v10+s13+$0x0], $0xffff  }
0x3e2: {  	v21 =	vld.idx.msk [tilespmem:v12+s5+$0x0], $0xffff  }
0x3e3: {  	v22 =	vld.idx.msk [tilespmem:v14+s5+$0x0], $0xffff  }
0x3e4: {  	v23 =	vld.idx.msk [tilespmem:v16+s5+$0x0], $0xffff  }
0x3e5: {  	v25 =	vld.idx.msk [tilespmem:v18+s5+$0x0], $0xffff;
	v27 =	vmul.f32 v27, v17  }
0x3e6: {  	v26 =	vand.u32 $0xFFFF, v8;
	v29 =	vld.idx.msk [tilespmem:v24+s5+$0x0], $0xffff;
	v19 =	vmul.f32 v19, v20  }
0x3e7: {  	v41 =	vand.u32 $0xFFFF, v9;
	[tilespmem:v1+s25+$0x0] =	vst.idx.add.f32.msk $0xffff, v27  }
0x3e8: {  	v28 =	vand.u32 $0xFFFF, v11;
	[tilespmem:v3+s25+$0x0] =	vst.idx.add.f32.msk $0xffff, v19  }
0x3e9: {  	v13 =	vshrl.u32 v13, $0x10;
	v27 =	vld.idx.msk [tilespmem:v7+s14+$0x0], $0xffff  }
0x3ea: {  	v2 =	vshrl.u32 v2, $0x10;
	v19 =	vld.idx.msk [tilespmem:v10+s14+$0x0], $0xffff  }
0x3eb: {  	v30 =	vld.idx.msk [tilespmem:v26+s5+$0x0], $0xffff  }
0x3ec: {  	v31 =	vld.idx.msk [tilespmem:v41+s5+$0x0], $0xffff;
	v42 =	vmul.f32 v29, v33  }
0x3ed: {  	v32 =	vld.idx.msk [tilespmem:v28+s5+$0x0], $0xffff;
	v21 =	vmul.f32 v21, v34  }
0x3ee: {  	[tilespmem:v13+s22+$0x0] =	vst.idx.add.f32.msk $0xffff, v42;
	v27 =	vmul.f32 v27, v17  }
0x3ef: {  	v4 =	vshrl.u32 v4, $0x10;
	[tilespmem:v2+s22+$0x0] =	vst.idx.add.f32.msk $0xffff, v21;
	v19 =	vmul.f32 v19, v20  }
0x3f0: {  	v5 =	vshrl.u32 v5, $0x10;
	[tilespmem:v1+s16+$0x0] =	vst.idx.add.f32.msk $0xffff, v27  }
0x3f1: {  	v6 =	vshrl.u32 v6, $0x10;
	[tilespmem:v3+s16+$0x0] =	vst.idx.add.f32.msk $0xffff, v19  }
0x3f2: {  	v11 =	vshrl.u32 v11, $0x10;
	v22 =	vmul.f32 v22, v35;
	v7 =	vld.idx.msk [tilespmem:v7+s15+$0x0], $0xffff  }
0x3f3: {  	v45 =	vmul.f32 v23, v36;
	v10 =	vld.idx.msk [tilespmem:v10+s15+$0x0], $0xffff  }
0x3f4: {  	v46 =	vmul.f32 v25, v37;
	[tilespmem:v4+s22+$0x0] =	vst.idx.add.f32.msk $0xffff, v22  }
0x3f5: {  	v47 =	vmul.f32 v32, v44;
	[tilespmem:v5+s22+$0x0] =	vst.idx.add.f32.msk $0xffff, v45  }
0x3f6: {  	v8 =	vshrl.u32 v8, $0x10;
	[tilespmem:v6+s22+$0x0] =	vst.idx.add.f32.msk $0xffff, v46  }
0x3f7: {  	v9 =	vshrl.u32 v9, $0x10;
	[tilespmem:v11+s22+$0x0] =	vst.idx.add.f32.msk $0xffff, v47;
	v7 =	vmul.f32 v7, v17  }
0x3f8: {  	v48 =	vld.idx.msk [tilespmem:v14+s13+$0x0], $0xffff;
	v10 =	vmul.f32 v10, v20  }
0x3f9: {  	[tilespmem:v1+s17+$0x0] =	vst.idx.add.f32.msk $0xffff, v7;
	v1 =	vmul.f32 v30, v38  }
0x3fa: {  	[tilespmem:v3+s17+$0x0] =	vst.idx.add.f32.msk $0xffff, v10;
	v3 =	vmul.f32 v31, v43  }
0x3fb: {  	[tilespmem:v8+s22+$0x0] =	vst.idx.add.f32.msk $0xffff, v1  }
0x3fc: {  	[tilespmem:v9+s22+$0x0] =	vst.idx.add.f32.msk $0xffff, v3  }
0x3fd: {  	v1 =	vld.idx.msk [tilespmem:v24+s13+$0x0], $0xffff  }
0x3fe: {  	v3 =	vld.idx.msk [tilespmem:v12+s13+$0x0], $0xffff  }
0x3ff: {  	v49 =	vld.idx.msk [tilespmem:v16+s13+$0x0], $0xffff  }
0x400: {  	v52 =	vld.idx.msk [tilespmem:v28+s13+$0x0], $0xffff  }
0x401: {  	v17 =	vld.idx.msk [tilespmem:v18+s13+$0x0], $0xffff  }
0x402: {  	v50 =	vld.idx.msk [tilespmem:v26+s13+$0x0], $0xffff;
	v1 =	vmul.f32 v1, v33  }
0x403: {  	v51 =	vld.idx.msk [tilespmem:v41+s13+$0x0], $0xffff;
	v3 =	vmul.f32 v3, v34  }
0x404: {  	[tilespmem:v13+s25+$0x0] =	vst.idx.add.f32.msk $0xffff, v1;
	v1 =	vmul.f32 v48, v35  }
0x405: {  	[tilespmem:v2+s25+$0x0] =	vst.idx.add.f32.msk $0xffff, v3;
	v3 =	vmul.f32 v49, v36  }
0x406: {  	[tilespmem:v4+s25+$0x0] =	vst.idx.add.f32.msk $0xffff, v1  }
0x407: {  	v1 =	vmul.f32 v17, v37;
	[tilespmem:v5+s25+$0x0] =	vst.idx.add.f32.msk $0xffff, v3  }
0x408: {  	v3 =	vmul.f32 v50, v38;
	v53 =	vld.idx.msk [tilespmem:v14+s14+$0x0], $0xffff  }
0x409: {  	[tilespmem:v6+s25+$0x0] =	vst.idx.add.f32.msk $0xffff, v1;
	v1 =	vmul.f32 v51, v43  }
0x40a: {  	[tilespmem:v8+s25+$0x0] =	vst.idx.add.f32.msk $0xffff, v3;
	v3 =	vmul.f32 v52, v44  }
0x40b: {  	[tilespmem:v9+s25+$0x0] =	vst.idx.add.f32.msk $0xffff, v1  }
0x40c: {  	[tilespmem:v11+s25+$0x0] =	vst.idx.add.f32.msk $0xffff, v3  }
0x40d: {  	v1 =	vld.idx.msk [tilespmem:v24+s14+$0x0], $0xffff  }
0x40e: {  	v3 =	vld.idx.msk [tilespmem:v12+s14+$0x0], $0xffff  }
0x40f: {  	v54 =	vld.idx.msk [tilespmem:v16+s14+$0x0], $0xffff  }
0x410: {  	v55 =	vld.idx.msk [tilespmem:v18+s14+$0x0], $0xffff  }
0x411: {  	v56 =	vld.idx.msk [tilespmem:v26+s14+$0x0], $0xffff  }
0x412: {  	v57 =	vld.idx.msk [tilespmem:v41+s14+$0x0], $0xffff;
	v1 =	vmul.f32 v1, v33  }
0x413: {  	v58 =	vld.idx.msk [tilespmem:v28+s14+$0x0], $0xffff;
	v3 =	vmul.f32 v3, v34  }
0x414: {  	[tilespmem:v13+s16+$0x0] =	vst.idx.add.f32.msk $0xffff, v1;
	v1 =	vmul.f32 v53, v35  }
0x415: {  	[tilespmem:v2+s16+$0x0] =	vst.idx.add.f32.msk $0xffff, v3;
	v3 =	vmul.f32 v54, v36  }
0x416: {  	[tilespmem:v4+s16+$0x0] =	vst.idx.add.f32.msk $0xffff, v1  }
0x417: {  	v1 =	vmul.f32 v55, v37;
	[tilespmem:v5+s16+$0x0] =	vst.idx.add.f32.msk $0xffff, v3  }
0x418: {  	v3 =	vmul.f32 v56, v38;
	v59 =	vld.idx.msk [tilespmem:v14+s15+$0x0], $0xffff  }
0x419: {  	[tilespmem:v6+s16+$0x0] =	vst.idx.add.f32.msk $0xffff, v1;
	v1 =	vmul.f32 v57, v43  }
0x41a: {  	[tilespmem:v8+s16+$0x0] =	vst.idx.add.f32.msk $0xffff, v3;
	v3 =	vmul.f32 v58, v44  }
0x41b: {  	[tilespmem:v9+s16+$0x0] =	vst.idx.add.f32.msk $0xffff, v1  }
0x41c: {  	[tilespmem:v11+s16+$0x0] =	vst.idx.add.f32.msk $0xffff, v3  }
0x41d: {  	v1 =	vld.idx.msk [tilespmem:v24+s15+$0x0], $0xffff  }
0x41e: {  	v3 =	vld.idx.msk [tilespmem:v12+s15+$0x0], $0xffff  }
0x41f: {  	v60 =	vld.idx.msk [tilespmem:v16+s15+$0x0], $0xffff  }
0x420: {  	v61 =	vld.idx.msk [tilespmem:v18+s15+$0x0], $0xffff  }
0x421: {  	v62 =	vld.idx.msk [tilespmem:v26+s15+$0x0], $0xffff  }
0x422: {  	v15 =	vld.idx.msk [tilespmem:v41+s15+$0x0], $0xffff;
	v1 =	vmul.f32 v1, v33  }
0x423: {  	v63 =	vld.idx.msk [tilespmem:v28+s15+$0x0], $0xffff;
	v3 =	vmul.f32 v3, v34  }
0x424: {  	[tilespmem:v13+s17+$0x0] =	vst.idx.add.f32.msk $0xffff, v1;
	v1 =	vmul.f32 v59, v35  }
0x425: {  	[tilespmem:v2+s17+$0x0] =	vst.idx.add.f32.msk $0xffff, v3;
	v2 =	vmul.f32 v60, v36  }
0x426: {  	[tilespmem:v4+s17+$0x0] =	vst.idx.add.f32.msk $0xffff, v1;
	v1 =	vmul.f32 v61, v37  }
0x427: {  	[tilespmem:v5+s17+$0x0] =	vst.idx.add.f32.msk $0xffff, v2;
	v2 =	vmul.f32 v62, v38  }
0x428: {  	[tilespmem:v6+s17+$0x0] =	vst.idx.add.f32.msk $0xffff, v1;
	v1 =	vmul.f32 v15, v43  }
0x429: {  	[tilespmem:v8+s17+$0x0] =	vst.idx.add.f32.msk $0xffff, v2;
	v2 =	vmul.f32 v63, v44  }
0x42a: {  	[tilespmem:v9+s17+$0x0] =	vst.idx.add.f32.msk $0xffff, v1  }
0x42b: {  	s4 =	simm.s32 $0x0;
	s18 =	simm.s32 $0x0;
	s19 =	simm.s32 $0x17C70;
	[tilespmem:v11+s17+$0x0] =	vst.idx.add.f32.msk $0xffff, v2  }
.LBB2_17:
0x42c: {  	v15 =	vld [tilespmem:s19+$0x40];
	s4 =	sadd.s32 $0xA0, s4  }
0x42d: {  	s18 =	sadd.s32 $0xA, s18;
	v2 =	vld [tilespmem:s19+$0xFFFFFFC0];
	s1 =	sand.u32 $0xFE0, s4  }
0x42e: {  	p1 =	slt.u32 s18, $0xBE;
	v17 =	vld [tilespmem:s1+$0x17C00]  }
0x42f: {  	v3 =	vld [tilespmem:s19+$0xFFFFFFD0]  }
0x430: {  	v4 =	vld [tilespmem:s19+$0xFFFFFFE0]  }
0x431: {  	v5 =	vld [tilespmem:s19+$0xFFFFFFF0];
	v23 =	vand.u32 $0xFFFF, v15  }
0x432: {  	v1 =	vshrl.u32 v2, $0x10;
	v8 =	vand.u32 $0xFFFF, v2;
	v6 =	vld [tilespmem:s19+$0x0]  }
0x433: {  	v7 =	vld [tilespmem:s19+$0x10];
	v24 =	vand.u32 $0xFFFF, v17  }
0x434: {  	v2 =	vshrl.u32 v3, $0x10;
	v9 =	vand.u32 $0xFFFF, v3;
	v14 =	vld [tilespmem:s19+$0x20]  }
0x435: {  	v16 =	vld [tilespmem:s19+$0xFFFFFFB0];
	v3 =	vshrl.u32 v4, $0x10;
	v10 =	vand.u32 $0xFFFF, v4  }
0x436: {  	s11 =	sadd.s32 $0xA0, s11;
	v4 =	vshrl.u32 v5, $0x10;
	v11 =	vand.u32 $0xFFFF, v5;
	v18 =	vld.idx.msk [tilespmem:v23+s5+$0x0], $0xffff  }
0x437: {  	v5 =	vshrl.u32 v6, $0x10;
	v12 =	vand.u32 $0xFFFF, v6;
	v25 =	vld [tilespmem:s11+$0x40]  }
0x438: {  	v6 =	vshrl.u32 v7, $0x10;
	v13 =	vand.u32 $0xFFFF, v7;
	v19 =	vld.idx.msk [tilespmem:v24+s5+$0x0], $0xffff  }
0x439: {  	v27 =	vshrl.u32 v15, $0x10;
	v7 =	vshrl.u32 v14, $0x10;
	v14 =	vand.u32 $0xFFFF, v14;
	v26 =	vld [tilespmem:s1+$0x19500]  }
0x43a: {  	v15 =	vshrl.u32 v16, $0x10;
	v16 =	vand.u32 $0xFFFF, v16;
	v28 =	vld.idx.msk [tilespmem:v8+s5+$0x0], $0xffff  }
0x43b: {  	v30 =	vshrl.u32 v17, $0x10;
	v29 =	vld.idx.msk [tilespmem:v9+s5+$0x0], $0xffff  }
0x43c: {  	v31 =	vld.idx.msk [tilespmem:v10+s5+$0x0], $0xffff;
	v17 =	vmul.f32 v18, v25  }
0x43d: {  	v32 =	vld.idx.msk [tilespmem:v11+s5+$0x0], $0xffff  }
0x43e: {  	v18 =	vmul.f32 v19, v26;
	[tilespmem:v27+s22+$0x0] =	vst.idx.add.f32.msk $0xffff, v17  }
0x43f: {  	v17 =	vld.idx.msk [tilespmem:v23+s13+$0x0], $0xffff  }
0x440: {  	[tilespmem:v30+s22+$0x0] =	vst.idx.add.f32.msk $0xffff, v18  }
0x441: {  	v18 =	vld.idx.msk [tilespmem:v24+s13+$0x0], $0xffff  }
0x442: {  	v19 =	vld.idx.msk [tilespmem:v16+s5+$0x0], $0xffff  }
0x443: {  	v33 =	vld.idx.msk [tilespmem:v12+s5+$0x0], $0xffff  }
0x444: {  	v34 =	vld.idx.msk [tilespmem:v13+s5+$0x0], $0xffff  }
0x445: {  	v20 =	vmul.f32 v17, v25;
	v35 =	vld.idx.msk [tilespmem:v14+s5+$0x0], $0xffff  }
0x446: {  	v17 =	vld [tilespmem:s11+$0xFFFFFFB0]  }
0x447: {  	v18 =	vmul.f32 v18, v26;
	[tilespmem:v27+s25+$0x0] =	vst.idx.add.f32.msk $0xffff, v20  }
0x448: {  	v36 =	vld.idx.msk [tilespmem:v23+s14+$0x0], $0xffff  }
0x449: {  	[tilespmem:v30+s25+$0x0] =	vst.idx.add.f32.msk $0xffff, v18  }
0x44a: {  	v37 =	vld.idx.msk [tilespmem:v24+s14+$0x0], $0xffff  }
0x44b: {  	v38 =	vmul.f32 v19, v17;
	v22 =	vld [tilespmem:s11+$0xFFFFFFC0]  }
0x44c: {  	v21 =	vld [tilespmem:s11+$0xFFFFFFD0]  }
0x44d: {  	v20 =	vld [tilespmem:s11+$0xFFFFFFE0]  }
0x44e: {  	v36 =	vmul.f32 v36, v25;
	v18 =	vld [tilespmem:s11+$0xFFFFFFF0]  }
0x44f: {  	v19 =	vld [tilespmem:s11+$0x0]  }
0x450: {  	v37 =	vmul.f32 v37, v26;
	v28 =	vmul.f32 v28, v22;
	[tilespmem:v27+s16+$0x0] =	vst.idx.add.f32.msk $0xffff, v36  }
0x451: {  	v29 =	vmul.f32 v29, v21;
	v36 =	vld.idx.msk [tilespmem:v23+s15+$0x0], $0xffff  }
0x452: {  	v31 =	vmul.f32 v31, v20;
	[tilespmem:v30+s16+$0x0] =	vst.idx.add.f32.msk $0xffff, v37  }
0x453: {  	v32 =	vmul.f32 v32, v18;
	v37 =	vld.idx.msk [tilespmem:v24+s15+$0x0], $0xffff  }
0x454: {  	v33 =	vmul.f32 v33, v19;
	v24 =	vld [tilespmem:s11+$0x10]  }
0x455: {  	v23 =	vld [tilespmem:s11+$0x20]  }
0x456: {  	[tilespmem:v15+s22+$0x0] =	vst.idx.add.f32.msk $0xffff, v38  }
0x457: {  	[tilespmem:v1+s22+$0x0] =	vst.idx.add.f32.msk $0xffff, v28  }
0x458: {  	v25 =	vmul.f32 v36, v25;
	[tilespmem:v2+s22+$0x0] =	vst.idx.add.f32.msk $0xffff, v29  }
0x459: {  	v26 =	vmul.f32 v37, v26;
	[tilespmem:v3+s22+$0x0] =	vst.idx.add.f32.msk $0xffff, v31;
	v28 =	vmul.f32 v34, v24  }
0x45a: {  	v29 =	vmul.f32 v35, v23;
	[tilespmem:v27+s17+$0x0] =	vst.idx.add.f32.msk $0xffff, v25  }
0x45b: {  	[tilespmem:v30+s17+$0x0] =	vst.idx.add.f32.msk $0xffff, v26  }
0x45c: {  	[tilespmem:v4+s22+$0x0] =	vst.idx.add.f32.msk $0xffff, v32  }
0x45d: {  	[tilespmem:v5+s22+$0x0] =	vst.idx.add.f32.msk $0xffff, v33  }
0x45e: {  	[tilespmem:v6+s22+$0x0] =	vst.idx.add.f32.msk $0xffff, v28  }
0x45f: {  	[tilespmem:v7+s22+$0x0] =	vst.idx.add.f32.msk $0xffff, v29  }
0x460: {  	v25 =	vld.idx.msk [tilespmem:v16+s13+$0x0], $0xffff  }
0x461: {  	v26 =	vld.idx.msk [tilespmem:v8+s13+$0x0], $0xffff  }
0x462: {  	v27 =	vld.idx.msk [tilespmem:v9+s13+$0x0], $0xffff  }
0x463: {  	v28 =	vld.idx.msk [tilespmem:v10+s13+$0x0], $0xffff  }
0x464: {  	v29 =	vld.idx.msk [tilespmem:v11+s13+$0x0], $0xffff  }
0x465: {  	v30 =	vld.idx.msk [tilespmem:v12+s13+$0x0], $0xffff  }
0x466: {  	v25 =	vmul.f32 v25, v17;
	v31 =	vld.idx.msk [tilespmem:v13+s13+$0x0], $0xffff  }
0x467: {  	v26 =	vmul.f32 v26, v22;
	v32 =	vld.idx.msk [tilespmem:v14+s13+$0x0], $0xffff  }
0x468: {  	[tilespmem:v15+s25+$0x0] =	vst.idx.add.f32.msk $0xffff, v25;
	v25 =	vmul.f32 v27, v21  }
0x469: {  	[tilespmem:v1+s25+$0x0] =	vst.idx.add.f32.msk $0xffff, v26;
	v26 =	vmul.f32 v28, v20  }
0x46a: {  	[tilespmem:v2+s25+$0x0] =	vst.idx.add.f32.msk $0xffff, v25;
	v25 =	vmul.f32 v29, v18  }
0x46b: {  	[tilespmem:v3+s25+$0x0] =	vst.idx.add.f32.msk $0xffff, v26;
	v26 =	vmul.f32 v30, v19  }
0x46c: {  	[tilespmem:v4+s25+$0x0] =	vst.idx.add.f32.msk $0xffff, v25;
	v25 =	vmul.f32 v31, v24  }
0x46d: {  	[tilespmem:v5+s25+$0x0] =	vst.idx.add.f32.msk $0xffff, v26;
	v26 =	vmul.f32 v32, v23  }
0x46e: {  	[tilespmem:v6+s25+$0x0] =	vst.idx.add.f32.msk $0xffff, v25  }
0x46f: {  	[tilespmem:v7+s25+$0x0] =	vst.idx.add.f32.msk $0xffff, v26  }
0x470: {  	v25 =	vld.idx.msk [tilespmem:v16+s14+$0x0], $0xffff  }
0x471: {  	v26 =	vld.idx.msk [tilespmem:v8+s14+$0x0], $0xffff  }
0x472: {  	v27 =	vld.idx.msk [tilespmem:v9+s14+$0x0], $0xffff  }
0x473: {  	v28 =	vld.idx.msk [tilespmem:v10+s14+$0x0], $0xffff  }
0x474: {  	v29 =	vld.idx.msk [tilespmem:v11+s14+$0x0], $0xffff  }
0x475: {  	v30 =	vld.idx.msk [tilespmem:v12+s14+$0x0], $0xffff  }
0x476: {  	v25 =	vmul.f32 v25, v17;
	v31 =	vld.idx.msk [tilespmem:v13+s14+$0x0], $0xffff  }
0x477: {  	v26 =	vmul.f32 v26, v22;
	v32 =	vld.idx.msk [tilespmem:v14+s14+$0x0], $0xffff  }
0x478: {  	[tilespmem:v15+s16+$0x0] =	vst.idx.add.f32.msk $0xffff, v25;
	v25 =	vmul.f32 v27, v21  }
0x479: {  	[tilespmem:v1+s16+$0x0] =	vst.idx.add.f32.msk $0xffff, v26;
	v26 =	vmul.f32 v28, v20  }
0x47a: {  	[tilespmem:v2+s16+$0x0] =	vst.idx.add.f32.msk $0xffff, v25;
	v25 =	vmul.f32 v29, v18  }
0x47b: {  	[tilespmem:v3+s16+$0x0] =	vst.idx.add.f32.msk $0xffff, v26;
	v26 =	vmul.f32 v30, v19  }
0x47c: {  	[tilespmem:v4+s16+$0x0] =	vst.idx.add.f32.msk $0xffff, v25;
	v25 =	vmul.f32 v31, v24  }
0x47d: {  	[tilespmem:v5+s16+$0x0] =	vst.idx.add.f32.msk $0xffff, v26;
	v26 =	vmul.f32 v32, v23  }
0x47e: {  	[tilespmem:v6+s16+$0x0] =	vst.idx.add.f32.msk $0xffff, v25  }
0x47f: {  	[tilespmem:v7+s16+$0x0] =	vst.idx.add.f32.msk $0xffff, v26  }
0x480: {  	v16 =	vld.idx.msk [tilespmem:v16+s15+$0x0], $0xffff  }
0x481: {  	v8 =	vld.idx.msk [tilespmem:v8+s15+$0x0], $0xffff  }
0x482: {  	v9 =	vld.idx.msk [tilespmem:v9+s15+$0x0], $0xffff  }
0x483: {  	v10 =	vld.idx.msk [tilespmem:v10+s15+$0x0], $0xffff  }
0x484: {  	v11 =	vld.idx.msk [tilespmem:v11+s15+$0x0], $0xffff  }
0x485: {  	v12 =	vld.idx.msk [tilespmem:v12+s15+$0x0], $0xffff  }
0x486: {  	v16 =	vmul.f32 v16, v17;
	v13 =	vld.idx.msk [tilespmem:v13+s15+$0x0], $0xffff  }
0x487: {  	v8 =	vmul.f32 v8, v22;
	v14 =	vld.idx.msk [tilespmem:v14+s15+$0x0], $0xffff  }
0x488: {  	v9 =	vmul.f32 v9, v21;
	[tilespmem:v15+s17+$0x0] =	vst.idx.add.f32.msk $0xffff, v16  }
0x489: {  	[tilespmem:v1+s17+$0x0] =	vst.idx.add.f32.msk $0xffff, v8;
	v1 =	vmul.f32 v10, v20  }
0x48a: {  	[tilespmem:v2+s17+$0x0] =	vst.idx.add.f32.msk $0xffff, v9;
	v2 =	vmul.f32 v11, v18  }
.Ltmp7:
0x48b: {  	[tilespmem:v3+s17+$0x0] =	vst.idx.add.f32.msk $0xffff, v1;
	v1 =	vmul.f32 v12, v19;
	(pc) =	sbr.rel @p1 .LBB2_17-.Ltmp7, $4  }
0x48c: {  	[tilespmem:v4+s17+$0x0] =	vst.idx.add.f32.msk $0xffff, v2;
	v2 =	vmul.f32 v13, v24  }
0x48d: {  	[tilespmem:v5+s17+$0x0] =	vst.idx.add.f32.msk $0xffff, v1;
	v1 =	vmul.f32 v14, v23  }
0x48e: {  	[tilespmem:v6+s17+$0x0] =	vst.idx.add.f32.msk $0xffff, v2  }
0x48f: {  	s19 =	sadd.s32 $0xA0, s19;
	[tilespmem:v7+s17+$0x0] =	vst.idx.add.f32.msk $0xffff, v1  }
0x490: {  	p1 =	seq.s32 s6, $0x31  }
0x491: {  	s1 =	sadd.s32 @!p1 $0x1900, s24  }
0x492: {  	s2 =	sshrl.u32 @!p1 s1, $0x3  }
0x493: {  	s4 =	simm.s32 @!p1 $0x0;
	s11 =	simm.s32 @!p1 $0x17B80;
	s2 =	sadd.s32 @!p1 s20, s2  }
0x494: {  	[tilespmem:s11], [sflag:$0x1] =	stream.linear.gather @!p1 [hbm4b:s2+s4], $0xC80, $0x38;
	[tilespmem:$0x1FF18] =	vst v63  }
0x495: {  	s1 =	sadd.s32 @!p1 s1, s26;
	s2 =	simm.s32 @!p1 $0x19480;
	s4 =	simm.s32 $0x2  }
0x496: {  	[tilespmem:s2], [sflag:$0x3] =	stream.linear.gather @!p1 [spmem:s1], $0xC80, $0x38;
	[tilespmem:$0x1FF18] =	vst v63  }
0x497: {  	_ =	swait.ge [sflag:s4], $0xC80  }
0x498: {  	[sflag:s4] =	ssyncset.done $0x0  }
0x499: {  	s11 =	simm.s32 $0x4;
	[sflag:s4] =	ssyncadd.s32 $0xFFFFF380  }
0x49a: {  	_ =	swait.ge [sflag:s11], $0xC80  }
0x49b: {  	[sflag:s11] =	ssyncset.done $0x0  }
0x49c: {  	s18 =	simm.s32 $0x18850;
	[sflag:s11] =	ssyncadd.s32 $0xFFFFF380  }
0x49d: {  	s24 =	simm.s32 $0x0;
	v1 =	vld [tilespmem:s18+$0x40]  }
0x49e: {  	s19 =	sand.u32 $0xFE0, s24;
	v2 =	vld [tilespmem:s18+$0xFFFFFFC0]  }
0x49f: {  	v3 =	vld [tilespmem:s19+$0x18880]  }
0x4a0: {  	v4 =	vld [tilespmem:s18+$0xFFFFFFD0]  }
0x4a1: {  	v5 =	vld [tilespmem:s18+$0xFFFFFFE0]  }
0x4a2: {  	v6 =	vld [tilespmem:s18+$0xFFFFFFF0]  }
0x4a3: {  	v8 =	vld [tilespmem:s18+$0x0]  }
0x4a4: {  	v9 =	vld [tilespmem:s18+$0x10]  }
0x4a5: {  	v11 =	vld [tilespmem:s18+$0x20]  }
0x4a6: {  	s11 =	simm.s32 $0x1A150;
	v13 =	vld [tilespmem:s18+$0xFFFFFFB0]  }
0x4a7: {  	v17 =	vld [tilespmem:s11+$0x40];
	v7 =	vand.u32 $0xFFFF, v1  }
0x4a8: {  	v20 =	vld [tilespmem:s19+$0x1A180];
	v10 =	vand.u32 $0xFFFF, v3  }
0x4a9: {  	v33 =	vld [tilespmem:s11+$0xFFFFFFB0]  }
0x4aa: {  	v34 =	vld [tilespmem:s11+$0xFFFFFFC0]  }
0x4ab: {  	v35 =	vld [tilespmem:s11+$0xFFFFFFD0]  }
0x4ac: {  	v15 =	vld.idx.msk [tilespmem:v7+s5+$0x0], $0xffff  }
0x4ad: {  	v19 =	vld.idx.msk [tilespmem:v10+s5+$0x0], $0xffff  }
0x4ae: {  	v36 =	vld [tilespmem:s11+$0xFFFFFFE0];
	v1 =	vshrl.u32 v1, $0x10  }
0x4af: {  	v37 =	vld [tilespmem:s11+$0xFFFFFFF0];
	v3 =	vshrl.u32 v3, $0x10  }
0x4b0: {  	v38 =	vld [tilespmem:s11+$0x0]  }
0x4b1: {  	v43 =	vld [tilespmem:s11+$0x10];
	v15 =	vmul.f32 v15, v17  }
0x4b2: {  	v44 =	vld [tilespmem:s11+$0x20];
	v12 =	vand.u32 $0xFFFF, v2;
	v19 =	vmul.f32 v19, v20  }
0x4b3: {  	v14 =	vand.u32 $0xFFFF, v4;
	[tilespmem:v1+s22+$0x0] =	vst.idx.add.f32.msk $0xffff, v15  }
0x4b4: {  	v16 =	vand.u32 $0xFFFF, v5;
	[tilespmem:v3+s22+$0x0] =	vst.idx.add.f32.msk $0xffff, v19  }
0x4b5: {  	v18 =	vand.u32 $0xFFFF, v6;
	v27 =	vld.idx.msk [tilespmem:v7+s13+$0x0], $0xffff  }
0x4b6: {  	v24 =	vand.u32 $0xFFFF, v13;
	v19 =	vld.idx.msk [tilespmem:v10+s13+$0x0], $0xffff  }
0x4b7: {  	v21 =	vld.idx.msk [tilespmem:v12+s5+$0x0], $0xffff  }
0x4b8: {  	v22 =	vld.idx.msk [tilespmem:v14+s5+$0x0], $0xffff  }
0x4b9: {  	v23 =	vld.idx.msk [tilespmem:v16+s5+$0x0], $0xffff  }
0x4ba: {  	v25 =	vld.idx.msk [tilespmem:v18+s5+$0x0], $0xffff;
	v27 =	vmul.f32 v27, v17  }
0x4bb: {  	v26 =	vand.u32 $0xFFFF, v8;
	v29 =	vld.idx.msk [tilespmem:v24+s5+$0x0], $0xffff;
	v19 =	vmul.f32 v19, v20  }
0x4bc: {  	v41 =	vand.u32 $0xFFFF, v9;
	[tilespmem:v1+s25+$0x0] =	vst.idx.add.f32.msk $0xffff, v27  }
0x4bd: {  	v28 =	vand.u32 $0xFFFF, v11;
	[tilespmem:v3+s25+$0x0] =	vst.idx.add.f32.msk $0xffff, v19  }
0x4be: {  	v13 =	vshrl.u32 v13, $0x10;
	v27 =	vld.idx.msk [tilespmem:v7+s14+$0x0], $0xffff  }
0x4bf: {  	v2 =	vshrl.u32 v2, $0x10;
	v19 =	vld.idx.msk [tilespmem:v10+s14+$0x0], $0xffff  }
0x4c0: {  	v30 =	vld.idx.msk [tilespmem:v26+s5+$0x0], $0xffff  }
0x4c1: {  	v31 =	vld.idx.msk [tilespmem:v41+s5+$0x0], $0xffff;
	v42 =	vmul.f32 v29, v33  }
0x4c2: {  	v32 =	vld.idx.msk [tilespmem:v28+s5+$0x0], $0xffff;
	v21 =	vmul.f32 v21, v34  }
0x4c3: {  	[tilespmem:v13+s22+$0x0] =	vst.idx.add.f32.msk $0xffff, v42;
	v27 =	vmul.f32 v27, v17  }
0x4c4: {  	v4 =	vshrl.u32 v4, $0x10;
	[tilespmem:v2+s22+$0x0] =	vst.idx.add.f32.msk $0xffff, v21;
	v19 =	vmul.f32 v19, v20  }
0x4c5: {  	v5 =	vshrl.u32 v5, $0x10;
	[tilespmem:v1+s16+$0x0] =	vst.idx.add.f32.msk $0xffff, v27  }
0x4c6: {  	v6 =	vshrl.u32 v6, $0x10;
	[tilespmem:v3+s16+$0x0] =	vst.idx.add.f32.msk $0xffff, v19  }
0x4c7: {  	v11 =	vshrl.u32 v11, $0x10;
	v22 =	vmul.f32 v22, v35;
	v7 =	vld.idx.msk [tilespmem:v7+s15+$0x0], $0xffff  }
0x4c8: {  	v45 =	vmul.f32 v23, v36;
	v10 =	vld.idx.msk [tilespmem:v10+s15+$0x0], $0xffff  }
0x4c9: {  	v46 =	vmul.f32 v25, v37;
	[tilespmem:v4+s22+$0x0] =	vst.idx.add.f32.msk $0xffff, v22  }
0x4ca: {  	v47 =	vmul.f32 v32, v44;
	[tilespmem:v5+s22+$0x0] =	vst.idx.add.f32.msk $0xffff, v45  }
0x4cb: {  	v8 =	vshrl.u32 v8, $0x10;
	[tilespmem:v6+s22+$0x0] =	vst.idx.add.f32.msk $0xffff, v46  }
0x4cc: {  	v9 =	vshrl.u32 v9, $0x10;
	[tilespmem:v11+s22+$0x0] =	vst.idx.add.f32.msk $0xffff, v47;
	v7 =	vmul.f32 v7, v17  }
0x4cd: {  	v48 =	vld.idx.msk [tilespmem:v14+s13+$0x0], $0xffff;
	v10 =	vmul.f32 v10, v20  }
0x4ce: {  	[tilespmem:v1+s17+$0x0] =	vst.idx.add.f32.msk $0xffff, v7;
	v1 =	vmul.f32 v30, v38  }
0x4cf: {  	[tilespmem:v3+s17+$0x0] =	vst.idx.add.f32.msk $0xffff, v10;
	v3 =	vmul.f32 v31, v43  }
0x4d0: {  	[tilespmem:v8+s22+$0x0] =	vst.idx.add.f32.msk $0xffff, v1  }
0x4d1: {  	[tilespmem:v9+s22+$0x0] =	vst.idx.add.f32.msk $0xffff, v3  }
0x4d2: {  	v1 =	vld.idx.msk [tilespmem:v24+s13+$0x0], $0xffff  }
0x4d3: {  	v3 =	vld.idx.msk [tilespmem:v12+s13+$0x0], $0xffff  }
0x4d4: {  	v49 =	vld.idx.msk [tilespmem:v16+s13+$0x0], $0xffff  }
0x4d5: {  	v52 =	vld.idx.msk [tilespmem:v28+s13+$0x0], $0xffff  }
0x4d6: {  	v17 =	vld.idx.msk [tilespmem:v18+s13+$0x0], $0xffff  }
0x4d7: {  	v50 =	vld.idx.msk [tilespmem:v26+s13+$0x0], $0xffff;
	v1 =	vmul.f32 v1, v33  }
0x4d8: {  	v51 =	vld.idx.msk [tilespmem:v41+s13+$0x0], $0xffff;
	v3 =	vmul.f32 v3, v34  }
0x4d9: {  	[tilespmem:v13+s25+$0x0] =	vst.idx.add.f32.msk $0xffff, v1;
	v1 =	vmul.f32 v48, v35  }
0x4da: {  	[tilespmem:v2+s25+$0x0] =	vst.idx.add.f32.msk $0xffff, v3;
	v3 =	vmul.f32 v49, v36  }
0x4db: {  	[tilespmem:v4+s25+$0x0] =	vst.idx.add.f32.msk $0xffff, v1  }
0x4dc: {  	v1 =	vmul.f32 v17, v37;
	[tilespmem:v5+s25+$0x0] =	vst.idx.add.f32.msk $0xffff, v3  }
0x4dd: {  	v3 =	vmul.f32 v50, v38;
	v53 =	vld.idx.msk [tilespmem:v14+s14+$0x0], $0xffff  }
0x4de: {  	[tilespmem:v6+s25+$0x0] =	vst.idx.add.f32.msk $0xffff, v1;
	v1 =	vmul.f32 v51, v43  }
0x4df: {  	[tilespmem:v8+s25+$0x0] =	vst.idx.add.f32.msk $0xffff, v3;
	v3 =	vmul.f32 v52, v44  }
0x4e0: {  	[tilespmem:v9+s25+$0x0] =	vst.idx.add.f32.msk $0xffff, v1  }
0x4e1: {  	[tilespmem:v11+s25+$0x0] =	vst.idx.add.f32.msk $0xffff, v3  }
0x4e2: {  	v1 =	vld.idx.msk [tilespmem:v24+s14+$0x0], $0xffff  }
0x4e3: {  	v3 =	vld.idx.msk [tilespmem:v12+s14+$0x0], $0xffff  }
0x4e4: {  	v54 =	vld.idx.msk [tilespmem:v16+s14+$0x0], $0xffff  }
0x4e5: {  	v55 =	vld.idx.msk [tilespmem:v18+s14+$0x0], $0xffff  }
0x4e6: {  	v56 =	vld.idx.msk [tilespmem:v26+s14+$0x0], $0xffff  }
0x4e7: {  	v57 =	vld.idx.msk [tilespmem:v41+s14+$0x0], $0xffff;
	v1 =	vmul.f32 v1, v33  }
0x4e8: {  	v58 =	vld.idx.msk [tilespmem:v28+s14+$0x0], $0xffff;
	v3 =	vmul.f32 v3, v34  }
0x4e9: {  	[tilespmem:v13+s16+$0x0] =	vst.idx.add.f32.msk $0xffff, v1;
	v1 =	vmul.f32 v53, v35  }
0x4ea: {  	[tilespmem:v2+s16+$0x0] =	vst.idx.add.f32.msk $0xffff, v3;
	v3 =	vmul.f32 v54, v36  }
0x4eb: {  	[tilespmem:v4+s16+$0x0] =	vst.idx.add.f32.msk $0xffff, v1  }
0x4ec: {  	v1 =	vmul.f32 v55, v37;
	[tilespmem:v5+s16+$0x0] =	vst.idx.add.f32.msk $0xffff, v3  }
0x4ed: {  	v3 =	vmul.f32 v56, v38;
	v59 =	vld.idx.msk [tilespmem:v14+s15+$0x0], $0xffff  }
0x4ee: {  	[tilespmem:v6+s16+$0x0] =	vst.idx.add.f32.msk $0xffff, v1;
	v1 =	vmul.f32 v57, v43  }
0x4ef: {  	[tilespmem:v8+s16+$0x0] =	vst.idx.add.f32.msk $0xffff, v3;
	v3 =	vmul.f32 v58, v44  }
0x4f0: {  	[tilespmem:v9+s16+$0x0] =	vst.idx.add.f32.msk $0xffff, v1  }
0x4f1: {  	[tilespmem:v11+s16+$0x0] =	vst.idx.add.f32.msk $0xffff, v3  }
0x4f2: {  	v1 =	vld.idx.msk [tilespmem:v24+s15+$0x0], $0xffff  }
0x4f3: {  	v3 =	vld.idx.msk [tilespmem:v12+s15+$0x0], $0xffff  }
0x4f4: {  	v60 =	vld.idx.msk [tilespmem:v16+s15+$0x0], $0xffff  }
0x4f5: {  	v61 =	vld.idx.msk [tilespmem:v18+s15+$0x0], $0xffff  }
0x4f6: {  	v62 =	vld.idx.msk [tilespmem:v26+s15+$0x0], $0xffff  }
0x4f7: {  	v15 =	vld.idx.msk [tilespmem:v41+s15+$0x0], $0xffff;
	v1 =	vmul.f32 v1, v33  }
0x4f8: {  	v63 =	vld.idx.msk [tilespmem:v28+s15+$0x0], $0xffff;
	v3 =	vmul.f32 v3, v34  }
0x4f9: {  	[tilespmem:v13+s17+$0x0] =	vst.idx.add.f32.msk $0xffff, v1;
	v1 =	vmul.f32 v59, v35  }
0x4fa: {  	[tilespmem:v2+s17+$0x0] =	vst.idx.add.f32.msk $0xffff, v3;
	v2 =	vmul.f32 v60, v36  }
0x4fb: {  	[tilespmem:v4+s17+$0x0] =	vst.idx.add.f32.msk $0xffff, v1;
	v1 =	vmul.f32 v61, v37  }
0x4fc: {  	[tilespmem:v5+s17+$0x0] =	vst.idx.add.f32.msk $0xffff, v2;
	v2 =	vmul.f32 v62, v38  }
0x4fd: {  	[tilespmem:v6+s17+$0x0] =	vst.idx.add.f32.msk $0xffff, v1;
	v1 =	vmul.f32 v15, v43  }
0x4fe: {  	[tilespmem:v8+s17+$0x0] =	vst.idx.add.f32.msk $0xffff, v2;
	v2 =	vmul.f32 v63, v44  }
0x4ff: {  	[tilespmem:v9+s17+$0x0] =	vst.idx.add.f32.msk $0xffff, v1  }
0x500: {  	s4 =	simm.s32 $0x188F0;
	s18 =	simm.s32 $0x0;
	[tilespmem:v11+s17+$0x0] =	vst.idx.add.f32.msk $0xffff, v2  }
.LBB2_19:
0x501: {  	v15 =	vld [tilespmem:s4+$0x40];
	s24 =	sadd.s32 $0xA0, s24  }
0x502: {  	s18 =	sadd.s32 $0xA, s18;
	v2 =	vld [tilespmem:s4+$0xFFFFFFC0];
	s1 =	sand.u32 $0xFE0, s24  }
0x503: {  	p1 =	slt.u32 s18, $0xBE;
	v17 =	vld [tilespmem:s1+$0x18880]  }
0x504: {  	v3 =	vld [tilespmem:s4+$0xFFFFFFD0]  }
0x505: {  	v4 =	vld [tilespmem:s4+$0xFFFFFFE0]  }
0x506: {  	v5 =	vld [tilespmem:s4+$0xFFFFFFF0];
	v23 =	vand.u32 $0xFFFF, v15  }
0x507: {  	v1 =	vshrl.u32 v2, $0x10;
	v8 =	vand.u32 $0xFFFF, v2;
	v6 =	vld [tilespmem:s4+$0x0]  }
0x508: {  	v7 =	vld [tilespmem:s4+$0x10];
	v24 =	vand.u32 $0xFFFF, v17  }
0x509: {  	v2 =	vshrl.u32 v3, $0x10;
	v9 =	vand.u32 $0xFFFF, v3;
	v14 =	vld [tilespmem:s4+$0x20]  }
0x50a: {  	v16 =	vld [tilespmem:s4+$0xFFFFFFB0];
	v3 =	vshrl.u32 v4, $0x10;
	v10 =	vand.u32 $0xFFFF, v4  }
0x50b: {  	s11 =	sadd.s32 $0xA0, s11;
	v4 =	vshrl.u32 v5, $0x10;
	v11 =	vand.u32 $0xFFFF, v5;
	v18 =	vld.idx.msk [tilespmem:v23+s5+$0x0], $0xffff  }
0x50c: {  	v5 =	vshrl.u32 v6, $0x10;
	v12 =	vand.u32 $0xFFFF, v6;
	v25 =	vld [tilespmem:s11+$0x40]  }
0x50d: {  	v6 =	vshrl.u32 v7, $0x10;
	v13 =	vand.u32 $0xFFFF, v7;
	v19 =	vld.idx.msk [tilespmem:v24+s5+$0x0], $0xffff  }
0x50e: {  	v27 =	vshrl.u32 v15, $0x10;
	v7 =	vshrl.u32 v14, $0x10;
	v14 =	vand.u32 $0xFFFF, v14;
	v26 =	vld [tilespmem:s1+$0x1A180]  }
0x50f: {  	v15 =	vshrl.u32 v16, $0x10;
	v16 =	vand.u32 $0xFFFF, v16;
	v28 =	vld.idx.msk [tilespmem:v8+s5+$0x0], $0xffff  }
0x510: {  	v30 =	vshrl.u32 v17, $0x10;
	v29 =	vld.idx.msk [tilespmem:v9+s5+$0x0], $0xffff  }
0x511: {  	v31 =	vld.idx.msk [tilespmem:v10+s5+$0x0], $0xffff;
	v17 =	vmul.f32 v18, v25  }
0x512: {  	v32 =	vld.idx.msk [tilespmem:v11+s5+$0x0], $0xffff  }
0x513: {  	v18 =	vmul.f32 v19, v26;
	[tilespmem:v27+s22+$0x0] =	vst.idx.add.f32.msk $0xffff, v17  }
0x514: {  	v17 =	vld.idx.msk [tilespmem:v23+s13+$0x0], $0xffff  }
0x515: {  	[tilespmem:v30+s22+$0x0] =	vst.idx.add.f32.msk $0xffff, v18  }
0x516: {  	v18 =	vld.idx.msk [tilespmem:v24+s13+$0x0], $0xffff  }
0x517: {  	v19 =	vld.idx.msk [tilespmem:v16+s5+$0x0], $0xffff  }
0x518: {  	v33 =	vld.idx.msk [tilespmem:v12+s5+$0x0], $0xffff  }
0x519: {  	v34 =	vld.idx.msk [tilespmem:v13+s5+$0x0], $0xffff  }
0x51a: {  	v20 =	vmul.f32 v17, v25;
	v35 =	vld.idx.msk [tilespmem:v14+s5+$0x0], $0xffff  }
0x51b: {  	v17 =	vld [tilespmem:s11+$0xFFFFFFB0]  }
0x51c: {  	v18 =	vmul.f32 v18, v26;
	[tilespmem:v27+s25+$0x0] =	vst.idx.add.f32.msk $0xffff, v20  }
0x51d: {  	v36 =	vld.idx.msk [tilespmem:v23+s14+$0x0], $0xffff  }
0x51e: {  	[tilespmem:v30+s25+$0x0] =	vst.idx.add.f32.msk $0xffff, v18  }
0x51f: {  	v37 =	vld.idx.msk [tilespmem:v24+s14+$0x0], $0xffff  }
0x520: {  	v38 =	vmul.f32 v19, v17;
	v22 =	vld [tilespmem:s11+$0xFFFFFFC0]  }
0x521: {  	v21 =	vld [tilespmem:s11+$0xFFFFFFD0]  }
0x522: {  	v20 =	vld [tilespmem:s11+$0xFFFFFFE0]  }
0x523: {  	v36 =	vmul.f32 v36, v25;
	v18 =	vld [tilespmem:s11+$0xFFFFFFF0]  }
0x524: {  	v19 =	vld [tilespmem:s11+$0x0]  }
0x525: {  	v37 =	vmul.f32 v37, v26;
	v28 =	vmul.f32 v28, v22;
	[tilespmem:v27+s16+$0x0] =	vst.idx.add.f32.msk $0xffff, v36  }
0x526: {  	v29 =	vmul.f32 v29, v21;
	v36 =	vld.idx.msk [tilespmem:v23+s15+$0x0], $0xffff  }
0x527: {  	v31 =	vmul.f32 v31, v20;
	[tilespmem:v30+s16+$0x0] =	vst.idx.add.f32.msk $0xffff, v37  }
0x528: {  	v32 =	vmul.f32 v32, v18;
	v37 =	vld.idx.msk [tilespmem:v24+s15+$0x0], $0xffff  }
0x529: {  	v33 =	vmul.f32 v33, v19;
	v24 =	vld [tilespmem:s11+$0x10]  }
0x52a: {  	v23 =	vld [tilespmem:s11+$0x20]  }
0x52b: {  	[tilespmem:v15+s22+$0x0] =	vst.idx.add.f32.msk $0xffff, v38  }
0x52c: {  	[tilespmem:v1+s22+$0x0] =	vst.idx.add.f32.msk $0xffff, v28  }
0x52d: {  	v25 =	vmul.f32 v36, v25;
	[tilespmem:v2+s22+$0x0] =	vst.idx.add.f32.msk $0xffff, v29  }
0x52e: {  	v26 =	vmul.f32 v37, v26;
	[tilespmem:v3+s22+$0x0] =	vst.idx.add.f32.msk $0xffff, v31;
	v28 =	vmul.f32 v34, v24  }
0x52f: {  	v29 =	vmul.f32 v35, v23;
	[tilespmem:v27+s17+$0x0] =	vst.idx.add.f32.msk $0xffff, v25  }
0x530: {  	[tilespmem:v30+s17+$0x0] =	vst.idx.add.f32.msk $0xffff, v26  }
0x531: {  	[tilespmem:v4+s22+$0x0] =	vst.idx.add.f32.msk $0xffff, v32  }
0x532: {  	[tilespmem:v5+s22+$0x0] =	vst.idx.add.f32.msk $0xffff, v33  }
0x533: {  	[tilespmem:v6+s22+$0x0] =	vst.idx.add.f32.msk $0xffff, v28  }
0x534: {  	[tilespmem:v7+s22+$0x0] =	vst.idx.add.f32.msk $0xffff, v29  }
0x535: {  	v25 =	vld.idx.msk [tilespmem:v16+s13+$0x0], $0xffff  }
0x536: {  	v26 =	vld.idx.msk [tilespmem:v8+s13+$0x0], $0xffff  }
0x537: {  	v27 =	vld.idx.msk [tilespmem:v9+s13+$0x0], $0xffff  }
0x538: {  	v28 =	vld.idx.msk [tilespmem:v10+s13+$0x0], $0xffff  }
0x539: {  	v29 =	vld.idx.msk [tilespmem:v11+s13+$0x0], $0xffff  }
0x53a: {  	v30 =	vld.idx.msk [tilespmem:v12+s13+$0x0], $0xffff  }
0x53b: {  	v25 =	vmul.f32 v25, v17;
	v31 =	vld.idx.msk [tilespmem:v13+s13+$0x0], $0xffff  }
0x53c: {  	v26 =	vmul.f32 v26, v22;
	v32 =	vld.idx.msk [tilespmem:v14+s13+$0x0], $0xffff  }
0x53d: {  	[tilespmem:v15+s25+$0x0] =	vst.idx.add.f32.msk $0xffff, v25;
	v25 =	vmul.f32 v27, v21  }
0x53e: {  	[tilespmem:v1+s25+$0x0] =	vst.idx.add.f32.msk $0xffff, v26;
	v26 =	vmul.f32 v28, v20  }
0x53f: {  	[tilespmem:v2+s25+$0x0] =	vst.idx.add.f32.msk $0xffff, v25;
	v25 =	vmul.f32 v29, v18  }
0x540: {  	[tilespmem:v3+s25+$0x0] =	vst.idx.add.f32.msk $0xffff, v26;
	v26 =	vmul.f32 v30, v19  }
0x541: {  	[tilespmem:v4+s25+$0x0] =	vst.idx.add.f32.msk $0xffff, v25;
	v25 =	vmul.f32 v31, v24  }
0x542: {  	[tilespmem:v5+s25+$0x0] =	vst.idx.add.f32.msk $0xffff, v26;
	v26 =	vmul.f32 v32, v23  }
0x543: {  	[tilespmem:v6+s25+$0x0] =	vst.idx.add.f32.msk $0xffff, v25  }
0x544: {  	[tilespmem:v7+s25+$0x0] =	vst.idx.add.f32.msk $0xffff, v26  }
0x545: {  	v25 =	vld.idx.msk [tilespmem:v16+s14+$0x0], $0xffff  }
0x546: {  	v26 =	vld.idx.msk [tilespmem:v8+s14+$0x0], $0xffff  }
0x547: {  	v27 =	vld.idx.msk [tilespmem:v9+s14+$0x0], $0xffff  }
0x548: {  	v28 =	vld.idx.msk [tilespmem:v10+s14+$0x0], $0xffff  }
0x549: {  	v29 =	vld.idx.msk [tilespmem:v11+s14+$0x0], $0xffff  }
0x54a: {  	v30 =	vld.idx.msk [tilespmem:v12+s14+$0x0], $0xffff  }
0x54b: {  	v25 =	vmul.f32 v25, v17;
	v31 =	vld.idx.msk [tilespmem:v13+s14+$0x0], $0xffff  }
0x54c: {  	v26 =	vmul.f32 v26, v22;
	v32 =	vld.idx.msk [tilespmem:v14+s14+$0x0], $0xffff  }
0x54d: {  	[tilespmem:v15+s16+$0x0] =	vst.idx.add.f32.msk $0xffff, v25;
	v25 =	vmul.f32 v27, v21  }
0x54e: {  	[tilespmem:v1+s16+$0x0] =	vst.idx.add.f32.msk $0xffff, v26;
	v26 =	vmul.f32 v28, v20  }
0x54f: {  	[tilespmem:v2+s16+$0x0] =	vst.idx.add.f32.msk $0xffff, v25;
	v25 =	vmul.f32 v29, v18  }
0x550: {  	[tilespmem:v3+s16+$0x0] =	vst.idx.add.f32.msk $0xffff, v26;
	v26 =	vmul.f32 v30, v19  }
0x551: {  	[tilespmem:v4+s16+$0x0] =	vst.idx.add.f32.msk $0xffff, v25;
	v25 =	vmul.f32 v31, v24  }
0x552: {  	[tilespmem:v5+s16+$0x0] =	vst.idx.add.f32.msk $0xffff, v26;
	v26 =	vmul.f32 v32, v23  }
0x553: {  	[tilespmem:v6+s16+$0x0] =	vst.idx.add.f32.msk $0xffff, v25  }
0x554: {  	[tilespmem:v7+s16+$0x0] =	vst.idx.add.f32.msk $0xffff, v26  }
0x555: {  	v16 =	vld.idx.msk [tilespmem:v16+s15+$0x0], $0xffff  }
0x556: {  	v8 =	vld.idx.msk [tilespmem:v8+s15+$0x0], $0xffff  }
0x557: {  	v9 =	vld.idx.msk [tilespmem:v9+s15+$0x0], $0xffff  }
0x558: {  	v10 =	vld.idx.msk [tilespmem:v10+s15+$0x0], $0xffff  }
0x559: {  	v11 =	vld.idx.msk [tilespmem:v11+s15+$0x0], $0xffff  }
0x55a: {  	v12 =	vld.idx.msk [tilespmem:v12+s15+$0x0], $0xffff  }
0x55b: {  	v16 =	vmul.f32 v16, v17;
	v13 =	vld.idx.msk [tilespmem:v13+s15+$0x0], $0xffff  }
0x55c: {  	v8 =	vmul.f32 v8, v22;
	v14 =	vld.idx.msk [tilespmem:v14+s15+$0x0], $0xffff  }
0x55d: {  	v9 =	vmul.f32 v9, v21;
	[tilespmem:v15+s17+$0x0] =	vst.idx.add.f32.msk $0xffff, v16  }
0x55e: {  	[tilespmem:v1+s17+$0x0] =	vst.idx.add.f32.msk $0xffff, v8;
	v1 =	vmul.f32 v10, v20  }
0x55f: {  	[tilespmem:v2+s17+$0x0] =	vst.idx.add.f32.msk $0xffff, v9;
	v2 =	vmul.f32 v11, v18  }
.Ltmp8:
0x560: {  	[tilespmem:v3+s17+$0x0] =	vst.idx.add.f32.msk $0xffff, v1;
	v1 =	vmul.f32 v12, v19;
	(pc) =	sbr.rel @p1 .LBB2_19-.Ltmp8, $4  }
0x561: {  	[tilespmem:v4+s17+$0x0] =	vst.idx.add.f32.msk $0xffff, v2;
	v2 =	vmul.f32 v13, v24  }
0x562: {  	[tilespmem:v5+s17+$0x0] =	vst.idx.add.f32.msk $0xffff, v1;
	v1 =	vmul.f32 v14, v23  }
0x563: {  	[tilespmem:v6+s17+$0x0] =	vst.idx.add.f32.msk $0xffff, v2  }
0x564: {  	s4 =	sadd.s32 $0xA0, s4;
	[tilespmem:v7+s17+$0x0] =	vst.idx.add.f32.msk $0xffff, v1  }
0x565: {  	s6 =	sadd.s32 $0x1, s6  }
0x566: {  	p1 =	sne.s32 s6, $0x32  }
.Ltmp9:
0x567: {  	_ = 	snop;
	(pc) =	sbr.rel @p1 .LBB2_16-.Ltmp9, $1  }
0x568: {  	_ =	sdelay $0x3  }
0x569: {  	s2 =	sld [smem:$0x7EF];
	_ =	sdelay $0x1  }
0x56a: {  	s1 =	simm.s32 $0x0  }
0x56b: {  	[hbm4b:s2+s1] =	stream.linear.scatter [tilespmem:s22], [sflag:$0x9], $0x2780, $0x38;
	[tilespmem:$0x1FF18] =	vst v63  }
0x56c: {  	_ =	swait.ge [sflag:s28], $0x2780  }
0x56d: {  	s21 =	sld [smem:$0x7F0]  }
0x56e: {  	[sflag:s28] =	ssyncset.done $0x0  }
0x56f: {  	[sflag:s28] =	ssyncadd.s32 $0xFFFFD880  }
0x570: {  	[hbm4b:s21+s1] =	stream.linear.scatter [tilespmem:s25], [sflag:$0x9], $0x2780, $0x38;
	[tilespmem:$0x1FF18] =	vst v63  }
0x571: {  	_ =	swait.ge [sflag:s28], $0x2780  }
0x572: {  	s23 =	sld [smem:$0x7F1]  }
0x573: {  	[sflag:s28] =	ssyncset.done $0x0  }
0x574: {  	[sflag:s28] =	ssyncadd.s32 $0xFFFFD880  }
0x575: {  	[hbm4b:s23+s1] =	stream.linear.scatter [tilespmem:s16], [sflag:$0x9], $0x2780, $0x38;
	[tilespmem:$0x1FF18] =	vst v63  }
0x576: {  	_ =	swait.ge [sflag:s28], $0x2780  }
0x577: {  	s24 =	sld [smem:$0x7F2]  }
0x578: {  	[sflag:s28] =	ssyncset.done $0x0  }
0x579: {  	[sflag:s28] =	ssyncadd.s32 $0xFFFFD880  }
0x57a: {  	[hbm4b:s24+s1] =	stream.linear.scatter [tilespmem:s17], [sflag:$0x9], $0x2780, $0x38;
	[tilespmem:$0x1FF18] =	vst v63  }
0x57b: {  	_ =	swait.ge [sflag:s28], $0x2780  }
0x57c: {  	[sflag:s28] =	ssyncset.done $0x0  }
0x57d: {  	s4 =	sand.u32 $0x3FE0, s1;
	[sflag:s28] =	ssyncadd.s32 $0xFFFFD880  }
0x57e: {  	s6 =	simm.s32 $0x9E50;
	v1 =	vld [tilespmem:s4+$0x11500]  }
0x57f: {  	v2 =	vld [tilespmem:s6+$0x40]  }
0x580: {  	v3 =	vld [tilespmem:s6+$0xFFFFFFC0]  }
0x581: {  	v4 =	vld [tilespmem:s6+$0xFFFFFFD0]  }
0x582: {  	v5 =	vld [tilespmem:s6+$0xFFFFFFE0]  }
0x583: {  	s11 =	simm.s32 $0x50;
	v6 =	vld [tilespmem:s6+$0xFFFFFFF0];
	[tilespmem:s4+$0x7700] =	vst v1  }
0x584: {  	v1 =	vld [tilespmem:s6+$0x0];
	[tilespmem:s11+$0x40] =	vst v2  }
0x585: {  	[tilespmem:s11+$0xFFFFFFC0] =	vst v3;
	v3 =	vld [tilespmem:s6+$0x10]  }
0x586: {  	s12 =	simm.s32 $0xC5D0;
	[tilespmem:s11+$0xFFFFFFD0] =	vst v4;
	v4 =	vld [tilespmem:s6+$0x20]  }
0x587: {  	[tilespmem:s11+$0xFFFFFFE0] =	vst v5;
	v2 =	vld [tilespmem:s12+$0x40]  }
0x588: {  	[tilespmem:s11+$0xFFFFFFF0] =	vst v6;
	v6 =	vld [tilespmem:s12+$0xFFFFFFC0]  }
0x589: {  	v5 =	vld [tilespmem:s6+$0xFFFFFFB0];
	[tilespmem:s11+$0x0] =	vst v1  }
0x58a: {  	v1 =	vld [tilespmem:s12+$0xFFFFFFD0];
	[tilespmem:s11+$0x10] =	vst v3  }
0x58b: {  	s18 =	simm.s32 $0x27D0;
	v3 =	vld [tilespmem:s12+$0xFFFFFFE0];
	[tilespmem:s11+$0x20] =	vst v4  }
0x58c: {  	v4 =	vld [tilespmem:s12+$0xFFFFFFF0];
	[tilespmem:s18+$0x40] =	vst v2  }
0x58d: {  	s19 =	simm.s32 $0xED50;
	[tilespmem:s18+$0xFFFFFFC0] =	vst v6;
	v6 =	vld [tilespmem:s12+$0x10]  }
0x58e: {  	[tilespmem:s11+$0xFFFFFFB0] =	vst v5;
	v2 =	vld [tilespmem:s19+$0x40]  }
0x58f: {  	v5 =	vld [tilespmem:s12+$0xFFFFFFB0];
	[tilespmem:s18+$0xFFFFFFD0] =	vst v1  }
0x590: {  	v1 =	vld [tilespmem:s12+$0x0];
	[tilespmem:s18+$0xFFFFFFE0] =	vst v3  }
0x591: {  	[tilespmem:s18+$0xFFFFFFF0] =	vst v4;
	v3 =	vld [tilespmem:s12+$0x20]  }
0x592: {  	s24 =	simm.s32 $0x4F50;
	v4 =	vld [tilespmem:s19+$0xFFFFFFC0];
	[tilespmem:s18+$0x10] =	vst v6  }
0x593: {  	s20 =	simm.s32 $0x114D0;
	v6 =	vld [tilespmem:s19+$0xFFFFFFE0];
	[tilespmem:s24+$0x40] =	vst v2  }
0x594: {  	[tilespmem:s18+$0xFFFFFFB0] =	vst v5;
	v2 =	vld [tilespmem:s20+$0x40]  }
0x595: {  	v5 =	vld [tilespmem:s19+$0xFFFFFFB0];
	[tilespmem:s18+$0x0] =	vst v1  }
0x596: {  	v1 =	vld [tilespmem:s19+$0xFFFFFFD0];
	[tilespmem:s18+$0x20] =	vst v3  }
0x597: {  	[tilespmem:s24+$0xFFFFFFC0] =	vst v4;
	v4 =	vld [tilespmem:s19+$0x10]  }
0x598: {  	s21 =	simm.s32 $0x76D0;
	v3 =	vld [tilespmem:s19+$0x0];
	[tilespmem:s24+$0xFFFFFFE0] =	vst v6  }
0x599: {  	[tilespmem:s21+$0x40] =	vst v2;
	v2 =	vld [tilespmem:s19+$0xFFFFFFF0]  }
0x59a: {  	v6 =	vld [tilespmem:s20+$0xFFFFFFC0];
	[tilespmem:s24+$0xFFFFFFB0] =	vst v5  }
0x59b: {  	v7 =	vld [tilespmem:s20+$0xFFFFFFE0];
	[tilespmem:s24+$0xFFFFFFD0] =	vst v1  }
0x59c: {  	v1 =	vld [tilespmem:s19+$0x20];
	[tilespmem:s24+$0x10] =	vst v4  }
0x59d: {  	v5 =	vld [tilespmem:s20+$0xFFFFFFB0];
	[tilespmem:s24+$0x0] =	vst v3  }
0x59e: {  	[tilespmem:s24+$0xFFFFFFF0] =	vst v2;
	v2 =	vld [tilespmem:s20+$0xFFFFFFD0]  }
0x59f: {  	[tilespmem:s21+$0xFFFFFFC0] =	vst v6;
	v8 =	vld [tilespmem:s20+$0xFFFFFFF0]  }
0x5a0: {  	v4 =	vld [tilespmem:s20+$0x0];
	[tilespmem:s21+$0xFFFFFFE0] =	vst v7  }
0x5a1: {  	v3 =	vld [tilespmem:s20+$0x10];
	[tilespmem:s24+$0x20] =	vst v1  }
0x5a2: {  	[tilespmem:s21+$0xFFFFFFB0] =	vst v5;
	v1 =	vld [tilespmem:s20+$0x20]  }
0x5a3: {  	[tilespmem:s21+$0xFFFFFFD0] =	vst v2;
	v2 =	vld [tilespmem:s4+$0x9E80]  }
0x5a4: {  	s2 =	simm.s32 $0xA0;
	s1 =	simm.s32 $0x0;
	v5 =	vld [tilespmem:s4+$0xC600];
	[tilespmem:s21+$0xFFFFFFF0] =	vst v8  }
.LBB2_22:
0x5a5: {  	s23 =	sand.u32 $0x3FE0, s2;
	[tilespmem:s21+$0x0] =	vst v4;
	v4 =	vld [tilespmem:s4+$0xED80]  }
0x5a6: {  	s6 =	sadd.s32 $0xA0, s6;
	v6 =	vld [tilespmem:s23+$0x11500];
	[tilespmem:s21+$0x10] =	vst v3  }
0x5a7: {  	s1 =	sadd.s32 $0xA, s1;
	v3 =	vld [tilespmem:s6+$0x40];
	[tilespmem:s21+$0x20] =	vst v1  }
0x5a8: {  	p1 =	slt.u32 s1, $0x262;
	v1 =	vld [tilespmem:s6+$0xFFFFFFC0];
	[tilespmem:s4+$0x80] =	vst v2  }
0x5a9: {  	v2 =	vld [tilespmem:s6+$0xFFFFFFD0];
	[tilespmem:s4+$0x2800] =	vst v5  }
0x5aa: {  	v5 =	vld [tilespmem:s6+$0xFFFFFFE0];
	[tilespmem:s4+$0x4F80] =	vst v4;
	s4 =	smov.u32 s23  }
0x5ab: {  	s11 =	sadd.s32 $0xA0, s11;
	v4 =	vld [tilespmem:s6+$0xFFFFFFF0];
	[tilespmem:s4+$0x7700] =	vst v6  }
0x5ac: {  	s12 =	sadd.s32 $0xA0, s12;
	v6 =	vld [tilespmem:s6+$0x0];
	[tilespmem:s11+$0x40] =	vst v3  }
0x5ad: {  	[tilespmem:s11+$0xFFFFFFC0] =	vst v1;
	v1 =	vld [tilespmem:s12+$0x40]  }
0x5ae: {  	[tilespmem:s11+$0xFFFFFFD0] =	vst v2;
	v2 =	vld [tilespmem:s6+$0x10]  }
0x5af: {  	[tilespmem:s11+$0xFFFFFFE0] =	vst v5;
	v3 =	vld [tilespmem:s6+$0x20]  }
0x5b0: {  	v5 =	vld [tilespmem:s6+$0xFFFFFFB0];
	[tilespmem:s11+$0xFFFFFFF0] =	vst v4  }
0x5b1: {  	s18 =	sadd.s32 $0xA0, s18;
	v4 =	vld [tilespmem:s12+$0xFFFFFFC0];
	[tilespmem:s11+$0x0] =	vst v6  }
0x5b2: {  	s19 =	sadd.s32 $0xA0, s19;
	v6 =	vld [tilespmem:s12+$0xFFFFFFD0];
	[tilespmem:s18+$0x40] =	vst v1  }
0x5b3: {  	[tilespmem:s11+$0x10] =	vst v2;
	v1 =	vld [tilespmem:s19+$0x40]  }
0x5b4: {  	v2 =	vld [tilespmem:s12+$0xFFFFFFE0];
	[tilespmem:s11+$0x20] =	vst v3  }
0x5b5: {  	[tilespmem:s11+$0xFFFFFFB0] =	vst v5;
	v3 =	vld [tilespmem:s12+$0xFFFFFFF0]  }
0x5b6: {  	v5 =	vld [tilespmem:s12+$0xFFFFFFB0];
	[tilespmem:s18+$0xFFFFFFC0] =	vst v4  }
0x5b7: {  	s24 =	sadd.s32 $0xA0, s24;
	[tilespmem:s18+$0xFFFFFFD0] =	vst v6;
	v4 =	vld [tilespmem:s12+$0x0]  }
0x5b8: {  	s20 =	sadd.s32 $0xA0, s20;
	v6 =	vld [tilespmem:s12+$0x10];
	[tilespmem:s24+$0x40] =	vst v1  }
0x5b9: {  	[tilespmem:s18+$0xFFFFFFE0] =	vst v2;
	v1 =	vld [tilespmem:s20+$0x40]  }
0x5ba: {  	[tilespmem:s18+$0xFFFFFFF0] =	vst v3;
	v2 =	vld [tilespmem:s12+$0x20]  }
0x5bb: {  	[tilespmem:s18+$0xFFFFFFB0] =	vst v5;
	v3 =	vld [tilespmem:s19+$0xFFFFFFC0]  }
0x5bc: {  	v5 =	vld [tilespmem:s19+$0xFFFFFFB0];
	[tilespmem:s18+$0x0] =	vst v4  }
0x5bd: {  	s21 =	sadd.s32 $0xA0, s21;
	v4 =	vld [tilespmem:s19+$0xFFFFFFD0];
	[tilespmem:s18+$0x10] =	vst v6  }
0x5be: {  	s23 =	simm.s32 $0x9B00;
	v6 =	vld [tilespmem:s19+$0xFFFFFFE0];
	[tilespmem:s21+$0x40] =	vst v1  }
0x5bf: {  	v1 =	vld [tilespmem:s19+$0xFFFFFFF0];
	[tilespmem:s18+$0x20] =	vst v2  }
0x5c0: {  	[tilespmem:s24+$0xFFFFFFC0] =	vst v3;
	v2 =	vld [tilespmem:s19+$0x0]  }
0x5c1: {  	[tilespmem:s24+$0xFFFFFFB0] =	vst v5;
	v3 =	vld [tilespmem:s19+$0x10]  }
0x5c2: {  	[tilespmem:s24+$0xFFFFFFD0] =	vst v4;
	v4 =	vld [tilespmem:s19+$0x20]  }
0x5c3: {  	v5 =	vld [tilespmem:s20+$0xFFFFFFB0];
	[tilespmem:s24+$0xFFFFFFE0] =	vst v6  }
0x5c4: {  	v6 =	vld [tilespmem:s20+$0xFFFFFFC0];
	[tilespmem:s24+$0xFFFFFFF0] =	vst v1  }
0x5c5: {  	v1 =	vld [tilespmem:s20+$0xFFFFFFD0];
	[tilespmem:s24+$0x0] =	vst v2  }
0x5c6: {  	v2 =	vld [tilespmem:s20+$0xFFFFFFE0];
	[tilespmem:s24+$0x10] =	vst v3  }
0x5c7: {  	v7 =	vld [tilespmem:s20+$0xFFFFFFF0];
	[tilespmem:s24+$0x20] =	vst v4  }
.Ltmp10:
0x5c8: {  	[tilespmem:s21+$0xFFFFFFB0] =	vst v5;
	v4 =	vld [tilespmem:s20+$0x0];
	(pc) =	sbr.rel @p1 .LBB2_22-.Ltmp10, $4  }
0x5c9: {  	[tilespmem:s21+$0xFFFFFFC0] =	vst v6;
	v3 =	vld [tilespmem:s20+$0x10]  }
0x5ca: {  	[tilespmem:s21+$0xFFFFFFD0] =	vst v1;
	v1 =	vld [tilespmem:s20+$0x20]  }
0x5cb: {  	[tilespmem:s21+$0xFFFFFFE0] =	vst v2;
	v2 =	vld [tilespmem:s4+$0x9E80]  }
0x5cc: {  	s2 =	sadd.s32 $0xA0, s2;
	[tilespmem:s21+$0xFFFFFFF0] =	vst v7;
	v5 =	vld [tilespmem:s4+$0xC600]  }
0x5cd: {  	[tilespmem:s21+$0x0] =	vst v4;
	v63 =	vld [tilespmem:s4+$0xED80]  }
0x5ce: {  	[tilespmem:s21+$0x10] =	vst v3  }
0x5cf: {  	[tilespmem:s21+$0x20] =	vst v1  }
0x5d0: {  	[tilespmem:s4+$0x80] =	vst v2  }
0x5d1: {  	[tilespmem:s4+$0x2800] =	vst v5  }
0x5d2: {  	[tilespmem:s4+$0x4F80] =	vst v63  }
.LBB2_24:
0x5d3: {  	s1 =	sshra.s32 s23, $0x2  }
0x5d4: {  	v1 =	vld [tilespmem:s1+$0x9E00]  }
0x5d5: {  	v2 =	vld [tilespmem:s1+$0xC580]  }
0x5d6: {  	v3 =	vld [tilespmem:s1+$0xED00]  }
0x5d7: {  	p1 =	sne.s32 s23, $0x9C00;
	v4 =	vld [tilespmem:s1+$0x11480]  }
.Ltmp11:
0x5d8: {  	_ = 	snop;
	(pc) =	sbr.rel @p1 .LBB2_24-.Ltmp11, $4  }
0x5d9: {  	[tilespmem:s1+$0x0] =	vst v1  }
0x5da: {  	[tilespmem:s1+$0x2780] =	vst v2  }
0x5db: {  	[tilespmem:s1+$0x4F00] =	vst v3  }
0x5dc: {  	s23 =	sadd.s32 $0x40, s23;
	[tilespmem:s1+$0x7680] =	vst v4  }
0x5dd: {  	s20 =	sld [smem:$0x7FD];
	_ =	sdelay $0x1  }
0x5de: {  	s12 =	simm.s32 $0x0;
	s1 =	simm.s32 $0x17B80;
	s24 =	simm.s32 $0x19480  }
0x5df: {  	[tilespmem:s1], [sflag:$0x1] =	stream.linear.gather [hbm4b:s20+s12], $0xC80, $0x38;
	[tilespmem:$0x1FF18] =	vst v63  }
0x5e0: {  	s6 =	simm.s32 $0x0;
	s21 =	simm.s32 $0x18800;
	s23 =	simm.s32 $0x1A100  }
0x5e1: {  	[tilespmem:s24], [sflag:$0x3] =	stream.linear.gather [spmem:s26], $0xC80, $0x38;
	[tilespmem:$0x1FF18] =	vst v63  }
.LBB2_26:
0x5e2: {  	s24 =	smul.u32 $0x1900, s6;
	_ =	sdelay $0x1  }
0x5e3: {  	s1 =	sadd.s32 $0xC80, s24  }
0x5e4: {  	s2 =	sshrl.u32 s1, $0x3  }
0x5e5: {  	s2 =	sadd.s32 s20, s2  }
0x5e6: {  	[tilespmem:s21], [sflag:$0x2] =	stream.linear.gather [hbm4b:s2+s12], $0xC80, $0x38;
	[tilespmem:$0x1FF18] =	vst v63  }
0x5e7: {  	s4 =	simm.s32 $0x1;
	s1 =	sadd.s32 s1, s26  }
0x5e8: {  	[tilespmem:s23], [sflag:$0x4] =	stream.linear.gather [spmem:s1], $0xC80, $0x38;
	[tilespmem:$0x1FF18] =	vst v63  }
0x5e9: {  	_ =	swait.ge [sflag:s4], $0xC80  }
0x5ea: {  	[sflag:s4] =	ssyncset.done $0x0  }
0x5eb: {  	s11 =	simm.s32 $0x3;
	[sflag:s4] =	ssyncadd.s32 $0xFFFFF380  }
0x5ec: {  	_ =	swait.ge [sflag:s11], $0xC80  }
0x5ed: {  	[sflag:s11] =	ssyncset.done $0x0  }
0x5ee: {  	s18 =	simm.s32 $0x17BD0;
	[sflag:s11] =	ssyncadd.s32 $0xFFFFF380  }
0x5ef: {  	v1 =	vld [tilespmem:s18+$0x40]  }
0x5f0: {  	s19 =	sand.u32 $0xFE0, s12;
	v2 =	vld [tilespmem:s18+$0xFFFFFFC0]  }
0x5f1: {  	v3 =	vld [tilespmem:s19+$0x17C00]  }
0x5f2: {  	v4 =	vld [tilespmem:s18+$0xFFFFFFD0]  }
0x5f3: {  	v5 =	vld [tilespmem:s18+$0xFFFFFFE0]  }
0x5f4: {  	v6 =	vld [tilespmem:s18+$0xFFFFFFF0]  }
0x5f5: {  	v8 =	vld [tilespmem:s18+$0x0]  }
0x5f6: {  	v9 =	vld [tilespmem:s18+$0x10]  }
0x5f7: {  	v11 =	vld [tilespmem:s18+$0x20]  }
0x5f8: {  	s11 =	simm.s32 $0x194D0;
	v13 =	vld [tilespmem:s18+$0xFFFFFFB0]  }
0x5f9: {  	v17 =	vld [tilespmem:s11+$0x40];
	v7 =	vand.u32 $0xFFFF, v1  }
0x5fa: {  	v20 =	vld [tilespmem:s19+$0x19500];
	v10 =	vand.u32 $0xFFFF, v3  }
0x5fb: {  	v33 =	vld [tilespmem:s11+$0xFFFFFFB0]  }
0x5fc: {  	v34 =	vld [tilespmem:s11+$0xFFFFFFC0]  }
0x5fd: {  	v35 =	vld [tilespmem:s11+$0xFFFFFFD0]  }
0x5fe: {  	v15 =	vld.idx.msk [tilespmem:v7+s22+$0x0], $0xffff  }
0x5ff: {  	v19 =	vld.idx.msk [tilespmem:v10+s22+$0x0], $0xffff  }
0x600: {  	v36 =	vld [tilespmem:s11+$0xFFFFFFE0];
	v1 =	vshrl.u32 v1, $0x10  }
0x601: {  	v37 =	vld [tilespmem:s11+$0xFFFFFFF0];
	v3 =	vshrl.u32 v3, $0x10  }
0x602: {  	v38 =	vld [tilespmem:s11+$0x0]  }
0x603: {  	v43 =	vld [tilespmem:s11+$0x10];
	v15 =	vmul.f32 v15, v17  }
0x604: {  	v44 =	vld [tilespmem:s11+$0x20];
	v12 =	vand.u32 $0xFFFF, v2;
	v19 =	vmul.f32 v19, v20  }
0x605: {  	v14 =	vand.u32 $0xFFFF, v4;
	[tilespmem:v1+s5+$0x0] =	vst.idx.add.f32.msk $0xffff, v15  }
0x606: {  	v16 =	vand.u32 $0xFFFF, v5;
	[tilespmem:v3+s5+$0x0] =	vst.idx.add.f32.msk $0xffff, v19  }
0x607: {  	v18 =	vand.u32 $0xFFFF, v6;
	v27 =	vld.idx.msk [tilespmem:v7+s25+$0x0], $0xffff  }
0x608: {  	v24 =	vand.u32 $0xFFFF, v13;
	v19 =	vld.idx.msk [tilespmem:v10+s25+$0x0], $0xffff  }
0x609: {  	v21 =	vld.idx.msk [tilespmem:v12+s22+$0x0], $0xffff  }
0x60a: {  	v22 =	vld.idx.msk [tilespmem:v14+s22+$0x0], $0xffff  }
0x60b: {  	v23 =	vld.idx.msk [tilespmem:v16+s22+$0x0], $0xffff  }
0x60c: {  	v25 =	vld.idx.msk [tilespmem:v18+s22+$0x0], $0xffff;
	v27 =	vmul.f32 v27, v17  }
0x60d: {  	v26 =	vand.u32 $0xFFFF, v8;
	v29 =	vld.idx.msk [tilespmem:v24+s22+$0x0], $0xffff;
	v19 =	vmul.f32 v19, v20  }
0x60e: {  	v41 =	vand.u32 $0xFFFF, v9;
	[tilespmem:v1+s13+$0x0] =	vst.idx.add.f32.msk $0xffff, v27  }
0x60f: {  	v28 =	vand.u32 $0xFFFF, v11;
	[tilespmem:v3+s13+$0x0] =	vst.idx.add.f32.msk $0xffff, v19  }
0x610: {  	v13 =	vshrl.u32 v13, $0x10;
	v27 =	vld.idx.msk [tilespmem:v7+s16+$0x0], $0xffff  }
0x611: {  	v2 =	vshrl.u32 v2, $0x10;
	v19 =	vld.idx.msk [tilespmem:v10+s16+$0x0], $0xffff  }
0x612: {  	v30 =	vld.idx.msk [tilespmem:v26+s22+$0x0], $0xffff  }
0x613: {  	v31 =	vld.idx.msk [tilespmem:v41+s22+$0x0], $0xffff;
	v42 =	vmul.f32 v29, v33  }
0x614: {  	v32 =	vld.idx.msk [tilespmem:v28+s22+$0x0], $0xffff;
	v21 =	vmul.f32 v21, v34  }
0x615: {  	[tilespmem:v13+s5+$0x0] =	vst.idx.add.f32.msk $0xffff, v42;
	v27 =	vmul.f32 v27, v17  }
0x616: {  	v4 =	vshrl.u32 v4, $0x10;
	[tilespmem:v2+s5+$0x0] =	vst.idx.add.f32.msk $0xffff, v21;
	v19 =	vmul.f32 v19, v20  }
0x617: {  	v5 =	vshrl.u32 v5, $0x10;
	[tilespmem:v1+s14+$0x0] =	vst.idx.add.f32.msk $0xffff, v27  }
0x618: {  	v6 =	vshrl.u32 v6, $0x10;
	[tilespmem:v3+s14+$0x0] =	vst.idx.add.f32.msk $0xffff, v19  }
0x619: {  	v11 =	vshrl.u32 v11, $0x10;
	v22 =	vmul.f32 v22, v35;
	v7 =	vld.idx.msk [tilespmem:v7+s17+$0x0], $0xffff  }
0x61a: {  	v45 =	vmul.f32 v23, v36;
	v10 =	vld.idx.msk [tilespmem:v10+s17+$0x0], $0xffff  }
0x61b: {  	v46 =	vmul.f32 v25, v37;
	[tilespmem:v4+s5+$0x0] =	vst.idx.add.f32.msk $0xffff, v22  }
0x61c: {  	v47 =	vmul.f32 v32, v44;
	[tilespmem:v5+s5+$0x0] =	vst.idx.add.f32.msk $0xffff, v45  }
0x61d: {  	v8 =	vshrl.u32 v8, $0x10;
	[tilespmem:v6+s5+$0x0] =	vst.idx.add.f32.msk $0xffff, v46  }
0x61e: {  	v9 =	vshrl.u32 v9, $0x10;
	[tilespmem:v11+s5+$0x0] =	vst.idx.add.f32.msk $0xffff, v47;
	v7 =	vmul.f32 v7, v17  }
0x61f: {  	v48 =	vld.idx.msk [tilespmem:v14+s25+$0x0], $0xffff;
	v10 =	vmul.f32 v10, v20  }
0x620: {  	[tilespmem:v1+s15+$0x0] =	vst.idx.add.f32.msk $0xffff, v7;
	v1 =	vmul.f32 v30, v38  }
0x621: {  	[tilespmem:v3+s15+$0x0] =	vst.idx.add.f32.msk $0xffff, v10;
	v3 =	vmul.f32 v31, v43  }
0x622: {  	[tilespmem:v8+s5+$0x0] =	vst.idx.add.f32.msk $0xffff, v1  }
0x623: {  	[tilespmem:v9+s5+$0x0] =	vst.idx.add.f32.msk $0xffff, v3  }
0x624: {  	v1 =	vld.idx.msk [tilespmem:v24+s25+$0x0], $0xffff  }
0x625: {  	v3 =	vld.idx.msk [tilespmem:v12+s25+$0x0], $0xffff  }
0x626: {  	v49 =	vld.idx.msk [tilespmem:v16+s25+$0x0], $0xffff  }
0x627: {  	v52 =	vld.idx.msk [tilespmem:v28+s25+$0x0], $0xffff  }
0x628: {  	v17 =	vld.idx.msk [tilespmem:v18+s25+$0x0], $0xffff  }
0x629: {  	v50 =	vld.idx.msk [tilespmem:v26+s25+$0x0], $0xffff;
	v1 =	vmul.f32 v1, v33  }
0x62a: {  	v51 =	vld.idx.msk [tilespmem:v41+s25+$0x0], $0xffff;
	v3 =	vmul.f32 v3, v34  }
0x62b: {  	[tilespmem:v13+s13+$0x0] =	vst.idx.add.f32.msk $0xffff, v1;
	v1 =	vmul.f32 v48, v35  }
0x62c: {  	[tilespmem:v2+s13+$0x0] =	vst.idx.add.f32.msk $0xffff, v3;
	v3 =	vmul.f32 v49, v36  }
0x62d: {  	[tilespmem:v4+s13+$0x0] =	vst.idx.add.f32.msk $0xffff, v1  }
0x62e: {  	v1 =	vmul.f32 v17, v37;
	[tilespmem:v5+s13+$0x0] =	vst.idx.add.f32.msk $0xffff, v3  }
0x62f: {  	v3 =	vmul.f32 v50, v38;
	v53 =	vld.idx.msk [tilespmem:v14+s16+$0x0], $0xffff  }
0x630: {  	[tilespmem:v6+s13+$0x0] =	vst.idx.add.f32.msk $0xffff, v1;
	v1 =	vmul.f32 v51, v43  }
0x631: {  	[tilespmem:v8+s13+$0x0] =	vst.idx.add.f32.msk $0xffff, v3;
	v3 =	vmul.f32 v52, v44  }
0x632: {  	[tilespmem:v9+s13+$0x0] =	vst.idx.add.f32.msk $0xffff, v1  }
0x633: {  	[tilespmem:v11+s13+$0x0] =	vst.idx.add.f32.msk $0xffff, v3  }
0x634: {  	v1 =	vld.idx.msk [tilespmem:v24+s16+$0x0], $0xffff  }
0x635: {  	v3 =	vld.idx.msk [tilespmem:v12+s16+$0x0], $0xffff  }
0x636: {  	v54 =	vld.idx.msk [tilespmem:v16+s16+$0x0], $0xffff  }
0x637: {  	v55 =	vld.idx.msk [tilespmem:v18+s16+$0x0], $0xffff  }
0x638: {  	v56 =	vld.idx.msk [tilespmem:v26+s16+$0x0], $0xffff  }
0x639: {  	v57 =	vld.idx.msk [tilespmem:v41+s16+$0x0], $0xffff;
	v1 =	vmul.f32 v1, v33  }
0x63a: {  	v58 =	vld.idx.msk [tilespmem:v28+s16+$0x0], $0xffff;
	v3 =	vmul.f32 v3, v34  }
0x63b: {  	[tilespmem:v13+s14+$0x0] =	vst.idx.add.f32.msk $0xffff, v1;
	v1 =	vmul.f32 v53, v35  }
0x63c: {  	[tilespmem:v2+s14+$0x0] =	vst.idx.add.f32.msk $0xffff, v3;
	v3 =	vmul.f32 v54, v36  }
0x63d: {  	[tilespmem:v4+s14+$0x0] =	vst.idx.add.f32.msk $0xffff, v1  }
0x63e: {  	v1 =	vmul.f32 v55, v37;
	[tilespmem:v5+s14+$0x0] =	vst.idx.add.f32.msk $0xffff, v3  }
0x63f: {  	v3 =	vmul.f32 v56, v38;
	v59 =	vld.idx.msk [tilespmem:v14+s17+$0x0], $0xffff  }
0x640: {  	[tilespmem:v6+s14+$0x0] =	vst.idx.add.f32.msk $0xffff, v1;
	v1 =	vmul.f32 v57, v43  }
0x641: {  	[tilespmem:v8+s14+$0x0] =	vst.idx.add.f32.msk $0xffff, v3;
	v3 =	vmul.f32 v58, v44  }
0x642: {  	[tilespmem:v9+s14+$0x0] =	vst.idx.add.f32.msk $0xffff, v1  }
0x643: {  	[tilespmem:v11+s14+$0x0] =	vst.idx.add.f32.msk $0xffff, v3  }
0x644: {  	v1 =	vld.idx.msk [tilespmem:v24+s17+$0x0], $0xffff  }
0x645: {  	v3 =	vld.idx.msk [tilespmem:v12+s17+$0x0], $0xffff  }
0x646: {  	v60 =	vld.idx.msk [tilespmem:v16+s17+$0x0], $0xffff  }
0x647: {  	v61 =	vld.idx.msk [tilespmem:v18+s17+$0x0], $0xffff  }
0x648: {  	v62 =	vld.idx.msk [tilespmem:v26+s17+$0x0], $0xffff  }
0x649: {  	v15 =	vld.idx.msk [tilespmem:v41+s17+$0x0], $0xffff;
	v1 =	vmul.f32 v1, v33  }
0x64a: {  	v63 =	vld.idx.msk [tilespmem:v28+s17+$0x0], $0xffff;
	v3 =	vmul.f32 v3, v34  }
0x64b: {  	[tilespmem:v13+s15+$0x0] =	vst.idx.add.f32.msk $0xffff, v1;
	v1 =	vmul.f32 v59, v35  }
0x64c: {  	[tilespmem:v2+s15+$0x0] =	vst.idx.add.f32.msk $0xffff, v3;
	v2 =	vmul.f32 v60, v36  }
0x64d: {  	[tilespmem:v4+s15+$0x0] =	vst.idx.add.f32.msk $0xffff, v1;
	v1 =	vmul.f32 v61, v37  }
0x64e: {  	[tilespmem:v5+s15+$0x0] =	vst.idx.add.f32.msk $0xffff, v2;
	v2 =	vmul.f32 v62, v38  }
0x64f: {  	[tilespmem:v6+s15+$0x0] =	vst.idx.add.f32.msk $0xffff, v1;
	v1 =	vmul.f32 v15, v43  }
0x650: {  	[tilespmem:v8+s15+$0x0] =	vst.idx.add.f32.msk $0xffff, v2;
	v2 =	vmul.f32 v63, v44  }
0x651: {  	[tilespmem:v9+s15+$0x0] =	vst.idx.add.f32.msk $0xffff, v1  }
0x652: {  	s4 =	simm.s32 $0x0;
	s18 =	simm.s32 $0x0;
	s19 =	simm.s32 $0x17C70;
	[tilespmem:v11+s15+$0x0] =	vst.idx.add.f32.msk $0xffff, v2  }
.LBB2_27:
0x653: {  	v15 =	vld [tilespmem:s19+$0x40];
	s4 =	sadd.s32 $0xA0, s4  }
0x654: {  	s18 =	sadd.s32 $0xA, s18;
	v2 =	vld [tilespmem:s19+$0xFFFFFFC0];
	s1 =	sand.u32 $0xFE0, s4  }
0x655: {  	p1 =	slt.u32 s18, $0xBE;
	v17 =	vld [tilespmem:s1+$0x17C00]  }
0x656: {  	v3 =	vld [tilespmem:s19+$0xFFFFFFD0]  }
0x657: {  	v4 =	vld [tilespmem:s19+$0xFFFFFFE0]  }
0x658: {  	v5 =	vld [tilespmem:s19+$0xFFFFFFF0];
	v23 =	vand.u32 $0xFFFF, v15  }
0x659: {  	v1 =	vshrl.u32 v2, $0x10;
	v8 =	vand.u32 $0xFFFF, v2;
	v6 =	vld [tilespmem:s19+$0x0]  }
0x65a: {  	v7 =	vld [tilespmem:s19+$0x10];
	v24 =	vand.u32 $0xFFFF, v17  }
0x65b: {  	v2 =	vshrl.u32 v3, $0x10;
	v9 =	vand.u32 $0xFFFF, v3;
	v14 =	vld [tilespmem:s19+$0x20]  }
0x65c: {  	v16 =	vld [tilespmem:s19+$0xFFFFFFB0];
	v3 =	vshrl.u32 v4, $0x10;
	v10 =	vand.u32 $0xFFFF, v4  }
0x65d: {  	s11 =	sadd.s32 $0xA0, s11;
	v4 =	vshrl.u32 v5, $0x10;
	v11 =	vand.u32 $0xFFFF, v5;
	v18 =	vld.idx.msk [tilespmem:v23+s22+$0x0], $0xffff  }
0x65e: {  	v5 =	vshrl.u32 v6, $0x10;
	v12 =	vand.u32 $0xFFFF, v6;
	v25 =	vld [tilespmem:s11+$0x40]  }
0x65f: {  	v6 =	vshrl.u32 v7, $0x10;
	v13 =	vand.u32 $0xFFFF, v7;
	v19 =	vld.idx.msk [tilespmem:v24+s22+$0x0], $0xffff  }
0x660: {  	v27 =	vshrl.u32 v15, $0x10;
	v7 =	vshrl.u32 v14, $0x10;
	v14 =	vand.u32 $0xFFFF, v14;
	v26 =	vld [tilespmem:s1+$0x19500]  }
0x661: {  	v15 =	vshrl.u32 v16, $0x10;
	v16 =	vand.u32 $0xFFFF, v16;
	v28 =	vld.idx.msk [tilespmem:v8+s22+$0x0], $0xffff  }
0x662: {  	v30 =	vshrl.u32 v17, $0x10;
	v29 =	vld.idx.msk [tilespmem:v9+s22+$0x0], $0xffff  }
0x663: {  	v31 =	vld.idx.msk [tilespmem:v10+s22+$0x0], $0xffff;
	v17 =	vmul.f32 v18, v25  }
0x664: {  	v32 =	vld.idx.msk [tilespmem:v11+s22+$0x0], $0xffff  }
0x665: {  	v18 =	vmul.f32 v19, v26;
	[tilespmem:v27+s5+$0x0] =	vst.idx.add.f32.msk $0xffff, v17  }
0x666: {  	v17 =	vld.idx.msk [tilespmem:v23+s25+$0x0], $0xffff  }
0x667: {  	[tilespmem:v30+s5+$0x0] =	vst.idx.add.f32.msk $0xffff, v18  }
0x668: {  	v18 =	vld.idx.msk [tilespmem:v24+s25+$0x0], $0xffff  }
0x669: {  	v19 =	vld.idx.msk [tilespmem:v16+s22+$0x0], $0xffff  }
0x66a: {  	v33 =	vld.idx.msk [tilespmem:v12+s22+$0x0], $0xffff  }
0x66b: {  	v34 =	vld.idx.msk [tilespmem:v13+s22+$0x0], $0xffff  }
0x66c: {  	v20 =	vmul.f32 v17, v25;
	v35 =	vld.idx.msk [tilespmem:v14+s22+$0x0], $0xffff  }
0x66d: {  	v17 =	vld [tilespmem:s11+$0xFFFFFFB0]  }
0x66e: {  	v18 =	vmul.f32 v18, v26;
	[tilespmem:v27+s13+$0x0] =	vst.idx.add.f32.msk $0xffff, v20  }
0x66f: {  	v36 =	vld.idx.msk [tilespmem:v23+s16+$0x0], $0xffff  }
0x670: {  	[tilespmem:v30+s13+$0x0] =	vst.idx.add.f32.msk $0xffff, v18  }
0x671: {  	v37 =	vld.idx.msk [tilespmem:v24+s16+$0x0], $0xffff  }
0x672: {  	v38 =	vmul.f32 v19, v17;
	v22 =	vld [tilespmem:s11+$0xFFFFFFC0]  }
0x673: {  	v21 =	vld [tilespmem:s11+$0xFFFFFFD0]  }
0x674: {  	v20 =	vld [tilespmem:s11+$0xFFFFFFE0]  }
0x675: {  	v36 =	vmul.f32 v36, v25;
	v18 =	vld [tilespmem:s11+$0xFFFFFFF0]  }
0x676: {  	v19 =	vld [tilespmem:s11+$0x0]  }
0x677: {  	v37 =	vmul.f32 v37, v26;
	v28 =	vmul.f32 v28, v22;
	[tilespmem:v27+s14+$0x0] =	vst.idx.add.f32.msk $0xffff, v36  }
0x678: {  	v29 =	vmul.f32 v29, v21;
	v36 =	vld.idx.msk [tilespmem:v23+s17+$0x0], $0xffff  }
0x679: {  	v31 =	vmul.f32 v31, v20;
	[tilespmem:v30+s14+$0x0] =	vst.idx.add.f32.msk $0xffff, v37  }
0x67a: {  	v32 =	vmul.f32 v32, v18;
	v37 =	vld.idx.msk [tilespmem:v24+s17+$0x0], $0xffff  }
0x67b: {  	v33 =	vmul.f32 v33, v19;
	v24 =	vld [tilespmem:s11+$0x10]  }
0x67c: {  	v23 =	vld [tilespmem:s11+$0x20]  }
0x67d: {  	[tilespmem:v15+s5+$0x0] =	vst.idx.add.f32.msk $0xffff, v38  }
0x67e: {  	[tilespmem:v1+s5+$0x0] =	vst.idx.add.f32.msk $0xffff, v28  }
0x67f: {  	v25 =	vmul.f32 v36, v25;
	[tilespmem:v2+s5+$0x0] =	vst.idx.add.f32.msk $0xffff, v29  }
0x680: {  	v26 =	vmul.f32 v37, v26;
	[tilespmem:v3+s5+$0x0] =	vst.idx.add.f32.msk $0xffff, v31;
	v28 =	vmul.f32 v34, v24  }
0x681: {  	v29 =	vmul.f32 v35, v23;
	[tilespmem:v27+s15+$0x0] =	vst.idx.add.f32.msk $0xffff, v25  }
0x682: {  	[tilespmem:v30+s15+$0x0] =	vst.idx.add.f32.msk $0xffff, v26  }
0x683: {  	[tilespmem:v4+s5+$0x0] =	vst.idx.add.f32.msk $0xffff, v32  }
0x684: {  	[tilespmem:v5+s5+$0x0] =	vst.idx.add.f32.msk $0xffff, v33  }
0x685: {  	[tilespmem:v6+s5+$0x0] =	vst.idx.add.f32.msk $0xffff, v28  }
0x686: {  	[tilespmem:v7+s5+$0x0] =	vst.idx.add.f32.msk $0xffff, v29  }
0x687: {  	v25 =	vld.idx.msk [tilespmem:v16+s25+$0x0], $0xffff  }
0x688: {  	v26 =	vld.idx.msk [tilespmem:v8+s25+$0x0], $0xffff  }
0x689: {  	v27 =	vld.idx.msk [tilespmem:v9+s25+$0x0], $0xffff  }
0x68a: {  	v28 =	vld.idx.msk [tilespmem:v10+s25+$0x0], $0xffff  }
0x68b: {  	v29 =	vld.idx.msk [tilespmem:v11+s25+$0x0], $0xffff  }
0x68c: {  	v30 =	vld.idx.msk [tilespmem:v12+s25+$0x0], $0xffff  }
0x68d: {  	v25 =	vmul.f32 v25, v17;
	v31 =	vld.idx.msk [tilespmem:v13+s25+$0x0], $0xffff  }
0x68e: {  	v26 =	vmul.f32 v26, v22;
	v32 =	vld.idx.msk [tilespmem:v14+s25+$0x0], $0xffff  }
0x68f: {  	[tilespmem:v15+s13+$0x0] =	vst.idx.add.f32.msk $0xffff, v25;
	v25 =	vmul.f32 v27, v21  }
0x690: {  	[tilespmem:v1+s13+$0x0] =	vst.idx.add.f32.msk $0xffff, v26;
	v26 =	vmul.f32 v28, v20  }
0x691: {  	[tilespmem:v2+s13+$0x0] =	vst.idx.add.f32.msk $0xffff, v25;
	v25 =	vmul.f32 v29, v18  }
0x692: {  	[tilespmem:v3+s13+$0x0] =	vst.idx.add.f32.msk $0xffff, v26;
	v26 =	vmul.f32 v30, v19  }
0x693: {  	[tilespmem:v4+s13+$0x0] =	vst.idx.add.f32.msk $0xffff, v25;
	v25 =	vmul.f32 v31, v24  }
0x694: {  	[tilespmem:v5+s13+$0x0] =	vst.idx.add.f32.msk $0xffff, v26;
	v26 =	vmul.f32 v32, v23  }
0x695: {  	[tilespmem:v6+s13+$0x0] =	vst.idx.add.f32.msk $0xffff, v25  }
0x696: {  	[tilespmem:v7+s13+$0x0] =	vst.idx.add.f32.msk $0xffff, v26  }
0x697: {  	v25 =	vld.idx.msk [tilespmem:v16+s16+$0x0], $0xffff  }
0x698: {  	v26 =	vld.idx.msk [tilespmem:v8+s16+$0x0], $0xffff  }
0x699: {  	v27 =	vld.idx.msk [tilespmem:v9+s16+$0x0], $0xffff  }
0x69a: {  	v28 =	vld.idx.msk [tilespmem:v10+s16+$0x0], $0xffff  }
0x69b: {  	v29 =	vld.idx.msk [tilespmem:v11+s16+$0x0], $0xffff  }
0x69c: {  	v30 =	vld.idx.msk [tilespmem:v12+s16+$0x0], $0xffff  }
0x69d: {  	v25 =	vmul.f32 v25, v17;
	v31 =	vld.idx.msk [tilespmem:v13+s16+$0x0], $0xffff  }
0x69e: {  	v26 =	vmul.f32 v26, v22;
	v32 =	vld.idx.msk [tilespmem:v14+s16+$0x0], $0xffff  }
0x69f: {  	[tilespmem:v15+s14+$0x0] =	vst.idx.add.f32.msk $0xffff, v25;
	v25 =	vmul.f32 v27, v21  }
0x6a0: {  	[tilespmem:v1+s14+$0x0] =	vst.idx.add.f32.msk $0xffff, v26;
	v26 =	vmul.f32 v28, v20  }
0x6a1: {  	[tilespmem:v2+s14+$0x0] =	vst.idx.add.f32.msk $0xffff, v25;
	v25 =	vmul.f32 v29, v18  }
0x6a2: {  	[tilespmem:v3+s14+$0x0] =	vst.idx.add.f32.msk $0xffff, v26;
	v26 =	vmul.f32 v30, v19  }
0x6a3: {  	[tilespmem:v4+s14+$0x0] =	vst.idx.add.f32.msk $0xffff, v25;
	v25 =	vmul.f32 v31, v24  }
0x6a4: {  	[tilespmem:v5+s14+$0x0] =	vst.idx.add.f32.msk $0xffff, v26;
	v26 =	vmul.f32 v32, v23  }
0x6a5: {  	[tilespmem:v6+s14+$0x0] =	vst.idx.add.f32.msk $0xffff, v25  }
0x6a6: {  	[tilespmem:v7+s14+$0x0] =	vst.idx.add.f32.msk $0xffff, v26  }
0x6a7: {  	v16 =	vld.idx.msk [tilespmem:v16+s17+$0x0], $0xffff  }
0x6a8: {  	v8 =	vld.idx.msk [tilespmem:v8+s17+$0x0], $0xffff  }
0x6a9: {  	v9 =	vld.idx.msk [tilespmem:v9+s17+$0x0], $0xffff  }
0x6aa: {  	v10 =	vld.idx.msk [tilespmem:v10+s17+$0x0], $0xffff  }
0x6ab: {  	v11 =	vld.idx.msk [tilespmem:v11+s17+$0x0], $0xffff  }
0x6ac: {  	v12 =	vld.idx.msk [tilespmem:v12+s17+$0x0], $0xffff  }
0x6ad: {  	v16 =	vmul.f32 v16, v17;
	v13 =	vld.idx.msk [tilespmem:v13+s17+$0x0], $0xffff  }
0x6ae: {  	v8 =	vmul.f32 v8, v22;
	v14 =	vld.idx.msk [tilespmem:v14+s17+$0x0], $0xffff  }
0x6af: {  	v9 =	vmul.f32 v9, v21;
	[tilespmem:v15+s15+$0x0] =	vst.idx.add.f32.msk $0xffff, v16  }
0x6b0: {  	[tilespmem:v1+s15+$0x0] =	vst.idx.add.f32.msk $0xffff, v8;
	v1 =	vmul.f32 v10, v20  }
0x6b1: {  	[tilespmem:v2+s15+$0x0] =	vst.idx.add.f32.msk $0xffff, v9;
	v2 =	vmul.f32 v11, v18  }
.Ltmp12:
0x6b2: {  	[tilespmem:v3+s15+$0x0] =	vst.idx.add.f32.msk $0xffff, v1;
	v1 =	vmul.f32 v12, v19;
	(pc) =	sbr.rel @p1 .LBB2_27-.Ltmp12, $4  }
0x6b3: {  	[tilespmem:v4+s15+$0x0] =	vst.idx.add.f32.msk $0xffff, v2;
	v2 =	vmul.f32 v13, v24  }
0x6b4: {  	[tilespmem:v5+s15+$0x0] =	vst.idx.add.f32.msk $0xffff, v1;
	v1 =	vmul.f32 v14, v23  }
0x6b5: {  	[tilespmem:v6+s15+$0x0] =	vst.idx.add.f32.msk $0xffff, v2  }
0x6b6: {  	s19 =	sadd.s32 $0xA0, s19;
	[tilespmem:v7+s15+$0x0] =	vst.idx.add.f32.msk $0xffff, v1  }
0x6b7: {  	p1 =	seq.s32 s6, $0x31  }
0x6b8: {  	s1 =	sadd.s32 @!p1 $0x1900, s24  }
0x6b9: {  	s2 =	sshrl.u32 @!p1 s1, $0x3  }
0x6ba: {  	s4 =	simm.s32 @!p1 $0x0;
	s11 =	simm.s32 @!p1 $0x17B80;
	s2 =	sadd.s32 @!p1 s20, s2  }
0x6bb: {  	[tilespmem:s11], [sflag:$0x1] =	stream.linear.gather @!p1 [hbm4b:s2+s4], $0xC80, $0x38;
	[tilespmem:$0x1FF18] =	vst v63  }
0x6bc: {  	s1 =	sadd.s32 @!p1 s1, s26;
	s2 =	simm.s32 @!p1 $0x19480;
	s4 =	simm.s32 $0x2  }
0x6bd: {  	[tilespmem:s2], [sflag:$0x3] =	stream.linear.gather @!p1 [spmem:s1], $0xC80, $0x38;
	[tilespmem:$0x1FF18] =	vst v63  }
0x6be: {  	_ =	swait.ge [sflag:s4], $0xC80  }
0x6bf: {  	[sflag:s4] =	ssyncset.done $0x0  }
0x6c0: {  	s11 =	simm.s32 $0x4;
	[sflag:s4] =	ssyncadd.s32 $0xFFFFF380  }
0x6c1: {  	_ =	swait.ge [sflag:s11], $0xC80  }
0x6c2: {  	[sflag:s11] =	ssyncset.done $0x0  }
0x6c3: {  	s18 =	simm.s32 $0x18850;
	[sflag:s11] =	ssyncadd.s32 $0xFFFFF380  }
0x6c4: {  	s24 =	simm.s32 $0x0;
	v1 =	vld [tilespmem:s18+$0x40]  }
0x6c5: {  	s19 =	sand.u32 $0xFE0, s24;
	v2 =	vld [tilespmem:s18+$0xFFFFFFC0]  }
0x6c6: {  	v3 =	vld [tilespmem:s19+$0x18880]  }
0x6c7: {  	v4 =	vld [tilespmem:s18+$0xFFFFFFD0]  }
0x6c8: {  	v5 =	vld [tilespmem:s18+$0xFFFFFFE0]  }
0x6c9: {  	v6 =	vld [tilespmem:s18+$0xFFFFFFF0]  }
0x6ca: {  	v8 =	vld [tilespmem:s18+$0x0]  }
0x6cb: {  	v9 =	vld [tilespmem:s18+$0x10]  }
0x6cc: {  	v11 =	vld [tilespmem:s18+$0x20]  }
0x6cd: {  	s11 =	simm.s32 $0x1A150;
	v13 =	vld [tilespmem:s18+$0xFFFFFFB0]  }
0x6ce: {  	v17 =	vld [tilespmem:s11+$0x40];
	v7 =	vand.u32 $0xFFFF, v1  }
0x6cf: {  	v20 =	vld [tilespmem:s19+$0x1A180];
	v10 =	vand.u32 $0xFFFF, v3  }
0x6d0: {  	v33 =	vld [tilespmem:s11+$0xFFFFFFB0]  }
0x6d1: {  	v34 =	vld [tilespmem:s11+$0xFFFFFFC0]  }
0x6d2: {  	v35 =	vld [tilespmem:s11+$0xFFFFFFD0]  }
0x6d3: {  	v15 =	vld.idx.msk [tilespmem:v7+s22+$0x0], $0xffff  }
0x6d4: {  	v19 =	vld.idx.msk [tilespmem:v10+s22+$0x0], $0xffff  }
0x6d5: {  	v36 =	vld [tilespmem:s11+$0xFFFFFFE0];
	v1 =	vshrl.u32 v1, $0x10  }
0x6d6: {  	v37 =	vld [tilespmem:s11+$0xFFFFFFF0];
	v3 =	vshrl.u32 v3, $0x10  }
0x6d7: {  	v38 =	vld [tilespmem:s11+$0x0]  }
0x6d8: {  	v43 =	vld [tilespmem:s11+$0x10];
	v15 =	vmul.f32 v15, v17  }
0x6d9: {  	v44 =	vld [tilespmem:s11+$0x20];
	v12 =	vand.u32 $0xFFFF, v2;
	v19 =	vmul.f32 v19, v20  }
0x6da: {  	v14 =	vand.u32 $0xFFFF, v4;
	[tilespmem:v1+s5+$0x0] =	vst.idx.add.f32.msk $0xffff, v15  }
0x6db: {  	v16 =	vand.u32 $0xFFFF, v5;
	[tilespmem:v3+s5+$0x0] =	vst.idx.add.f32.msk $0xffff, v19  }
0x6dc: {  	v18 =	vand.u32 $0xFFFF, v6;
	v27 =	vld.idx.msk [tilespmem:v7+s25+$0x0], $0xffff  }
0x6dd: {  	v24 =	vand.u32 $0xFFFF, v13;
	v19 =	vld.idx.msk [tilespmem:v10+s25+$0x0], $0xffff  }
0x6de: {  	v21 =	vld.idx.msk [tilespmem:v12+s22+$0x0], $0xffff  }
0x6df: {  	v22 =	vld.idx.msk [tilespmem:v14+s22+$0x0], $0xffff  }
0x6e0: {  	v23 =	vld.idx.msk [tilespmem:v16+s22+$0x0], $0xffff  }
0x6e1: {  	v25 =	vld.idx.msk [tilespmem:v18+s22+$0x0], $0xffff;
	v27 =	vmul.f32 v27, v17  }
0x6e2: {  	v26 =	vand.u32 $0xFFFF, v8;
	v29 =	vld.idx.msk [tilespmem:v24+s22+$0x0], $0xffff;
	v19 =	vmul.f32 v19, v20  }
0x6e3: {  	v41 =	vand.u32 $0xFFFF, v9;
	[tilespmem:v1+s13+$0x0] =	vst.idx.add.f32.msk $0xffff, v27  }
0x6e4: {  	v28 =	vand.u32 $0xFFFF, v11;
	[tilespmem:v3+s13+$0x0] =	vst.idx.add.f32.msk $0xffff, v19  }
0x6e5: {  	v13 =	vshrl.u32 v13, $0x10;
	v27 =	vld.idx.msk [tilespmem:v7+s16+$0x0], $0xffff  }
0x6e6: {  	v2 =	vshrl.u32 v2, $0x10;
	v19 =	vld.idx.msk [tilespmem:v10+s16+$0x0], $0xffff  }
0x6e7: {  	v30 =	vld.idx.msk [tilespmem:v26+s22+$0x0], $0xffff  }
0x6e8: {  	v31 =	vld.idx.msk [tilespmem:v41+s22+$0x0], $0xffff;
	v42 =	vmul.f32 v29, v33  }
0x6e9: {  	v32 =	vld.idx.msk [tilespmem:v28+s22+$0x0], $0xffff;
	v21 =	vmul.f32 v21, v34  }
0x6ea: {  	[tilespmem:v13+s5+$0x0] =	vst.idx.add.f32.msk $0xffff, v42;
	v27 =	vmul.f32 v27, v17  }
0x6eb: {  	v4 =	vshrl.u32 v4, $0x10;
	[tilespmem:v2+s5+$0x0] =	vst.idx.add.f32.msk $0xffff, v21;
	v19 =	vmul.f32 v19, v20  }
0x6ec: {  	v5 =	vshrl.u32 v5, $0x10;
	[tilespmem:v1+s14+$0x0] =	vst.idx.add.f32.msk $0xffff, v27  }
0x6ed: {  	v6 =	vshrl.u32 v6, $0x10;
	[tilespmem:v3+s14+$0x0] =	vst.idx.add.f32.msk $0xffff, v19  }
0x6ee: {  	v11 =	vshrl.u32 v11, $0x10;
	v22 =	vmul.f32 v22, v35;
	v7 =	vld.idx.msk [tilespmem:v7+s17+$0x0], $0xffff  }
0x6ef: {  	v45 =	vmul.f32 v23, v36;
	v10 =	vld.idx.msk [tilespmem:v10+s17+$0x0], $0xffff  }
0x6f0: {  	v46 =	vmul.f32 v25, v37;
	[tilespmem:v4+s5+$0x0] =	vst.idx.add.f32.msk $0xffff, v22  }
0x6f1: {  	v47 =	vmul.f32 v32, v44;
	[tilespmem:v5+s5+$0x0] =	vst.idx.add.f32.msk $0xffff, v45  }
0x6f2: {  	v8 =	vshrl.u32 v8, $0x10;
	[tilespmem:v6+s5+$0x0] =	vst.idx.add.f32.msk $0xffff, v46  }
0x6f3: {  	v9 =	vshrl.u32 v9, $0x10;
	[tilespmem:v11+s5+$0x0] =	vst.idx.add.f32.msk $0xffff, v47;
	v7 =	vmul.f32 v7, v17  }
0x6f4: {  	v48 =	vld.idx.msk [tilespmem:v14+s25+$0x0], $0xffff;
	v10 =	vmul.f32 v10, v20  }
0x6f5: {  	[tilespmem:v1+s15+$0x0] =	vst.idx.add.f32.msk $0xffff, v7;
	v1 =	vmul.f32 v30, v38  }
0x6f6: {  	[tilespmem:v3+s15+$0x0] =	vst.idx.add.f32.msk $0xffff, v10;
	v3 =	vmul.f32 v31, v43  }
0x6f7: {  	[tilespmem:v8+s5+$0x0] =	vst.idx.add.f32.msk $0xffff, v1  }
0x6f8: {  	[tilespmem:v9+s5+$0x0] =	vst.idx.add.f32.msk $0xffff, v3  }
0x6f9: {  	v1 =	vld.idx.msk [tilespmem:v24+s25+$0x0], $0xffff  }
0x6fa: {  	v3 =	vld.idx.msk [tilespmem:v12+s25+$0x0], $0xffff  }
0x6fb: {  	v49 =	vld.idx.msk [tilespmem:v16+s25+$0x0], $0xffff  }
0x6fc: {  	v52 =	vld.idx.msk [tilespmem:v28+s25+$0x0], $0xffff  }
0x6fd: {  	v17 =	vld.idx.msk [tilespmem:v18+s25+$0x0], $0xffff  }
0x6fe: {  	v50 =	vld.idx.msk [tilespmem:v26+s25+$0x0], $0xffff;
	v1 =	vmul.f32 v1, v33  }
0x6ff: {  	v51 =	vld.idx.msk [tilespmem:v41+s25+$0x0], $0xffff;
	v3 =	vmul.f32 v3, v34  }
0x700: {  	[tilespmem:v13+s13+$0x0] =	vst.idx.add.f32.msk $0xffff, v1;
	v1 =	vmul.f32 v48, v35  }
0x701: {  	[tilespmem:v2+s13+$0x0] =	vst.idx.add.f32.msk $0xffff, v3;
	v3 =	vmul.f32 v49, v36  }
0x702: {  	[tilespmem:v4+s13+$0x0] =	vst.idx.add.f32.msk $0xffff, v1  }
0x703: {  	v1 =	vmul.f32 v17, v37;
	[tilespmem:v5+s13+$0x0] =	vst.idx.add.f32.msk $0xffff, v3  }
0x704: {  	v3 =	vmul.f32 v50, v38;
	v53 =	vld.idx.msk [tilespmem:v14+s16+$0x0], $0xffff  }
0x705: {  	[tilespmem:v6+s13+$0x0] =	vst.idx.add.f32.msk $0xffff, v1;
	v1 =	vmul.f32 v51, v43  }
0x706: {  	[tilespmem:v8+s13+$0x0] =	vst.idx.add.f32.msk $0xffff, v3;
	v3 =	vmul.f32 v52, v44  }
0x707: {  	[tilespmem:v9+s13+$0x0] =	vst.idx.add.f32.msk $0xffff, v1  }
0x708: {  	[tilespmem:v11+s13+$0x0] =	vst.idx.add.f32.msk $0xffff, v3  }
0x709: {  	v1 =	vld.idx.msk [tilespmem:v24+s16+$0x0], $0xffff  }
0x70a: {  	v3 =	vld.idx.msk [tilespmem:v12+s16+$0x0], $0xffff  }
0x70b: {  	v54 =	vld.idx.msk [tilespmem:v16+s16+$0x0], $0xffff  }
0x70c: {  	v55 =	vld.idx.msk [tilespmem:v18+s16+$0x0], $0xffff  }
0x70d: {  	v56 =	vld.idx.msk [tilespmem:v26+s16+$0x0], $0xffff  }
0x70e: {  	v57 =	vld.idx.msk [tilespmem:v41+s16+$0x0], $0xffff;
	v1 =	vmul.f32 v1, v33  }
0x70f: {  	v58 =	vld.idx.msk [tilespmem:v28+s16+$0x0], $0xffff;
	v3 =	vmul.f32 v3, v34  }
0x710: {  	[tilespmem:v13+s14+$0x0] =	vst.idx.add.f32.msk $0xffff, v1;
	v1 =	vmul.f32 v53, v35  }
0x711: {  	[tilespmem:v2+s14+$0x0] =	vst.idx.add.f32.msk $0xffff, v3;
	v3 =	vmul.f32 v54, v36  }
0x712: {  	[tilespmem:v4+s14+$0x0] =	vst.idx.add.f32.msk $0xffff, v1  }
0x713: {  	v1 =	vmul.f32 v55, v37;
	[tilespmem:v5+s14+$0x0] =	vst.idx.add.f32.msk $0xffff, v3  }
0x714: {  	v3 =	vmul.f32 v56, v38;
	v59 =	vld.idx.msk [tilespmem:v14+s17+$0x0], $0xffff  }
0x715: {  	[tilespmem:v6+s14+$0x0] =	vst.idx.add.f32.msk $0xffff, v1;
	v1 =	vmul.f32 v57, v43  }
0x716: {  	[tilespmem:v8+s14+$0x0] =	vst.idx.add.f32.msk $0xffff, v3;
	v3 =	vmul.f32 v58, v44  }
0x717: {  	[tilespmem:v9+s14+$0x0] =	vst.idx.add.f32.msk $0xffff, v1  }
0x718: {  	[tilespmem:v11+s14+$0x0] =	vst.idx.add.f32.msk $0xffff, v3  }
0x719: {  	v1 =	vld.idx.msk [tilespmem:v24+s17+$0x0], $0xffff  }
0x71a: {  	v3 =	vld.idx.msk [tilespmem:v12+s17+$0x0], $0xffff  }
0x71b: {  	v60 =	vld.idx.msk [tilespmem:v16+s17+$0x0], $0xffff  }
0x71c: {  	v61 =	vld.idx.msk [tilespmem:v18+s17+$0x0], $0xffff  }
0x71d: {  	v62 =	vld.idx.msk [tilespmem:v26+s17+$0x0], $0xffff  }
0x71e: {  	v15 =	vld.idx.msk [tilespmem:v41+s17+$0x0], $0xffff;
	v1 =	vmul.f32 v1, v33  }
0x71f: {  	v63 =	vld.idx.msk [tilespmem:v28+s17+$0x0], $0xffff;
	v3 =	vmul.f32 v3, v34  }
0x720: {  	[tilespmem:v13+s15+$0x0] =	vst.idx.add.f32.msk $0xffff, v1;
	v1 =	vmul.f32 v59, v35  }
0x721: {  	[tilespmem:v2+s15+$0x0] =	vst.idx.add.f32.msk $0xffff, v3;
	v2 =	vmul.f32 v60, v36  }
0x722: {  	[tilespmem:v4+s15+$0x0] =	vst.idx.add.f32.msk $0xffff, v1;
	v1 =	vmul.f32 v61, v37  }
0x723: {  	[tilespmem:v5+s15+$0x0] =	vst.idx.add.f32.msk $0xffff, v2;
	v2 =	vmul.f32 v62, v38  }
0x724: {  	[tilespmem:v6+s15+$0x0] =	vst.idx.add.f32.msk $0xffff, v1;
	v1 =	vmul.f32 v15, v43  }
0x725: {  	[tilespmem:v8+s15+$0x0] =	vst.idx.add.f32.msk $0xffff, v2;
	v2 =	vmul.f32 v63, v44  }
0x726: {  	[tilespmem:v9+s15+$0x0] =	vst.idx.add.f32.msk $0xffff, v1  }
0x727: {  	s4 =	simm.s32 $0x188F0;
	s18 =	simm.s32 $0x0;
	[tilespmem:v11+s15+$0x0] =	vst.idx.add.f32.msk $0xffff, v2  }
.LBB2_29:
0x728: {  	v15 =	vld [tilespmem:s4+$0x40];
	s24 =	sadd.s32 $0xA0, s24  }
0x729: {  	s18 =	sadd.s32 $0xA, s18;
	v2 =	vld [tilespmem:s4+$0xFFFFFFC0];
	s1 =	sand.u32 $0xFE0, s24  }
0x72a: {  	p1 =	slt.u32 s18, $0xBE;
	v17 =	vld [tilespmem:s1+$0x18880]  }
0x72b: {  	v3 =	vld [tilespmem:s4+$0xFFFFFFD0]  }
0x72c: {  	v4 =	vld [tilespmem:s4+$0xFFFFFFE0]  }
0x72d: {  	v5 =	vld [tilespmem:s4+$0xFFFFFFF0];
	v23 =	vand.u32 $0xFFFF, v15  }
0x72e: {  	v1 =	vshrl.u32 v2, $0x10;
	v8 =	vand.u32 $0xFFFF, v2;
	v6 =	vld [tilespmem:s4+$0x0]  }
0x72f: {  	v7 =	vld [tilespmem:s4+$0x10];
	v24 =	vand.u32 $0xFFFF, v17  }
0x730: {  	v2 =	vshrl.u32 v3, $0x10;
	v9 =	vand.u32 $0xFFFF, v3;
	v14 =	vld [tilespmem:s4+$0x20]  }
0x731: {  	v16 =	vld [tilespmem:s4+$0xFFFFFFB0];
	v3 =	vshrl.u32 v4, $0x10;
	v10 =	vand.u32 $0xFFFF, v4  }
0x732: {  	s11 =	sadd.s32 $0xA0, s11;
	v4 =	vshrl.u32 v5, $0x10;
	v11 =	vand.u32 $0xFFFF, v5;
	v18 =	vld.idx.msk [tilespmem:v23+s22+$0x0], $0xffff  }
0x733: {  	v5 =	vshrl.u32 v6, $0x10;
	v12 =	vand.u32 $0xFFFF, v6;
	v25 =	vld [tilespmem:s11+$0x40]  }
0x734: {  	v6 =	vshrl.u32 v7, $0x10;
	v13 =	vand.u32 $0xFFFF, v7;
	v19 =	vld.idx.msk [tilespmem:v24+s22+$0x0], $0xffff  }
0x735: {  	v27 =	vshrl.u32 v15, $0x10;
	v7 =	vshrl.u32 v14, $0x10;
	v14 =	vand.u32 $0xFFFF, v14;
	v26 =	vld [tilespmem:s1+$0x1A180]  }
0x736: {  	v15 =	vshrl.u32 v16, $0x10;
	v16 =	vand.u32 $0xFFFF, v16;
	v28 =	vld.idx.msk [tilespmem:v8+s22+$0x0], $0xffff  }
0x737: {  	v30 =	vshrl.u32 v17, $0x10;
	v29 =	vld.idx.msk [tilespmem:v9+s22+$0x0], $0xffff  }
0x738: {  	v31 =	vld.idx.msk [tilespmem:v10+s22+$0x0], $0xffff;
	v17 =	vmul.f32 v18, v25  }
0x739: {  	v32 =	vld.idx.msk [tilespmem:v11+s22+$0x0], $0xffff  }
0x73a: {  	v18 =	vmul.f32 v19, v26;
	[tilespmem:v27+s5+$0x0] =	vst.idx.add.f32.msk $0xffff, v17  }
0x73b: {  	v17 =	vld.idx.msk [tilespmem:v23+s25+$0x0], $0xffff  }
0x73c: {  	[tilespmem:v30+s5+$0x0] =	vst.idx.add.f32.msk $0xffff, v18  }
0x73d: {  	v18 =	vld.idx.msk [tilespmem:v24+s25+$0x0], $0xffff  }
0x73e: {  	v19 =	vld.idx.msk [tilespmem:v16+s22+$0x0], $0xffff  }
0x73f: {  	v33 =	vld.idx.msk [tilespmem:v12+s22+$0x0], $0xffff  }
0x740: {  	v34 =	vld.idx.msk [tilespmem:v13+s22+$0x0], $0xffff  }
0x741: {  	v20 =	vmul.f32 v17, v25;
	v35 =	vld.idx.msk [tilespmem:v14+s22+$0x0], $0xffff  }
0x742: {  	v17 =	vld [tilespmem:s11+$0xFFFFFFB0]  }
0x743: {  	v18 =	vmul.f32 v18, v26;
	[tilespmem:v27+s13+$0x0] =	vst.idx.add.f32.msk $0xffff, v20  }
0x744: {  	v36 =	vld.idx.msk [tilespmem:v23+s16+$0x0], $0xffff  }
0x745: {  	[tilespmem:v30+s13+$0x0] =	vst.idx.add.f32.msk $0xffff, v18  }
0x746: {  	v37 =	vld.idx.msk [tilespmem:v24+s16+$0x0], $0xffff  }
0x747: {  	v38 =	vmul.f32 v19, v17;
	v22 =	vld [tilespmem:s11+$0xFFFFFFC0]  }
0x748: {  	v21 =	vld [tilespmem:s11+$0xFFFFFFD0]  }
0x749: {  	v20 =	vld [tilespmem:s11+$0xFFFFFFE0]  }
0x74a: {  	v36 =	vmul.f32 v36, v25;
	v18 =	vld [tilespmem:s11+$0xFFFFFFF0]  }
0x74b: {  	v19 =	vld [tilespmem:s11+$0x0]  }
0x74c: {  	v37 =	vmul.f32 v37, v26;
	v28 =	vmul.f32 v28, v22;
	[tilespmem:v27+s14+$0x0] =	vst.idx.add.f32.msk $0xffff, v36  }
0x74d: {  	v29 =	vmul.f32 v29, v21;
	v36 =	vld.idx.msk [tilespmem:v23+s17+$0x0], $0xffff  }
0x74e: {  	v31 =	vmul.f32 v31, v20;
	[tilespmem:v30+s14+$0x0] =	vst.idx.add.f32.msk $0xffff, v37  }
0x74f: {  	v32 =	vmul.f32 v32, v18;
	v37 =	vld.idx.msk [tilespmem:v24+s17+$0x0], $0xffff  }
0x750: {  	v33 =	vmul.f32 v33, v19;
	v24 =	vld [tilespmem:s11+$0x10]  }
0x751: {  	v23 =	vld [tilespmem:s11+$0x20]  }
0x752: {  	[tilespmem:v15+s5+$0x0] =	vst.idx.add.f32.msk $0xffff, v38  }
0x753: {  	[tilespmem:v1+s5+$0x0] =	vst.idx.add.f32.msk $0xffff, v28  }
0x754: {  	v25 =	vmul.f32 v36, v25;
	[tilespmem:v2+s5+$0x0] =	vst.idx.add.f32.msk $0xffff, v29  }
0x755: {  	v26 =	vmul.f32 v37, v26;
	[tilespmem:v3+s5+$0x0] =	vst.idx.add.f32.msk $0xffff, v31;
	v28 =	vmul.f32 v34, v24  }
0x756: {  	v29 =	vmul.f32 v35, v23;
	[tilespmem:v27+s15+$0x0] =	vst.idx.add.f32.msk $0xffff, v25  }
0x757: {  	[tilespmem:v30+s15+$0x0] =	vst.idx.add.f32.msk $0xffff, v26  }
0x758: {  	[tilespmem:v4+s5+$0x0] =	vst.idx.add.f32.msk $0xffff, v32  }
0x759: {  	[tilespmem:v5+s5+$0x0] =	vst.idx.add.f32.msk $0xffff, v33  }
0x75a: {  	[tilespmem:v6+s5+$0x0] =	vst.idx.add.f32.msk $0xffff, v28  }
0x75b: {  	[tilespmem:v7+s5+$0x0] =	vst.idx.add.f32.msk $0xffff, v29  }
0x75c: {  	v25 =	vld.idx.msk [tilespmem:v16+s25+$0x0], $0xffff  }
0x75d: {  	v26 =	vld.idx.msk [tilespmem:v8+s25+$0x0], $0xffff  }
0x75e: {  	v27 =	vld.idx.msk [tilespmem:v9+s25+$0x0], $0xffff  }
0x75f: {  	v28 =	vld.idx.msk [tilespmem:v10+s25+$0x0], $0xffff  }
0x760: {  	v29 =	vld.idx.msk [tilespmem:v11+s25+$0x0], $0xffff  }
0x761: {  	v30 =	vld.idx.msk [tilespmem:v12+s25+$0x0], $0xffff  }
0x762: {  	v25 =	vmul.f32 v25, v17;
	v31 =	vld.idx.msk [tilespmem:v13+s25+$0x0], $0xffff  }
0x763: {  	v26 =	vmul.f32 v26, v22;
	v32 =	vld.idx.msk [tilespmem:v14+s25+$0x0], $0xffff  }
0x764: {  	[tilespmem:v15+s13+$0x0] =	vst.idx.add.f32.msk $0xffff, v25;
	v25 =	vmul.f32 v27, v21  }
0x765: {  	[tilespmem:v1+s13+$0x0] =	vst.idx.add.f32.msk $0xffff, v26;
	v26 =	vmul.f32 v28, v20  }
0x766: {  	[tilespmem:v2+s13+$0x0] =	vst.idx.add.f32.msk $0xffff, v25;
	v25 =	vmul.f32 v29, v18  }
0x767: {  	[tilespmem:v3+s13+$0x0] =	vst.idx.add.f32.msk $0xffff, v26;
	v26 =	vmul.f32 v30, v19  }
0x768: {  	[tilespmem:v4+s13+$0x0] =	vst.idx.add.f32.msk $0xffff, v25;
	v25 =	vmul.f32 v31, v24  }
0x769: {  	[tilespmem:v5+s13+$0x0] =	vst.idx.add.f32.msk $0xffff, v26;
	v26 =	vmul.f32 v32, v23  }
0x76a: {  	[tilespmem:v6+s13+$0x0] =	vst.idx.add.f32.msk $0xffff, v25  }
0x76b: {  	[tilespmem:v7+s13+$0x0] =	vst.idx.add.f32.msk $0xffff, v26  }
0x76c: {  	v25 =	vld.idx.msk [tilespmem:v16+s16+$0x0], $0xffff  }
0x76d: {  	v26 =	vld.idx.msk [tilespmem:v8+s16+$0x0], $0xffff  }
0x76e: {  	v27 =	vld.idx.msk [tilespmem:v9+s16+$0x0], $0xffff  }
0x76f: {  	v28 =	vld.idx.msk [tilespmem:v10+s16+$0x0], $0xffff  }
0x770: {  	v29 =	vld.idx.msk [tilespmem:v11+s16+$0x0], $0xffff  }
0x771: {  	v30 =	vld.idx.msk [tilespmem:v12+s16+$0x0], $0xffff  }
0x772: {  	v25 =	vmul.f32 v25, v17;
	v31 =	vld.idx.msk [tilespmem:v13+s16+$0x0], $0xffff  }
0x773: {  	v26 =	vmul.f32 v26, v22;
	v32 =	vld.idx.msk [tilespmem:v14+s16+$0x0], $0xffff  }
0x774: {  	[tilespmem:v15+s14+$0x0] =	vst.idx.add.f32.msk $0xffff, v25;
	v25 =	vmul.f32 v27, v21  }
0x775: {  	[tilespmem:v1+s14+$0x0] =	vst.idx.add.f32.msk $0xffff, v26;
	v26 =	vmul.f32 v28, v20  }
0x776: {  	[tilespmem:v2+s14+$0x0] =	vst.idx.add.f32.msk $0xffff, v25;
	v25 =	vmul.f32 v29, v18  }
0x777: {  	[tilespmem:v3+s14+$0x0] =	vst.idx.add.f32.msk $0xffff, v26;
	v26 =	vmul.f32 v30, v19  }
0x778: {  	[tilespmem:v4+s14+$0x0] =	vst.idx.add.f32.msk $0xffff, v25;
	v25 =	vmul.f32 v31, v24  }
0x779: {  	[tilespmem:v5+s14+$0x0] =	vst.idx.add.f32.msk $0xffff, v26;
	v26 =	vmul.f32 v32, v23  }
0x77a: {  	[tilespmem:v6+s14+$0x0] =	vst.idx.add.f32.msk $0xffff, v25  }
0x77b: {  	[tilespmem:v7+s14+$0x0] =	vst.idx.add.f32.msk $0xffff, v26  }
0x77c: {  	v16 =	vld.idx.msk [tilespmem:v16+s17+$0x0], $0xffff  }
0x77d: {  	v8 =	vld.idx.msk [tilespmem:v8+s17+$0x0], $0xffff  }
0x77e: {  	v9 =	vld.idx.msk [tilespmem:v9+s17+$0x0], $0xffff  }
0x77f: {  	v10 =	vld.idx.msk [tilespmem:v10+s17+$0x0], $0xffff  }
0x780: {  	v11 =	vld.idx.msk [tilespmem:v11+s17+$0x0], $0xffff  }
0x781: {  	v12 =	vld.idx.msk [tilespmem:v12+s17+$0x0], $0xffff  }
0x782: {  	v16 =	vmul.f32 v16, v17;
	v13 =	vld.idx.msk [tilespmem:v13+s17+$0x0], $0xffff  }
0x783: {  	v8 =	vmul.f32 v8, v22;
	v14 =	vld.idx.msk [tilespmem:v14+s17+$0x0], $0xffff  }
0x784: {  	v9 =	vmul.f32 v9, v21;
	[tilespmem:v15+s15+$0x0] =	vst.idx.add.f32.msk $0xffff, v16  }
0x785: {  	[tilespmem:v1+s15+$0x0] =	vst.idx.add.f32.msk $0xffff, v8;
	v1 =	vmul.f32 v10, v20  }
0x786: {  	[tilespmem:v2+s15+$0x0] =	vst.idx.add.f32.msk $0xffff, v9;
	v2 =	vmul.f32 v11, v18  }
.Ltmp13:
0x787: {  	[tilespmem:v3+s15+$0x0] =	vst.idx.add.f32.msk $0xffff, v1;
	v1 =	vmul.f32 v12, v19;
	(pc) =	sbr.rel @p1 .LBB2_29-.Ltmp13, $4  }
0x788: {  	[tilespmem:v4+s15+$0x0] =	vst.idx.add.f32.msk $0xffff, v2;
	v2 =	vmul.f32 v13, v24  }
0x789: {  	[tilespmem:v5+s15+$0x0] =	vst.idx.add.f32.msk $0xffff, v1;
	v1 =	vmul.f32 v14, v23  }
0x78a: {  	[tilespmem:v6+s15+$0x0] =	vst.idx.add.f32.msk $0xffff, v2  }
0x78b: {  	s4 =	sadd.s32 $0xA0, s4;
	[tilespmem:v7+s15+$0x0] =	vst.idx.add.f32.msk $0xffff, v1  }
0x78c: {  	s6 =	sadd.s32 $0x1, s6  }
0x78d: {  	p1 =	sne.s32 s6, $0x32  }
.Ltmp14:
0x78e: {  	_ = 	snop;
	(pc) =	sbr.rel @p1 .LBB2_26-.Ltmp14, $1  }
0x78f: {  	_ =	sdelay $0x3  }
0x790: {  	s2 =	sld [smem:$0x7F3];
	_ =	sdelay $0x1  }
0x791: {  	s1 =	simm.s32 $0x0  }
0x792: {  	[hbm4b:s2+s1] =	stream.linear.scatter [tilespmem:s1], [sflag:$0x9], $0x2780, $0x38;
	[tilespmem:$0x1FF18] =	vst v63  }
0x793: {  	_ =	swait.ge [sflag:s28], $0x2780  }
0x794: {  	s21 =	sld [smem:$0x7F4]  }
0x795: {  	[sflag:s28] =	ssyncset.done $0x0  }
0x796: {  	[sflag:s28] =	ssyncadd.s32 $0xFFFFD880  }
0x797: {  	[hbm4b:s21+s1] =	stream.linear.scatter [tilespmem:s13], [sflag:$0x9], $0x2780, $0x38;
	[tilespmem:$0x1FF18] =	vst v63  }
0x798: {  	_ =	swait.ge [sflag:s28], $0x2780  }
0x799: {  	s23 =	sld [smem:$0x7F5]  }
0x79a: {  	[sflag:s28] =	ssyncset.done $0x0  }
0x79b: {  	[sflag:s28] =	ssyncadd.s32 $0xFFFFD880  }
0x79c: {  	[hbm4b:s23+s1] =	stream.linear.scatter [tilespmem:s14], [sflag:$0x9], $0x2780, $0x38;
	[tilespmem:$0x1FF18] =	vst v63  }
0x79d: {  	_ =	swait.ge [sflag:s28], $0x2780  }
0x79e: {  	s24 =	sld [smem:$0x7F6]  }
0x79f: {  	[sflag:s28] =	ssyncset.done $0x0  }
0x7a0: {  	[sflag:s28] =	ssyncadd.s32 $0xFFFFD880  }
0x7a1: {  	[hbm4b:s24+s1] =	stream.linear.scatter [tilespmem:s15], [sflag:$0x9], $0x2780, $0x38;
	[tilespmem:$0x1FF18] =	vst v63  }
0x7a2: {  	_ =	swait.ge [sflag:s28], $0x2780  }
0x7a3: {  	[sflag:s28] =	ssyncset.done $0x0  }
0x7a4: {  	s4 =	sand.u32 $0x3FE0, s1;
	[sflag:s28] =	ssyncadd.s32 $0xFFFFD880  }
0x7a5: {  	s6 =	simm.s32 $0x50;
	v1 =	vld [tilespmem:s4+$0x7700]  }
0x7a6: {  	v2 =	vld [tilespmem:s6+$0x40]  }
0x7a7: {  	v3 =	vld [tilespmem:s6+$0xFFFFFFC0]  }
0x7a8: {  	v4 =	vld [tilespmem:s6+$0xFFFFFFD0]  }
0x7a9: {  	v5 =	vld [tilespmem:s6+$0xFFFFFFE0]  }
0x7aa: {  	s11 =	simm.s32 $0x9E50;
	v6 =	vld [tilespmem:s6+$0xFFFFFFF0];
	[tilespmem:s4+$0x11500] =	vst v1  }
0x7ab: {  	v1 =	vld [tilespmem:s6+$0x0];
	[tilespmem:s11+$0x40] =	vst v2  }
0x7ac: {  	[tilespmem:s11+$0xFFFFFFC0] =	vst v3;
	v3 =	vld [tilespmem:s6+$0x10]  }
0x7ad: {  	s12 =	simm.s32 $0x27D0;
	[tilespmem:s11+$0xFFFFFFD0] =	vst v4;
	v4 =	vld [tilespmem:s6+$0x20]  }
0x7ae: {  	[tilespmem:s11+$0xFFFFFFE0] =	vst v5;
	v2 =	vld [tilespmem:s12+$0x40]  }
0x7af: {  	[tilespmem:s11+$0xFFFFFFF0] =	vst v6;
	v6 =	vld [tilespmem:s12+$0xFFFFFFC0]  }
0x7b0: {  	v5 =	vld [tilespmem:s6+$0xFFFFFFB0];
	[tilespmem:s11+$0x0] =	vst v1  }
0x7b1: {  	v1 =	vld [tilespmem:s12+$0xFFFFFFD0];
	[tilespmem:s11+$0x10] =	vst v3  }
0x7b2: {  	s18 =	simm.s32 $0xC5D0;
	v3 =	vld [tilespmem:s12+$0xFFFFFFE0];
	[tilespmem:s11+$0x20] =	vst v4  }
0x7b3: {  	v4 =	vld [tilespmem:s12+$0xFFFFFFF0];
	[tilespmem:s18+$0x40] =	vst v2  }
0x7b4: {  	s19 =	simm.s32 $0x4F50;
	[tilespmem:s18+$0xFFFFFFC0] =	vst v6;
	v6 =	vld [tilespmem:s12+$0x10]  }
0x7b5: {  	[tilespmem:s11+$0xFFFFFFB0] =	vst v5;
	v2 =	vld [tilespmem:s19+$0x40]  }
0x7b6: {  	v5 =	vld [tilespmem:s12+$0xFFFFFFB0];
	[tilespmem:s18+$0xFFFFFFD0] =	vst v1  }
0x7b7: {  	v1 =	vld [tilespmem:s12+$0x0];
	[tilespmem:s18+$0xFFFFFFE0] =	vst v3  }
0x7b8: {  	[tilespmem:s18+$0xFFFFFFF0] =	vst v4;
	v3 =	vld [tilespmem:s12+$0x20]  }
0x7b9: {  	s24 =	simm.s32 $0xED50;
	v4 =	vld [tilespmem:s19+$0xFFFFFFC0];
	[tilespmem:s18+$0x10] =	vst v6  }
0x7ba: {  	s20 =	simm.s32 $0x76D0;
	v6 =	vld [tilespmem:s19+$0xFFFFFFE0];
	[tilespmem:s24+$0x40] =	vst v2  }
0x7bb: {  	[tilespmem:s18+$0xFFFFFFB0] =	vst v5;
	v2 =	vld [tilespmem:s20+$0x40]  }
0x7bc: {  	v5 =	vld [tilespmem:s19+$0xFFFFFFB0];
	[tilespmem:s18+$0x0] =	vst v1  }
0x7bd: {  	v1 =	vld [tilespmem:s19+$0xFFFFFFD0];
	[tilespmem:s18+$0x20] =	vst v3  }
0x7be: {  	[tilespmem:s24+$0xFFFFFFC0] =	vst v4;
	v4 =	vld [tilespmem:s19+$0x10]  }
0x7bf: {  	s21 =	simm.s32 $0x114D0;
	v3 =	vld [tilespmem:s19+$0x0];
	[tilespmem:s24+$0xFFFFFFE0] =	vst v6  }
0x7c0: {  	[tilespmem:s21+$0x40] =	vst v2;
	v2 =	vld [tilespmem:s19+$0xFFFFFFF0]  }
0x7c1: {  	v6 =	vld [tilespmem:s20+$0xFFFFFFC0];
	[tilespmem:s24+$0xFFFFFFB0] =	vst v5  }
0x7c2: {  	v7 =	vld [tilespmem:s20+$0xFFFFFFE0];
	[tilespmem:s24+$0xFFFFFFD0] =	vst v1  }
0x7c3: {  	v1 =	vld [tilespmem:s19+$0x20];
	[tilespmem:s24+$0x10] =	vst v4  }
0x7c4: {  	v5 =	vld [tilespmem:s20+$0xFFFFFFB0];
	[tilespmem:s24+$0x0] =	vst v3  }
0x7c5: {  	[tilespmem:s24+$0xFFFFFFF0] =	vst v2;
	v2 =	vld [tilespmem:s20+$0xFFFFFFD0]  }
0x7c6: {  	[tilespmem:s21+$0xFFFFFFC0] =	vst v6;
	v8 =	vld [tilespmem:s20+$0xFFFFFFF0]  }
0x7c7: {  	v4 =	vld [tilespmem:s20+$0x0];
	[tilespmem:s21+$0xFFFFFFE0] =	vst v7  }
0x7c8: {  	v3 =	vld [tilespmem:s20+$0x10];
	[tilespmem:s24+$0x20] =	vst v1  }
0x7c9: {  	[tilespmem:s21+$0xFFFFFFB0] =	vst v5;
	v1 =	vld [tilespmem:s20+$0x20]  }
0x7ca: {  	[tilespmem:s21+$0xFFFFFFD0] =	vst v2;
	v2 =	vld [tilespmem:s4+$0x80]  }
0x7cb: {  	s2 =	simm.s32 $0xA0;
	s1 =	simm.s32 $0x0;
	v5 =	vld [tilespmem:s4+$0x2800];
	[tilespmem:s21+$0xFFFFFFF0] =	vst v8  }
.LBB2_32:
0x7cc: {  	s23 =	sand.u32 $0x3FE0, s2;
	[tilespmem:s21+$0x0] =	vst v4;
	v4 =	vld [tilespmem:s4+$0x4F80]  }
0x7cd: {  	s6 =	sadd.s32 $0xA0, s6;
	v6 =	vld [tilespmem:s23+$0x7700];
	[tilespmem:s21+$0x10] =	vst v3  }
0x7ce: {  	s1 =	sadd.s32 $0xA, s1;
	v3 =	vld [tilespmem:s6+$0x40];
	[tilespmem:s21+$0x20] =	vst v1  }
0x7cf: {  	p1 =	slt.u32 s1, $0x262;
	v1 =	vld [tilespmem:s6+$0xFFFFFFC0];
	[tilespmem:s4+$0x9E80] =	vst v2  }
0x7d0: {  	v2 =	vld [tilespmem:s6+$0xFFFFFFD0];
	[tilespmem:s4+$0xC600] =	vst v5  }
0x7d1: {  	v5 =	vld [tilespmem:s6+$0xFFFFFFE0];
	[tilespmem:s4+$0xED80] =	vst v4;
	s4 =	smov.u32 s23  }
0x7d2: {  	s11 =	sadd.s32 $0xA0, s11;
	v4 =	vld [tilespmem:s6+$0xFFFFFFF0];
	[tilespmem:s4+$0x11500] =	vst v6  }
0x7d3: {  	s12 =	sadd.s32 $0xA0, s12;
	v6 =	vld [tilespmem:s6+$0x0];
	[tilespmem:s11+$0x40] =	vst v3  }
0x7d4: {  	[tilespmem:s11+$0xFFFFFFC0] =	vst v1;
	v1 =	vld [tilespmem:s12+$0x40]  }
0x7d5: {  	[tilespmem:s11+$0xFFFFFFD0] =	vst v2;
	v2 =	vld [tilespmem:s6+$0x10]  }
0x7d6: {  	[tilespmem:s11+$0xFFFFFFE0] =	vst v5;
	v3 =	vld [tilespmem:s6+$0x20]  }
0x7d7: {  	v5 =	vld [tilespmem:s6+$0xFFFFFFB0];
	[tilespmem:s11+$0xFFFFFFF0] =	vst v4  }
0x7d8: {  	s18 =	sadd.s32 $0xA0, s18;
	v4 =	vld [tilespmem:s12+$0xFFFFFFC0];
	[tilespmem:s11+$0x0] =	vst v6  }
0x7d9: {  	s19 =	sadd.s32 $0xA0, s19;
	v6 =	vld [tilespmem:s12+$0xFFFFFFD0];
	[tilespmem:s18+$0x40] =	vst v1  }
0x7da: {  	[tilespmem:s11+$0x10] =	vst v2;
	v1 =	vld [tilespmem:s19+$0x40]  }
0x7db: {  	v2 =	vld [tilespmem:s12+$0xFFFFFFE0];
	[tilespmem:s11+$0x20] =	vst v3  }
0x7dc: {  	[tilespmem:s11+$0xFFFFFFB0] =	vst v5;
	v3 =	vld [tilespmem:s12+$0xFFFFFFF0]  }
0x7dd: {  	v5 =	vld [tilespmem:s12+$0xFFFFFFB0];
	[tilespmem:s18+$0xFFFFFFC0] =	vst v4  }
0x7de: {  	s24 =	sadd.s32 $0xA0, s24;
	[tilespmem:s18+$0xFFFFFFD0] =	vst v6;
	v4 =	vld [tilespmem:s12+$0x0]  }
0x7df: {  	s20 =	sadd.s32 $0xA0, s20;
	v6 =	vld [tilespmem:s12+$0x10];
	[tilespmem:s24+$0x40] =	vst v1  }
0x7e0: {  	[tilespmem:s18+$0xFFFFFFE0] =	vst v2;
	v1 =	vld [tilespmem:s20+$0x40]  }
0x7e1: {  	[tilespmem:s18+$0xFFFFFFF0] =	vst v3;
	v2 =	vld [tilespmem:s12+$0x20]  }
0x7e2: {  	[tilespmem:s18+$0xFFFFFFB0] =	vst v5;
	v3 =	vld [tilespmem:s19+$0xFFFFFFC0]  }
0x7e3: {  	v5 =	vld [tilespmem:s19+$0xFFFFFFB0];
	[tilespmem:s18+$0x0] =	vst v4  }
0x7e4: {  	s21 =	sadd.s32 $0xA0, s21;
	v4 =	vld [tilespmem:s19+$0xFFFFFFD0];
	[tilespmem:s18+$0x10] =	vst v6  }
0x7e5: {  	s23 =	simm.s32 $0x9B00;
	v6 =	vld [tilespmem:s19+$0xFFFFFFE0];
	[tilespmem:s21+$0x40] =	vst v1  }
0x7e6: {  	v1 =	vld [tilespmem:s19+$0xFFFFFFF0];
	[tilespmem:s18+$0x20] =	vst v2  }
0x7e7: {  	[tilespmem:s24+$0xFFFFFFC0] =	vst v3;
	v2 =	vld [tilespmem:s19+$0x0]  }
0x7e8: {  	[tilespmem:s24+$0xFFFFFFB0] =	vst v5;
	v3 =	vld [tilespmem:s19+$0x10]  }
0x7e9: {  	[tilespmem:s24+$0xFFFFFFD0] =	vst v4;
	v4 =	vld [tilespmem:s19+$0x20]  }
0x7ea: {  	v5 =	vld [tilespmem:s20+$0xFFFFFFB0];
	[tilespmem:s24+$0xFFFFFFE0] =	vst v6  }
0x7eb: {  	v6 =	vld [tilespmem:s20+$0xFFFFFFC0];
	[tilespmem:s24+$0xFFFFFFF0] =	vst v1  }
0x7ec: {  	v1 =	vld [tilespmem:s20+$0xFFFFFFD0];
	[tilespmem:s24+$0x0] =	vst v2  }
0x7ed: {  	v2 =	vld [tilespmem:s20+$0xFFFFFFE0];
	[tilespmem:s24+$0x10] =	vst v3  }
0x7ee: {  	v7 =	vld [tilespmem:s20+$0xFFFFFFF0];
	[tilespmem:s24+$0x20] =	vst v4  }
.Ltmp15:
0x7ef: {  	[tilespmem:s21+$0xFFFFFFB0] =	vst v5;
	v4 =	vld [tilespmem:s20+$0x0];
	(pc) =	sbr.rel @p1 .LBB2_32-.Ltmp15, $4  }
0x7f0: {  	[tilespmem:s21+$0xFFFFFFC0] =	vst v6;
	v3 =	vld [tilespmem:s20+$0x10]  }
0x7f1: {  	[tilespmem:s21+$0xFFFFFFD0] =	vst v1;
	v1 =	vld [tilespmem:s20+$0x20]  }
0x7f2: {  	[tilespmem:s21+$0xFFFFFFE0] =	vst v2;
	v2 =	vld [tilespmem:s4+$0x80]  }
0x7f3: {  	s2 =	sadd.s32 $0xA0, s2;
	[tilespmem:s21+$0xFFFFFFF0] =	vst v7;
	v5 =	vld [tilespmem:s4+$0x2800]  }
0x7f4: {  	[tilespmem:s21+$0x0] =	vst v4;
	v63 =	vld [tilespmem:s4+$0x4F80]  }
0x7f5: {  	[tilespmem:s21+$0x10] =	vst v3  }
0x7f6: {  	[tilespmem:s21+$0x20] =	vst v1  }
0x7f7: {  	[tilespmem:s4+$0x9E80] =	vst v2  }
0x7f8: {  	[tilespmem:s4+$0xC600] =	vst v5  }
0x7f9: {  	[tilespmem:s4+$0xED80] =	vst v63  }
.LBB2_34:
0x7fa: {  	s1 =	sshra.s32 s23, $0x2  }
0x7fb: {  	v1 =	vld [tilespmem:s1+$0x0]  }
0x7fc: {  	v2 =	vld [tilespmem:s1+$0x2780]  }
0x7fd: {  	v3 =	vld [tilespmem:s1+$0x4F00]  }
0x7fe: {  	p1 =	sne.s32 s23, $0x9C00;
	v4 =	vld [tilespmem:s1+$0x7680]  }
.Ltmp16:
0x7ff: {  	_ = 	snop;
	(pc) =	sbr.rel @p1 .LBB2_34-.Ltmp16, $4  }
0x800: {  	[tilespmem:s1+$0x9E00] =	vst v1  }
0x801: {  	[tilespmem:s1+$0xC580] =	vst v2  }
0x802: {  	[tilespmem:s1+$0xED00] =	vst v3  }
0x803: {  	s23 =	sadd.s32 $0x40, s23;
	[tilespmem:s1+$0x11480] =	vst v4  }
0x804: {  	s20 =	sld [smem:$0x7FD];
	_ =	sdelay $0x1  }
0x805: {  	s12 =	simm.s32 $0x0;
	s1 =	simm.s32 $0x17B80;
	s21 =	rddreg [dreg:$0x1]  }
0x806: {  	[tilespmem:s1], [sflag:$0x1] =	stream.linear.gather [hbm4b:s20+s12], $0xC80, $0x38;
	[tilespmem:$0x1FF18] =	vst v63  }
0x807: {  	s24 =	simm.s32 $0x19480;
	s6 =	simm.s32 $0x0;
	s23 =	rddreg [dreg:$0x2]  }
0x808: {  	[tilespmem:s24], [sflag:$0x3] =	stream.linear.gather [spmem:s26], $0xC80, $0x38;
	[tilespmem:$0x1FF18] =	vst v63  }
.LBB2_36:
0x809: {  	s24 =	smul.u32 $0x1900, s6;
	_ =	sdelay $0x1  }
0x80a: {  	s1 =	sadd.s32 $0xC80, s24  }
0x80b: {  	s2 =	sshrl.u32 s1, $0x3  }
0x80c: {  	s4 =	simm.s32 $0x18800;
	s2 =	sadd.s32 s20, s2  }
0x80d: {  	[tilespmem:s4], [sflag:$0x2] =	stream.linear.gather [hbm4b:s2+s12], $0xC80, $0x38;
	[tilespmem:$0x1FF18] =	vst v63  }
0x80e: {  	s19 =	simm.s32 $0x1A100;
	s1 =	sadd.s32 s1, s26;
	s4 =	simm.s32 $0x1  }
0x80f: {  	[tilespmem:s19], [sflag:$0x4] =	stream.linear.gather [spmem:s1], $0xC80, $0x38;
	[tilespmem:$0x1FF18] =	vst v63  }
0x810: {  	_ =	swait.ge [sflag:s4], $0xC80  }
0x811: {  	[sflag:s4] =	ssyncset.done $0x0  }
0x812: {  	s11 =	simm.s32 $0x3;
	[sflag:s4] =	ssyncadd.s32 $0xFFFFF380  }
0x813: {  	_ =	swait.ge [sflag:s11], $0xC80  }
0x814: {  	[sflag:s11] =	ssyncset.done $0x0  }
0x815: {  	s18 =	simm.s32 $0x17BD0;
	[sflag:s11] =	ssyncadd.s32 $0xFFFFF380  }
0x816: {  	v1 =	vld [tilespmem:s18+$0x40]  }
0x817: {  	s19 =	sand.u32 $0xFE0, s12;
	v2 =	vld [tilespmem:s18+$0xFFFFFFC0]  }
0x818: {  	v3 =	vld [tilespmem:s19+$0x17C00]  }
0x819: {  	v4 =	vld [tilespmem:s18+$0xFFFFFFD0]  }
0x81a: {  	v5 =	vld [tilespmem:s18+$0xFFFFFFE0]  }
0x81b: {  	v6 =	vld [tilespmem:s18+$0xFFFFFFF0]  }
0x81c: {  	v8 =	vld [tilespmem:s18+$0x0]  }
0x81d: {  	v9 =	vld [tilespmem:s18+$0x10]  }
0x81e: {  	v11 =	vld [tilespmem:s18+$0x20]  }
0x81f: {  	s11 =	simm.s32 $0x194D0;
	v13 =	vld [tilespmem:s18+$0xFFFFFFB0]  }
0x820: {  	v17 =	vld [tilespmem:s11+$0x40];
	v7 =	vand.u32 $0xFFFF, v1  }
0x821: {  	v20 =	vld [tilespmem:s19+$0x19500];
	v10 =	vand.u32 $0xFFFF, v3  }
0x822: {  	v33 =	vld [tilespmem:s11+$0xFFFFFFB0]  }
0x823: {  	v34 =	vld [tilespmem:s11+$0xFFFFFFC0]  }
0x824: {  	v35 =	vld [tilespmem:s11+$0xFFFFFFD0]  }
0x825: {  	v15 =	vld.idx.msk [tilespmem:v7+s5+$0x0], $0xffff  }
0x826: {  	v19 =	vld.idx.msk [tilespmem:v10+s5+$0x0], $0xffff  }
0x827: {  	v36 =	vld [tilespmem:s11+$0xFFFFFFE0];
	v1 =	vshrl.u32 v1, $0x10  }
0x828: {  	v37 =	vld [tilespmem:s11+$0xFFFFFFF0];
	v3 =	vshrl.u32 v3, $0x10  }
0x829: {  	v38 =	vld [tilespmem:s11+$0x0]  }
0x82a: {  	v43 =	vld [tilespmem:s11+$0x10];
	v15 =	vmul.f32 v15, v17  }
0x82b: {  	v44 =	vld [tilespmem:s11+$0x20];
	v12 =	vand.u32 $0xFFFF, v2;
	v19 =	vmul.f32 v19, v20  }
0x82c: {  	v14 =	vand.u32 $0xFFFF, v4;
	[tilespmem:v1+s22+$0x0] =	vst.idx.add.f32.msk $0xffff, v15  }
0x82d: {  	v16 =	vand.u32 $0xFFFF, v5;
	[tilespmem:v3+s22+$0x0] =	vst.idx.add.f32.msk $0xffff, v19  }
0x82e: {  	v18 =	vand.u32 $0xFFFF, v6;
	v27 =	vld.idx.msk [tilespmem:v7+s13+$0x0], $0xffff  }
0x82f: {  	v24 =	vand.u32 $0xFFFF, v13;
	v19 =	vld.idx.msk [tilespmem:v10+s13+$0x0], $0xffff  }
0x830: {  	v21 =	vld.idx.msk [tilespmem:v12+s5+$0x0], $0xffff  }
0x831: {  	v22 =	vld.idx.msk [tilespmem:v14+s5+$0x0], $0xffff  }
0x832: {  	v23 =	vld.idx.msk [tilespmem:v16+s5+$0x0], $0xffff  }
0x833: {  	v25 =	vld.idx.msk [tilespmem:v18+s5+$0x0], $0xffff;
	v27 =	vmul.f32 v27, v17  }
0x834: {  	v26 =	vand.u32 $0xFFFF, v8;
	v29 =	vld.idx.msk [tilespmem:v24+s5+$0x0], $0xffff;
	v19 =	vmul.f32 v19, v20  }
0x835: {  	v41 =	vand.u32 $0xFFFF, v9;
	[tilespmem:v1+s25+$0x0] =	vst.idx.add.f32.msk $0xffff, v27  }
0x836: {  	v28 =	vand.u32 $0xFFFF, v11;
	[tilespmem:v3+s25+$0x0] =	vst.idx.add.f32.msk $0xffff, v19  }
0x837: {  	v13 =	vshrl.u32 v13, $0x10;
	v27 =	vld.idx.msk [tilespmem:v7+s14+$0x0], $0xffff  }
0x838: {  	v2 =	vshrl.u32 v2, $0x10;
	v19 =	vld.idx.msk [tilespmem:v10+s14+$0x0], $0xffff  }
0x839: {  	v30 =	vld.idx.msk [tilespmem:v26+s5+$0x0], $0xffff  }
0x83a: {  	v31 =	vld.idx.msk [tilespmem:v41+s5+$0x0], $0xffff;
	v42 =	vmul.f32 v29, v33  }
0x83b: {  	v32 =	vld.idx.msk [tilespmem:v28+s5+$0x0], $0xffff;
	v21 =	vmul.f32 v21, v34  }
0x83c: {  	[tilespmem:v13+s22+$0x0] =	vst.idx.add.f32.msk $0xffff, v42;
	v27 =	vmul.f32 v27, v17  }
0x83d: {  	v4 =	vshrl.u32 v4, $0x10;
	[tilespmem:v2+s22+$0x0] =	vst.idx.add.f32.msk $0xffff, v21;
	v19 =	vmul.f32 v19, v20  }
0x83e: {  	v5 =	vshrl.u32 v5, $0x10;
	[tilespmem:v1+s16+$0x0] =	vst.idx.add.f32.msk $0xffff, v27  }
0x83f: {  	v6 =	vshrl.u32 v6, $0x10;
	[tilespmem:v3+s16+$0x0] =	vst.idx.add.f32.msk $0xffff, v19  }
0x840: {  	v11 =	vshrl.u32 v11, $0x10;
	v22 =	vmul.f32 v22, v35;
	v7 =	vld.idx.msk [tilespmem:v7+s15+$0x0], $0xffff  }
0x841: {  	v45 =	vmul.f32 v23, v36;
	v10 =	vld.idx.msk [tilespmem:v10+s15+$0x0], $0xffff  }
0x842: {  	v46 =	vmul.f32 v25, v37;
	[tilespmem:v4+s22+$0x0] =	vst.idx.add.f32.msk $0xffff, v22  }
0x843: {  	v47 =	vmul.f32 v32, v44;
	[tilespmem:v5+s22+$0x0] =	vst.idx.add.f32.msk $0xffff, v45  }
0x844: {  	v8 =	vshrl.u32 v8, $0x10;
	[tilespmem:v6+s22+$0x0] =	vst.idx.add.f32.msk $0xffff, v46  }
0x845: {  	v9 =	vshrl.u32 v9, $0x10;
	[tilespmem:v11+s22+$0x0] =	vst.idx.add.f32.msk $0xffff, v47;
	v7 =	vmul.f32 v7, v17  }
0x846: {  	v48 =	vld.idx.msk [tilespmem:v14+s13+$0x0], $0xffff;
	v10 =	vmul.f32 v10, v20  }
0x847: {  	[tilespmem:v1+s17+$0x0] =	vst.idx.add.f32.msk $0xffff, v7;
	v1 =	vmul.f32 v30, v38  }
0x848: {  	[tilespmem:v3+s17+$0x0] =	vst.idx.add.f32.msk $0xffff, v10;
	v3 =	vmul.f32 v31, v43  }
0x849: {  	[tilespmem:v8+s22+$0x0] =	vst.idx.add.f32.msk $0xffff, v1  }
0x84a: {  	[tilespmem:v9+s22+$0x0] =	vst.idx.add.f32.msk $0xffff, v3  }
0x84b: {  	v1 =	vld.idx.msk [tilespmem:v24+s13+$0x0], $0xffff  }
0x84c: {  	v3 =	vld.idx.msk [tilespmem:v12+s13+$0x0], $0xffff  }
0x84d: {  	v49 =	vld.idx.msk [tilespmem:v16+s13+$0x0], $0xffff  }
0x84e: {  	v52 =	vld.idx.msk [tilespmem:v28+s13+$0x0], $0xffff  }
0x84f: {  	v17 =	vld.idx.msk [tilespmem:v18+s13+$0x0], $0xffff  }
0x850: {  	v50 =	vld.idx.msk [tilespmem:v26+s13+$0x0], $0xffff;
	v1 =	vmul.f32 v1, v33  }
0x851: {  	v51 =	vld.idx.msk [tilespmem:v41+s13+$0x0], $0xffff;
	v3 =	vmul.f32 v3, v34  }
0x852: {  	[tilespmem:v13+s25+$0x0] =	vst.idx.add.f32.msk $0xffff, v1;
	v1 =	vmul.f32 v48, v35  }
0x853: {  	[tilespmem:v2+s25+$0x0] =	vst.idx.add.f32.msk $0xffff, v3;
	v3 =	vmul.f32 v49, v36  }
0x854: {  	[tilespmem:v4+s25+$0x0] =	vst.idx.add.f32.msk $0xffff, v1  }
0x855: {  	v1 =	vmul.f32 v17, v37;
	[tilespmem:v5+s25+$0x0] =	vst.idx.add.f32.msk $0xffff, v3  }
0x856: {  	v3 =	vmul.f32 v50, v38;
	v53 =	vld.idx.msk [tilespmem:v14+s14+$0x0], $0xffff  }
0x857: {  	[tilespmem:v6+s25+$0x0] =	vst.idx.add.f32.msk $0xffff, v1;
	v1 =	vmul.f32 v51, v43  }
0x858: {  	[tilespmem:v8+s25+$0x0] =	vst.idx.add.f32.msk $0xffff, v3;
	v3 =	vmul.f32 v52, v44  }
0x859: {  	[tilespmem:v9+s25+$0x0] =	vst.idx.add.f32.msk $0xffff, v1  }
0x85a: {  	[tilespmem:v11+s25+$0x0] =	vst.idx.add.f32.msk $0xffff, v3  }
0x85b: {  	v1 =	vld.idx.msk [tilespmem:v24+s14+$0x0], $0xffff  }
0x85c: {  	v3 =	vld.idx.msk [tilespmem:v12+s14+$0x0], $0xffff  }
0x85d: {  	v54 =	vld.idx.msk [tilespmem:v16+s14+$0x0], $0xffff  }
0x85e: {  	v55 =	vld.idx.msk [tilespmem:v18+s14+$0x0], $0xffff  }
0x85f: {  	v56 =	vld.idx.msk [tilespmem:v26+s14+$0x0], $0xffff  }
0x860: {  	v57 =	vld.idx.msk [tilespmem:v41+s14+$0x0], $0xffff;
	v1 =	vmul.f32 v1, v33  }
0x861: {  	v58 =	vld.idx.msk [tilespmem:v28+s14+$0x0], $0xffff;
	v3 =	vmul.f32 v3, v34  }
0x862: {  	[tilespmem:v13+s16+$0x0] =	vst.idx.add.f32.msk $0xffff, v1;
	v1 =	vmul.f32 v53, v35  }
0x863: {  	[tilespmem:v2+s16+$0x0] =	vst.idx.add.f32.msk $0xffff, v3;
	v3 =	vmul.f32 v54, v36  }
0x864: {  	[tilespmem:v4+s16+$0x0] =	vst.idx.add.f32.msk $0xffff, v1  }
0x865: {  	v1 =	vmul.f32 v55, v37;
	[tilespmem:v5+s16+$0x0] =	vst.idx.add.f32.msk $0xffff, v3  }
0x866: {  	v3 =	vmul.f32 v56, v38;
	v59 =	vld.idx.msk [tilespmem:v14+s15+$0x0], $0xffff  }
0x867: {  	[tilespmem:v6+s16+$0x0] =	vst.idx.add.f32.msk $0xffff, v1;
	v1 =	vmul.f32 v57, v43  }
0x868: {  	[tilespmem:v8+s16+$0x0] =	vst.idx.add.f32.msk $0xffff, v3;
	v3 =	vmul.f32 v58, v44  }
0x869: {  	[tilespmem:v9+s16+$0x0] =	vst.idx.add.f32.msk $0xffff, v1  }
0x86a: {  	[tilespmem:v11+s16+$0x0] =	vst.idx.add.f32.msk $0xffff, v3  }
0x86b: {  	v1 =	vld.idx.msk [tilespmem:v24+s15+$0x0], $0xffff  }
0x86c: {  	v3 =	vld.idx.msk [tilespmem:v12+s15+$0x0], $0xffff  }
0x86d: {  	v60 =	vld.idx.msk [tilespmem:v16+s15+$0x0], $0xffff  }
0x86e: {  	v61 =	vld.idx.msk [tilespmem:v18+s15+$0x0], $0xffff  }
0x86f: {  	v62 =	vld.idx.msk [tilespmem:v26+s15+$0x0], $0xffff  }
0x870: {  	v15 =	vld.idx.msk [tilespmem:v41+s15+$0x0], $0xffff;
	v1 =	vmul.f32 v1, v33  }
0x871: {  	v63 =	vld.idx.msk [tilespmem:v28+s15+$0x0], $0xffff;
	v3 =	vmul.f32 v3, v34  }
0x872: {  	[tilespmem:v13+s17+$0x0] =	vst.idx.add.f32.msk $0xffff, v1;
	v1 =	vmul.f32 v59, v35  }
0x873: {  	[tilespmem:v2+s17+$0x0] =	vst.idx.add.f32.msk $0xffff, v3;
	v2 =	vmul.f32 v60, v36  }
0x874: {  	[tilespmem:v4+s17+$0x0] =	vst.idx.add.f32.msk $0xffff, v1;
	v1 =	vmul.f32 v61, v37  }
0x875: {  	[tilespmem:v5+s17+$0x0] =	vst.idx.add.f32.msk $0xffff, v2;
	v2 =	vmul.f32 v62, v38  }
0x876: {  	[tilespmem:v6+s17+$0x0] =	vst.idx.add.f32.msk $0xffff, v1;
	v1 =	vmul.f32 v15, v43  }
0x877: {  	[tilespmem:v8+s17+$0x0] =	vst.idx.add.f32.msk $0xffff, v2;
	v2 =	vmul.f32 v63, v44  }
0x878: {  	[tilespmem:v9+s17+$0x0] =	vst.idx.add.f32.msk $0xffff, v1  }
0x879: {  	s4 =	simm.s32 $0x0;
	s18 =	simm.s32 $0x0;
	s19 =	simm.s32 $0x17C70;
	[tilespmem:v11+s17+$0x0] =	vst.idx.add.f32.msk $0xffff, v2  }
.LBB2_37:
0x87a: {  	v15 =	vld [tilespmem:s19+$0x40];
	s4 =	sadd.s32 $0xA0, s4  }
0x87b: {  	s18 =	sadd.s32 $0xA, s18;
	v2 =	vld [tilespmem:s19+$0xFFFFFFC0];
	s1 =	sand.u32 $0xFE0, s4  }
0x87c: {  	p1 =	slt.u32 s18, $0xBE;
	v17 =	vld [tilespmem:s1+$0x17C00]  }
0x87d: {  	v3 =	vld [tilespmem:s19+$0xFFFFFFD0]  }
0x87e: {  	v4 =	vld [tilespmem:s19+$0xFFFFFFE0]  }
0x87f: {  	v5 =	vld [tilespmem:s19+$0xFFFFFFF0];
	v23 =	vand.u32 $0xFFFF, v15  }
0x880: {  	v1 =	vshrl.u32 v2, $0x10;
	v8 =	vand.u32 $0xFFFF, v2;
	v6 =	vld [tilespmem:s19+$0x0]  }
0x881: {  	v7 =	vld [tilespmem:s19+$0x10];
	v24 =	vand.u32 $0xFFFF, v17  }
0x882: {  	v2 =	vshrl.u32 v3, $0x10;
	v9 =	vand.u32 $0xFFFF, v3;
	v14 =	vld [tilespmem:s19+$0x20]  }
0x883: {  	v16 =	vld [tilespmem:s19+$0xFFFFFFB0];
	v3 =	vshrl.u32 v4, $0x10;
	v10 =	vand.u32 $0xFFFF, v4  }
0x884: {  	s11 =	sadd.s32 $0xA0, s11;
	v4 =	vshrl.u32 v5, $0x10;
	v11 =	vand.u32 $0xFFFF, v5;
	v18 =	vld.idx.msk [tilespmem:v23+s5+$0x0], $0xffff  }
0x885: {  	v5 =	vshrl.u32 v6, $0x10;
	v12 =	vand.u32 $0xFFFF, v6;
	v25 =	vld [tilespmem:s11+$0x40]  }
0x886: {  	v6 =	vshrl.u32 v7, $0x10;
	v13 =	vand.u32 $0xFFFF, v7;
	v19 =	vld.idx.msk [tilespmem:v24+s5+$0x0], $0xffff  }
0x887: {  	v27 =	vshrl.u32 v15, $0x10;
	v7 =	vshrl.u32 v14, $0x10;
	v14 =	vand.u32 $0xFFFF, v14;
	v26 =	vld [tilespmem:s1+$0x19500]  }
0x888: {  	v15 =	vshrl.u32 v16, $0x10;
	v16 =	vand.u32 $0xFFFF, v16;
	v28 =	vld.idx.msk [tilespmem:v8+s5+$0x0], $0xffff  }
0x889: {  	v30 =	vshrl.u32 v17, $0x10;
	v29 =	vld.idx.msk [tilespmem:v9+s5+$0x0], $0xffff  }
0x88a: {  	v31 =	vld.idx.msk [tilespmem:v10+s5+$0x0], $0xffff;
	v17 =	vmul.f32 v18, v25  }
0x88b: {  	v32 =	vld.idx.msk [tilespmem:v11+s5+$0x0], $0xffff  }
0x88c: {  	v18 =	vmul.f32 v19, v26;
	[tilespmem:v27+s22+$0x0] =	vst.idx.add.f32.msk $0xffff, v17  }
0x88d: {  	v17 =	vld.idx.msk [tilespmem:v23+s13+$0x0], $0xffff  }
0x88e: {  	[tilespmem:v30+s22+$0x0] =	vst.idx.add.f32.msk $0xffff, v18  }
0x88f: {  	v18 =	vld.idx.msk [tilespmem:v24+s13+$0x0], $0xffff  }
0x890: {  	v19 =	vld.idx.msk [tilespmem:v16+s5+$0x0], $0xffff  }
0x891: {  	v33 =	vld.idx.msk [tilespmem:v12+s5+$0x0], $0xffff  }
0x892: {  	v34 =	vld.idx.msk [tilespmem:v13+s5+$0x0], $0xffff  }
0x893: {  	v20 =	vmul.f32 v17, v25;
	v35 =	vld.idx.msk [tilespmem:v14+s5+$0x0], $0xffff  }
0x894: {  	v17 =	vld [tilespmem:s11+$0xFFFFFFB0]  }
0x895: {  	v18 =	vmul.f32 v18, v26;
	[tilespmem:v27+s25+$0x0] =	vst.idx.add.f32.msk $0xffff, v20  }
0x896: {  	v36 =	vld.idx.msk [tilespmem:v23+s14+$0x0], $0xffff  }
0x897: {  	[tilespmem:v30+s25+$0x0] =	vst.idx.add.f32.msk $0xffff, v18  }
0x898: {  	v37 =	vld.idx.msk [tilespmem:v24+s14+$0x0], $0xffff  }
0x899: {  	v38 =	vmul.f32 v19, v17;
	v22 =	vld [tilespmem:s11+$0xFFFFFFC0]  }
0x89a: {  	v21 =	vld [tilespmem:s11+$0xFFFFFFD0]  }
0x89b: {  	v20 =	vld [tilespmem:s11+$0xFFFFFFE0]  }
0x89c: {  	v36 =	vmul.f32 v36, v25;
	v18 =	vld [tilespmem:s11+$0xFFFFFFF0]  }
0x89d: {  	v19 =	vld [tilespmem:s11+$0x0]  }
0x89e: {  	v37 =	vmul.f32 v37, v26;
	v28 =	vmul.f32 v28, v22;
	[tilespmem:v27+s16+$0x0] =	vst.idx.add.f32.msk $0xffff, v36  }
0x89f: {  	v29 =	vmul.f32 v29, v21;
	v36 =	vld.idx.msk [tilespmem:v23+s15+$0x0], $0xffff  }
0x8a0: {  	v31 =	vmul.f32 v31, v20;
	[tilespmem:v30+s16+$0x0] =	vst.idx.add.f32.msk $0xffff, v37  }
0x8a1: {  	v32 =	vmul.f32 v32, v18;
	v37 =	vld.idx.msk [tilespmem:v24+s15+$0x0], $0xffff  }
0x8a2: {  	v33 =	vmul.f32 v33, v19;
	v24 =	vld [tilespmem:s11+$0x10]  }
0x8a3: {  	v23 =	vld [tilespmem:s11+$0x20]  }
0x8a4: {  	[tilespmem:v15+s22+$0x0] =	vst.idx.add.f32.msk $0xffff, v38  }
0x8a5: {  	[tilespmem:v1+s22+$0x0] =	vst.idx.add.f32.msk $0xffff, v28  }
0x8a6: {  	v25 =	vmul.f32 v36, v25;
	[tilespmem:v2+s22+$0x0] =	vst.idx.add.f32.msk $0xffff, v29  }
0x8a7: {  	v26 =	vmul.f32 v37, v26;
	[tilespmem:v3+s22+$0x0] =	vst.idx.add.f32.msk $0xffff, v31;
	v28 =	vmul.f32 v34, v24  }
0x8a8: {  	v29 =	vmul.f32 v35, v23;
	[tilespmem:v27+s17+$0x0] =	vst.idx.add.f32.msk $0xffff, v25  }
0x8a9: {  	[tilespmem:v30+s17+$0x0] =	vst.idx.add.f32.msk $0xffff, v26  }
0x8aa: {  	[tilespmem:v4+s22+$0x0] =	vst.idx.add.f32.msk $0xffff, v32  }
0x8ab: {  	[tilespmem:v5+s22+$0x0] =	vst.idx.add.f32.msk $0xffff, v33  }
0x8ac: {  	[tilespmem:v6+s22+$0x0] =	vst.idx.add.f32.msk $0xffff, v28  }
0x8ad: {  	[tilespmem:v7+s22+$0x0] =	vst.idx.add.f32.msk $0xffff, v29  }
0x8ae: {  	v25 =	vld.idx.msk [tilespmem:v16+s13+$0x0], $0xffff  }
0x8af: {  	v26 =	vld.idx.msk [tilespmem:v8+s13+$0x0], $0xffff  }
0x8b0: {  	v27 =	vld.idx.msk [tilespmem:v9+s13+$0x0], $0xffff  }
0x8b1: {  	v28 =	vld.idx.msk [tilespmem:v10+s13+$0x0], $0xffff  }
0x8b2: {  	v29 =	vld.idx.msk [tilespmem:v11+s13+$0x0], $0xffff  }
0x8b3: {  	v30 =	vld.idx.msk [tilespmem:v12+s13+$0x0], $0xffff  }
0x8b4: {  	v25 =	vmul.f32 v25, v17;
	v31 =	vld.idx.msk [tilespmem:v13+s13+$0x0], $0xffff  }
0x8b5: {  	v26 =	vmul.f32 v26, v22;
	v32 =	vld.idx.msk [tilespmem:v14+s13+$0x0], $0xffff  }
0x8b6: {  	[tilespmem:v15+s25+$0x0] =	vst.idx.add.f32.msk $0xffff, v25;
	v25 =	vmul.f32 v27, v21  }
0x8b7: {  	[tilespmem:v1+s25+$0x0] =	vst.idx.add.f32.msk $0xffff, v26;
	v26 =	vmul.f32 v28, v20  }
0x8b8: {  	[tilespmem:v2+s25+$0x0] =	vst.idx.add.f32.msk $0xffff, v25;
	v25 =	vmul.f32 v29, v18  }
0x8b9: {  	[tilespmem:v3+s25+$0x0] =	vst.idx.add.f32.msk $0xffff, v26;
	v26 =	vmul.f32 v30, v19  }
0x8ba: {  	[tilespmem:v4+s25+$0x0] =	vst.idx.add.f32.msk $0xffff, v25;
	v25 =	vmul.f32 v31, v24  }
0x8bb: {  	[tilespmem:v5+s25+$0x0] =	vst.idx.add.f32.msk $0xffff, v26;
	v26 =	vmul.f32 v32, v23  }
0x8bc: {  	[tilespmem:v6+s25+$0x0] =	vst.idx.add.f32.msk $0xffff, v25  }
0x8bd: {  	[tilespmem:v7+s25+$0x0] =	vst.idx.add.f32.msk $0xffff, v26  }
0x8be: {  	v25 =	vld.idx.msk [tilespmem:v16+s14+$0x0], $0xffff  }
0x8bf: {  	v26 =	vld.idx.msk [tilespmem:v8+s14+$0x0], $0xffff  }
0x8c0: {  	v27 =	vld.idx.msk [tilespmem:v9+s14+$0x0], $0xffff  }
0x8c1: {  	v28 =	vld.idx.msk [tilespmem:v10+s14+$0x0], $0xffff  }
0x8c2: {  	v29 =	vld.idx.msk [tilespmem:v11+s14+$0x0], $0xffff  }
0x8c3: {  	v30 =	vld.idx.msk [tilespmem:v12+s14+$0x0], $0xffff  }
0x8c4: {  	v25 =	vmul.f32 v25, v17;
	v31 =	vld.idx.msk [tilespmem:v13+s14+$0x0], $0xffff  }
0x8c5: {  	v26 =	vmul.f32 v26, v22;
	v32 =	vld.idx.msk [tilespmem:v14+s14+$0x0], $0xffff  }
0x8c6: {  	[tilespmem:v15+s16+$0x0] =	vst.idx.add.f32.msk $0xffff, v25;
	v25 =	vmul.f32 v27, v21  }
0x8c7: {  	[tilespmem:v1+s16+$0x0] =	vst.idx.add.f32.msk $0xffff, v26;
	v26 =	vmul.f32 v28, v20  }
0x8c8: {  	[tilespmem:v2+s16+$0x0] =	vst.idx.add.f32.msk $0xffff, v25;
	v25 =	vmul.f32 v29, v18  }
0x8c9: {  	[tilespmem:v3+s16+$0x0] =	vst.idx.add.f32.msk $0xffff, v26;
	v26 =	vmul.f32 v30, v19  }
0x8ca: {  	[tilespmem:v4+s16+$0x0] =	vst.idx.add.f32.msk $0xffff, v25;
	v25 =	vmul.f32 v31, v24  }
0x8cb: {  	[tilespmem:v5+s16+$0x0] =	vst.idx.add.f32.msk $0xffff, v26;
	v26 =	vmul.f32 v32, v23  }
0x8cc: {  	[tilespmem:v6+s16+$0x0] =	vst.idx.add.f32.msk $0xffff, v25  }
0x8cd: {  	[tilespmem:v7+s16+$0x0] =	vst.idx.add.f32.msk $0xffff, v26  }
0x8ce: {  	v16 =	vld.idx.msk [tilespmem:v16+s15+$0x0], $0xffff  }
0x8cf: {  	v8 =	vld.idx.msk [tilespmem:v8+s15+$0x0], $0xffff  }
0x8d0: {  	v9 =	vld.idx.msk [tilespmem:v9+s15+$0x0], $0xffff  }
0x8d1: {  	v10 =	vld.idx.msk [tilespmem:v10+s15+$0x0], $0xffff  }
0x8d2: {  	v11 =	vld.idx.msk [tilespmem:v11+s15+$0x0], $0xffff  }
0x8d3: {  	v12 =	vld.idx.msk [tilespmem:v12+s15+$0x0], $0xffff  }
0x8d4: {  	v16 =	vmul.f32 v16, v17;
	v13 =	vld.idx.msk [tilespmem:v13+s15+$0x0], $0xffff  }
0x8d5: {  	v8 =	vmul.f32 v8, v22;
	v14 =	vld.idx.msk [tilespmem:v14+s15+$0x0], $0xffff  }
0x8d6: {  	v9 =	vmul.f32 v9, v21;
	[tilespmem:v15+s17+$0x0] =	vst.idx.add.f32.msk $0xffff, v16  }
0x8d7: {  	[tilespmem:v1+s17+$0x0] =	vst.idx.add.f32.msk $0xffff, v8;
	v1 =	vmul.f32 v10, v20  }
0x8d8: {  	[tilespmem:v2+s17+$0x0] =	vst.idx.add.f32.msk $0xffff, v9;
	v2 =	vmul.f32 v11, v18  }
.Ltmp17:
0x8d9: {  	[tilespmem:v3+s17+$0x0] =	vst.idx.add.f32.msk $0xffff, v1;
	v1 =	vmul.f32 v12, v19;
	(pc) =	sbr.rel @p1 .LBB2_37-.Ltmp17, $4  }
0x8da: {  	[tilespmem:v4+s17+$0x0] =	vst.idx.add.f32.msk $0xffff, v2;
	v2 =	vmul.f32 v13, v24  }
0x8db: {  	[tilespmem:v5+s17+$0x0] =	vst.idx.add.f32.msk $0xffff, v1;
	v1 =	vmul.f32 v14, v23  }
0x8dc: {  	[tilespmem:v6+s17+$0x0] =	vst.idx.add.f32.msk $0xffff, v2  }
0x8dd: {  	s19 =	sadd.s32 $0xA0, s19;
	[tilespmem:v7+s17+$0x0] =	vst.idx.add.f32.msk $0xffff, v1  }
0x8de: {  	p1 =	seq.s32 s6, $0x31  }
0x8df: {  	s1 =	sadd.s32 @!p1 $0x1900, s24  }
0x8e0: {  	s2 =	sshrl.u32 @!p1 s1, $0x3  }
0x8e1: {  	s4 =	simm.s32 @!p1 $0x0;
	s11 =	simm.s32 @!p1 $0x17B80;
	s2 =	sadd.s32 @!p1 s20, s2  }
0x8e2: {  	[tilespmem:s11], [sflag:$0x1] =	stream.linear.gather @!p1 [hbm4b:s2+s4], $0xC80, $0x38;
	[tilespmem:$0x1FF18] =	vst v63  }
0x8e3: {  	s1 =	sadd.s32 @!p1 s1, s26;
	s2 =	simm.s32 @!p1 $0x19480;
	s4 =	simm.s32 $0x2  }
0x8e4: {  	[tilespmem:s2], [sflag:$0x3] =	stream.linear.gather @!p1 [spmem:s1], $0xC80, $0x38;
	[tilespmem:$0x1FF18] =	vst v63  }
0x8e5: {  	_ =	swait.ge [sflag:s4], $0xC80  }
0x8e6: {  	[sflag:s4] =	ssyncset.done $0x0  }
0x8e7: {  	s11 =	simm.s32 $0x4;
	[sflag:s4] =	ssyncadd.s32 $0xFFFFF380  }
0x8e8: {  	_ =	swait.ge [sflag:s11], $0xC80  }
0x8e9: {  	[sflag:s11] =	ssyncset.done $0x0  }
0x8ea: {  	s18 =	simm.s32 $0x18850;
	[sflag:s11] =	ssyncadd.s32 $0xFFFFF380  }
0x8eb: {  	s24 =	simm.s32 $0x0;
	v1 =	vld [tilespmem:s18+$0x40]  }
0x8ec: {  	s19 =	sand.u32 $0xFE0, s24;
	v2 =	vld [tilespmem:s18+$0xFFFFFFC0]  }
0x8ed: {  	v3 =	vld [tilespmem:s19+$0x18880]  }
0x8ee: {  	v4 =	vld [tilespmem:s18+$0xFFFFFFD0]  }
0x8ef: {  	v5 =	vld [tilespmem:s18+$0xFFFFFFE0]  }
0x8f0: {  	v6 =	vld [tilespmem:s18+$0xFFFFFFF0]  }
0x8f1: {  	v8 =	vld [tilespmem:s18+$0x0]  }
0x8f2: {  	v9 =	vld [tilespmem:s18+$0x10]  }
0x8f3: {  	v11 =	vld [tilespmem:s18+$0x20]  }
0x8f4: {  	s11 =	simm.s32 $0x1A150;
	v13 =	vld [tilespmem:s18+$0xFFFFFFB0]  }
0x8f5: {  	v17 =	vld [tilespmem:s11+$0x40];
	v7 =	vand.u32 $0xFFFF, v1  }
0x8f6: {  	v20 =	vld [tilespmem:s19+$0x1A180];
	v10 =	vand.u32 $0xFFFF, v3  }
0x8f7: {  	v33 =	vld [tilespmem:s11+$0xFFFFFFB0]  }
0x8f8: {  	v34 =	vld [tilespmem:s11+$0xFFFFFFC0]  }
0x8f9: {  	v35 =	vld [tilespmem:s11+$0xFFFFFFD0]  }
0x8fa: {  	v15 =	vld.idx.msk [tilespmem:v7+s5+$0x0], $0xffff  }
0x8fb: {  	v19 =	vld.idx.msk [tilespmem:v10+s5+$0x0], $0xffff  }
0x8fc: {  	v36 =	vld [tilespmem:s11+$0xFFFFFFE0];
	v1 =	vshrl.u32 v1, $0x10  }
0x8fd: {  	v37 =	vld [tilespmem:s11+$0xFFFFFFF0];
	v3 =	vshrl.u32 v3, $0x10  }
0x8fe: {  	v38 =	vld [tilespmem:s11+$0x0]  }
0x8ff: {  	v43 =	vld [tilespmem:s11+$0x10];
	v15 =	vmul.f32 v15, v17  }
0x900: {  	v44 =	vld [tilespmem:s11+$0x20];
	v12 =	vand.u32 $0xFFFF, v2;
	v19 =	vmul.f32 v19, v20  }
0x901: {  	v14 =	vand.u32 $0xFFFF, v4;
	[tilespmem:v1+s22+$0x0] =	vst.idx.add.f32.msk $0xffff, v15  }
0x902: {  	v16 =	vand.u32 $0xFFFF, v5;
	[tilespmem:v3+s22+$0x0] =	vst.idx.add.f32.msk $0xffff, v19  }
0x903: {  	v18 =	vand.u32 $0xFFFF, v6;
	v27 =	vld.idx.msk [tilespmem:v7+s13+$0x0], $0xffff  }
0x904: {  	v24 =	vand.u32 $0xFFFF, v13;
	v19 =	vld.idx.msk [tilespmem:v10+s13+$0x0], $0xffff  }
0x905: {  	v21 =	vld.idx.msk [tilespmem:v12+s5+$0x0], $0xffff  }
0x906: {  	v22 =	vld.idx.msk [tilespmem:v14+s5+$0x0], $0xffff  }
0x907: {  	v23 =	vld.idx.msk [tilespmem:v16+s5+$0x0], $0xffff  }
0x908: {  	v25 =	vld.idx.msk [tilespmem:v18+s5+$0x0], $0xffff;
	v27 =	vmul.f32 v27, v17  }
0x909: {  	v26 =	vand.u32 $0xFFFF, v8;
	v29 =	vld.idx.msk [tilespmem:v24+s5+$0x0], $0xffff;
	v19 =	vmul.f32 v19, v20  }
0x90a: {  	v41 =	vand.u32 $0xFFFF, v9;
	[tilespmem:v1+s25+$0x0] =	vst.idx.add.f32.msk $0xffff, v27  }
0x90b: {  	v28 =	vand.u32 $0xFFFF, v11;
	[tilespmem:v3+s25+$0x0] =	vst.idx.add.f32.msk $0xffff, v19  }
0x90c: {  	v13 =	vshrl.u32 v13, $0x10;
	v27 =	vld.idx.msk [tilespmem:v7+s14+$0x0], $0xffff  }
0x90d: {  	v2 =	vshrl.u32 v2, $0x10;
	v19 =	vld.idx.msk [tilespmem:v10+s14+$0x0], $0xffff  }
0x90e: {  	v30 =	vld.idx.msk [tilespmem:v26+s5+$0x0], $0xffff  }
0x90f: {  	v31 =	vld.idx.msk [tilespmem:v41+s5+$0x0], $0xffff;
	v42 =	vmul.f32 v29, v33  }
0x910: {  	v32 =	vld.idx.msk [tilespmem:v28+s5+$0x0], $0xffff;
	v21 =	vmul.f32 v21, v34  }
0x911: {  	[tilespmem:v13+s22+$0x0] =	vst.idx.add.f32.msk $0xffff, v42;
	v27 =	vmul.f32 v27, v17  }
0x912: {  	v4 =	vshrl.u32 v4, $0x10;
	[tilespmem:v2+s22+$0x0] =	vst.idx.add.f32.msk $0xffff, v21;
	v19 =	vmul.f32 v19, v20  }
0x913: {  	v5 =	vshrl.u32 v5, $0x10;
	[tilespmem:v1+s16+$0x0] =	vst.idx.add.f32.msk $0xffff, v27  }
0x914: {  	v6 =	vshrl.u32 v6, $0x10;
	[tilespmem:v3+s16+$0x0] =	vst.idx.add.f32.msk $0xffff, v19  }
0x915: {  	v11 =	vshrl.u32 v11, $0x10;
	v22 =	vmul.f32 v22, v35;
	v7 =	vld.idx.msk [tilespmem:v7+s15+$0x0], $0xffff  }
0x916: {  	v45 =	vmul.f32 v23, v36;
	v10 =	vld.idx.msk [tilespmem:v10+s15+$0x0], $0xffff  }
0x917: {  	v46 =	vmul.f32 v25, v37;
	[tilespmem:v4+s22+$0x0] =	vst.idx.add.f32.msk $0xffff, v22  }
0x918: {  	v47 =	vmul.f32 v32, v44;
	[tilespmem:v5+s22+$0x0] =	vst.idx.add.f32.msk $0xffff, v45  }
0x919: {  	v8 =	vshrl.u32 v8, $0x10;
	[tilespmem:v6+s22+$0x0] =	vst.idx.add.f32.msk $0xffff, v46  }
0x91a: {  	v9 =	vshrl.u32 v9, $0x10;
	[tilespmem:v11+s22+$0x0] =	vst.idx.add.f32.msk $0xffff, v47;
	v7 =	vmul.f32 v7, v17  }
0x91b: {  	v48 =	vld.idx.msk [tilespmem:v14+s13+$0x0], $0xffff;
	v10 =	vmul.f32 v10, v20  }
0x91c: {  	[tilespmem:v1+s17+$0x0] =	vst.idx.add.f32.msk $0xffff, v7;
	v1 =	vmul.f32 v30, v38  }
0x91d: {  	[tilespmem:v3+s17+$0x0] =	vst.idx.add.f32.msk $0xffff, v10;
	v3 =	vmul.f32 v31, v43  }
0x91e: {  	[tilespmem:v8+s22+$0x0] =	vst.idx.add.f32.msk $0xffff, v1  }
0x91f: {  	[tilespmem:v9+s22+$0x0] =	vst.idx.add.f32.msk $0xffff, v3  }
0x920: {  	v1 =	vld.idx.msk [tilespmem:v24+s13+$0x0], $0xffff  }
0x921: {  	v3 =	vld.idx.msk [tilespmem:v12+s13+$0x0], $0xffff  }
0x922: {  	v49 =	vld.idx.msk [tilespmem:v16+s13+$0x0], $0xffff  }
0x923: {  	v52 =	vld.idx.msk [tilespmem:v28+s13+$0x0], $0xffff  }
0x924: {  	v17 =	vld.idx.msk [tilespmem:v18+s13+$0x0], $0xffff  }
0x925: {  	v50 =	vld.idx.msk [tilespmem:v26+s13+$0x0], $0xffff;
	v1 =	vmul.f32 v1, v33  }
0x926: {  	v51 =	vld.idx.msk [tilespmem:v41+s13+$0x0], $0xffff;
	v3 =	vmul.f32 v3, v34  }
0x927: {  	[tilespmem:v13+s25+$0x0] =	vst.idx.add.f32.msk $0xffff, v1;
	v1 =	vmul.f32 v48, v35  }
0x928: {  	[tilespmem:v2+s25+$0x0] =	vst.idx.add.f32.msk $0xffff, v3;
	v3 =	vmul.f32 v49, v36  }
0x929: {  	[tilespmem:v4+s25+$0x0] =	vst.idx.add.f32.msk $0xffff, v1  }
0x92a: {  	v1 =	vmul.f32 v17, v37;
	[tilespmem:v5+s25+$0x0] =	vst.idx.add.f32.msk $0xffff, v3  }
0x92b: {  	v3 =	vmul.f32 v50, v38;
	v53 =	vld.idx.msk [tilespmem:v14+s14+$0x0], $0xffff  }
0x92c: {  	[tilespmem:v6+s25+$0x0] =	vst.idx.add.f32.msk $0xffff, v1;
	v1 =	vmul.f32 v51, v43  }
0x92d: {  	[tilespmem:v8+s25+$0x0] =	vst.idx.add.f32.msk $0xffff, v3;
	v3 =	vmul.f32 v52, v44  }
0x92e: {  	[tilespmem:v9+s25+$0x0] =	vst.idx.add.f32.msk $0xffff, v1  }
0x92f: {  	[tilespmem:v11+s25+$0x0] =	vst.idx.add.f32.msk $0xffff, v3  }
0x930: {  	v1 =	vld.idx.msk [tilespmem:v24+s14+$0x0], $0xffff  }
0x931: {  	v3 =	vld.idx.msk [tilespmem:v12+s14+$0x0], $0xffff  }
0x932: {  	v54 =	vld.idx.msk [tilespmem:v16+s14+$0x0], $0xffff  }
0x933: {  	v55 =	vld.idx.msk [tilespmem:v18+s14+$0x0], $0xffff  }
0x934: {  	v56 =	vld.idx.msk [tilespmem:v26+s14+$0x0], $0xffff  }
0x935: {  	v57 =	vld.idx.msk [tilespmem:v41+s14+$0x0], $0xffff;
	v1 =	vmul.f32 v1, v33  }
0x936: {  	v58 =	vld.idx.msk [tilespmem:v28+s14+$0x0], $0xffff;
	v3 =	vmul.f32 v3, v34  }
0x937: {  	[tilespmem:v13+s16+$0x0] =	vst.idx.add.f32.msk $0xffff, v1;
	v1 =	vmul.f32 v53, v35  }
0x938: {  	[tilespmem:v2+s16+$0x0] =	vst.idx.add.f32.msk $0xffff, v3;
	v3 =	vmul.f32 v54, v36  }
0x939: {  	[tilespmem:v4+s16+$0x0] =	vst.idx.add.f32.msk $0xffff, v1  }
0x93a: {  	v1 =	vmul.f32 v55, v37;
	[tilespmem:v5+s16+$0x0] =	vst.idx.add.f32.msk $0xffff, v3  }
0x93b: {  	v3 =	vmul.f32 v56, v38;
	v59 =	vld.idx.msk [tilespmem:v14+s15+$0x0], $0xffff  }
0x93c: {  	[tilespmem:v6+s16+$0x0] =	vst.idx.add.f32.msk $0xffff, v1;
	v1 =	vmul.f32 v57, v43  }
0x93d: {  	[tilespmem:v8+s16+$0x0] =	vst.idx.add.f32.msk $0xffff, v3;
	v3 =	vmul.f32 v58, v44  }
0x93e: {  	[tilespmem:v9+s16+$0x0] =	vst.idx.add.f32.msk $0xffff, v1  }
0x93f: {  	[tilespmem:v11+s16+$0x0] =	vst.idx.add.f32.msk $0xffff, v3  }
0x940: {  	v1 =	vld.idx.msk [tilespmem:v24+s15+$0x0], $0xffff  }
0x941: {  	v3 =	vld.idx.msk [tilespmem:v12+s15+$0x0], $0xffff  }
0x942: {  	v60 =	vld.idx.msk [tilespmem:v16+s15+$0x0], $0xffff  }
0x943: {  	v61 =	vld.idx.msk [tilespmem:v18+s15+$0x0], $0xffff  }
0x944: {  	v62 =	vld.idx.msk [tilespmem:v26+s15+$0x0], $0xffff  }
0x945: {  	v15 =	vld.idx.msk [tilespmem:v41+s15+$0x0], $0xffff;
	v1 =	vmul.f32 v1, v33  }
0x946: {  	v63 =	vld.idx.msk [tilespmem:v28+s15+$0x0], $0xffff;
	v3 =	vmul.f32 v3, v34  }
0x947: {  	[tilespmem:v13+s17+$0x0] =	vst.idx.add.f32.msk $0xffff, v1;
	v1 =	vmul.f32 v59, v35  }
0x948: {  	[tilespmem:v2+s17+$0x0] =	vst.idx.add.f32.msk $0xffff, v3;
	v2 =	vmul.f32 v60, v36  }
0x949: {  	[tilespmem:v4+s17+$0x0] =	vst.idx.add.f32.msk $0xffff, v1;
	v1 =	vmul.f32 v61, v37  }
0x94a: {  	[tilespmem:v5+s17+$0x0] =	vst.idx.add.f32.msk $0xffff, v2;
	v2 =	vmul.f32 v62, v38  }
0x94b: {  	[tilespmem:v6+s17+$0x0] =	vst.idx.add.f32.msk $0xffff, v1;
	v1 =	vmul.f32 v15, v43  }
0x94c: {  	[tilespmem:v8+s17+$0x0] =	vst.idx.add.f32.msk $0xffff, v2;
	v2 =	vmul.f32 v63, v44  }
0x94d: {  	[tilespmem:v9+s17+$0x0] =	vst.idx.add.f32.msk $0xffff, v1  }
0x94e: {  	s4 =	simm.s32 $0x188F0;
	s18 =	simm.s32 $0x0;
	[tilespmem:v11+s17+$0x0] =	vst.idx.add.f32.msk $0xffff, v2  }
.LBB2_39:
0x94f: {  	v15 =	vld [tilespmem:s4+$0x40];
	s24 =	sadd.s32 $0xA0, s24  }
0x950: {  	s18 =	sadd.s32 $0xA, s18;
	v2 =	vld [tilespmem:s4+$0xFFFFFFC0];
	s1 =	sand.u32 $0xFE0, s24  }
0x951: {  	p1 =	slt.u32 s18, $0xBE;
	v17 =	vld [tilespmem:s1+$0x18880]  }
0x952: {  	v3 =	vld [tilespmem:s4+$0xFFFFFFD0]  }
0x953: {  	v4 =	vld [tilespmem:s4+$0xFFFFFFE0]  }
0x954: {  	v5 =	vld [tilespmem:s4+$0xFFFFFFF0];
	v23 =	vand.u32 $0xFFFF, v15  }
0x955: {  	v1 =	vshrl.u32 v2, $0x10;
	v8 =	vand.u32 $0xFFFF, v2;
	v6 =	vld [tilespmem:s4+$0x0]  }
0x956: {  	v7 =	vld [tilespmem:s4+$0x10];
	v24 =	vand.u32 $0xFFFF, v17  }
0x957: {  	v2 =	vshrl.u32 v3, $0x10;
	v9 =	vand.u32 $0xFFFF, v3;
	v14 =	vld [tilespmem:s4+$0x20]  }
0x958: {  	v16 =	vld [tilespmem:s4+$0xFFFFFFB0];
	v3 =	vshrl.u32 v4, $0x10;
	v10 =	vand.u32 $0xFFFF, v4  }
0x959: {  	s11 =	sadd.s32 $0xA0, s11;
	v4 =	vshrl.u32 v5, $0x10;
	v11 =	vand.u32 $0xFFFF, v5;
	v18 =	vld.idx.msk [tilespmem:v23+s5+$0x0], $0xffff  }
0x95a: {  	v5 =	vshrl.u32 v6, $0x10;
	v12 =	vand.u32 $0xFFFF, v6;
	v25 =	vld [tilespmem:s11+$0x40]  }
0x95b: {  	v6 =	vshrl.u32 v7, $0x10;
	v13 =	vand.u32 $0xFFFF, v7;
	v19 =	vld.idx.msk [tilespmem:v24+s5+$0x0], $0xffff  }
0x95c: {  	v27 =	vshrl.u32 v15, $0x10;
	v7 =	vshrl.u32 v14, $0x10;
	v14 =	vand.u32 $0xFFFF, v14;
	v26 =	vld [tilespmem:s1+$0x1A180]  }
0x95d: {  	v15 =	vshrl.u32 v16, $0x10;
	v16 =	vand.u32 $0xFFFF, v16;
	v28 =	vld.idx.msk [tilespmem:v8+s5+$0x0], $0xffff  }
0x95e: {  	v30 =	vshrl.u32 v17, $0x10;
	v29 =	vld.idx.msk [tilespmem:v9+s5+$0x0], $0xffff  }
0x95f: {  	v31 =	vld.idx.msk [tilespmem:v10+s5+$0x0], $0xffff;
	v17 =	vmul.f32 v18, v25  }
0x960: {  	v32 =	vld.idx.msk [tilespmem:v11+s5+$0x0], $0xffff  }
0x961: {  	v18 =	vmul.f32 v19, v26;
	[tilespmem:v27+s22+$0x0] =	vst.idx.add.f32.msk $0xffff, v17  }
0x962: {  	v17 =	vld.idx.msk [tilespmem:v23+s13+$0x0], $0xffff  }
0x963: {  	[tilespmem:v30+s22+$0x0] =	vst.idx.add.f32.msk $0xffff, v18  }
0x964: {  	v18 =	vld.idx.msk [tilespmem:v24+s13+$0x0], $0xffff  }
0x965: {  	v19 =	vld.idx.msk [tilespmem:v16+s5+$0x0], $0xffff  }
0x966: {  	v33 =	vld.idx.msk [tilespmem:v12+s5+$0x0], $0xffff  }
0x967: {  	v34 =	vld.idx.msk [tilespmem:v13+s5+$0x0], $0xffff  }
0x968: {  	v20 =	vmul.f32 v17, v25;
	v35 =	vld.idx.msk [tilespmem:v14+s5+$0x0], $0xffff  }
0x969: {  	v17 =	vld [tilespmem:s11+$0xFFFFFFB0]  }
0x96a: {  	v18 =	vmul.f32 v18, v26;
	[tilespmem:v27+s25+$0x0] =	vst.idx.add.f32.msk $0xffff, v20  }
0x96b: {  	v36 =	vld.idx.msk [tilespmem:v23+s14+$0x0], $0xffff  }
0x96c: {  	[tilespmem:v30+s25+$0x0] =	vst.idx.add.f32.msk $0xffff, v18  }
0x96d: {  	v37 =	vld.idx.msk [tilespmem:v24+s14+$0x0], $0xffff  }
0x96e: {  	v38 =	vmul.f32 v19, v17;
	v22 =	vld [tilespmem:s11+$0xFFFFFFC0]  }
0x96f: {  	v21 =	vld [tilespmem:s11+$0xFFFFFFD0]  }
0x970: {  	v20 =	vld [tilespmem:s11+$0xFFFFFFE0]  }
0x971: {  	v36 =	vmul.f32 v36, v25;
	v18 =	vld [tilespmem:s11+$0xFFFFFFF0]  }
0x972: {  	v19 =	vld [tilespmem:s11+$0x0]  }
0x973: {  	v37 =	vmul.f32 v37, v26;
	v28 =	vmul.f32 v28, v22;
	[tilespmem:v27+s16+$0x0] =	vst.idx.add.f32.msk $0xffff, v36  }
0x974: {  	v29 =	vmul.f32 v29, v21;
	v36 =	vld.idx.msk [tilespmem:v23+s15+$0x0], $0xffff  }
0x975: {  	v31 =	vmul.f32 v31, v20;
	[tilespmem:v30+s16+$0x0] =	vst.idx.add.f32.msk $0xffff, v37  }
0x976: {  	v32 =	vmul.f32 v32, v18;
	v37 =	vld.idx.msk [tilespmem:v24+s15+$0x0], $0xffff  }
0x977: {  	v33 =	vmul.f32 v33, v19;
	v24 =	vld [tilespmem:s11+$0x10]  }
0x978: {  	v23 =	vld [tilespmem:s11+$0x20]  }
0x979: {  	[tilespmem:v15+s22+$0x0] =	vst.idx.add.f32.msk $0xffff, v38  }
0x97a: {  	[tilespmem:v1+s22+$0x0] =	vst.idx.add.f32.msk $0xffff, v28  }
0x97b: {  	v25 =	vmul.f32 v36, v25;
	[tilespmem:v2+s22+$0x0] =	vst.idx.add.f32.msk $0xffff, v29  }
0x97c: {  	v26 =	vmul.f32 v37, v26;
	[tilespmem:v3+s22+$0x0] =	vst.idx.add.f32.msk $0xffff, v31;
	v28 =	vmul.f32 v34, v24  }
0x97d: {  	v29 =	vmul.f32 v35, v23;
	[tilespmem:v27+s17+$0x0] =	vst.idx.add.f32.msk $0xffff, v25  }
0x97e: {  	[tilespmem:v30+s17+$0x0] =	vst.idx.add.f32.msk $0xffff, v26  }
0x97f: {  	[tilespmem:v4+s22+$0x0] =	vst.idx.add.f32.msk $0xffff, v32  }
0x980: {  	[tilespmem:v5+s22+$0x0] =	vst.idx.add.f32.msk $0xffff, v33  }
0x981: {  	[tilespmem:v6+s22+$0x0] =	vst.idx.add.f32.msk $0xffff, v28  }
0x982: {  	[tilespmem:v7+s22+$0x0] =	vst.idx.add.f32.msk $0xffff, v29  }
0x983: {  	v25 =	vld.idx.msk [tilespmem:v16+s13+$0x0], $0xffff  }
0x984: {  	v26 =	vld.idx.msk [tilespmem:v8+s13+$0x0], $0xffff  }
0x985: {  	v27 =	vld.idx.msk [tilespmem:v9+s13+$0x0], $0xffff  }
0x986: {  	v28 =	vld.idx.msk [tilespmem:v10+s13+$0x0], $0xffff  }
0x987: {  	v29 =	vld.idx.msk [tilespmem:v11+s13+$0x0], $0xffff  }
0x988: {  	v30 =	vld.idx.msk [tilespmem:v12+s13+$0x0], $0xffff  }
0x989: {  	v25 =	vmul.f32 v25, v17;
	v31 =	vld.idx.msk [tilespmem:v13+s13+$0x0], $0xffff  }
0x98a: {  	v26 =	vmul.f32 v26, v22;
	v32 =	vld.idx.msk [tilespmem:v14+s13+$0x0], $0xffff  }
0x98b: {  	[tilespmem:v15+s25+$0x0] =	vst.idx.add.f32.msk $0xffff, v25;
	v25 =	vmul.f32 v27, v21  }
0x98c: {  	[tilespmem:v1+s25+$0x0] =	vst.idx.add.f32.msk $0xffff, v26;
	v26 =	vmul.f32 v28, v20  }
0x98d: {  	[tilespmem:v2+s25+$0x0] =	vst.idx.add.f32.msk $0xffff, v25;
	v25 =	vmul.f32 v29, v18  }
0x98e: {  	[tilespmem:v3+s25+$0x0] =	vst.idx.add.f32.msk $0xffff, v26;
	v26 =	vmul.f32 v30, v19  }
0x98f: {  	[tilespmem:v4+s25+$0x0] =	vst.idx.add.f32.msk $0xffff, v25;
	v25 =	vmul.f32 v31, v24  }
0x990: {  	[tilespmem:v5+s25+$0x0] =	vst.idx.add.f32.msk $0xffff, v26;
	v26 =	vmul.f32 v32, v23  }
0x991: {  	[tilespmem:v6+s25+$0x0] =	vst.idx.add.f32.msk $0xffff, v25  }
0x992: {  	[tilespmem:v7+s25+$0x0] =	vst.idx.add.f32.msk $0xffff, v26  }
0x993: {  	v25 =	vld.idx.msk [tilespmem:v16+s14+$0x0], $0xffff  }
0x994: {  	v26 =	vld.idx.msk [tilespmem:v8+s14+$0x0], $0xffff  }
0x995: {  	v27 =	vld.idx.msk [tilespmem:v9+s14+$0x0], $0xffff  }
0x996: {  	v28 =	vld.idx.msk [tilespmem:v10+s14+$0x0], $0xffff  }
0x997: {  	v29 =	vld.idx.msk [tilespmem:v11+s14+$0x0], $0xffff  }
0x998: {  	v30 =	vld.idx.msk [tilespmem:v12+s14+$0x0], $0xffff  }
0x999: {  	v25 =	vmul.f32 v25, v17;
	v31 =	vld.idx.msk [tilespmem:v13+s14+$0x0], $0xffff  }
0x99a: {  	v26 =	vmul.f32 v26, v22;
	v32 =	vld.idx.msk [tilespmem:v14+s14+$0x0], $0xffff  }
0x99b: {  	[tilespmem:v15+s16+$0x0] =	vst.idx.add.f32.msk $0xffff, v25;
	v25 =	vmul.f32 v27, v21  }
0x99c: {  	[tilespmem:v1+s16+$0x0] =	vst.idx.add.f32.msk $0xffff, v26;
	v26 =	vmul.f32 v28, v20  }
0x99d: {  	[tilespmem:v2+s16+$0x0] =	vst.idx.add.f32.msk $0xffff, v25;
	v25 =	vmul.f32 v29, v18  }
0x99e: {  	[tilespmem:v3+s16+$0x0] =	vst.idx.add.f32.msk $0xffff, v26;
	v26 =	vmul.f32 v30, v19  }
0x99f: {  	[tilespmem:v4+s16+$0x0] =	vst.idx.add.f32.msk $0xffff, v25;
	v25 =	vmul.f32 v31, v24  }
0x9a0: {  	[tilespmem:v5+s16+$0x0] =	vst.idx.add.f32.msk $0xffff, v26;
	v26 =	vmul.f32 v32, v23  }
0x9a1: {  	[tilespmem:v6+s16+$0x0] =	vst.idx.add.f32.msk $0xffff, v25  }
0x9a2: {  	[tilespmem:v7+s16+$0x0] =	vst.idx.add.f32.msk $0xffff, v26  }
0x9a3: {  	v16 =	vld.idx.msk [tilespmem:v16+s15+$0x0], $0xffff  }
0x9a4: {  	v8 =	vld.idx.msk [tilespmem:v8+s15+$0x0], $0xffff  }
0x9a5: {  	v9 =	vld.idx.msk [tilespmem:v9+s15+$0x0], $0xffff  }
0x9a6: {  	v10 =	vld.idx.msk [tilespmem:v10+s15+$0x0], $0xffff  }
0x9a7: {  	v11 =	vld.idx.msk [tilespmem:v11+s15+$0x0], $0xffff  }
0x9a8: {  	v12 =	vld.idx.msk [tilespmem:v12+s15+$0x0], $0xffff  }
0x9a9: {  	v16 =	vmul.f32 v16, v17;
	v13 =	vld.idx.msk [tilespmem:v13+s15+$0x0], $0xffff  }
0x9aa: {  	v8 =	vmul.f32 v8, v22;
	v14 =	vld.idx.msk [tilespmem:v14+s15+$0x0], $0xffff  }
0x9ab: {  	v9 =	vmul.f32 v9, v21;
	[tilespmem:v15+s17+$0x0] =	vst.idx.add.f32.msk $0xffff, v16  }
0x9ac: {  	[tilespmem:v1+s17+$0x0] =	vst.idx.add.f32.msk $0xffff, v8;
	v1 =	vmul.f32 v10, v20  }
0x9ad: {  	[tilespmem:v2+s17+$0x0] =	vst.idx.add.f32.msk $0xffff, v9;
	v2 =	vmul.f32 v11, v18  }
.Ltmp18:
0x9ae: {  	[tilespmem:v3+s17+$0x0] =	vst.idx.add.f32.msk $0xffff, v1;
	v1 =	vmul.f32 v12, v19;
	(pc) =	sbr.rel @p1 .LBB2_39-.Ltmp18, $4  }
0x9af: {  	[tilespmem:v4+s17+$0x0] =	vst.idx.add.f32.msk $0xffff, v2;
	v2 =	vmul.f32 v13, v24  }
0x9b0: {  	[tilespmem:v5+s17+$0x0] =	vst.idx.add.f32.msk $0xffff, v1;
	v1 =	vmul.f32 v14, v23  }
0x9b1: {  	[tilespmem:v6+s17+$0x0] =	vst.idx.add.f32.msk $0xffff, v2  }
0x9b2: {  	s4 =	sadd.s32 $0xA0, s4;
	[tilespmem:v7+s17+$0x0] =	vst.idx.add.f32.msk $0xffff, v1  }
0x9b3: {  	s6 =	sadd.s32 $0x1, s6  }
0x9b4: {  	p1 =	sne.s32 s6, $0x32  }
.Ltmp19:
0x9b5: {  	_ = 	snop;
	(pc) =	sbr.rel @p1 .LBB2_36-.Ltmp19, $1  }
0x9b6: {  	_ =	sdelay $0x3  }
0x9b7: {  	s1 =	sld [smem:$0x7F7];
	_ =	sdelay $0x2  }
0x9b8: {  	[hbm4b:s1+s5] =	stream.linear.scatter [tilespmem:s22], [sflag:$0x9], $0x2780, $0x38;
	[tilespmem:$0x1FF18] =	vst v63  }
0x9b9: {  	_ =	swait.ge [sflag:s28], $0x2780  }
0x9ba: {  	s18 =	sld [smem:$0x7F8]  }
0x9bb: {  	[sflag:s28] =	ssyncset.done $0x0  }
0x9bc: {  	[sflag:s28] =	ssyncadd.s32 $0xFFFFD880  }
0x9bd: {  	[hbm4b:s18+s5] =	stream.linear.scatter [tilespmem:s25], [sflag:$0x9], $0x2780, $0x38;
	[tilespmem:$0x1FF18] =	vst v63  }
0x9be: {  	_ =	swait.ge [sflag:s28], $0x2780  }
0x9bf: {  	s19 =	sld [smem:$0x7F9]  }
0x9c0: {  	[sflag:s28] =	ssyncset.done $0x0  }
0x9c1: {  	[sflag:s28] =	ssyncadd.s32 $0xFFFFD880  }
0x9c2: {  	[hbm4b:s19+s5] =	stream.linear.scatter [tilespmem:s16], [sflag:$0x9], $0x2780, $0x38;
	[tilespmem:$0x1FF18] =	vst v63  }
0x9c3: {  	_ =	swait.ge [sflag:s28], $0x2780  }
0x9c4: {  	s20 =	sld [smem:$0x7FA]  }
0x9c5: {  	[sflag:s28] =	ssyncset.done $0x0  }
0x9c6: {  	[sflag:s28] =	ssyncadd.s32 $0xFFFFD880  }
0x9c7: {  	[hbm4b:s20+s5] =	stream.linear.scatter [tilespmem:s17], [sflag:$0x9], $0x2780, $0x38;
	[tilespmem:$0x1FF18] =	vst v63  }
0x9c8: {  	_ =	swait.ge [sflag:s28], $0x2780  }
0x9c9: {  	s2 =	sld [smem:$0x7E9]  }
0x9ca: {  	s24 =	sld [smem:$0x7FC];
	_ =	sdelay $0x1  }
0x9cb: {  	s2 =	sadd.s32 $0x1, s2  }
0x9cc: {  	p1 =	sne.s32 s2, s24  }
.Ltmp20:
0x9cd: {  	_ = 	snop;
	(pc) =	sbr.rel @p1 .LBB2_1-.Ltmp20, $3  }
0x9ce: {  	_ =	sdelay $0x1  }
0x9cf: {  	[sflag:s28] =	ssyncset.done $0x0  }
0x9d0: {  	s18 =	simm.s32 $0x17380;
	s19 =	simm.s32 $0x16380;
	[sflag:s28] =	ssyncadd.s32 $0xFFFFD880  }
0x9d1: {  	_ =	sfence.sel $0x180000  }
0x9d2: {  	[bflag:$0x0] =	sbarrier.arrive $0xFFFF  }
0x9d3: {  	_ =	strace $0x90000047  }
0x9d4: {  	[bflag:$0x2] =	sbarrier.arrive $0xFFFF  }
0x9d5: {  	s0 =	rddreg [dreg:$0x5]  }
0x9d6: {  	s0 =	sadd.s32 @!p0 $0x100000, s0  }
0x9d7: {  	[sflag:s0] =	ssyncadd.tile.s32 @!p0 $0x1;
	_ =	shalt  }
.Lfunc_end2:
_tile_overlayer_lowered:
.L_overlay_start_2:
0x9d8: {  	(tag) =	ssettag $0x2  }
0x9d9: {  	s0 =	rddreg [dreg:$0x0];
	s2 =	stileid.u32  }
0x9da: {  	s1 =	rddreg [dreg:$0x1];
	p0 =	sne.s32 s2, $0x0  }
0x9db: {  	s3 =	rddreg [dreg:$0x2];
	[bflag:$0x3] =	sbarrier.arrive $0xFFFF;
	s2 =	simm.s32 @!p0 $0x1C09  }
0x9dc: {  	[timem:s3], [sflag:s2] =	dma.local @!p0 [hbm:s0], s1  }
0x9dd: {  	s0 =	simm.s32 @!p0 $0x9  }
0x9de: {  	_ =	swait.ge @!p0 [sflag:s0], s1  }
0x9df: {  	s1 =	ssub.s32 @!p0 $0x0, s1;
	[sflag:s0] =	ssyncset.done @!p0 $0x0  }
0x9e0: {  	[sflag:s0] =	ssyncadd.s32 @!p0 s1  }
0x9e1: {  	[bflag:$0x3] =	sbarrier.arrive $0xFFFF  }
0x9e2: {  	_ =	shalt  }

</sc_bundles>
